<compile_context>
chip_gen: v7x
topology: tpu7x:2x2x1
jax: 0.10.2.dev20260603
libtpu: 0.0.44.dev20260713+nightly
codegen_flags: <defaults>
</compile_context>

<pallas_src>
import functools

import jax
import jax.numpy as jnp
from jax import lax
from jax.experimental import pallas as pl
from jax.experimental.pallas import tpu as pltpu
from jax.experimental.pallas import tpu_sc as plsc

N = 10000
E = 160000
F_IN = 256
H = 1024
OUT = 128
K1 = 5000
K2 = 2500

NC = 2
NS = 16
LN = 128
NPAD = 10240
RPS = NPAD // NS
CB = 64
NCH = 160
EPAD = NS * NCH * CB
TKR = 80
TKC = 128

BM = 400
GRID = N // BM

_f32 = jnp.float32
_i32 = jnp.int32

@functools.lru_cache(maxsize=None)
def _mesh():
    return plsc.VectorSubcoreMesh(
        core_axis_name="c", subcore_axis_name="s",
        num_cores=NC, num_subcores=NS)



def _sc_deg_body(src_hbm, dst_hbm, vtab_hbm, zeros_hbm, out_hbm,
                 idx_s, idx_d, vals_v, accum, sem):
    c = lax.axis_index("c")
    s = lax.axis_index("s")
    half = NCH // NC
    pltpu.sync_copy(zeros_hbm, accum.at[pl.ds(s * RPS, RPS)])
    pltpu.sync_copy(src_hbm.at[s, pl.ds(c * half, half)], idx_s)
    pltpu.sync_copy(dst_hbm.at[s, pl.ds(c * half, half)], idx_d)
    plsc.subcore_barrier()

    def step(j, carry):
        pltpu.async_copy(vtab_hbm.at[idx_s.at[j]], vals_v, sem).wait()
        pltpu.sync_copy(vals_v, accum.at[idx_d.at[j]], add=True)
        return carry

    lax.fori_loop(0, half, step, 0)
    plsc.subcore_barrier()
    pltpu.sync_copy(accum.at[pl.ds(s * RPS, RPS)],
                    out_hbm.at[c, pl.ds(s * RPS, RPS)])


@functools.lru_cache(maxsize=None)
def _sc_deg_kernel():
    return pl.kernel(
        _sc_deg_body,
        out_type=jax.ShapeDtypeStruct((NC, NPAD), _f32),
        mesh=_mesh(),
        scratch_types=[
            pltpu.VMEM((NCH // NC, CB), _i32),
            pltpu.VMEM((NCH // NC, CB), _i32),
            pltpu.VMEM((CB,), _f32),
            pltpu.VMEM_SHARED((NPAD,), _f32),
            pltpu.SemaphoreType.DMA,
        ],
    )


def _sc_deg(src_l, dst_l, vtab, zeros1):
    return _sc_deg_kernel()(src_l, dst_l, vtab, zeros1)


def _sc_agg_body(nk, srck_hbm, dst_hbm, tab_hbm, zeros_hbm, out_hbm,
                 idx_s, idx_d, rows_a, rows_b, accum, sema, semb):
    c = lax.axis_index("c")
    s = lax.axis_index("s")
    hch = NCH // 2
    pltpu.sync_copy(dst_hbm.at[s], idx_d)
    for p in range(nk // NC):
        k = p * NC + c
        pltpu.sync_copy(zeros_hbm, accum.at[pl.ds(s * RPS, RPS)])
        plsc.subcore_barrier()
        for hh in range(2):
            pltpu.sync_copy(srck_hbm.at[k, s, pl.ds(hh * hch, hch)], idx_s)
            pltpu.async_copy(tab_hbm.at[idx_s.at[0]], rows_a, sema)

            def step(jj, carry, hh=hh):
                j0 = 2 * jj
                d0 = hh * hch + j0
                pltpu.async_copy(tab_hbm.at[idx_s.at[j0 + 1]], rows_b, semb)
                pltpu.make_async_copy(
                    tab_hbm.at[idx_s.at[j0]], rows_a, sema).wait()
                pltpu.sync_copy(rows_a, accum.at[idx_d.at[d0]], add=True)

                @pl.when(jj < hch // 2 - 1)
                def _():
                    pltpu.async_copy(
                        tab_hbm.at[idx_s.at[j0 + 2]], rows_a, sema)

                pltpu.make_async_copy(
                    tab_hbm.at[idx_s.at[j0 + 1]], rows_b, semb).wait()
                pltpu.sync_copy(rows_b, accum.at[idx_d.at[d0 + 1]], add=True)
                return carry

            lax.fori_loop(0, hch // 2, step, 0)
        plsc.subcore_barrier()
        pltpu.sync_copy(accum.at[pl.ds(s * RPS, RPS)],
                        out_hbm.at[pl.ds(s * RPS, RPS), pl.ds(k * LN, LN)])
        plsc.subcore_barrier()


@functools.lru_cache(maxsize=None)
def _sc_agg_kernel(nk):
    return pl.kernel(
        functools.partial(_sc_agg_body, nk),
        out_type=jax.ShapeDtypeStruct((NPAD, nk * LN), _f32),
        mesh=_mesh(),
        scratch_types=[
            pltpu.VMEM((NCH // 2, CB), _i32),
            pltpu.VMEM((NCH, CB), _i32),
            pltpu.VMEM((CB, LN), _f32),
            pltpu.VMEM((CB, LN), _f32),
            pltpu.VMEM_SHARED((NPAD, LN), _f32),
            pltpu.SemaphoreType.DMA,
            pltpu.SemaphoreType.DMA,
        ],
    )


def _sc_agg(nk, srck, dst_l, tab, zeros2):
    return _sc_agg_kernel(nk)(srck, dst_l, tab, zeros2)



def _scale_rows_body(da_ref, db_ref, x_ref, xs_ref, di_ref, ds_ref):
    d = da_ref[...] + db_ref[...] + 1.0
    di = lax.rsqrt(d)
    di_ref[...] = di
    ds_ref[...] = di * di
    xs_ref[...] = x_ref[...] * di


@functools.lru_cache(maxsize=None)
def _scale_rows_kernel(K):
    return pl.pallas_call(
        _scale_rows_body,
        grid=(GRID,),
        in_specs=[
            pl.BlockSpec((BM, 1), lambda i: (i, 0)),
            pl.BlockSpec((BM, 1), lambda i: (i, 0)),
            pl.BlockSpec((BM, K), lambda i: (i, 0)),
        ],
        out_specs=[
            pl.BlockSpec((BM, K), lambda i: (i, 0)),
            pl.BlockSpec((BM, 1), lambda i: (i, 0)),
            pl.BlockSpec((BM, 1), lambda i: (i, 0)),
        ],
        out_shape=[
            jax.ShapeDtypeStruct((N, K), _f32),
            jax.ShapeDtypeStruct((N, 1), _f32),
            jax.ShapeDtypeStruct((N, 1), _f32),
        ],
    )


def _mm_body(u_ref, su_ref, v_ref, sv_ref, m_ref, w_ref, b_ref, y_ref, st_ref):
    i = pl.program_id(0)
    m = m_ref[...]
    p = (u_ref[...] * su_ref[...] + v_ref[...] * sv_ref[...]) * m
    y = jnp.dot(p, w_ref[...], preferred_element_type=_f32,
                precision=lax.Precision.HIGHEST) + b_ref[...]
    y_ref[...] = y
    ym = y * m

    @pl.when(i == 0)
    def _():
        st_ref[...] = jnp.zeros_like(st_ref)

    st_ref[0:1, :] += jnp.sum(ym, axis=0, keepdims=True)


@functools.lru_cache(maxsize=None)
def _mm_kernel(K):
    return pl.pallas_call(
        _mm_body,
        grid=(GRID,),
        in_specs=[
            pl.BlockSpec((BM, K), lambda i: (i, 0)),
            pl.BlockSpec((BM, 1), lambda i: (i, 0)),
            pl.BlockSpec((BM, K), lambda i: (i, 0)),
            pl.BlockSpec((BM, 1), lambda i: (i, 0)),
            pl.BlockSpec((BM, 1), lambda i: (i, 0)),
            pl.BlockSpec((K, H), lambda i: (0, 0)),
            pl.BlockSpec((1, H), lambda i: (0, 0)),
        ],
        out_specs=[
            pl.BlockSpec((BM, H), lambda i: (i, 0)),
            pl.BlockSpec((8, H), lambda i: (0, 0)),
        ],
        out_shape=[
            jax.ShapeDtypeStruct((N, H), _f32),
            jax.ShapeDtypeStruct((8, H), _f32),
        ],
    )


def _bns_body(cnt, y_ref, st_ref, g_ref, bt_ref, pw_ref, m_ref,
              h_ref, sc_ref, sv_ref):
    p = pl.program_id(0)
    i = pl.program_id(1)
    mu = st_ref[0:1, :] * (1.0 / cnt)

    @pl.when((p == 0) & (i == 0))
    def _():
        sv_ref[...] = jnp.zeros_like(sv_ref)

    @pl.when(p == 0)
    def _():
        d = (y_ref[...] - mu) * m_ref[...]
        sv_ref[0:1, :] += jnp.sum(d * d, axis=0, keepdims=True)

    @pl.when(p == 1)
    def _():
        var = sv_ref[0:1, :] * (1.0 / cnt)
        rstd = lax.rsqrt(var + 1e-5)
        h = jnp.maximum(
            (y_ref[...] - mu) * rstd * g_ref[...] + bt_ref[...], 0.0)
        h_ref[...] = h
        pw = pw_ref[...]
        pwn = pw * lax.rsqrt(jnp.sum(pw * pw))
        sc_ref[...] = jnp.dot(h, pwn.reshape(H, 1), preferred_element_type=_f32,
                              precision=lax.Precision.HIGHEST)


@functools.lru_cache(maxsize=None)
def _bns_kernel(cnt):
    return pl.pallas_call(
        functools.partial(_bns_body, float(cnt)),
        grid=(2, GRID),
        in_specs=[
            pl.BlockSpec((BM, H), lambda p, i: (i, 0)),
            pl.BlockSpec((8, H), lambda p, i: (0, 0)),
            pl.BlockSpec((1, H), lambda p, i: (0, 0)),
            pl.BlockSpec((1, H), lambda p, i: (0, 0)),
            pl.BlockSpec((1, H), lambda p, i: (0, 0)),
            pl.BlockSpec((BM, 1), lambda p, i: (i, 0)),
        ],
        out_specs=[
            pl.BlockSpec((BM, H), lambda p, i: (i, 0)),
            pl.BlockSpec((BM, 1), lambda p, i: (i, 0)),
        ],
        out_shape=[
            jax.ShapeDtypeStruct((N, H), _f32),
            jax.ShapeDtypeStruct((N, 1), _f32),
        ],
        scratch_shapes=[pltpu.VMEM((8, H), _f32)],
    )


def _topk_body(kk, sc_ref, el_ref, sel_ref, tf_ref):
    sc = jnp.where(el_ref[...] > 0, sc_ref[...], -jnp.inf)
    bi = lax.bitcast_convert_type(sc, _i32)
    uk = jnp.where(bi < 0, ~bi, bi ^ jnp.int32(-2147483648)).astype(jnp.uint32)

    def rbody(t, pfx):
        bit = lax.shift_right_logical(
            jnp.uint32(2147483648), t.astype(jnp.uint32))
        cand = pfx | bit
        cnt = jnp.sum((uk >= cand).astype(_f32))
        return jnp.where(cnt >= kk, cand, pfx)

    vk = lax.fori_loop(0, 32, rbody, jnp.uint32(0))
    gt = uk > vk
    tie = uk == vk
    n_gt = jnp.sum(gt.astype(_f32))
    need = kk - n_gt
    tf = tie.astype(_f32)
    r0 = lax.broadcasted_iota(_i32, (LN, LN), 0)
    r1 = lax.broadcasted_iota(_i32, (LN, LN), 1)
    m128 = (r0 < r1).astype(_f32)
    q0 = lax.broadcasted_iota(_i32, (TKR, TKR), 0)
    q1 = lax.broadcasted_iota(_i32, (TKR, TKR), 1)
    m80t = (q1 < q0).astype(_f32)
    excl = jnp.dot(tf, m128, preferred_element_type=_f32)
    rowtot = jnp.sum(tf, axis=1, keepdims=True)
    rowexcl = jnp.dot(m80t, rowtot, preferred_element_type=_f32)
    rank = rowexcl + excl
    sel = jnp.logical_or(gt, jnp.logical_and(tie, rank < need)).astype(_f32)
    sel_ref[...] = sel
    tf_ref[...] = sel * jnp.tanh(sc)


@functools.lru_cache(maxsize=None)
def _topk_kernel(kk):
    return pl.pallas_call(
        functools.partial(_topk_body, float(kk)),
        in_specs=[
            pl.BlockSpec((TKR, TKC), lambda: (0, 0)),
            pl.BlockSpec((TKR, TKC), lambda: (0, 0)),
        ],
        out_specs=[
            pl.BlockSpec((TKR, TKC), lambda: (0, 0)),
            pl.BlockSpec((TKR, TKC), lambda: (0, 0)),
        ],
        out_shape=[
            jax.ShapeDtypeStruct((TKR, TKC), _f32),
            jax.ShapeDtypeStruct((TKR, TKC), _f32),
        ],
    )


def _colsum_body(emit, h_ref, t_ref, *out_refs):
    i = pl.program_id(0)
    hs = h_ref[...] * t_ref[...]
    if emit:
        out_refs[0][...] = hs
    xs_ref = out_refs[-1]

    @pl.when(i == 0)
    def _():
        xs_ref[...] = jnp.zeros_like(xs_ref)

    xs_ref[0:1, :] += jnp.sum(hs, axis=0, keepdims=True)


@functools.lru_cache(maxsize=None)
def _colsum_kernel(emit):
    outs = ([pl.BlockSpec((BM, H), lambda i: (i, 0))] if emit else [])
    outs.append(pl.BlockSpec((8, H), lambda i: (0, 0)))
    shapes = ([jax.ShapeDtypeStruct((N, H), _f32)] if emit else [])
    shapes.append(jax.ShapeDtypeStruct((8, H), _f32))
    return pl.pallas_call(
        functools.partial(_colsum_body, emit),
        grid=(GRID,),
        in_specs=[
            pl.BlockSpec((BM, H), lambda i: (i, 0)),
            pl.BlockSpec((BM, 1), lambda i: (i, 0)),
        ],
        out_specs=outs,
        out_shape=shapes,
    )


def _final_body(x1_ref, x2_ref, wf_ref, bf_ref, wo_ref, bo_ref, o_ref):
    z = x1_ref[0:1, :] * (1.0 / K1) + x2_ref[0:1, :] * (1.0 / K2)
    a = jnp.maximum(
        jnp.dot(z, wf_ref[...], preferred_element_type=_f32) + bf_ref[...], 0.0)
    o_ref[...] = jnp.dot(a, wo_ref[...], preferred_element_type=_f32) + bo_ref[...]


@functools.lru_cache(maxsize=None)
def _final_kernel():
    return pl.pallas_call(
        _final_body,
        in_specs=[
            pl.BlockSpec((8, H), lambda: (0, 0)),
            pl.BlockSpec((8, H), lambda: (0, 0)),
            pl.BlockSpec((H, 512), lambda: (0, 0)),
            pl.BlockSpec((1, 512), lambda: (0, 0)),
            pl.BlockSpec((512, OUT), lambda: (0, 0)),
            pl.BlockSpec((1, OUT), lambda: (0, 0)),
        ],
        out_specs=pl.BlockSpec((1, OUT), lambda: (0, 0)),
        out_shape=jax.ShapeDtypeStruct((1, OUT), _f32),
    )



def kernel(x, edge_index, batch, W1, b1, g1, bt1, pw1,
           W2, b2, g2, bt2, pw2, Wf, bf, Wo, bo):
    src = edge_index[0]
    dst = edge_index[1]
    pad = EPAD - E
    src_l = jnp.concatenate(
        [src, jnp.full((pad,), N, _i32)]).reshape(NS, NCH, CB)
    dst_l = jnp.concatenate(
        [dst, jnp.full((pad,), N, _i32)]).reshape(NS, NCH, CB)
    src2k = src_l[None] * 2 + jnp.arange(2, dtype=_i32)[:, None, None, None]
    src8k = src_l[None] * 8 + jnp.arange(8, dtype=_i32)[:, None, None, None]
    zeros1 = jnp.zeros((RPS,), _f32)
    zeros2 = jnp.zeros((RPS, LN), _f32)
    ones_col = jnp.ones((N, 1), _f32)

    deg1p = _sc_deg(src_l, dst_l, jnp.ones((NPAD,), _f32), zeros1)
    xs, dinv1, dinvsq1 = _scale_rows_kernel(F_IN)(
        deg1p[0, :N, None], deg1p[1, :N, None], x)
    tab1 = jnp.pad(xs, ((0, 1), (0, 0))).reshape((N + 1) * 2, LN)
    agg1 = _sc_agg(2, src2k, dst_l, tab1, zeros2)[:N]
    h1pre, st1 = _mm_kernel(F_IN)(
        agg1, dinv1, x, dinvsq1, ones_col, W1, b1[None])
    h1, sc1 = _bns_kernel(N)(h1pre, st1, g1[None], bt1[None], pw1[None],
                             ones_col)

    scp1 = jnp.pad(sc1[:, 0], (0, NPAD - N)).reshape(TKR, TKC)
    el1 = jnp.pad(jnp.ones((N,), _f32), (0, NPAD - N)).reshape(TKR, TKC)
    sel1g, tf1g = _topk_kernel(K1)(scp1, el1)
    sel1 = sel1g.reshape(-1)[:N]
    tf1 = tf1g.reshape(-1)[:N]
    h1s, x1sum = _colsum_kernel(True)(h1, tf1[:, None])

    deg2p = _sc_deg(src_l, dst_l, jnp.pad(sel1, (0, NPAD - N)), zeros1)
    hs2, dinv2, dinvsq2 = _scale_rows_kernel(H)(
        deg2p[0, :N, None], deg2p[1, :N, None], h1s)
    tab2 = jnp.pad(hs2, ((0, 1), (0, 0))).reshape((N + 1) * 8, LN)
    agg2 = _sc_agg(8, src8k, dst_l, tab2, zeros2)[:N]
    h2pre, st2 = _mm_kernel(H)(
        agg2, dinv2, h1s, dinvsq2, sel1[:, None], W2, b2[None])
    h2, sc2 = _bns_kernel(K1)(h2pre, st2, g2[None], bt2[None], pw2[None],
                              sel1[:, None])

    scp2 = jnp.pad(sc2[:, 0], (0, NPAD - N)).reshape(TKR, TKC)
    el2 = jnp.pad(sel1, (0, NPAD - N)).reshape(TKR, TKC)
    _, tf2g = _topk_kernel(K2)(scp2, el2)
    tf2 = tf2g.reshape(-1)[:N]
    (x2sum,) = _colsum_kernel(False)(h2, tf2[:, None])

    return _final_kernel()(x1sum, x2sum, Wf, bf[None], Wo, bo[None])

# --- scband reference (transcript-rebuilt; emitter-appended) ---
"""Pipeline reference for scband-gcn-12189117186674 (READ-ONLY COPY).

The authoritative reference and input builder live on the scoring server;
editing this copy changes nothing except your own understanding.
"""

import jax, jax.numpy as jnp
import numpy as np

N = 10000
E = 160000
F_IN = 256
H = 1024
OUT = 128
RATIO = 0.5

def _gcn_conv(x, src, dst, emask, W, b, n):
    # GCNConv with added self-loops and symmetric normalization.
    xw = x @ W
    deg = jnp.zeros((n,), x.dtype).at[dst].add(emask) + 1.0  # +1 for self loop
    dinv = jax.lax.rsqrt(deg)
    norm = dinv[src] * dinv[dst] * emask
    agg = jnp.zeros((n, W.shape[1]), x.dtype).at[dst].add(xw[src] * norm[:, None])
    agg = agg + xw * (dinv * dinv)[:, None]  # self-loop messages
    return agg + b

def _bn(x, g, b, eps=1e-5):
    # BatchNorm over node dim, training-mode statistics
    mu = x.mean(0)
    var = x.var(0)
    return (x - mu) * jax.lax.rsqrt(var + eps) * g + b

def _topk_pool(x, src, dst, emask, pw, n):
    # TopKPooling(ratio=0.5), single graph (batch all zeros)
    k = int(np.ceil(n * RATIO))
    score = (x @ pw) / jnp.linalg.norm(pw)
    vals, perm = jax.lax.top_k(score, k)
    x_new = x[perm] * jnp.tanh(vals)[:, None]
    new_idx = jnp.full((n,), -1, dtype=jnp.int32).at[perm].set(jnp.arange(k, dtype=jnp.int32))
    ns = new_idx[src]
    nd = new_idx[dst]
    new_mask = emask * (ns >= 0) * (nd >= 0)
    return x_new, jnp.maximum(ns, 0), jnp.maximum(nd, 0), new_mask.astype(x.dtype), k

def _forward(x, W1, b1, g1, bt1, pw1, W2, b2, g2, bt2, pw2, Wf, bf, Wo, bo, edge_index):
    src = edge_index[0]
    dst = edge_index[1]
    emask = jnp.ones((src.shape[0],), x.dtype)
    h = _gcn_conv(x, src, dst, emask, W1, b1, N)
    h = jax.nn.relu(_bn(h, g1, bt1))
    h, src, dst, emask, n1 = _topk_pool(h, src, dst, emask, pw1, N)
    x1 = h.mean(0, keepdims=True)  # global_mean_pool, single graph
    h = _gcn_conv(h, src, dst, emask, W2, b2, n1)
    h = jax.nn.relu(_bn(h, g2, bt2))
    h, src, dst, emask, n2 = _topk_pool(h, src, dst, emask, pw2, n1)
    x2 = h.mean(0, keepdims=True)
    z = x1 + x2
    z = jax.nn.relu(z @ Wf + bf)
    # dropout is identity in eval
    return z @ Wo + bo

def setup_inputs(seed: int = 0):
    key = jax.random.key(seed)
    ks = jax.random.split(key, 12)
    inp = {}
    inp["x"] = jax.random.normal(ks[0], (N, F_IN), dtype=jnp.float32)
    inp["edge_index"] = jax.random.randint(ks[1], (2, E), 0, N, dtype=jnp.int32)
    inp["batch"] = jnp.zeros((N,), dtype=jnp.int32)
    inp["W1"] = jax.random.normal(ks[2], (F_IN, H), dtype=jnp.float32) / np.sqrt(F_IN)
    inp["b1"] = jnp.zeros((H,), jnp.float32)
    inp["g1"] = jnp.ones((H,), jnp.float32)
    inp["bt1"] = jnp.zeros((H,), jnp.float32)
    inp["pw1"] = jax.random.normal(ks[3], (H,), dtype=jnp.float32) / np.sqrt(H)
    inp["W2"] = jax.random.normal(ks[4], (H, H), dtype=jnp.float32) / np.sqrt(H)
    inp["b2"] = jnp.zeros((H,), jnp.float32)
    inp["g2"] = jnp.ones((H,), jnp.float32)
    inp["bt2"] = jnp.zeros((H,), jnp.float32)
    inp["pw2"] = jax.random.normal(ks[5], (H,), dtype=jnp.float32) / np.sqrt(H)
    inp["Wf"] = jax.random.normal(ks[6], (H, 512), dtype=jnp.float32) / np.sqrt(H)
    inp["bf"] = jnp.zeros((512,), jnp.float32)
    inp["Wo"] = jax.random.normal(ks[7], (512, OUT), dtype=jnp.float32) / np.sqrt(512)
    inp["bo"] = jnp.zeros((OUT,), jnp.float32)
    return inp

def reference(x, edge_index, batch, W1, b1, g1, bt1, pw1, W2, b2, g2, bt2, pw2, Wf, bf, Wo, bo):
    return _forward(x, W1, b1, g1, bt1, pw1, W2, b2, g2, bt2, pw2, Wf, bf, Wo, bo, edge_index)

if __name__ == "__main__":
    import jax
    _d = setup_inputs()
    print(jax.jit(kernel)(*tuple(_d.values())))

</pallas_src>

<mosaic_0001>
#map = affine_map<(d0, d1) -> (0, 0, 0)>
#map1 = affine_map<(d0, d1) -> (0)>
#map2 = affine_map<(d0, d1) -> (0, 0)>
module attributes {stable_mosaic.version = 14 : i64} {
  func.func @_sc_deg_body(%arg0: i32, %arg1: i32, %arg2: memref<16x160x64xi32, #tpu.memory_space<hbm>>, %arg3: memref<16x160x64xi32, #tpu.memory_space<hbm>>, %arg4: memref<10240xf32, #tpu.memory_space<hbm>>, %arg5: memref<640xf32, #tpu.memory_space<hbm>>, %arg6: memref<2x10240xf32, #tpu.memory_space<hbm>>, %arg7: memref<80x64xi32, #tpu.memory_space<vmem>>, %arg8: memref<80x64xi32, #tpu.memory_space<vmem>>, %arg9: memref<64xf32, #tpu.memory_space<vmem>>, %arg10: memref<10240xf32, #tpu.memory_space<vmem_shared>>, %arg11: memref<!tpu.dma_semaphore, #tpu.memory_space<semaphore_mem>>) attributes {dimension_semantics = [#tpu.dimension_semantics<core_parallel>, #tpu.dimension_semantics<subcore_parallel>], iteration_bounds = array<i64: 2, 16>, scalar_prefetch = 0 : i64, scratch_operands = 5 : i64, tpu.core_type = #tpu.core_type<sc_vector_subcore>, window_params = [{transform_indices = #map}, {transform_indices = #map}, {transform_indices = #map1}, {transform_indices = #map1}, {transform_indices = #map2}]} {
    %mul3A = arith.constant 640 : i32
    %mul3A_0 = arith.muli %arg1, %mul3A : i32
    "tpu.region"() ({
      %run_scoped3A = tpu.sem_alloc : memref<!tpu.dma_semaphore, #tpu.memory_space<semaphore_mem>>
      %dma_start3A = tpu.memref_slice %arg10[%mul3A_0] : memref<10240xf32, #tpu.memory_space<vmem_shared>> -> memref<640xf32, #tpu.memory_space<vmem_shared>>
      tpu.enqueue_dma source(%arg5 : memref<640xf32, #tpu.memory_space<hbm>>) target(%dma_start3A : memref<640xf32, #tpu.memory_space<vmem_shared>>) target_semaphore(%run_scoped3A : memref<!tpu.dma_semaphore, #tpu.memory_space<semaphore_mem>>)
      %dma_wait3A = tpu.memref_slice %arg10[%mul3A_0] : memref<10240xf32, #tpu.memory_space<vmem_shared>> -> memref<640xf32, #tpu.memory_space<vmem_shared>>
      tpu.wait_dma2 semaphore(%run_scoped3A : memref<!tpu.dma_semaphore, #tpu.memory_space<semaphore_mem>>) src(%arg5 : memref<640xf32, #tpu.memory_space<hbm>>) dst(%dma_wait3A : memref<640xf32, #tpu.memory_space<vmem_shared>>)
      tpu.yield
    }) : () -> ()
    %mul3A_1 = arith.constant 80 : i32
    %mul3A_2 = arith.muli %arg0, %mul3A_1 : i32
    "tpu.region"() ({
      %run_scoped3A = tpu.sem_alloc : memref<!tpu.dma_semaphore, #tpu.memory_space<semaphore_mem>>
      %dma_start3A = arith.constant 0 : i32
      %dma_start3A_15 = tpu.memref_slice %arg2[%arg1, %mul3A_2, %dma_start3A] : memref<16x160x64xi32, #tpu.memory_space<hbm>> -> memref<1x80x64xi32, #tpu.memory_space<hbm>>
      %dma_start3A_16 = tpu.memref_squeeze %dma_start3A_15 : memref<1x80x64xi32, #tpu.memory_space<hbm>> -> memref<80x64xi32, #tpu.memory_space<hbm>>
      %dma_start3A_17 = arith.constant 0 : i32
      %dma_start3A_18 = tpu.memref_slice %arg2[%arg1, %mul3A_2, %dma_start3A_17] : memref<16x160x64xi32, #tpu.memory_space<hbm>> -> memref<1x80x64xi32, #tpu.memory_space<hbm>>
      %dma_start3A_19 = tpu.memref_squeeze %dma_start3A_18 : memref<1x80x64xi32, #tpu.memory_space<hbm>> -> memref<80x64xi32, #tpu.memory_space<hbm>>
      tpu.enqueue_dma source(%dma_start3A_19 : memref<80x64xi32, #tpu.memory_space<hbm>>) target(%arg7 : memref<80x64xi32, #tpu.memory_space<vmem>>) target_semaphore(%run_scoped3A : memref<!tpu.dma_semaphore, #tpu.memory_space<semaphore_mem>>)
      %dma_wait3A = arith.constant 0 : i32
      %dma_wait3A_20 = tpu.memref_slice %arg2[%arg1, %mul3A_2, %dma_wait3A] : memref<16x160x64xi32, #tpu.memory_space<hbm>> -> memref<1x80x64xi32, #tpu.memory_space<hbm>>
      %dma_wait3A_21 = tpu.memref_squeeze %dma_wait3A_20 : memref<1x80x64xi32, #tpu.memory_space<hbm>> -> memref<80x64xi32, #tpu.memory_space<hbm>>
      %dma_wait3A_22 = arith.constant 0 : i32
      %dma_wait3A_23 = tpu.memref_slice %arg2[%arg1, %mul3A_2, %dma_wait3A_22] : memref<16x160x64xi32, #tpu.memory_space<hbm>> -> memref<1x80x64xi32, #tpu.memory_space<hbm>>
      %dma_wait3A_24 = tpu.memref_squeeze %dma_wait3A_23 : memref<1x80x64xi32, #tpu.memory_space<hbm>> -> memref<80x64xi32, #tpu.memory_space<hbm>>
      tpu.wait_dma2 semaphore(%run_scoped3A : memref<!tpu.dma_semaphore, #tpu.memory_space<semaphore_mem>>) src(%dma_wait3A_24 : memref<80x64xi32, #tpu.memory_space<hbm>>) dst(%arg7 : memref<80x64xi32, #tpu.memory_space<vmem>>)
      tpu.yield
    }) : () -> ()
    %mul3A_3 = arith.constant 80 : i32
    %mul3A_4 = arith.muli %arg0, %mul3A_3 : i32
    "tpu.region"() ({
      %run_scoped3A = tpu.sem_alloc : memref<!tpu.dma_semaphore, #tpu.memory_space<semaphore_mem>>
      %dma_start3A = arith.constant 0 : i32
      %dma_start3A_15 = tpu.memref_slice %arg3[%arg1, %mul3A_4, %dma_start3A] : memref<16x160x64xi32, #tpu.memory_space<hbm>> -> memref<1x80x64xi32, #tpu.memory_space<hbm>>
      %dma_start3A_16 = tpu.memref_squeeze %dma_start3A_15 : memref<1x80x64xi32, #tpu.memory_space<hbm>> -> memref<80x64xi32, #tpu.memory_space<hbm>>
      %dma_start3A_17 = arith.constant 0 : i32
      %dma_start3A_18 = tpu.memref_slice %arg3[%arg1, %mul3A_4, %dma_start3A_17] : memref<16x160x64xi32, #tpu.memory_space<hbm>> -> memref<1x80x64xi32, #tpu.memory_space<hbm>>
      %dma_start3A_19 = tpu.memref_squeeze %dma_start3A_18 : memref<1x80x64xi32, #tpu.memory_space<hbm>> -> memref<80x64xi32, #tpu.memory_space<hbm>>
      tpu.enqueue_dma source(%dma_start3A_19 : memref<80x64xi32, #tpu.memory_space<hbm>>) target(%arg8 : memref<80x64xi32, #tpu.memory_space<vmem>>) target_semaphore(%run_scoped3A : memref<!tpu.dma_semaphore, #tpu.memory_space<semaphore_mem>>)
      %dma_wait3A = arith.constant 0 : i32
      %dma_wait3A_20 = tpu.memref_slice %arg3[%arg1, %mul3A_4, %dma_wait3A] : memref<16x160x64xi32, #tpu.memory_space<hbm>> -> memref<1x80x64xi32, #tpu.memory_space<hbm>>
      %dma_wait3A_21 = tpu.memref_squeeze %dma_wait3A_20 : memref<1x80x64xi32, #tpu.memory_space<hbm>> -> memref<80x64xi32, #tpu.memory_space<hbm>>
      %dma_wait3A_22 = arith.constant 0 : i32
      %dma_wait3A_23 = tpu.memref_slice %arg3[%arg1, %mul3A_4, %dma_wait3A_22] : memref<16x160x64xi32, #tpu.memory_space<hbm>> -> memref<1x80x64xi32, #tpu.memory_space<hbm>>
      %dma_wait3A_24 = tpu.memref_squeeze %dma_wait3A_23 : memref<1x80x64xi32, #tpu.memory_space<hbm>> -> memref<80x64xi32, #tpu.memory_space<hbm>>
      tpu.wait_dma2 semaphore(%run_scoped3A : memref<!tpu.dma_semaphore, #tpu.memory_space<semaphore_mem>>) src(%dma_wait3A_24 : memref<80x64xi32, #tpu.memory_space<hbm>>) dst(%arg8 : memref<80x64xi32, #tpu.memory_space<vmem>>)
      tpu.yield
    }) : () -> ()
    %barrier3A = arith.constant 0 : index
    tpu.barrier barrier_id(%barrier3A)
    %scan3A = arith.constant 0 : i32
    %scan3A_5 = arith.constant 0 : i32
    %scan3A_6 = arith.constant 80 : i32
    %scan3A_7 = arith.addi %scan3A_5, %scan3A_6 : i32
    %scan3A_8 = arith.constant 1 : i32
    scf.for %scan3A_15 = %scan3A_5 to %scan3A_7 step %scan3A_8  : i32 {
      %dma_start3A = arith.constant 0 : i32
      %dma_start3A_16 = tpu.memref_slice %arg7[%scan3A_15, %dma_start3A] : memref<80x64xi32, #tpu.memory_space<vmem>> -> memref<1x64xi32, #tpu.memory_space<vmem>>
      %dma_start3A_17 = tpu.memref_squeeze %dma_start3A_16 : memref<1x64xi32, #tpu.memory_space<vmem>> -> memref<64xi32, #tpu.memory_space<vmem>>
      %dma_start3A_18 = arith.constant 0 : i32
      %dma_start3A_19 = tpu.memref_slice %arg4[%dma_start3A_18] : memref<10240xf32, #tpu.memory_space<hbm>> -> memref<10240xf32, #tpu.memory_space<hbm>>
      tpu.enqueue_indirect_dma source(%dma_start3A_19 : memref<10240xf32, #tpu.memory_space<hbm>>) target(%arg9 : memref<64xf32, #tpu.memory_space<vmem>>) offsets(%dma_start3A_17 : memref<64xi32, #tpu.memory_space<vmem>>) semaphore(%arg11 : memref<!tpu.dma_semaphore, #tpu.memory_space<semaphore_mem>>)
      %dma_wait3A = arith.constant 0 : i32
      %dma_wait3A_20 = tpu.memref_slice %arg7[%scan3A_15, %dma_wait3A] : memref<80x64xi32, #tpu.memory_space<vmem>> -> memref<1x64xi32, #tpu.memory_space<vmem>>
      %dma_wait3A_21 = tpu.memref_squeeze %dma_wait3A_20 : memref<1x64xi32, #tpu.memory_space<vmem>> -> memref<64xi32, #tpu.memory_space<vmem>>
      %dma_wait3A_22 = arith.constant 0 : i32
      %dma_wait3A_23 = tpu.memref_slice %arg4[%dma_wait3A_22] : memref<10240xf32, #tpu.memory_space<hbm>> -> memref<10240xf32, #tpu.memory_space<hbm>>
      tpu.wait_indirect_dma semaphore(%arg11 : memref<!tpu.dma_semaphore, #tpu.memory_space<semaphore_mem>>) src(%dma_wait3A_23 : memref<10240xf32, #tpu.memory_space<hbm>>) dst(%arg9 : memref<64xf32, #tpu.memory_space<vmem>>)
      "tpu.region"() ({
        %run_scoped3A = tpu.sem_alloc : memref<!tpu.dma_semaphore, #tpu.memory_space<semaphore_mem>>
        %dma_start3A_24 = arith.constant 0 : i32
        %dma_start3A_25 = tpu.memref_slice %arg8[%scan3A_15, %dma_start3A_24] : memref<80x64xi32, #tpu.memory_space<vmem>> -> memref<1x64xi32, #tpu.memory_space<vmem>>
        %dma_start3A_26 = tpu.memref_squeeze %dma_start3A_25 : memref<1x64xi32, #tpu.memory_space<vmem>> -> memref<64xi32, #tpu.memory_space<vmem>>
        %dma_start3A_27 = arith.constant 0 : i32
        %dma_start3A_28 = tpu.memref_slice %arg10[%dma_start3A_27] : memref<10240xf32, #tpu.memory_space<vmem_shared>> -> memref<10240xf32, #tpu.memory_space<vmem_shared>>
        tpu.enqueue_indirect_dma source(%arg9 : memref<64xf32, #tpu.memory_space<vmem>>) target(%dma_start3A_28 : memref<10240xf32, #tpu.memory_space<vmem_shared>>) offsets(%dma_start3A_26 : memref<64xi32, #tpu.memory_space<vmem>>) semaphore(%run_scoped3A : memref<!tpu.dma_semaphore, #tpu.memory_space<semaphore_mem>>) {add = true}
        %dma_wait3A_29 = arith.constant 0 : i32
        %dma_wait3A_30 = tpu.memref_slice %arg8[%scan3A_15, %dma_wait3A_29] : memref<80x64xi32, #tpu.memory_space<vmem>> -> memref<1x64xi32, #tpu.memory_space<vmem>>
        %dma_wait3A_31 = tpu.memref_squeeze %dma_wait3A_30 : memref<1x64xi32, #tpu.memory_space<vmem>> -> memref<64xi32, #tpu.memory_space<vmem>>
        %dma_wait3A_32 = arith.constant 0 : i32
        %dma_wait3A_33 = tpu.memref_slice %arg10[%dma_wait3A_32] : memref<10240xf32, #tpu.memory_space<vmem_shared>> -> memref<10240xf32, #tpu.memory_space<vmem_shared>>
        tpu.wait_indirect_dma semaphore(%run_scoped3A : memref<!tpu.dma_semaphore, #tpu.memory_space<semaphore_mem>>) src(%arg9 : memref<64xf32, #tpu.memory_space<vmem>>) dst(%dma_wait3A_33 : memref<10240xf32, #tpu.memory_space<vmem_shared>>)
        tpu.yield
      }) : () -> ()
    }
    %scan3A_9 = arith.constant 80 : i32
    %barrier3A_10 = arith.constant 0 : index
    tpu.barrier barrier_id(%barrier3A_10)
    %mul3A_11 = arith.constant 640 : i32
    %mul3A_12 = arith.muli %arg1, %mul3A_11 : i32
    %mul3A_13 = arith.constant 640 : i32
    %mul3A_14 = arith.muli %arg1, %mul3A_13 : i32
    "tpu.region"() ({
      %run_scoped3A = tpu.sem_alloc : memref<!tpu.dma_semaphore, #tpu.memory_space<semaphore_mem>>
      %dma_start3A = tpu.memref_slice %arg6[%arg0, %mul3A_14] : memref<2x10240xf32, #tpu.memory_space<hbm>> -> memref<1x640xf32, #tpu.memory_space<hbm>>
      %dma_start3A_15 = tpu.memref_squeeze %dma_start3A : memref<1x640xf32, #tpu.memory_space<hbm>> -> memref<640xf32, #tpu.memory_space<hbm>>
      %dma_start3A_16 = tpu.memref_slice %arg10[%mul3A_12] : memref<10240xf32, #tpu.memory_space<vmem_shared>> -> memref<640xf32, #tpu.memory_space<vmem_shared>>
      tpu.enqueue_dma source(%dma_start3A_16 : memref<640xf32, #tpu.memory_space<vmem_shared>>) target(%dma_start3A_15 : memref<640xf32, #tpu.memory_space<hbm>>) target_semaphore(%run_scoped3A : memref<!tpu.dma_semaphore, #tpu.memory_space<semaphore_mem>>)
      %dma_wait3A = tpu.memref_slice %arg6[%arg0, %mul3A_14] : memref<2x10240xf32, #tpu.memory_space<hbm>> -> memref<1x640xf32, #tpu.memory_space<hbm>>
      %dma_wait3A_17 = tpu.memref_squeeze %dma_wait3A : memref<1x640xf32, #tpu.memory_space<hbm>> -> memref<640xf32, #tpu.memory_space<hbm>>
      %dma_wait3A_18 = tpu.memref_slice %arg10[%mul3A_12] : memref<10240xf32, #tpu.memory_space<vmem_shared>> -> memref<640xf32, #tpu.memory_space<vmem_shared>>
      tpu.wait_dma2 semaphore(%run_scoped3A : memref<!tpu.dma_semaphore, #tpu.memory_space<semaphore_mem>>) src(%dma_wait3A_18 : memref<640xf32, #tpu.memory_space<vmem_shared>>) dst(%dma_wait3A_17 : memref<640xf32, #tpu.memory_space<hbm>>)
      tpu.yield
    }) : () -> ()
    return
  }
}

#map = affine_map<(d0, d1) -> (0, 0, 0, 0)>
#map1 = affine_map<(d0, d1) -> (0, 0, 0)>
#map2 = affine_map<(d0, d1) -> (0, 0)>
module attributes {stable_mosaic.version = 14 : i64} {
  func.func @_sc_agg_body(%arg0: i32, %arg1: i32, %arg2: memref<8x16x160x64xi32, #tpu.memory_space<hbm>>, %arg3: memref<16x160x64xi32, #tpu.memory_space<hbm>>, %arg4: memref<80008x128xf32, #tpu.memory_space<hbm>>, %arg5: memref<640x128xf32, #tpu.memory_space<hbm>>, %arg6: memref<10240x1024xf32, #tpu.memory_space<hbm>>, %arg7: memref<80x64xi32, #tpu.memory_space<vmem>>, %arg8: memref<160x64xi32, #tpu.memory_space<vmem>>, %arg9: memref<64x128xf32, #tpu.memory_space<vmem>>, %arg10: memref<64x128xf32, #tpu.memory_space<vmem>>, %arg11: memref<10240x128xf32, #tpu.memory_space<vmem_shared>>, %arg12: memref<!tpu.dma_semaphore, #tpu.memory_space<semaphore_mem>>, %arg13: memref<!tpu.dma_semaphore, #tpu.memory_space<semaphore_mem>>) attributes {dimension_semantics = [#tpu.dimension_semantics<core_parallel>, #tpu.dimension_semantics<subcore_parallel>], iteration_bounds = array<i64: 2, 16>, scalar_prefetch = 0 : i64, scratch_operands = 7 : i64, tpu.core_type = #tpu.core_type<sc_vector_subcore>, window_params = [{transform_indices = #map}, {transform_indices = #map1}, {transform_indices = #map2}, {transform_indices = #map2}, {transform_indices = #map2}]} {
    "tpu.region"() ({
      %run_scoped3A = tpu.sem_alloc : memref<!tpu.dma_semaphore, #tpu.memory_space<semaphore_mem>>
      %dma_start3A_151 = arith.constant 0 : i32
      %dma_start3A_152 = arith.constant 0 : i32
      %dma_start3A_153 = tpu.memref_slice %arg3[%arg1, %dma_start3A_151, %dma_start3A_152] : memref<16x160x64xi32, #tpu.memory_space<hbm>> -> memref<1x160x64xi32, #tpu.memory_space<hbm>>
      %dma_start3A_154 = tpu.memref_squeeze %dma_start3A_153 : memref<1x160x64xi32, #tpu.memory_space<hbm>> -> memref<160x64xi32, #tpu.memory_space<hbm>>
      %dma_start3A_155 = arith.constant 0 : i32
      %dma_start3A_156 = arith.constant 0 : i32
      %dma_start3A_157 = tpu.memref_slice %arg3[%arg1, %dma_start3A_155, %dma_start3A_156] : memref<16x160x64xi32, #tpu.memory_space<hbm>> -> memref<1x160x64xi32, #tpu.memory_space<hbm>>
      %dma_start3A_158 = tpu.memref_squeeze %dma_start3A_157 : memref<1x160x64xi32, #tpu.memory_space<hbm>> -> memref<160x64xi32, #tpu.memory_space<hbm>>
      tpu.enqueue_dma source(%dma_start3A_158 : memref<160x64xi32, #tpu.memory_space<hbm>>) target(%arg8 : memref<160x64xi32, #tpu.memory_space<vmem>>) target_semaphore(%run_scoped3A : memref<!tpu.dma_semaphore, #tpu.memory_space<semaphore_mem>>)
      %dma_wait3A = arith.constant 0 : i32
      %dma_wait3A_159 = arith.constant 0 : i32
      %dma_wait3A_160 = tpu.memref_slice %arg3[%arg1, %dma_wait3A, %dma_wait3A_159] : memref<16x160x64xi32, #tpu.memory_space<hbm>> -> memref<1x160x64xi32, #tpu.memory_space<hbm>>
      %dma_wait3A_161 = tpu.memref_squeeze %dma_wait3A_160 : memref<1x160x64xi32, #tpu.memory_space<hbm>> -> memref<160x64xi32, #tpu.memory_space<hbm>>
      %dma_wait3A_162 = arith.constant 0 : i32
      %dma_wait3A_163 = arith.constant 0 : i32
      %dma_wait3A_164 = tpu.memref_slice %arg3[%arg1, %dma_wait3A_162, %dma_wait3A_163] : memref<16x160x64xi32, #tpu.memory_space<hbm>> -> memref<1x160x64xi32, #tpu.memory_space<hbm>>
      %dma_wait3A_165 = tpu.memref_squeeze %dma_wait3A_164 : memref<1x160x64xi32, #tpu.memory_space<hbm>> -> memref<160x64xi32, #tpu.memory_space<hbm>>
      tpu.wait_dma2 semaphore(%run_scoped3A : memref<!tpu.dma_semaphore, #tpu.memory_space<semaphore_mem>>) src(%dma_wait3A_165 : memref<160x64xi32, #tpu.memory_space<hbm>>) dst(%arg8 : memref<160x64xi32, #tpu.memory_space<vmem>>)
      tpu.yield
    }) : () -> ()
    %add3A = arith.constant 0 : i32
    %add3A_0 = arith.addi %add3A, %arg0 : i32
    %mul3A = arith.constant 640 : i32
    %mul3A_1 = arith.muli %arg1, %mul3A : i32
    "tpu.region"() ({
      %run_scoped3A = tpu.sem_alloc : memref<!tpu.dma_semaphore, #tpu.memory_space<semaphore_mem>>
      %dma_start3A_151 = arith.constant 0 : i32
      %dma_start3A_152 = tpu.memref_slice %arg11[%mul3A_1, %dma_start3A_151] : memref<10240x128xf32, #tpu.memory_space<vmem_shared>> -> memref<640x128xf32, #tpu.memory_space<vmem_shared>>
      tpu.enqueue_dma source(%arg5 : memref<640x128xf32, #tpu.memory_space<hbm>>) target(%dma_start3A_152 : memref<640x128xf32, #tpu.memory_space<vmem_shared>>) target_semaphore(%run_scoped3A : memref<!tpu.dma_semaphore, #tpu.memory_space<semaphore_mem>>)
      %dma_wait3A = arith.constant 0 : i32
      %dma_wait3A_153 = tpu.memref_slice %arg11[%mul3A_1, %dma_wait3A] : memref<10240x128xf32, #tpu.memory_space<vmem_shared>> -> memref<640x128xf32, #tpu.memory_space<vmem_shared>>
      tpu.wait_dma2 semaphore(%run_scoped3A : memref<!tpu.dma_semaphore, #tpu.memory_space<semaphore_mem>>) src(%arg5 : memref<640x128xf32, #tpu.memory_space<hbm>>) dst(%dma_wait3A_153 : memref<640x128xf32, #tpu.memory_space<vmem_shared>>)
      tpu.yield
    }) : () -> ()
    %barrier3A = arith.constant 0 : index
    tpu.barrier barrier_id(%barrier3A)
    "tpu.region"() ({
      %run_scoped3A = tpu.sem_alloc : memref<!tpu.dma_semaphore, #tpu.memory_space<semaphore_mem>>
      %dma_start3A_151 = arith.constant 0 : i32
      %dma_start3A_152 = arith.constant 0 : i32
      %dma_start3A_153 = tpu.memref_slice %arg2[%add3A_0, %arg1, %dma_start3A_151, %dma_start3A_152] : memref<8x16x160x64xi32, #tpu.memory_space<hbm>> -> memref<1x1x80x64xi32, #tpu.memory_space<hbm>>
      %dma_start3A_154 = tpu.memref_squeeze %dma_start3A_153 : memref<1x1x80x64xi32, #tpu.memory_space<hbm>> -> memref<80x64xi32, #tpu.memory_space<hbm>>
      %dma_start3A_155 = arith.constant 0 : i32
      %dma_start3A_156 = arith.constant 0 : i32
      %dma_start3A_157 = tpu.memref_slice %arg2[%add3A_0, %arg1, %dma_start3A_155, %dma_start3A_156] : memref<8x16x160x64xi32, #tpu.memory_space<hbm>> -> memref<1x1x80x64xi32, #tpu.memory_space<hbm>>
      %dma_start3A_158 = tpu.memref_squeeze %dma_start3A_157 : memref<1x1x80x64xi32, #tpu.memory_space<hbm>> -> memref<80x64xi32, #tpu.memory_space<hbm>>
      tpu.enqueue_dma source(%dma_start3A_158 : memref<80x64xi32, #tpu.memory_space<hbm>>) target(%arg7 : memref<80x64xi32, #tpu.memory_space<vmem>>) target_semaphore(%run_scoped3A : memref<!tpu.dma_semaphore, #tpu.memory_space<semaphore_mem>>)
      %dma_wait3A = arith.constant 0 : i32
      %dma_wait3A_159 = arith.constant 0 : i32
      %dma_wait3A_160 = tpu.memref_slice %arg2[%add3A_0, %arg1, %dma_wait3A, %dma_wait3A_159] : memref<8x16x160x64xi32, #tpu.memory_space<hbm>> -> memref<1x1x80x64xi32, #tpu.memory_space<hbm>>
      %dma_wait3A_161 = tpu.memref_squeeze %dma_wait3A_160 : memref<1x1x80x64xi32, #tpu.memory_space<hbm>> -> memref<80x64xi32, #tpu.memory_space<hbm>>
      %dma_wait3A_162 = arith.constant 0 : i32
      %dma_wait3A_163 = arith.constant 0 : i32
      %dma_wait3A_164 = tpu.memref_slice %arg2[%add3A_0, %arg1, %dma_wait3A_162, %dma_wait3A_163] : memref<8x16x160x64xi32, #tpu.memory_space<hbm>> -> memref<1x1x80x64xi32, #tpu.memory_space<hbm>>
      %dma_wait3A_165 = tpu.memref_squeeze %dma_wait3A_164 : memref<1x1x80x64xi32, #tpu.memory_space<hbm>> -> memref<80x64xi32, #tpu.memory_space<hbm>>
      tpu.wait_dma2 semaphore(%run_scoped3A : memref<!tpu.dma_semaphore, #tpu.memory_space<semaphore_mem>>) src(%dma_wait3A_165 : memref<80x64xi32, #tpu.memory_space<hbm>>) dst(%arg7 : memref<80x64xi32, #tpu.memory_space<vmem>>)
      tpu.yield
    }) : () -> ()
    %dma_start3A = arith.constant 0 : i32
    %dma_start3A_2 = arith.constant 0 : i32
    %dma_start3A_3 = tpu.memref_slice %arg7[%dma_start3A, %dma_start3A_2] : memref<80x64xi32, #tpu.memory_space<vmem>> -> memref<1x64xi32, #tpu.memory_space<vmem>>
    %dma_start3A_4 = tpu.memref_squeeze %dma_start3A_3 : memref<1x64xi32, #tpu.memory_space<vmem>> -> memref<64xi32, #tpu.memory_space<vmem>>
    %dma_start3A_5 = arith.constant 0 : i32
    %dma_start3A_6 = arith.constant 0 : i32
    %dma_start3A_7 = tpu.memref_slice %arg4[%dma_start3A_5, %dma_start3A_6] : memref<80008x128xf32, #tpu.memory_space<hbm>> -> memref<80008x128xf32, #tpu.memory_space<hbm>>
    tpu.enqueue_indirect_dma source(%dma_start3A_7 : memref<80008x128xf32, #tpu.memory_space<hbm>>) target(%arg9 : memref<64x128xf32, #tpu.memory_space<vmem>>) offsets(%dma_start3A_4 : memref<64xi32, #tpu.memory_space<vmem>>) semaphore(%arg12 : memref<!tpu.dma_semaphore, #tpu.memory_space<semaphore_mem>>)
    %scan3A = arith.constant 0 : i32
    %scan3A_8 = arith.constant 0 : i32
    %scan3A_9 = arith.constant 40 : i32
    %scan3A_10 = arith.addi %scan3A_8, %scan3A_9 : i32
    %scan3A_11 = arith.constant 1 : i32
    scf.for %scan3A_151 = %scan3A_8 to %scan3A_10 step %scan3A_11  : i32 {
      %mul3A_152 = arith.constant 2 : i32
      %mul3A_153 = arith.muli %mul3A_152, %scan3A_151 : i32
      %add3A_154 = arith.constant 0 : i32
      %add3A_155 = arith.addi %add3A_154, %mul3A_153 : i32
      %add3A_156 = arith.constant 1 : i32
      %add3A_157 = arith.addi %mul3A_153, %add3A_156 : i32
      %dma_start3A_158 = arith.constant 0 : i32
      %dma_start3A_159 = tpu.memref_slice %arg7[%add3A_157, %dma_start3A_158] : memref<80x64xi32, #tpu.memory_space<vmem>> -> memref<1x64xi32, #tpu.memory_space<vmem>>
      %dma_start3A_160 = tpu.memref_squeeze %dma_start3A_159 : memref<1x64xi32, #tpu.memory_space<vmem>> -> memref<64xi32, #tpu.memory_space<vmem>>
      %dma_start3A_161 = arith.constant 0 : i32
      %dma_start3A_162 = arith.constant 0 : i32
      %dma_start3A_163 = tpu.memref_slice %arg4[%dma_start3A_161, %dma_start3A_162] : memref<80008x128xf32, #tpu.memory_space<hbm>> -> memref<80008x128xf32, #tpu.memory_space<hbm>>
      tpu.enqueue_indirect_dma source(%dma_start3A_163 : memref<80008x128xf32, #tpu.memory_space<hbm>>) target(%arg10 : memref<64x128xf32, #tpu.memory_space<vmem>>) offsets(%dma_start3A_160 : memref<64xi32, #tpu.memory_space<vmem>>) semaphore(%arg13 : memref<!tpu.dma_semaphore, #tpu.memory_space<semaphore_mem>>)
      %dma_wait3A = arith.constant 0 : i32
      %dma_wait3A_164 = tpu.memref_slice %arg7[%mul3A_153, %dma_wait3A] : memref<80x64xi32, #tpu.memory_space<vmem>> -> memref<1x64xi32, #tpu.memory_space<vmem>>
      %dma_wait3A_165 = tpu.memref_squeeze %dma_wait3A_164 : memref<1x64xi32, #tpu.memory_space<vmem>> -> memref<64xi32, #tpu.memory_space<vmem>>
      %dma_wait3A_166 = arith.constant 0 : i32
      %dma_wait3A_167 = arith.constant 0 : i32
      %dma_wait3A_168 = tpu.memref_slice %arg4[%dma_wait3A_166, %dma_wait3A_167] : memref<80008x128xf32, #tpu.memory_space<hbm>> -> memref<80008x128xf32, #tpu.memory_space<hbm>>
      tpu.wait_indirect_dma semaphore(%arg12 : memref<!tpu.dma_semaphore, #tpu.memory_space<semaphore_mem>>) src(%dma_wait3A_168 : memref<80008x128xf32, #tpu.memory_space<hbm>>) dst(%arg9 : memref<64x128xf32, #tpu.memory_space<vmem>>)
      "tpu.region"() ({
        %run_scoped3A = tpu.sem_alloc : memref<!tpu.dma_semaphore, #tpu.memory_space<semaphore_mem>>
        %dma_start3A_181 = arith.constant 0 : i32
        %dma_start3A_182 = tpu.memref_slice %arg8[%add3A_155, %dma_start3A_181] : memref<160x64xi32, #tpu.memory_space<vmem>> -> memref<1x64xi32, #tpu.memory_space<vmem>>
        %dma_start3A_183 = tpu.memref_squeeze %dma_start3A_182 : memref<1x64xi32, #tpu.memory_space<vmem>> -> memref<64xi32, #tpu.memory_space<vmem>>
        %dma_start3A_184 = arith.constant 0 : i32
        %dma_start3A_185 = arith.constant 0 : i32
        %dma_start3A_186 = tpu.memref_slice %arg11[%dma_start3A_184, %dma_start3A_185] : memref<10240x128xf32, #tpu.memory_space<vmem_shared>> -> memref<10240x128xf32, #tpu.memory_space<vmem_shared>>
        tpu.enqueue_indirect_dma source(%arg9 : memref<64x128xf32, #tpu.memory_space<vmem>>) target(%dma_start3A_186 : memref<10240x128xf32, #tpu.memory_space<vmem_shared>>) offsets(%dma_start3A_183 : memref<64xi32, #tpu.memory_space<vmem>>) semaphore(%run_scoped3A : memref<!tpu.dma_semaphore, #tpu.memory_space<semaphore_mem>>) {add = true}
        %dma_wait3A_187 = arith.constant 0 : i32
        %dma_wait3A_188 = tpu.memref_slice %arg8[%add3A_155, %dma_wait3A_187] : memref<160x64xi32, #tpu.memory_space<vmem>> -> memref<1x64xi32, #tpu.memory_space<vmem>>
        %dma_wait3A_189 = tpu.memref_squeeze %dma_wait3A_188 : memref<1x64xi32, #tpu.memory_space<vmem>> -> memref<64xi32, #tpu.memory_space<vmem>>
        %dma_wait3A_190 = arith.constant 0 : i32
        %dma_wait3A_191 = arith.constant 0 : i32
        %dma_wait3A_192 = tpu.memref_slice %arg11[%dma_wait3A_190, %dma_wait3A_191] : memref<10240x128xf32, #tpu.memory_space<vmem_shared>> -> memref<10240x128xf32, #tpu.memory_space<vmem_shared>>
        tpu.wait_indirect_dma semaphore(%run_scoped3A : memref<!tpu.dma_semaphore, #tpu.memory_space<semaphore_mem>>) src(%arg9 : memref<64x128xf32, #tpu.memory_space<vmem>>) dst(%dma_wait3A_192 : memref<10240x128xf32, #tpu.memory_space<vmem_shared>>)
        tpu.yield
      }) : () -> ()
      %lt3A = arith.constant 39 : i32
      %lt3A_169 = arith.cmpi slt, %scan3A_151, %lt3A : i32
      %convert_element_type3A = arith.extui %lt3A_169 : i1 to i32
      %cond3A = arith.constant 0 : i32
      %cond3A_170 = arith.cmpi ne, %convert_element_type3A, %cond3A : i32
      scf.if %cond3A_170 {
        %add3A_181 = arith.constant 2 : i32
        %add3A_182 = arith.addi %mul3A_153, %add3A_181 : i32
        %dma_start3A_183 = arith.constant 0 : i32
        %dma_start3A_184 = tpu.memref_slice %arg7[%add3A_182, %dma_start3A_183] : memref<80x64xi32, #tpu.memory_space<vmem>> -> memref<1x64xi32, #tpu.memory_space<vmem>>
        %dma_start3A_185 = tpu.memref_squeeze %dma_start3A_184 : memref<1x64xi32, #tpu.memory_space<vmem>> -> memref<64xi32, #tpu.memory_space<vmem>>
        %dma_start3A_186 = arith.constant 0 : i32
        %dma_start3A_187 = arith.constant 0 : i32
        %dma_start3A_188 = tpu.memref_slice %arg4[%dma_start3A_186, %dma_start3A_187] : memref<80008x128xf32, #tpu.memory_space<hbm>> -> memref<80008x128xf32, #tpu.memory_space<hbm>>
        tpu.enqueue_indirect_dma source(%dma_start3A_188 : memref<80008x128xf32, #tpu.memory_space<hbm>>) target(%arg9 : memref<64x128xf32, #tpu.memory_space<vmem>>) offsets(%dma_start3A_185 : memref<64xi32, #tpu.memory_space<vmem>>) semaphore(%arg12 : memref<!tpu.dma_semaphore, #tpu.memory_space<semaphore_mem>>)
      } else {
      }
      %add3A_171 = arith.constant 1 : i32
      %add3A_172 = arith.addi %mul3A_153, %add3A_171 : i32
      %dma_wait3A_173 = arith.constant 0 : i32
      %dma_wait3A_174 = tpu.memref_slice %arg7[%add3A_172, %dma_wait3A_173] : memref<80x64xi32, #tpu.memory_space<vmem>> -> memref<1x64xi32, #tpu.memory_space<vmem>>
      %dma_wait3A_175 = tpu.memref_squeeze %dma_wait3A_174 : memref<1x64xi32, #tpu.memory_space<vmem>> -> memref<64xi32, #tpu.memory_space<vmem>>
      %dma_wait3A_176 = arith.constant 0 : i32
      %dma_wait3A_177 = arith.constant 0 : i32
      %dma_wait3A_178 = tpu.memref_slice %arg4[%dma_wait3A_176, %dma_wait3A_177] : memref<80008x128xf32, #tpu.memory_space<hbm>> -> memref<80008x128xf32, #tpu.memory_space<hbm>>
      tpu.wait_indirect_dma semaphore(%arg13 : memref<!tpu.dma_semaphore, #tpu.memory_space<semaphore_mem>>) src(%dma_wait3A_178 : memref<80008x128xf32, #tpu.memory_space<hbm>>) dst(%arg10 : memref<64x128xf32, #tpu.memory_space<vmem>>)
      %add3A_179 = arith.constant 1 : i32
      %add3A_180 = arith.addi %add3A_155, %add3A_179 : i32
      "tpu.region"() ({
        %run_scoped3A = tpu.sem_alloc : memref<!tpu.dma_semaphore, #tpu.memory_space<semaphore_mem>>
        %dma_start3A_181 = arith.constant 0 : i32
        %dma_start3A_182 = tpu.memref_slice %arg8[%add3A_180, %dma_start3A_181] : memref<160x64xi32, #tpu.memory_space<vmem>> -> memref<1x64xi32, #tpu.memory_space<vmem>>
        %dma_start3A_183 = tpu.memref_squeeze %dma_start3A_182 : memref<1x64xi32, #tpu.memory_space<vmem>> -> memref<64xi32, #tpu.memory_space<vmem>>
        %dma_start3A_184 = arith.constant 0 : i32
        %dma_start3A_185 = arith.constant 0 : i32
        %dma_start3A_186 = tpu.memref_slice %arg11[%dma_start3A_184, %dma_start3A_185] : memref<10240x128xf32, #tpu.memory_space<vmem_shared>> -> memref<10240x128xf32, #tpu.memory_space<vmem_shared>>
        tpu.enqueue_indirect_dma source(%arg10 : memref<64x128xf32, #tpu.memory_space<vmem>>) target(%dma_start3A_186 : memref<10240x128xf32, #tpu.memory_space<vmem_shared>>) offsets(%dma_start3A_183 : memref<64xi32, #tpu.memory_space<vmem>>) semaphore(%run_scoped3A : memref<!tpu.dma_semaphore, #tpu.memory_space<semaphore_mem>>) {add = true}
        %dma_wait3A_187 = arith.constant 0 : i32
        %dma_wait3A_188 = tpu.memref_slice %arg8[%add3A_180, %dma_wait3A_187] : memref<160x64xi32, #tpu.memory_space<vmem>> -> memref<1x64xi32, #tpu.memory_space<vmem>>
        %dma_wait3A_189 = tpu.memref_squeeze %dma_wait3A_188 : memref<1x64xi32, #tpu.memory_space<vmem>> -> memref<64xi32, #tpu.memory_space<vmem>>
        %dma_wait3A_190 = arith.constant 0 : i32
        %dma_wait3A_191 = arith.constant 0 : i32
        %dma_wait3A_192 = tpu.memref_slice %arg11[%dma_wait3A_190, %dma_wait3A_191] : memref<10240x128xf32, #tpu.memory_space<vmem_shared>> -> memref<10240x128xf32, #tpu.memory_space<vmem_shared>>
        tpu.wait_indirect_dma semaphore(%run_scoped3A : memref<!tpu.dma_semaphore, #tpu.memory_space<semaphore_mem>>) src(%arg10 : memref<64x128xf32, #tpu.memory_space<vmem>>) dst(%dma_wait3A_192 : memref<10240x128xf32, #tpu.memory_space<vmem_shared>>)
        tpu.yield
      }) : () -> ()
    }
    %scan3A_12 = arith.constant 40 : i32
    "tpu.region"() ({
      %run_scoped3A = tpu.sem_alloc : memref<!tpu.dma_semaphore, #tpu.memory_space<semaphore_mem>>
      %dma_start3A_151 = arith.constant 80 : i32
      %dma_start3A_152 = arith.constant 0 : i32
      %dma_start3A_153 = tpu.memref_slice %arg2[%add3A_0, %arg1, %dma_start3A_151, %dma_start3A_152] : memref<8x16x160x64xi32, #tpu.memory_space<hbm>> -> memref<1x1x80x64xi32, #tpu.memory_space<hbm>>
      %dma_start3A_154 = tpu.memref_squeeze %dma_start3A_153 : memref<1x1x80x64xi32, #tpu.memory_space<hbm>> -> memref<80x64xi32, #tpu.memory_space<hbm>>
      %dma_start3A_155 = arith.constant 80 : i32
      %dma_start3A_156 = arith.constant 0 : i32
      %dma_start3A_157 = tpu.memref_slice %arg2[%add3A_0, %arg1, %dma_start3A_155, %dma_start3A_156] : memref<8x16x160x64xi32, #tpu.memory_space<hbm>> -> memref<1x1x80x64xi32, #tpu.memory_space<hbm>>
      %dma_start3A_158 = tpu.memref_squeeze %dma_start3A_157 : memref<1x1x80x64xi32, #tpu.memory_space<hbm>> -> memref<80x64xi32, #tpu.memory_space<hbm>>
      tpu.enqueue_dma source(%dma_start3A_158 : memref<80x64xi32, #tpu.memory_space<hbm>>) target(%arg7 : memref<80x64xi32, #tpu.memory_space<vmem>>) target_semaphore(%run_scoped3A : memref<!tpu.dma_semaphore, #tpu.memory_space<semaphore_mem>>)
      %dma_wait3A = arith.constant 80 : i32
      %dma_wait3A_159 = arith.constant 0 : i32
      %dma_wait3A_160 = tpu.memref_slice %arg2[%add3A_0, %arg1, %dma_wait3A, %dma_wait3A_159] : memref<8x16x160x64xi32, #tpu.memory_space<hbm>> -> memref<1x1x80x64xi32, #tpu.memory_space<hbm>>
      %dma_wait3A_161 = tpu.memref_squeeze %dma_wait3A_160 : memref<1x1x80x64xi32, #tpu.memory_space<hbm>> -> memref<80x64xi32, #tpu.memory_space<hbm>>
      %dma_wait3A_162 = arith.constant 80 : i32
      %dma_wait3A_163 = arith.constant 0 : i32
      %dma_wait3A_164 = tpu.memref_slice %arg2[%add3A_0, %arg1, %dma_wait3A_162, %dma_wait3A_163] : memref<8x16x160x64xi32, #tpu.memory_space<hbm>> -> memref<1x1x80x64xi32, #tpu.memory_space<hbm>>
      %dma_wait3A_165 = tpu.memref_squeeze %dma_wait3A_164 : memref<1x1x80x64xi32, #tpu.memory_space<hbm>> -> memref<80x64xi32, #tpu.memory_space<hbm>>
      tpu.wait_dma2 semaphore(%run_scoped3A : memref<!tpu.dma_semaphore, #tpu.memory_space<semaphore_mem>>) src(%dma_wait3A_165 : memref<80x64xi32, #tpu.memory_space<hbm>>) dst(%arg7 : memref<80x64xi32, #tpu.memory_space<vmem>>)
      tpu.yield
    }) : () -> ()
    %dma_start3A_13 = arith.constant 0 : i32
    %dma_start3A_14 = arith.constant 0 : i32
    %dma_start3A_15 = tpu.memref_slice %arg7[%dma_start3A_13, %dma_start3A_14] : memref<80x64xi32, #tpu.memory_space<vmem>> -> memref<1x64xi32, #tpu.memory_space<vmem>>
    %dma_start3A_16 = tpu.memref_squeeze %dma_start3A_15 : memref<1x64xi32, #tpu.memory_space<vmem>> -> memref<64xi32, #tpu.memory_space<vmem>>
    %dma_start3A_17 = arith.constant 0 : i32
    %dma_start3A_18 = arith.constant 0 : i32
    %dma_start3A_19 = tpu.memref_slice %arg4[%dma_start3A_17, %dma_start3A_18] : memref<80008x128xf32, #tpu.memory_space<hbm>> -> memref<80008x128xf32, #tpu.memory_space<hbm>>
    tpu.enqueue_indirect_dma source(%dma_start3A_19 : memref<80008x128xf32, #tpu.memory_space<hbm>>) target(%arg9 : memref<64x128xf32, #tpu.memory_space<vmem>>) offsets(%dma_start3A_16 : memref<64xi32, #tpu.memory_space<vmem>>) semaphore(%arg12 : memref<!tpu.dma_semaphore, #tpu.memory_space<semaphore_mem>>)
    %scan3A_20 = arith.constant 0 : i32
    %scan3A_21 = arith.constant 0 : i32
    %scan3A_22 = arith.constant 40 : i32
    %scan3A_23 = arith.addi %scan3A_21, %scan3A_22 : i32
    %scan3A_24 = arith.constant 1 : i32
    scf.for %scan3A_151 = %scan3A_21 to %scan3A_23 step %scan3A_24  : i32 {
      %mul3A_152 = arith.constant 2 : i32
      %mul3A_153 = arith.muli %mul3A_152, %scan3A_151 : i32
      %add3A_154 = arith.constant 80 : i32
      %add3A_155 = arith.addi %add3A_154, %mul3A_153 : i32
      %add3A_156 = arith.constant 1 : i32
      %add3A_157 = arith.addi %mul3A_153, %add3A_156 : i32
      %dma_start3A_158 = arith.constant 0 : i32
      %dma_start3A_159 = tpu.memref_slice %arg7[%add3A_157, %dma_start3A_158] : memref<80x64xi32, #tpu.memory_space<vmem>> -> memref<1x64xi32, #tpu.memory_space<vmem>>
      %dma_start3A_160 = tpu.memref_squeeze %dma_start3A_159 : memref<1x64xi32, #tpu.memory_space<vmem>> -> memref<64xi32, #tpu.memory_space<vmem>>
      %dma_start3A_161 = arith.constant 0 : i32
      %dma_start3A_162 = arith.constant 0 : i32
      %dma_start3A_163 = tpu.memref_slice %arg4[%dma_start3A_161, %dma_start3A_162] : memref<80008x128xf32, #tpu.memory_space<hbm>> -> memref<80008x128xf32, #tpu.memory_space<hbm>>
      tpu.enqueue_indirect_dma source(%dma_start3A_163 : memref<80008x128xf32, #tpu.memory_space<hbm>>) target(%arg10 : memref<64x128xf32, #tpu.memory_space<vmem>>) offsets(%dma_start3A_160 : memref<64xi32, #tpu.memory_space<vmem>>) semaphore(%arg13 : memref<!tpu.dma_semaphore, #tpu.memory_space<semaphore_mem>>)
      %dma_wait3A = arith.constant 0 : i32
      %dma_wait3A_164 = tpu.memref_slice %arg7[%mul3A_153, %dma_wait3A] : memref<80x64xi32, #tpu.memory_space<vmem>> -> memref<1x64xi32, #tpu.memory_space<vmem>>
      %dma_wait3A_165 = tpu.memref_squeeze %dma_wait3A_164 : memref<1x64xi32, #tpu.memory_space<vmem>> -> memref<64xi32, #tpu.memory_space<vmem>>
      %dma_wait3A_166 = arith.constant 0 : i32
      %dma_wait3A_167 = arith.constant 0 : i32
      %dma_wait3A_168 = tpu.memref_slice %arg4[%dma_wait3A_166, %dma_wait3A_167] : memref<80008x128xf32, #tpu.memory_space<hbm>> -> memref<80008x128xf32, #tpu.memory_space<hbm>>
      tpu.wait_indirect_dma semaphore(%arg12 : memref<!tpu.dma_semaphore, #tpu.memory_space<semaphore_mem>>) src(%dma_wait3A_168 : memref<80008x128xf32, #tpu.memory_space<hbm>>) dst(%arg9 : memref<64x128xf32, #tpu.memory_space<vmem>>)
      "tpu.region"() ({
        %run_scoped3A = tpu.sem_alloc : memref<!tpu.dma_semaphore, #tpu.memory_space<semaphore_mem>>
        %dma_start3A_181 = arith.constant 0 : i32
        %dma_start3A_182 = tpu.memref_slice %arg8[%add3A_155, %dma_start3A_181] : memref<160x64xi32, #tpu.memory_space<vmem>> -> memref<1x64xi32, #tpu.memory_space<vmem>>
        %dma_start3A_183 = tpu.memref_squeeze %dma_start3A_182 : memref<1x64xi32, #tpu.memory_space<vmem>> -> memref<64xi32, #tpu.memory_space<vmem>>
        %dma_start3A_184 = arith.constant 0 : i32
        %dma_start3A_185 = arith.constant 0 : i32
        %dma_start3A_186 = tpu.memref_slice %arg11[%dma_start3A_184, %dma_start3A_185] : memref<10240x128xf32, #tpu.memory_space<vmem_shared>> -> memref<10240x128xf32, #tpu.memory_space<vmem_shared>>
        tpu.enqueue_indirect_dma source(%arg9 : memref<64x128xf32, #tpu.memory_space<vmem>>) target(%dma_start3A_186 : memref<10240x128xf32, #tpu.memory_space<vmem_shared>>) offsets(%dma_start3A_183 : memref<64xi32, #tpu.memory_space<vmem>>) semaphore(%run_scoped3A : memref<!tpu.dma_semaphore, #tpu.memory_space<semaphore_mem>>) {add = true}
        %dma_wait3A_187 = arith.constant 0 : i32
        %dma_wait3A_188 = tpu.memref_slice %arg8[%add3A_155, %dma_wait3A_187] : memref<160x64xi32, #tpu.memory_space<vmem>> -> memref<1x64xi32, #tpu.memory_space<vmem>>
        %dma_wait3A_189 = tpu.memref_squeeze %dma_wait3A_188 : memref<1x64xi32, #tpu.memory_space<vmem>> -> memref<64xi32, #tpu.memory_space<vmem>>
        %dma_wait3A_190 = arith.constant 0 : i32
        %dma_wait3A_191 = arith.constant 0 : i32
        %dma_wait3A_192 = tpu.memref_slice %arg11[%dma_wait3A_190, %dma_wait3A_191] : memref<10240x128xf32, #tpu.memory_space<vmem_shared>> -> memref<10240x128xf32, #tpu.memory_space<vmem_shared>>
        tpu.wait_indirect_dma semaphore(%run_scoped3A : memref<!tpu.dma_semaphore, #tpu.memory_space<semaphore_mem>>) src(%arg9 : memref<64x128xf32, #tpu.memory_space<vmem>>) dst(%dma_wait3A_192 : memref<10240x128xf32, #tpu.memory_space<vmem_shared>>)
        tpu.yield
      }) : () -> ()
      %lt3A = arith.constant 39 : i32
      %lt3A_169 = arith.cmpi slt, %scan3A_151, %lt3A : i32
      %convert_element_type3A = arith.extui %lt3A_169 : i1 to i32
      %cond3A = arith.constant 0 : i32
      %cond3A_170 = arith.cmpi ne, %convert_element_type3A, %cond3A : i32
      scf.if %cond3A_170 {
        %add3A_181 = arith.constant 2 : i32
        %add3A_182 = arith.addi %mul3A_153, %add3A_181 : i32
        %dma_start3A_183 = arith.constant 0 : i32
        %dma_start3A_184 = tpu.memref_slice %arg7[%add3A_182, %dma_start3A_183] : memref<80x64xi32, #tpu.memory_space<vmem>> -> memref<1x64xi32, #tpu.memory_space<vmem>>
        %dma_start3A_185 = tpu.memref_squeeze %dma_start3A_184 : memref<1x64xi32, #tpu.memory_space<vmem>> -> memref<64xi32, #tpu.memory_space<vmem>>
        %dma_start3A_186 = arith.constant 0 : i32
        %dma_start3A_187 = arith.constant 0 : i32
        %dma_start3A_188 = tpu.memref_slice %arg4[%dma_start3A_186, %dma_start3A_187] : memref<80008x128xf32, #tpu.memory_space<hbm>> -> memref<80008x128xf32, #tpu.memory_space<hbm>>
        tpu.enqueue_indirect_dma source(%dma_start3A_188 : memref<80008x128xf32, #tpu.memory_space<hbm>>) target(%arg9 : memref<64x128xf32, #tpu.memory_space<vmem>>) offsets(%dma_start3A_185 : memref<64xi32, #tpu.memory_space<vmem>>) semaphore(%arg12 : memref<!tpu.dma_semaphore, #tpu.memory_space<semaphore_mem>>)
      } else {
      }
      %add3A_171 = arith.constant 1 : i32
      %add3A_172 = arith.addi %mul3A_153, %add3A_171 : i32
      %dma_wait3A_173 = arith.constant 0 : i32
      %dma_wait3A_174 = tpu.memref_slice %arg7[%add3A_172, %dma_wait3A_173] : memref<80x64xi32, #tpu.memory_space<vmem>> -> memref<1x64xi32, #tpu.memory_space<vmem>>
      %dma_wait3A_175 = tpu.memref_squeeze %dma_wait3A_174 : memref<1x64xi32, #tpu.memory_space<vmem>> -> memref<64xi32, #tpu.memory_space<vmem>>
      %dma_wait3A_176 = arith.constant 0 : i32
      %dma_wait3A_177 = arith.constant 0 : i32
      %dma_wait3A_178 = tpu.memref_slice %arg4[%dma_wait3A_176, %dma_wait3A_177] : memref<80008x128xf32, #tpu.memory_space<hbm>> -> memref<80008x128xf32, #tpu.memory_space<hbm>>
      tpu.wait_indirect_dma semaphore(%arg13 : memref<!tpu.dma_semaphore, #tpu.memory_space<semaphore_mem>>) src(%dma_wait3A_178 : memref<80008x128xf32, #tpu.memory_space<hbm>>) dst(%arg10 : memref<64x128xf32, #tpu.memory_space<vmem>>)
      %add3A_179 = arith.constant 1 : i32
      %add3A_180 = arith.addi %add3A_155, %add3A_179 : i32
      "tpu.region"() ({
        %run_scoped3A = tpu.sem_alloc : memref<!tpu.dma_semaphore, #tpu.memory_space<semaphore_mem>>
        %dma_start3A_181 = arith.constant 0 : i32
        %dma_start3A_182 = tpu.memref_slice %arg8[%add3A_180, %dma_start3A_181] : memref<160x64xi32, #tpu.memory_space<vmem>> -> memref<1x64xi32, #tpu.memory_space<vmem>>
        %dma_start3A_183 = tpu.memref_squeeze %dma_start3A_182 : memref<1x64xi32, #tpu.memory_space<vmem>> -> memref<64xi32, #tpu.memory_space<vmem>>
        %dma_start3A_184 = arith.constant 0 : i32
        %dma_start3A_185 = arith.constant 0 : i32
        %dma_start3A_186 = tpu.memref_slice %arg11[%dma_start3A_184, %dma_start3A_185] : memref<10240x128xf32, #tpu.memory_space<vmem_shared>> -> memref<10240x128xf32, #tpu.memory_space<vmem_shared>>
        tpu.enqueue_indirect_dma source(%arg10 : memref<64x128xf32, #tpu.memory_space<vmem>>) target(%dma_start3A_186 : memref<10240x128xf32, #tpu.memory_space<vmem_shared>>) offsets(%dma_start3A_183 : memref<64xi32, #tpu.memory_space<vmem>>) semaphore(%run_scoped3A : memref<!tpu.dma_semaphore, #tpu.memory_space<semaphore_mem>>) {add = true}
        %dma_wait3A_187 = arith.constant 0 : i32
        %dma_wait3A_188 = tpu.memref_slice %arg8[%add3A_180, %dma_wait3A_187] : memref<160x64xi32, #tpu.memory_space<vmem>> -> memref<1x64xi32, #tpu.memory_space<vmem>>
        %dma_wait3A_189 = tpu.memref_squeeze %dma_wait3A_188 : memref<1x64xi32, #tpu.memory_space<vmem>> -> memref<64xi32, #tpu.memory_space<vmem>>
        %dma_wait3A_190 = arith.constant 0 : i32
        %dma_wait3A_191 = arith.constant 0 : i32
        %dma_wait3A_192 = tpu.memref_slice %arg11[%dma_wait3A_190, %dma_wait3A_191] : memref<10240x128xf32, #tpu.memory_space<vmem_shared>> -> memref<10240x128xf32, #tpu.memory_space<vmem_shared>>
        tpu.wait_indirect_dma semaphore(%run_scoped3A : memref<!tpu.dma_semaphore, #tpu.memory_space<semaphore_mem>>) src(%arg10 : memref<64x128xf32, #tpu.memory_space<vmem>>) dst(%dma_wait3A_192 : memref<10240x128xf32, #tpu.memory_space<vmem_shared>>)
        tpu.yield
      }) : () -> ()
    }
    %scan3A_25 = arith.constant 40 : i32
    %barrier3A_26 = arith.constant 0 : index
    tpu.barrier barrier_id(%barrier3A_26)
    %mul3A_27 = arith.constant 640 : i32
    %mul3A_28 = arith.muli %arg1, %mul3A_27 : i32
    %mul3A_29 = arith.constant 640 : i32
    %mul3A_30 = arith.muli %arg1, %mul3A_29 : i32
    %mul3A_31 = arith.constant 128 : i32
    %mul3A_32 = arith.muli %add3A_0, %mul3A_31 : i32
    "tpu.region"() ({
      %run_scoped3A = tpu.sem_alloc : memref<!tpu.dma_semaphore, #tpu.memory_space<semaphore_mem>>
      %dma_start3A_151 = tpu.memref_slice %arg6[%mul3A_30, %mul3A_32] : memref<10240x1024xf32, #tpu.memory_space<hbm>> -> memref<640x128xf32, #tpu.memory_space<hbm>>
      %dma_start3A_152 = arith.constant 0 : i32
      %dma_start3A_153 = tpu.memref_slice %arg11[%mul3A_28, %dma_start3A_152] : memref<10240x128xf32, #tpu.memory_space<vmem_shared>> -> memref<640x128xf32, #tpu.memory_space<vmem_shared>>
      tpu.enqueue_dma source(%dma_start3A_153 : memref<640x128xf32, #tpu.memory_space<vmem_shared>>) target(%dma_start3A_151 : memref<640x128xf32, #tpu.memory_space<hbm>>) target_semaphore(%run_scoped3A : memref<!tpu.dma_semaphore, #tpu.memory_space<semaphore_mem>>)
      %dma_wait3A = tpu.memref_slice %arg6[%mul3A_30, %mul3A_32] : memref<10240x1024xf32, #tpu.memory_space<hbm>> -> memref<640x128xf32, #tpu.memory_space<hbm>>
      %dma_wait3A_154 = arith.constant 0 : i32
      %dma_wait3A_155 = tpu.memref_slice %arg11[%mul3A_28, %dma_wait3A_154] : memref<10240x128xf32, #tpu.memory_space<vmem_shared>> -> memref<640x128xf32, #tpu.memory_space<vmem_shared>>
      tpu.wait_dma2 semaphore(%run_scoped3A : memref<!tpu.dma_semaphore, #tpu.memory_space<semaphore_mem>>) src(%dma_wait3A_155 : memref<640x128xf32, #tpu.memory_space<vmem_shared>>) dst(%dma_wait3A : memref<640x128xf32, #tpu.memory_space<hbm>>)
      tpu.yield
    }) : () -> ()
    %barrier3A_33 = arith.constant 0 : index
    tpu.barrier barrier_id(%barrier3A_33)
    %add3A_34 = arith.constant 2 : i32
    %add3A_35 = arith.addi %add3A_34, %arg0 : i32
    %mul3A_36 = arith.constant 640 : i32
    %mul3A_37 = arith.muli %arg1, %mul3A_36 : i32
    "tpu.region"() ({
      %run_scoped3A = tpu.sem_alloc : memref<!tpu.dma_semaphore, #tpu.memory_space<semaphore_mem>>
      %dma_start3A_151 = arith.constant 0 : i32
      %dma_start3A_152 = tpu.memref_slice %arg11[%mul3A_37, %dma_start3A_151] : memref<10240x128xf32, #tpu.memory_space<vmem_shared>> -> memref<640x128xf32, #tpu.memory_space<vmem_shared>>
      tpu.enqueue_dma source(%arg5 : memref<640x128xf32, #tpu.memory_space<hbm>>) target(%dma_start3A_152 : memref<640x128xf32, #tpu.memory_space<vmem_shared>>) target_semaphore(%run_scoped3A : memref<!tpu.dma_semaphore, #tpu.memory_space<semaphore_mem>>)
      %dma_wait3A = arith.constant 0 : i32
      %dma_wait3A_153 = tpu.memref_slice %arg11[%mul3A_37, %dma_wait3A] : memref<10240x128xf32, #tpu.memory_space<vmem_shared>> -> memref<640x128xf32, #tpu.memory_space<vmem_shared>>
      tpu.wait_dma2 semaphore(%run_scoped3A : memref<!tpu.dma_semaphore, #tpu.memory_space<semaphore_mem>>) src(%arg5 : memref<640x128xf32, #tpu.memory_space<hbm>>) dst(%dma_wait3A_153 : memref<640x128xf32, #tpu.memory_space<vmem_shared>>)
      tpu.yield
    }) : () -> ()
    %barrier3A_38 = arith.constant 0 : index
    tpu.barrier barrier_id(%barrier3A_38)
    "tpu.region"() ({
      %run_scoped3A = tpu.sem_alloc : memref<!tpu.dma_semaphore, #tpu.memory_space<semaphore_mem>>
      %dma_start3A_151 = arith.constant 0 : i32
      %dma_start3A_152 = arith.constant 0 : i32
      %dma_start3A_153 = tpu.memref_slice %arg2[%add3A_35, %arg1, %dma_start3A_151, %dma_start3A_152] : memref<8x16x160x64xi32, #tpu.memory_space<hbm>> -> memref<1x1x80x64xi32, #tpu.memory_space<hbm>>
      %dma_start3A_154 = tpu.memref_squeeze %dma_start3A_153 : memref<1x1x80x64xi32, #tpu.memory_space<hbm>> -> memref<80x64xi32, #tpu.memory_space<hbm>>
      %dma_start3A_155 = arith.constant 0 : i32
      %dma_start3A_156 = arith.constant 0 : i32
      %dma_start3A_157 = tpu.memref_slice %arg2[%add3A_35, %arg1, %dma_start3A_155, %dma_start3A_156] : memref<8x16x160x64xi32, #tpu.memory_space<hbm>> -> memref<1x1x80x64xi32, #tpu.memory_space<hbm>>
      %dma_start3A_158 = tpu.memref_squeeze %dma_start3A_157 : memref<1x1x80x64xi32, #tpu.memory_space<hbm>> -> memref<80x64xi32, #tpu.memory_space<hbm>>
      tpu.enqueue_dma source(%dma_start3A_158 : memref<80x64xi32, #tpu.memory_space<hbm>>) target(%arg7 : memref<80x64xi32, #tpu.memory_space<vmem>>) target_semaphore(%run_scoped3A : memref<!tpu.dma_semaphore, #tpu.memory_space<semaphore_mem>>)
      %dma_wait3A = arith.constant 0 : i32
      %dma_wait3A_159 = arith.constant 0 : i32
      %dma_wait3A_160 = tpu.memref_slice %arg2[%add3A_35, %arg1, %dma_wait3A, %dma_wait3A_159] : memref<8x16x160x64xi32, #tpu.memory_space<hbm>> -> memref<1x1x80x64xi32, #tpu.memory_space<hbm>>
      %dma_wait3A_161 = tpu.memref_squeeze %dma_wait3A_160 : memref<1x1x80x64xi32, #tpu.memory_space<hbm>> -> memref<80x64xi32, #tpu.memory_space<hbm>>
      %dma_wait3A_162 = arith.constant 0 : i32
      %dma_wait3A_163 = arith.constant 0 : i32
      %dma_wait3A_164 = tpu.memref_slice %arg2[%add3A_35, %arg1, %dma_wait3A_162, %dma_wait3A_163] : memref<8x16x160x64xi32, #tpu.memory_space<hbm>> -> memref<1x1x80x64xi32, #tpu.memory_space<hbm>>
      %dma_wait3A_165 = tpu.memref_squeeze %dma_wait3A_164 : memref<1x1x80x64xi32, #tpu.memory_space<hbm>> -> memref<80x64xi32, #tpu.memory_space<hbm>>
      tpu.wait_dma2 semaphore(%run_scoped3A : memref<!tpu.dma_semaphore, #tpu.memory_space<semaphore_mem>>) src(%dma_wait3A_165 : memref<80x64xi32, #tpu.memory_space<hbm>>) dst(%arg7 : memref<80x64xi32, #tpu.memory_space<vmem>>)
      tpu.yield
    }) : () -> ()
    %dma_start3A_39 = arith.constant 0 : i32
    %dma_start3A_40 = arith.constant 0 : i32
    %dma_start3A_41 = tpu.memref_slice %arg7[%dma_start3A_39, %dma_start3A_40] : memref<80x64xi32, #tpu.memory_space<vmem>> -> memref<1x64xi32, #tpu.memory_space<vmem>>
    %dma_start3A_42 = tpu.memref_squeeze %dma_start3A_41 : memref<1x64xi32, #tpu.memory_space<vmem>> -> memref<64xi32, #tpu.memory_space<vmem>>
    %dma_start3A_43 = arith.constant 0 : i32
    %dma_start3A_44 = arith.constant 0 : i32
    %dma_start3A_45 = tpu.memref_slice %arg4[%dma_start3A_43, %dma_start3A_44] : memref<80008x128xf32, #tpu.memory_space<hbm>> -> memref<80008x128xf32, #tpu.memory_space<hbm>>
    tpu.enqueue_indirect_dma source(%dma_start3A_45 : memref<80008x128xf32, #tpu.memory_space<hbm>>) target(%arg9 : memref<64x128xf32, #tpu.memory_space<vmem>>) offsets(%dma_start3A_42 : memref<64xi32, #tpu.memory_space<vmem>>) semaphore(%arg12 : memref<!tpu.dma_semaphore, #tpu.memory_space<semaphore_mem>>)
    %scan3A_46 = arith.constant 0 : i32
    %scan3A_47 = arith.constant 0 : i32
    %scan3A_48 = arith.constant 40 : i32
    %scan3A_49 = arith.addi %scan3A_47, %scan3A_48 : i32
    %scan3A_50 = arith.constant 1 : i32
    scf.for %scan3A_151 = %scan3A_47 to %scan3A_49 step %scan3A_50  : i32 {
      %mul3A_152 = arith.constant 2 : i32
      %mul3A_153 = arith.muli %mul3A_152, %scan3A_151 : i32
      %add3A_154 = arith.constant 0 : i32
      %add3A_155 = arith.addi %add3A_154, %mul3A_153 : i32
      %add3A_156 = arith.constant 1 : i32
      %add3A_157 = arith.addi %mul3A_153, %add3A_156 : i32
      %dma_start3A_158 = arith.constant 0 : i32
      %dma_start3A_159 = tpu.memref_slice %arg7[%add3A_157, %dma_start3A_158] : memref<80x64xi32, #tpu.memory_space<vmem>> -> memref<1x64xi32, #tpu.memory_space<vmem>>
      %dma_start3A_160 = tpu.memref_squeeze %dma_start3A_159 : memref<1x64xi32, #tpu.memory_space<vmem>> -> memref<64xi32, #tpu.memory_space<vmem>>
      %dma_start3A_161 = arith.constant 0 : i32
      %dma_start3A_162 = arith.constant 0 : i32
      %dma_start3A_163 = tpu.memref_slice %arg4[%dma_start3A_161, %dma_start3A_162] : memref<80008x128xf32, #tpu.memory_space<hbm>> -> memref<80008x128xf32, #tpu.memory_space<hbm>>
      tpu.enqueue_indirect_dma source(%dma_start3A_163 : memref<80008x128xf32, #tpu.memory_space<hbm>>) target(%arg10 : memref<64x128xf32, #tpu.memory_space<vmem>>) offsets(%dma_start3A_160 : memref<64xi32, #tpu.memory_space<vmem>>) semaphore(%arg13 : memref<!tpu.dma_semaphore, #tpu.memory_space<semaphore_mem>>)
      %dma_wait3A = arith.constant 0 : i32
      %dma_wait3A_164 = tpu.memref_slice %arg7[%mul3A_153, %dma_wait3A] : memref<80x64xi32, #tpu.memory_space<vmem>> -> memref<1x64xi32, #tpu.memory_space<vmem>>
      %dma_wait3A_165 = tpu.memref_squeeze %dma_wait3A_164 : memref<1x64xi32, #tpu.memory_space<vmem>> -> memref<64xi32, #tpu.memory_space<vmem>>
      %dma_wait3A_166 = arith.constant 0 : i32
      %dma_wait3A_167 = arith.constant 0 : i32
      %dma_wait3A_168 = tpu.memref_slice %arg4[%dma_wait3A_166, %dma_wait3A_167] : memref<80008x128xf32, #tpu.memory_space<hbm>> -> memref<80008x128xf32, #tpu.memory_space<hbm>>
      tpu.wait_indirect_dma semaphore(%arg12 : memref<!tpu.dma_semaphore, #tpu.memory_space<semaphore_mem>>) src(%dma_wait3A_168 : memref<80008x128xf32, #tpu.memory_space<hbm>>) dst(%arg9 : memref<64x128xf32, #tpu.memory_space<vmem>>)
      "tpu.region"() ({
        %run_scoped3A = tpu.sem_alloc : memref<!tpu.dma_semaphore, #tpu.memory_space<semaphore_mem>>
        %dma_start3A_181 = arith.constant 0 : i32
        %dma_start3A_182 = tpu.memref_slice %arg8[%add3A_155, %dma_start3A_181] : memref<160x64xi32, #tpu.memory_space<vmem>> -> memref<1x64xi32, #tpu.memory_space<vmem>>
        %dma_start3A_183 = tpu.memref_squeeze %dma_start3A_182 : memref<1x64xi32, #tpu.memory_space<vmem>> -> memref<64xi32, #tpu.memory_space<vmem>>
        %dma_start3A_184 = arith.constant 0 : i32
        %dma_start3A_185 = arith.constant 0 : i32
        %dma_start3A_186 = tpu.memref_slice %arg11[%dma_start3A_184, %dma_start3A_185] : memref<10240x128xf32, #tpu.memory_space<vmem_shared>> -> memref<10240x128xf32, #tpu.memory_space<vmem_shared>>
        tpu.enqueue_indirect_dma source(%arg9 : memref<64x128xf32, #tpu.memory_space<vmem>>) target(%dma_start3A_186 : memref<10240x128xf32, #tpu.memory_space<vmem_shared>>) offsets(%dma_start3A_183 : memref<64xi32, #tpu.memory_space<vmem>>) semaphore(%run_scoped3A : memref<!tpu.dma_semaphore, #tpu.memory_space<semaphore_mem>>) {add = true}
        %dma_wait3A_187 = arith.constant 0 : i32
        %dma_wait3A_188 = tpu.memref_slice %arg8[%add3A_155, %dma_wait3A_187] : memref<160x64xi32, #tpu.memory_space<vmem>> -> memref<1x64xi32, #tpu.memory_space<vmem>>
        %dma_wait3A_189 = tpu.memref_squeeze %dma_wait3A_188 : memref<1x64xi32, #tpu.memory_space<vmem>> -> memref<64xi32, #tpu.memory_space<vmem>>
        %dma_wait3A_190 = arith.constant 0 : i32
        %dma_wait3A_191 = arith.constant 0 : i32
        %dma_wait3A_192 = tpu.memref_slice %arg11[%dma_wait3A_190, %dma_wait3A_191] : memref<10240x128xf32, #tpu.memory_space<vmem_shared>> -> memref<10240x128xf32, #tpu.memory_space<vmem_shared>>
        tpu.wait_indirect_dma semaphore(%run_scoped3A : memref<!tpu.dma_semaphore, #tpu.memory_space<semaphore_mem>>) src(%arg9 : memref<64x128xf32, #tpu.memory_space<vmem>>) dst(%dma_wait3A_192 : memref<10240x128xf32, #tpu.memory_space<vmem_shared>>)
        tpu.yield
      }) : () -> ()
      %lt3A = arith.constant 39 : i32
      %lt3A_169 = arith.cmpi slt, %scan3A_151, %lt3A : i32
      %convert_element_type3A = arith.extui %lt3A_169 : i1 to i32
      %cond3A = arith.constant 0 : i32
      %cond3A_170 = arith.cmpi ne, %convert_element_type3A, %cond3A : i32
      scf.if %cond3A_170 {
        %add3A_181 = arith.constant 2 : i32
        %add3A_182 = arith.addi %mul3A_153, %add3A_181 : i32
        %dma_start3A_183 = arith.constant 0 : i32
        %dma_start3A_184 = tpu.memref_slice %arg7[%add3A_182, %dma_start3A_183] : memref<80x64xi32, #tpu.memory_space<vmem>> -> memref<1x64xi32, #tpu.memory_space<vmem>>
        %dma_start3A_185 = tpu.memref_squeeze %dma_start3A_184 : memref<1x64xi32, #tpu.memory_space<vmem>> -> memref<64xi32, #tpu.memory_space<vmem>>
        %dma_start3A_186 = arith.constant 0 : i32
        %dma_start3A_187 = arith.constant 0 : i32
        %dma_start3A_188 = tpu.memref_slice %arg4[%dma_start3A_186, %dma_start3A_187] : memref<80008x128xf32, #tpu.memory_space<hbm>> -> memref<80008x128xf32, #tpu.memory_space<hbm>>
        tpu.enqueue_indirect_dma source(%dma_start3A_188 : memref<80008x128xf32, #tpu.memory_space<hbm>>) target(%arg9 : memref<64x128xf32, #tpu.memory_space<vmem>>) offsets(%dma_start3A_185 : memref<64xi32, #tpu.memory_space<vmem>>) semaphore(%arg12 : memref<!tpu.dma_semaphore, #tpu.memory_space<semaphore_mem>>)
      } else {
      }
      %add3A_171 = arith.constant 1 : i32
      %add3A_172 = arith.addi %mul3A_153, %add3A_171 : i32
      %dma_wait3A_173 = arith.constant 0 : i32
      %dma_wait3A_174 = tpu.memref_slice %arg7[%add3A_172, %dma_wait3A_173] : memref<80x64xi32, #tpu.memory_space<vmem>> -> memref<1x64xi32, #tpu.memory_space<vmem>>
      %dma_wait3A_175 = tpu.memref_squeeze %dma_wait3A_174 : memref<1x64xi32, #tpu.memory_space<vmem>> -> memref<64xi32, #tpu.memory_space<vmem>>
      %dma_wait3A_176 = arith.constant 0 : i32
      %dma_wait3A_177 = arith.constant 0 : i32
      %dma_wait3A_178 = tpu.memref_slice %arg4[%dma_wait3A_176, %dma_wait3A_177] : memref<80008x128xf32, #tpu.memory_space<hbm>> -> memref<80008x128xf32, #tpu.memory_space<hbm>>
      tpu.wait_indirect_dma semaphore(%arg13 : memref<!tpu.dma_semaphore, #tpu.memory_space<semaphore_mem>>) src(%dma_wait3A_178 : memref<80008x128xf32, #tpu.memory_space<hbm>>) dst(%arg10 : memref<64x128xf32, #tpu.memory_space<vmem>>)
      %add3A_179 = arith.constant 1 : i32
      %add3A_180 = arith.addi %add3A_155, %add3A_179 : i32
      "tpu.region"() ({
        %run_scoped3A = tpu.sem_alloc : memref<!tpu.dma_semaphore, #tpu.memory_space<semaphore_mem>>
        %dma_start3A_181 = arith.constant 0 : i32
        %dma_start3A_182 = tpu.memref_slice %arg8[%add3A_180, %dma_start3A_181] : memref<160x64xi32, #tpu.memory_space<vmem>> -> memref<1x64xi32, #tpu.memory_space<vmem>>
        %dma_start3A_183 = tpu.memref_squeeze %dma_start3A_182 : memref<1x64xi32, #tpu.memory_space<vmem>> -> memref<64xi32, #tpu.memory_space<vmem>>
        %dma_start3A_184 = arith.constant 0 : i32
        %dma_start3A_185 = arith.constant 0 : i32
        %dma_start3A_186 = tpu.memref_slice %arg11[%dma_start3A_184, %dma_start3A_185] : memref<10240x128xf32, #tpu.memory_space<vmem_shared>> -> memref<10240x128xf32, #tpu.memory_space<vmem_shared>>
        tpu.enqueue_indirect_dma source(%arg10 : memref<64x128xf32, #tpu.memory_space<vmem>>) target(%dma_start3A_186 : memref<10240x128xf32, #tpu.memory_space<vmem_shared>>) offsets(%dma_start3A_183 : memref<64xi32, #tpu.memory_space<vmem>>) semaphore(%run_scoped3A : memref<!tpu.dma_semaphore, #tpu.memory_space<semaphore_mem>>) {add = true}
        %dma_wait3A_187 = arith.constant 0 : i32
        %dma_wait3A_188 = tpu.memref_slice %arg8[%add3A_180, %dma_wait3A_187] : memref<160x64xi32, #tpu.memory_space<vmem>> -> memref<1x64xi32, #tpu.memory_space<vmem>>
        %dma_wait3A_189 = tpu.memref_squeeze %dma_wait3A_188 : memref<1x64xi32, #tpu.memory_space<vmem>> -> memref<64xi32, #tpu.memory_space<vmem>>
        %dma_wait3A_190 = arith.constant 0 : i32
        %dma_wait3A_191 = arith.constant 0 : i32
        %dma_wait3A_192 = tpu.memref_slice %arg11[%dma_wait3A_190, %dma_wait3A_191] : memref<10240x128xf32, #tpu.memory_space<vmem_shared>> -> memref<10240x128xf32, #tpu.memory_space<vmem_shared>>
        tpu.wait_indirect_dma semaphore(%run_scoped3A : memref<!tpu.dma_semaphore, #tpu.memory_space<semaphore_mem>>) src(%arg10 : memref<64x128xf32, #tpu.memory_space<vmem>>) dst(%dma_wait3A_192 : memref<10240x128xf32, #tpu.memory_space<vmem_shared>>)
        tpu.yield
      }) : () -> ()
    }
    %scan3A_51 = arith.constant 40 : i32
    "tpu.region"() ({
      %run_scoped3A = tpu.sem_alloc : memref<!tpu.dma_semaphore, #tpu.memory_space<semaphore_mem>>
      %dma_start3A_151 = arith.constant 80 : i32
      %dma_start3A_152 = arith.constant 0 : i32
      %dma_start3A_153 = tpu.memref_slice %arg2[%add3A_35, %arg1, %dma_start3A_151, %dma_start3A_152] : memref<8x16x160x64xi32, #tpu.memory_space<hbm>> -> memref<1x1x80x64xi32, #tpu.memory_space<hbm>>
      %dma_start3A_154 = tpu.memref_squeeze %dma_start3A_153 : memref<1x1x80x64xi32, #tpu.memory_space<hbm>> -> memref<80x64xi32, #tpu.memory_space<hbm>>
      %dma_start3A_155 = arith.constant 80 : i32
      %dma_start3A_156 = arith.constant 0 : i32
      %dma_start3A_157 = tpu.memref_slice %arg2[%add3A_35, %arg1, %dma_start3A_155, %dma_start3A_156] : memref<8x16x160x64xi32, #tpu.memory_space<hbm>> -> memref<1x1x80x64xi32, #tpu.memory_space<hbm>>
      %dma_start3A_158 = tpu.memref_squeeze %dma_start3A_157 : memref<1x1x80x64xi32, #tpu.memory_space<hbm>> -> memref<80x64xi32, #tpu.memory_space<hbm>>
      tpu.enqueue_dma source(%dma_start3A_158 : memref<80x64xi32, #tpu.memory_space<hbm>>) target(%arg7 : memref<80x64xi32, #tpu.memory_space<vmem>>) target_semaphore(%run_scoped3A : memref<!tpu.dma_semaphore, #tpu.memory_space<semaphore_mem>>)
      %dma_wait3A = arith.constant 80 : i32
      %dma_wait3A_159 = arith.constant 0 : i32
      %dma_wait3A_160 = tpu.memref_slice %arg2[%add3A_35, %arg1, %dma_wait3A, %dma_wait3A_159] : memref<8x16x160x64xi32, #tpu.memory_space<hbm>> -> memref<1x1x80x64xi32, #tpu.memory_space<hbm>>
      %dma_wait3A_161 = tpu.memref_squeeze %dma_wait3A_160 : memref<1x1x80x64xi32, #tpu.memory_space<hbm>> -> memref<80x64xi32, #tpu.memory_space<hbm>>
      %dma_wait3A_162 = arith.constant 80 : i32
      %dma_wait3A_163 = arith.constant 0 : i32
      %dma_wait3A_164 = tpu.memref_slice %arg2[%add3A_35, %arg1, %dma_wait3A_162, %dma_wait3A_163] : memref<8x16x160x64xi32, #tpu.memory_space<hbm>> -> memref<1x1x80x64xi32, #tpu.memory_space<hbm>>
      %dma_wait3A_165 = tpu.memref_squeeze %dma_wait3A_164 : memref<1x1x80x64xi32, #tpu.memory_space<hbm>> -> memref<80x64xi32, #tpu.memory_space<hbm>>
      tpu.wait_dma2 semaphore(%run_scoped3A : memref<!tpu.dma_semaphore, #tpu.memory_space<semaphore_mem>>) src(%dma_wait3A_165 : memref<80x64xi32, #tpu.memory_space<hbm>>) dst(%arg7 : memref<80x64xi32, #tpu.memory_space<vmem>>)
      tpu.yield
    }) : () -> ()
    %dma_start3A_52 = arith.constant 0 : i32
    %dma_start3A_53 = arith.constant 0 : i32
    %dma_start3A_54 = tpu.memref_slice %arg7[%dma_start3A_52, %dma_start3A_53] : memref<80x64xi32, #tpu.memory_space<vmem>> -> memref<1x64xi32, #tpu.memory_space<vmem>>
    %dma_start3A_55 = tpu.memref_squeeze %dma_start3A_54 : memref<1x64xi32, #tpu.memory_space<vmem>> -> memref<64xi32, #tpu.memory_space<vmem>>
    %dma_start3A_56 = arith.constant 0 : i32
    %dma_start3A_57 = arith.constant 0 : i32
    %dma_start3A_58 = tpu.memref_slice %arg4[%dma_start3A_56, %dma_start3A_57] : memref<80008x128xf32, #tpu.memory_space<hbm>> -> memref<80008x128xf32, #tpu.memory_space<hbm>>
    tpu.enqueue_indirect_dma source(%dma_start3A_58 : memref<80008x128xf32, #tpu.memory_space<hbm>>) target(%arg9 : memref<64x128xf32, #tpu.memory_space<vmem>>) offsets(%dma_start3A_55 : memref<64xi32, #tpu.memory_space<vmem>>) semaphore(%arg12 : memref<!tpu.dma_semaphore, #tpu.memory_space<semaphore_mem>>)
    %scan3A_59 = arith.constant 0 : i32
    %scan3A_60 = arith.constant 0 : i32
    %scan3A_61 = arith.constant 40 : i32
    %scan3A_62 = arith.addi %scan3A_60, %scan3A_61 : i32
    %scan3A_63 = arith.constant 1 : i32
    scf.for %scan3A_151 = %scan3A_60 to %scan3A_62 step %scan3A_63  : i32 {
      %mul3A_152 = arith.constant 2 : i32
      %mul3A_153 = arith.muli %mul3A_152, %scan3A_151 : i32
      %add3A_154 = arith.constant 80 : i32
      %add3A_155 = arith.addi %add3A_154, %mul3A_153 : i32
      %add3A_156 = arith.constant 1 : i32
      %add3A_157 = arith.addi %mul3A_153, %add3A_156 : i32
      %dma_start3A_158 = arith.constant 0 : i32
      %dma_start3A_159 = tpu.memref_slice %arg7[%add3A_157, %dma_start3A_158] : memref<80x64xi32, #tpu.memory_space<vmem>> -> memref<1x64xi32, #tpu.memory_space<vmem>>
      %dma_start3A_160 = tpu.memref_squeeze %dma_start3A_159 : memref<1x64xi32, #tpu.memory_space<vmem>> -> memref<64xi32, #tpu.memory_space<vmem>>
      %dma_start3A_161 = arith.constant 0 : i32
      %dma_start3A_162 = arith.constant 0 : i32
      %dma_start3A_163 = tpu.memref_slice %arg4[%dma_start3A_161, %dma_start3A_162] : memref<80008x128xf32, #tpu.memory_space<hbm>> -> memref<80008x128xf32, #tpu.memory_space<hbm>>
      tpu.enqueue_indirect_dma source(%dma_start3A_163 : memref<80008x128xf32, #tpu.memory_space<hbm>>) target(%arg10 : memref<64x128xf32, #tpu.memory_space<vmem>>) offsets(%dma_start3A_160 : memref<64xi32, #tpu.memory_space<vmem>>) semaphore(%arg13 : memref<!tpu.dma_semaphore, #tpu.memory_space<semaphore_mem>>)
      %dma_wait3A = arith.constant 0 : i32
      %dma_wait3A_164 = tpu.memref_slice %arg7[%mul3A_153, %dma_wait3A] : memref<80x64xi32, #tpu.memory_space<vmem>> -> memref<1x64xi32, #tpu.memory_space<vmem>>
      %dma_wait3A_165 = tpu.memref_squeeze %dma_wait3A_164 : memref<1x64xi32, #tpu.memory_space<vmem>> -> memref<64xi32, #tpu.memory_space<vmem>>
      %dma_wait3A_166 = arith.constant 0 : i32
      %dma_wait3A_167 = arith.constant 0 : i32
      %dma_wait3A_168 = tpu.memref_slice %arg4[%dma_wait3A_166, %dma_wait3A_167] : memref<80008x128xf32, #tpu.memory_space<hbm>> -> memref<80008x128xf32, #tpu.memory_space<hbm>>
      tpu.wait_indirect_dma semaphore(%arg12 : memref<!tpu.dma_semaphore, #tpu.memory_space<semaphore_mem>>) src(%dma_wait3A_168 : memref<80008x128xf32, #tpu.memory_space<hbm>>) dst(%arg9 : memref<64x128xf32, #tpu.memory_space<vmem>>)
      "tpu.region"() ({
        %run_scoped3A = tpu.sem_alloc : memref<!tpu.dma_semaphore, #tpu.memory_space<semaphore_mem>>
        %dma_start3A_181 = arith.constant 0 : i32
        %dma_start3A_182 = tpu.memref_slice %arg8[%add3A_155, %dma_start3A_181] : memref<160x64xi32, #tpu.memory_space<vmem>> -> memref<1x64xi32, #tpu.memory_space<vmem>>
        %dma_start3A_183 = tpu.memref_squeeze %dma_start3A_182 : memref<1x64xi32, #tpu.memory_space<vmem>> -> memref<64xi32, #tpu.memory_space<vmem>>
        %dma_start3A_184 = arith.constant 0 : i32
        %dma_start3A_185 = arith.constant 0 : i32
        %dma_start3A_186 = tpu.memref_slice %arg11[%dma_start3A_184, %dma_start3A_185] : memref<10240x128xf32, #tpu.memory_space<vmem_shared>> -> memref<10240x128xf32, #tpu.memory_space<vmem_shared>>
        tpu.enqueue_indirect_dma source(%arg9 : memref<64x128xf32, #tpu.memory_space<vmem>>) target(%dma_start3A_186 : memref<10240x128xf32, #tpu.memory_space<vmem_shared>>) offsets(%dma_start3A_183 : memref<64xi32, #tpu.memory_space<vmem>>) semaphore(%run_scoped3A : memref<!tpu.dma_semaphore, #tpu.memory_space<semaphore_mem>>) {add = true}
        %dma_wait3A_187 = arith.constant 0 : i32
        %dma_wait3A_188 = tpu.memref_slice %arg8[%add3A_155, %dma_wait3A_187] : memref<160x64xi32, #tpu.memory_space<vmem>> -> memref<1x64xi32, #tpu.memory_space<vmem>>
        %dma_wait3A_189 = tpu.memref_squeeze %dma_wait3A_188 : memref<1x64xi32, #tpu.memory_space<vmem>> -> memref<64xi32, #tpu.memory_space<vmem>>
        %dma_wait3A_190 = arith.constant 0 : i32
        %dma_wait3A_191 = arith.constant 0 : i32
        %dma_wait3A_192 = tpu.memref_slice %arg11[%dma_wait3A_190, %dma_wait3A_191] : memref<10240x128xf32, #tpu.memory_space<vmem_shared>> -> memref<10240x128xf32, #tpu.memory_space<vmem_shared>>
        tpu.wait_indirect_dma semaphore(%run_scoped3A : memref<!tpu.dma_semaphore, #tpu.memory_space<semaphore_mem>>) src(%arg9 : memref<64x128xf32, #tpu.memory_space<vmem>>) dst(%dma_wait3A_192 : memref<10240x128xf32, #tpu.memory_space<vmem_shared>>)
        tpu.yield
      }) : () -> ()
      %lt3A = arith.constant 39 : i32
      %lt3A_169 = arith.cmpi slt, %scan3A_151, %lt3A : i32
      %convert_element_type3A = arith.extui %lt3A_169 : i1 to i32
      %cond3A = arith.constant 0 : i32
      %cond3A_170 = arith.cmpi ne, %convert_element_type3A, %cond3A : i32
      scf.if %cond3A_170 {
        %add3A_181 = arith.constant 2 : i32
        %add3A_182 = arith.addi %mul3A_153, %add3A_181 : i32
        %dma_start3A_183 = arith.constant 0 : i32
        %dma_start3A_184 = tpu.memref_slice %arg7[%add3A_182, %dma_start3A_183] : memref<80x64xi32, #tpu.memory_space<vmem>> -> memref<1x64xi32, #tpu.memory_space<vmem>>
        %dma_start3A_185 = tpu.memref_squeeze %dma_start3A_184 : memref<1x64xi32, #tpu.memory_space<vmem>> -> memref<64xi32, #tpu.memory_space<vmem>>
        %dma_start3A_186 = arith.constant 0 : i32
        %dma_start3A_187 = arith.constant 0 : i32
        %dma_start3A_188 = tpu.memref_slice %arg4[%dma_start3A_186, %dma_start3A_187] : memref<80008x128xf32, #tpu.memory_space<hbm>> -> memref<80008x128xf32, #tpu.memory_space<hbm>>
        tpu.enqueue_indirect_dma source(%dma_start3A_188 : memref<80008x128xf32, #tpu.memory_space<hbm>>) target(%arg9 : memref<64x128xf32, #tpu.memory_space<vmem>>) offsets(%dma_start3A_185 : memref<64xi32, #tpu.memory_space<vmem>>) semaphore(%arg12 : memref<!tpu.dma_semaphore, #tpu.memory_space<semaphore_mem>>)
      } else {
      }
      %add3A_171 = arith.constant 1 : i32
      %add3A_172 = arith.addi %mul3A_153, %add3A_171 : i32
      %dma_wait3A_173 = arith.constant 0 : i32
      %dma_wait3A_174 = tpu.memref_slice %arg7[%add3A_172, %dma_wait3A_173] : memref<80x64xi32, #tpu.memory_space<vmem>> -> memref<1x64xi32, #tpu.memory_space<vmem>>
      %dma_wait3A_175 = tpu.memref_squeeze %dma_wait3A_174 : memref<1x64xi32, #tpu.memory_space<vmem>> -> memref<64xi32, #tpu.memory_space<vmem>>
      %dma_wait3A_176 = arith.constant 0 : i32
      %dma_wait3A_177 = arith.constant 0 : i32
      %dma_wait3A_178 = tpu.memref_slice %arg4[%dma_wait3A_176, %dma_wait3A_177] : memref<80008x128xf32, #tpu.memory_space<hbm>> -> memref<80008x128xf32, #tpu.memory_space<hbm>>
      tpu.wait_indirect_dma semaphore(%arg13 : memref<!tpu.dma_semaphore, #tpu.memory_space<semaphore_mem>>) src(%dma_wait3A_178 : memref<80008x128xf32, #tpu.memory_space<hbm>>) dst(%arg10 : memref<64x128xf32, #tpu.memory_space<vmem>>)
      %add3A_179 = arith.constant 1 : i32
      %add3A_180 = arith.addi %add3A_155, %add3A_179 : i32
      "tpu.region"() ({
        %run_scoped3A = tpu.sem_alloc : memref<!tpu.dma_semaphore, #tpu.memory_space<semaphore_mem>>
        %dma_start3A_181 = arith.constant 0 : i32
        %dma_start3A_182 = tpu.memref_slice %arg8[%add3A_180, %dma_start3A_181] : memref<160x64xi32, #tpu.memory_space<vmem>> -> memref<1x64xi32, #tpu.memory_space<vmem>>
        %dma_start3A_183 = tpu.memref_squeeze %dma_start3A_182 : memref<1x64xi32, #tpu.memory_space<vmem>> -> memref<64xi32, #tpu.memory_space<vmem>>
        %dma_start3A_184 = arith.constant 0 : i32
        %dma_start3A_185 = arith.constant 0 : i32
        %dma_start3A_186 = tpu.memref_slice %arg11[%dma_start3A_184, %dma_start3A_185] : memref<10240x128xf32, #tpu.memory_space<vmem_shared>> -> memref<10240x128xf32, #tpu.memory_space<vmem_shared>>
        tpu.enqueue_indirect_dma source(%arg10 : memref<64x128xf32, #tpu.memory_space<vmem>>) target(%dma_start3A_186 : memref<10240x128xf32, #tpu.memory_space<vmem_shared>>) offsets(%dma_start3A_183 : memref<64xi32, #tpu.memory_space<vmem>>) semaphore(%run_scoped3A : memref<!tpu.dma_semaphore, #tpu.memory_space<semaphore_mem>>) {add = true}
        %dma_wait3A_187 = arith.constant 0 : i32
        %dma_wait3A_188 = tpu.memref_slice %arg8[%add3A_180, %dma_wait3A_187] : memref<160x64xi32, #tpu.memory_space<vmem>> -> memref<1x64xi32, #tpu.memory_space<vmem>>
        %dma_wait3A_189 = tpu.memref_squeeze %dma_wait3A_188 : memref<1x64xi32, #tpu.memory_space<vmem>> -> memref<64xi32, #tpu.memory_space<vmem>>
        %dma_wait3A_190 = arith.constant 0 : i32
        %dma_wait3A_191 = arith.constant 0 : i32
        %dma_wait3A_192 = tpu.memref_slice %arg11[%dma_wait3A_190, %dma_wait3A_191] : memref<10240x128xf32, #tpu.memory_space<vmem_shared>> -> memref<10240x128xf32, #tpu.memory_space<vmem_shared>>
        tpu.wait_indirect_dma semaphore(%run_scoped3A : memref<!tpu.dma_semaphore, #tpu.memory_space<semaphore_mem>>) src(%arg10 : memref<64x128xf32, #tpu.memory_space<vmem>>) dst(%dma_wait3A_192 : memref<10240x128xf32, #tpu.memory_space<vmem_shared>>)
        tpu.yield
      }) : () -> ()
    }
    %scan3A_64 = arith.constant 40 : i32
    %barrier3A_65 = arith.constant 0 : index
    tpu.barrier barrier_id(%barrier3A_65)
    %mul3A_66 = arith.constant 640 : i32
    %mul3A_67 = arith.muli %arg1, %mul3A_66 : i32
    %mul3A_68 = arith.constant 640 : i32
    %mul3A_69 = arith.muli %arg1, %mul3A_68 : i32
    %mul3A_70 = arith.constant 128 : i32
    %mul3A_71 = arith.muli %add3A_35, %mul3A_70 : i32
    "tpu.region"() ({
      %run_scoped3A = tpu.sem_alloc : memref<!tpu.dma_semaphore, #tpu.memory_space<semaphore_mem>>
      %dma_start3A_151 = tpu.memref_slice %arg6[%mul3A_69, %mul3A_71] : memref<10240x1024xf32, #tpu.memory_space<hbm>> -> memref<640x128xf32, #tpu.memory_space<hbm>>
      %dma_start3A_152 = arith.constant 0 : i32
      %dma_start3A_153 = tpu.memref_slice %arg11[%mul3A_67, %dma_start3A_152] : memref<10240x128xf32, #tpu.memory_space<vmem_shared>> -> memref<640x128xf32, #tpu.memory_space<vmem_shared>>
      tpu.enqueue_dma source(%dma_start3A_153 : memref<640x128xf32, #tpu.memory_space<vmem_shared>>) target(%dma_start3A_151 : memref<640x128xf32, #tpu.memory_space<hbm>>) target_semaphore(%run_scoped3A : memref<!tpu.dma_semaphore, #tpu.memory_space<semaphore_mem>>)
      %dma_wait3A = tpu.memref_slice %arg6[%mul3A_69, %mul3A_71] : memref<10240x1024xf32, #tpu.memory_space<hbm>> -> memref<640x128xf32, #tpu.memory_space<hbm>>
      %dma_wait3A_154 = arith.constant 0 : i32
      %dma_wait3A_155 = tpu.memref_slice %arg11[%mul3A_67, %dma_wait3A_154] : memref<10240x128xf32, #tpu.memory_space<vmem_shared>> -> memref<640x128xf32, #tpu.memory_space<vmem_shared>>
      tpu.wait_dma2 semaphore(%run_scoped3A : memref<!tpu.dma_semaphore, #tpu.memory_space<semaphore_mem>>) src(%dma_wait3A_155 : memref<640x128xf32, #tpu.memory_space<vmem_shared>>) dst(%dma_wait3A : memref<640x128xf32, #tpu.memory_space<hbm>>)
      tpu.yield
    }) : () -> ()
    %barrier3A_72 = arith.constant 0 : index
    tpu.barrier barrier_id(%barrier3A_72)
    %add3A_73 = arith.constant 4 : i32
    %add3A_74 = arith.addi %add3A_73, %arg0 : i32
    %mul3A_75 = arith.constant 640 : i32
    %mul3A_76 = arith.muli %arg1, %mul3A_75 : i32
    "tpu.region"() ({
      %run_scoped3A = tpu.sem_alloc : memref<!tpu.dma_semaphore, #tpu.memory_space<semaphore_mem>>
      %dma_start3A_151 = arith.constant 0 : i32
      %dma_start3A_152 = tpu.memref_slice %arg11[%mul3A_76, %dma_start3A_151] : memref<10240x128xf32, #tpu.memory_space<vmem_shared>> -> memref<640x128xf32, #tpu.memory_space<vmem_shared>>
      tpu.enqueue_dma source(%arg5 : memref<640x128xf32, #tpu.memory_space<hbm>>) target(%dma_start3A_152 : memref<640x128xf32, #tpu.memory_space<vmem_shared>>) target_semaphore(%run_scoped3A : memref<!tpu.dma_semaphore, #tpu.memory_space<semaphore_mem>>)
      %dma_wait3A = arith.constant 0 : i32
      %dma_wait3A_153 = tpu.memref_slice %arg11[%mul3A_76, %dma_wait3A] : memref<10240x128xf32, #tpu.memory_space<vmem_shared>> -> memref<640x128xf32, #tpu.memory_space<vmem_shared>>
      tpu.wait_dma2 semaphore(%run_scoped3A : memref<!tpu.dma_semaphore, #tpu.memory_space<semaphore_mem>>) src(%arg5 : memref<640x128xf32, #tpu.memory_space<hbm>>) dst(%dma_wait3A_153 : memref<640x128xf32, #tpu.memory_space<vmem_shared>>)
      tpu.yield
    }) : () -> ()
    %barrier3A_77 = arith.constant 0 : index
    tpu.barrier barrier_id(%barrier3A_77)
    "tpu.region"() ({
      %run_scoped3A = tpu.sem_alloc : memref<!tpu.dma_semaphore, #tpu.memory_space<semaphore_mem>>
      %dma_start3A_151 = arith.constant 0 : i32
      %dma_start3A_152 = arith.constant 0 : i32
      %dma_start3A_153 = tpu.memref_slice %arg2[%add3A_74, %arg1, %dma_start3A_151, %dma_start3A_152] : memref<8x16x160x64xi32, #tpu.memory_space<hbm>> -> memref<1x1x80x64xi32, #tpu.memory_space<hbm>>
      %dma_start3A_154 = tpu.memref_squeeze %dma_start3A_153 : memref<1x1x80x64xi32, #tpu.memory_space<hbm>> -> memref<80x64xi32, #tpu.memory_space<hbm>>
      %dma_start3A_155 = arith.constant 0 : i32
      %dma_start3A_156 = arith.constant 0 : i32
      %dma_start3A_157 = tpu.memref_slice %arg2[%add3A_74, %arg1, %dma_start3A_155, %dma_start3A_156] : memref<8x16x160x64xi32, #tpu.memory_space<hbm>> -> memref<1x1x80x64xi32, #tpu.memory_space<hbm>>
      %dma_start3A_158 = tpu.memref_squeeze %dma_start3A_157 : memref<1x1x80x64xi32, #tpu.memory_space<hbm>> -> memref<80x64xi32, #tpu.memory_space<hbm>>
      tpu.enqueue_dma source(%dma_start3A_158 : memref<80x64xi32, #tpu.memory_space<hbm>>) target(%arg7 : memref<80x64xi32, #tpu.memory_space<vmem>>) target_semaphore(%run_scoped3A : memref<!tpu.dma_semaphore, #tpu.memory_space<semaphore_mem>>)
      %dma_wait3A = arith.constant 0 : i32
      %dma_wait3A_159 = arith.constant 0 : i32
      %dma_wait3A_160 = tpu.memref_slice %arg2[%add3A_74, %arg1, %dma_wait3A, %dma_wait3A_159] : memref<8x16x160x64xi32, #tpu.memory_space<hbm>> -> memref<1x1x80x64xi32, #tpu.memory_space<hbm>>
      %dma_wait3A_161 = tpu.memref_squeeze %dma_wait3A_160 : memref<1x1x80x64xi32, #tpu.memory_space<hbm>> -> memref<80x64xi32, #tpu.memory_space<hbm>>
      %dma_wait3A_162 = arith.constant 0 : i32
      %dma_wait3A_163 = arith.constant 0 : i32
      %dma_wait3A_164 = tpu.memref_slice %arg2[%add3A_74, %arg1, %dma_wait3A_162, %dma_wait3A_163] : memref<8x16x160x64xi32, #tpu.memory_space<hbm>> -> memref<1x1x80x64xi32, #tpu.memory_space<hbm>>
      %dma_wait3A_165 = tpu.memref_squeeze %dma_wait3A_164 : memref<1x1x80x64xi32, #tpu.memory_space<hbm>> -> memref<80x64xi32, #tpu.memory_space<hbm>>
      tpu.wait_dma2 semaphore(%run_scoped3A : memref<!tpu.dma_semaphore, #tpu.memory_space<semaphore_mem>>) src(%dma_wait3A_165 : memref<80x64xi32, #tpu.memory_space<hbm>>) dst(%arg7 : memref<80x64xi32, #tpu.memory_space<vmem>>)
      tpu.yield
    }) : () -> ()
    %dma_start3A_78 = arith.constant 0 : i32
    %dma_start3A_79 = arith.constant 0 : i32
    %dma_start3A_80 = tpu.memref_slice %arg7[%dma_start3A_78, %dma_start3A_79] : memref<80x64xi32, #tpu.memory_space<vmem>> -> memref<1x64xi32, #tpu.memory_space<vmem>>
    %dma_start3A_81 = tpu.memref_squeeze %dma_start3A_80 : memref<1x64xi32, #tpu.memory_space<vmem>> -> memref<64xi32, #tpu.memory_space<vmem>>
    %dma_start3A_82 = arith.constant 0 : i32
    %dma_start3A_83 = arith.constant 0 : i32
    %dma_start3A_84 = tpu.memref_slice %arg4[%dma_start3A_82, %dma_start3A_83] : memref<80008x128xf32, #tpu.memory_space<hbm>> -> memref<80008x128xf32, #tpu.memory_space<hbm>>
    tpu.enqueue_indirect_dma source(%dma_start3A_84 : memref<80008x128xf32, #tpu.memory_space<hbm>>) target(%arg9 : memref<64x128xf32, #tpu.memory_space<vmem>>) offsets(%dma_start3A_81 : memref<64xi32, #tpu.memory_space<vmem>>) semaphore(%arg12 : memref<!tpu.dma_semaphore, #tpu.memory_space<semaphore_mem>>)
    %scan3A_85 = arith.constant 0 : i32
    %scan3A_86 = arith.constant 0 : i32
    %scan3A_87 = arith.constant 40 : i32
    %scan3A_88 = arith.addi %scan3A_86, %scan3A_87 : i32
    %scan3A_89 = arith.constant 1 : i32
    scf.for %scan3A_151 = %scan3A_86 to %scan3A_88 step %scan3A_89  : i32 {
      %mul3A_152 = arith.constant 2 : i32
      %mul3A_153 = arith.muli %mul3A_152, %scan3A_151 : i32
      %add3A_154 = arith.constant 0 : i32
      %add3A_155 = arith.addi %add3A_154, %mul3A_153 : i32
      %add3A_156 = arith.constant 1 : i32
      %add3A_157 = arith.addi %mul3A_153, %add3A_156 : i32
      %dma_start3A_158 = arith.constant 0 : i32
      %dma_start3A_159 = tpu.memref_slice %arg7[%add3A_157, %dma_start3A_158] : memref<80x64xi32, #tpu.memory_space<vmem>> -> memref<1x64xi32, #tpu.memory_space<vmem>>
      %dma_start3A_160 = tpu.memref_squeeze %dma_start3A_159 : memref<1x64xi32, #tpu.memory_space<vmem>> -> memref<64xi32, #tpu.memory_space<vmem>>
      %dma_start3A_161 = arith.constant 0 : i32
      %dma_start3A_162 = arith.constant 0 : i32
      %dma_start3A_163 = tpu.memref_slice %arg4[%dma_start3A_161, %dma_start3A_162] : memref<80008x128xf32, #tpu.memory_space<hbm>> -> memref<80008x128xf32, #tpu.memory_space<hbm>>
      tpu.enqueue_indirect_dma source(%dma_start3A_163 : memref<80008x128xf32, #tpu.memory_space<hbm>>) target(%arg10 : memref<64x128xf32, #tpu.memory_space<vmem>>) offsets(%dma_start3A_160 : memref<64xi32, #tpu.memory_space<vmem>>) semaphore(%arg13 : memref<!tpu.dma_semaphore, #tpu.memory_space<semaphore_mem>>)
      %dma_wait3A = arith.constant 0 : i32
      %dma_wait3A_164 = tpu.memref_slice %arg7[%mul3A_153, %dma_wait3A] : memref<80x64xi32, #tpu.memory_space<vmem>> -> memref<1x64xi32, #tpu.memory_space<vmem>>
      %dma_wait3A_165 = tpu.memref_squeeze %dma_wait3A_164 : memref<1x64xi32, #tpu.memory_space<vmem>> -> memref<64xi32, #tpu.memory_space<vmem>>
      %dma_wait3A_166 = arith.constant 0 : i32
      %dma_wait3A_167 = arith.constant 0 : i32
      %dma_wait3A_168 = tpu.memref_slice %arg4[%dma_wait3A_166, %dma_wait3A_167] : memref<80008x128xf32, #tpu.memory_space<hbm>> -> memref<80008x128xf32, #tpu.memory_space<hbm>>
      tpu.wait_indirect_dma semaphore(%arg12 : memref<!tpu.dma_semaphore, #tpu.memory_space<semaphore_mem>>) src(%dma_wait3A_168 : memref<80008x128xf32, #tpu.memory_space<hbm>>) dst(%arg9 : memref<64x128xf32, #tpu.memory_space<vmem>>)
      "tpu.region"() ({
        %run_scoped3A = tpu.sem_alloc : memref<!tpu.dma_semaphore, #tpu.memory_space<semaphore_mem>>
        %dma_start3A_181 = arith.constant 0 : i32
        %dma_start3A_182 = tpu.memref_slice %arg8[%add3A_155, %dma_start3A_181] : memref<160x64xi32, #tpu.memory_space<vmem>> -> memref<1x64xi32, #tpu.memory_space<vmem>>
        %dma_start3A_183 = tpu.memref_squeeze %dma_start3A_182 : memref<1x64xi32, #tpu.memory_space<vmem>> -> memref<64xi32, #tpu.memory_space<vmem>>
        %dma_start3A_184 = arith.constant 0 : i32
        %dma_start3A_185 = arith.constant 0 : i32
        %dma_start3A_186 = tpu.memref_slice %arg11[%dma_start3A_184, %dma_start3A_185] : memref<10240x128xf32, #tpu.memory_space<vmem_shared>> -> memref<10240x128xf32, #tpu.memory_space<vmem_shared>>
        tpu.enqueue_indirect_dma source(%arg9 : memref<64x128xf32, #tpu.memory_space<vmem>>) target(%dma_start3A_186 : memref<10240x128xf32, #tpu.memory_space<vmem_shared>>) offsets(%dma_start3A_183 : memref<64xi32, #tpu.memory_space<vmem>>) semaphore(%run_scoped3A : memref<!tpu.dma_semaphore, #tpu.memory_space<semaphore_mem>>) {add = true}
        %dma_wait3A_187 = arith.constant 0 : i32
        %dma_wait3A_188 = tpu.memref_slice %arg8[%add3A_155, %dma_wait3A_187] : memref<160x64xi32, #tpu.memory_space<vmem>> -> memref<1x64xi32, #tpu.memory_space<vmem>>
        %dma_wait3A_189 = tpu.memref_squeeze %dma_wait3A_188 : memref<1x64xi32, #tpu.memory_space<vmem>> -> memref<64xi32, #tpu.memory_space<vmem>>
        %dma_wait3A_190 = arith.constant 0 : i32
        %dma_wait3A_191 = arith.constant 0 : i32
        %dma_wait3A_192 = tpu.memref_slice %arg11[%dma_wait3A_190, %dma_wait3A_191] : memref<10240x128xf32, #tpu.memory_space<vmem_shared>> -> memref<10240x128xf32, #tpu.memory_space<vmem_shared>>
        tpu.wait_indirect_dma semaphore(%run_scoped3A : memref<!tpu.dma_semaphore, #tpu.memory_space<semaphore_mem>>) src(%arg9 : memref<64x128xf32, #tpu.memory_space<vmem>>) dst(%dma_wait3A_192 : memref<10240x128xf32, #tpu.memory_space<vmem_shared>>)
        tpu.yield
      }) : () -> ()
      %lt3A = arith.constant 39 : i32
      %lt3A_169 = arith.cmpi slt, %scan3A_151, %lt3A : i32
      %convert_element_type3A = arith.extui %lt3A_169 : i1 to i32
      %cond3A = arith.constant 0 : i32
      %cond3A_170 = arith.cmpi ne, %convert_element_type3A, %cond3A : i32
      scf.if %cond3A_170 {
        %add3A_181 = arith.constant 2 : i32
        %add3A_182 = arith.addi %mul3A_153, %add3A_181 : i32
        %dma_start3A_183 = arith.constant 0 : i32
        %dma_start3A_184 = tpu.memref_slice %arg7[%add3A_182, %dma_start3A_183] : memref<80x64xi32, #tpu.memory_space<vmem>> -> memref<1x64xi32, #tpu.memory_space<vmem>>
        %dma_start3A_185 = tpu.memref_squeeze %dma_start3A_184 : memref<1x64xi32, #tpu.memory_space<vmem>> -> memref<64xi32, #tpu.memory_space<vmem>>
        %dma_start3A_186 = arith.constant 0 : i32
        %dma_start3A_187 = arith.constant 0 : i32
        %dma_start3A_188 = tpu.memref_slice %arg4[%dma_start3A_186, %dma_start3A_187] : memref<80008x128xf32, #tpu.memory_space<hbm>> -> memref<80008x128xf32, #tpu.memory_space<hbm>>
        tpu.enqueue_indirect_dma source(%dma_start3A_188 : memref<80008x128xf32, #tpu.memory_space<hbm>>) target(%arg9 : memref<64x128xf32, #tpu.memory_space<vmem>>) offsets(%dma_start3A_185 : memref<64xi32, #tpu.memory_space<vmem>>) semaphore(%arg12 : memref<!tpu.dma_semaphore, #tpu.memory_space<semaphore_mem>>)
      } else {
      }
      %add3A_171 = arith.constant 1 : i32
      %add3A_172 = arith.addi %mul3A_153, %add3A_171 : i32
      %dma_wait3A_173 = arith.constant 0 : i32
      %dma_wait3A_174 = tpu.memref_slice %arg7[%add3A_172, %dma_wait3A_173] : memref<80x64xi32, #tpu.memory_space<vmem>> -> memref<1x64xi32, #tpu.memory_space<vmem>>
      %dma_wait3A_175 = tpu.memref_squeeze %dma_wait3A_174 : memref<1x64xi32, #tpu.memory_space<vmem>> -> memref<64xi32, #tpu.memory_space<vmem>>
      %dma_wait3A_176 = arith.constant 0 : i32
      %dma_wait3A_177 = arith.constant 0 : i32
      %dma_wait3A_178 = tpu.memref_slice %arg4[%dma_wait3A_176, %dma_wait3A_177] : memref<80008x128xf32, #tpu.memory_space<hbm>> -> memref<80008x128xf32, #tpu.memory_space<hbm>>
      tpu.wait_indirect_dma semaphore(%arg13 : memref<!tpu.dma_semaphore, #tpu.memory_space<semaphore_mem>>) src(%dma_wait3A_178 : memref<80008x128xf32, #tpu.memory_space<hbm>>) dst(%arg10 : memref<64x128xf32, #tpu.memory_space<vmem>>)
      %add3A_179 = arith.constant 1 : i32
      %add3A_180 = arith.addi %add3A_155, %add3A_179 : i32
      "tpu.region"() ({
        %run_scoped3A = tpu.sem_alloc : memref<!tpu.dma_semaphore, #tpu.memory_space<semaphore_mem>>
        %dma_start3A_181 = arith.constant 0 : i32
        %dma_start3A_182 = tpu.memref_slice %arg8[%add3A_180, %dma_start3A_181] : memref<160x64xi32, #tpu.memory_space<vmem>> -> memref<1x64xi32, #tpu.memory_space<vmem>>
        %dma_start3A_183 = tpu.memref_squeeze %dma_start3A_182 : memref<1x64xi32, #tpu.memory_space<vmem>> -> memref<64xi32, #tpu.memory_space<vmem>>
        %dma_start3A_184 = arith.constant 0 : i32
        %dma_start3A_185 = arith.constant 0 : i32
        %dma_start3A_186 = tpu.memref_slice %arg11[%dma_start3A_184, %dma_start3A_185] : memref<10240x128xf32, #tpu.memory_space<vmem_shared>> -> memref<10240x128xf32, #tpu.memory_space<vmem_shared>>
        tpu.enqueue_indirect_dma source(%arg10 : memref<64x128xf32, #tpu.memory_space<vmem>>) target(%dma_start3A_186 : memref<10240x128xf32, #tpu.memory_space<vmem_shared>>) offsets(%dma_start3A_183 : memref<64xi32, #tpu.memory_space<vmem>>) semaphore(%run_scoped3A : memref<!tpu.dma_semaphore, #tpu.memory_space<semaphore_mem>>) {add = true}
        %dma_wait3A_187 = arith.constant 0 : i32
        %dma_wait3A_188 = tpu.memref_slice %arg8[%add3A_180, %dma_wait3A_187] : memref<160x64xi32, #tpu.memory_space<vmem>> -> memref<1x64xi32, #tpu.memory_space<vmem>>
        %dma_wait3A_189 = tpu.memref_squeeze %dma_wait3A_188 : memref<1x64xi32, #tpu.memory_space<vmem>> -> memref<64xi32, #tpu.memory_space<vmem>>
        %dma_wait3A_190 = arith.constant 0 : i32
        %dma_wait3A_191 = arith.constant 0 : i32
        %dma_wait3A_192 = tpu.memref_slice %arg11[%dma_wait3A_190, %dma_wait3A_191] : memref<10240x128xf32, #tpu.memory_space<vmem_shared>> -> memref<10240x128xf32, #tpu.memory_space<vmem_shared>>
        tpu.wait_indirect_dma semaphore(%run_scoped3A : memref<!tpu.dma_semaphore, #tpu.memory_space<semaphore_mem>>) src(%arg10 : memref<64x128xf32, #tpu.memory_space<vmem>>) dst(%dma_wait3A_192 : memref<10240x128xf32, #tpu.memory_space<vmem_shared>>)
        tpu.yield
      }) : () -> ()
    }
    %scan3A_90 = arith.constant 40 : i32
    "tpu.region"() ({
      %run_scoped3A = tpu.sem_alloc : memref<!tpu.dma_semaphore, #tpu.memory_space<semaphore_mem>>
      %dma_start3A_151 = arith.constant 80 : i32
      %dma_start3A_152 = arith.constant 0 : i32
      %dma_start3A_153 = tpu.memref_slice %arg2[%add3A_74, %arg1, %dma_start3A_151, %dma_start3A_152] : memref<8x16x160x64xi32, #tpu.memory_space<hbm>> -> memref<1x1x80x64xi32, #tpu.memory_space<hbm>>
      %dma_start3A_154 = tpu.memref_squeeze %dma_start3A_153 : memref<1x1x80x64xi32, #tpu.memory_space<hbm>> -> memref<80x64xi32, #tpu.memory_space<hbm>>
      %dma_start3A_155 = arith.constant 80 : i32
      %dma_start3A_156 = arith.constant 0 : i32
      %dma_start3A_157 = tpu.memref_slice %arg2[%add3A_74, %arg1, %dma_start3A_155, %dma_start3A_156] : memref<8x16x160x64xi32, #tpu.memory_space<hbm>> -> memref<1x1x80x64xi32, #tpu.memory_space<hbm>>
      %dma_start3A_158 = tpu.memref_squeeze %dma_start3A_157 : memref<1x1x80x64xi32, #tpu.memory_space<hbm>> -> memref<80x64xi32, #tpu.memory_space<hbm>>
      tpu.enqueue_dma source(%dma_start3A_158 : memref<80x64xi32, #tpu.memory_space<hbm>>) target(%arg7 : memref<80x64xi32, #tpu.memory_space<vmem>>) target_semaphore(%run_scoped3A : memref<!tpu.dma_semaphore, #tpu.memory_space<semaphore_mem>>)
      %dma_wait3A = arith.constant 80 : i32
      %dma_wait3A_159 = arith.constant 0 : i32
      %dma_wait3A_160 = tpu.memref_slice %arg2[%add3A_74, %arg1, %dma_wait3A, %dma_wait3A_159] : memref<8x16x160x64xi32, #tpu.memory_space<hbm>> -> memref<1x1x80x64xi32, #tpu.memory_space<hbm>>
      %dma_wait3A_161 = tpu.memref_squeeze %dma_wait3A_160 : memref<1x1x80x64xi32, #tpu.memory_space<hbm>> -> memref<80x64xi32, #tpu.memory_space<hbm>>
      %dma_wait3A_162 = arith.constant 80 : i32
      %dma_wait3A_163 = arith.constant 0 : i32
      %dma_wait3A_164 = tpu.memref_slice %arg2[%add3A_74, %arg1, %dma_wait3A_162, %dma_wait3A_163] : memref<8x16x160x64xi32, #tpu.memory_space<hbm>> -> memref<1x1x80x64xi32, #tpu.memory_space<hbm>>
      %dma_wait3A_165 = tpu.memref_squeeze %dma_wait3A_164 : memref<1x1x80x64xi32, #tpu.memory_space<hbm>> -> memref<80x64xi32, #tpu.memory_space<hbm>>
      tpu.wait_dma2 semaphore(%run_scoped3A : memref<!tpu.dma_semaphore, #tpu.memory_space<semaphore_mem>>) src(%dma_wait3A_165 : memref<80x64xi32, #tpu.memory_space<hbm>>) dst(%arg7 : memref<80x64xi32, #tpu.memory_space<vmem>>)
      tpu.yield
    }) : () -> ()
    %dma_start3A_91 = arith.constant 0 : i32
    %dma_start3A_92 = arith.constant 0 : i32
    %dma_start3A_93 = tpu.memref_slice %arg7[%dma_start3A_91, %dma_start3A_92] : memref<80x64xi32, #tpu.memory_space<vmem>> -> memref<1x64xi32, #tpu.memory_space<vmem>>
    %dma_start3A_94 = tpu.memref_squeeze %dma_start3A_93 : memref<1x64xi32, #tpu.memory_space<vmem>> -> memref<64xi32, #tpu.memory_space<vmem>>
    %dma_start3A_95 = arith.constant 0 : i32
    %dma_start3A_96 = arith.constant 0 : i32
    %dma_start3A_97 = tpu.memref_slice %arg4[%dma_start3A_95, %dma_start3A_96] : memref<80008x128xf32, #tpu.memory_space<hbm>> -> memref<80008x128xf32, #tpu.memory_space<hbm>>
    tpu.enqueue_indirect_dma source(%dma_start3A_97 : memref<80008x128xf32, #tpu.memory_space<hbm>>) target(%arg9 : memref<64x128xf32, #tpu.memory_space<vmem>>) offsets(%dma_start3A_94 : memref<64xi32, #tpu.memory_space<vmem>>) semaphore(%arg12 : memref<!tpu.dma_semaphore, #tpu.memory_space<semaphore_mem>>)
    %scan3A_98 = arith.constant 0 : i32
    %scan3A_99 = arith.constant 0 : i32
    %scan3A_100 = arith.constant 40 : i32
    %scan3A_101 = arith.addi %scan3A_99, %scan3A_100 : i32
    %scan3A_102 = arith.constant 1 : i32
    scf.for %scan3A_151 = %scan3A_99 to %scan3A_101 step %scan3A_102  : i32 {
      %mul3A_152 = arith.constant 2 : i32
      %mul3A_153 = arith.muli %mul3A_152, %scan3A_151 : i32
      %add3A_154 = arith.constant 80 : i32
      %add3A_155 = arith.addi %add3A_154, %mul3A_153 : i32
      %add3A_156 = arith.constant 1 : i32
      %add3A_157 = arith.addi %mul3A_153, %add3A_156 : i32
      %dma_start3A_158 = arith.constant 0 : i32
      %dma_start3A_159 = tpu.memref_slice %arg7[%add3A_157, %dma_start3A_158] : memref<80x64xi32, #tpu.memory_space<vmem>> -> memref<1x64xi32, #tpu.memory_space<vmem>>
      %dma_start3A_160 = tpu.memref_squeeze %dma_start3A_159 : memref<1x64xi32, #tpu.memory_space<vmem>> -> memref<64xi32, #tpu.memory_space<vmem>>
      %dma_start3A_161 = arith.constant 0 : i32
      %dma_start3A_162 = arith.constant 0 : i32
      %dma_start3A_163 = tpu.memref_slice %arg4[%dma_start3A_161, %dma_start3A_162] : memref<80008x128xf32, #tpu.memory_space<hbm>> -> memref<80008x128xf32, #tpu.memory_space<hbm>>
      tpu.enqueue_indirect_dma source(%dma_start3A_163 : memref<80008x128xf32, #tpu.memory_space<hbm>>) target(%arg10 : memref<64x128xf32, #tpu.memory_space<vmem>>) offsets(%dma_start3A_160 : memref<64xi32, #tpu.memory_space<vmem>>) semaphore(%arg13 : memref<!tpu.dma_semaphore, #tpu.memory_space<semaphore_mem>>)
      %dma_wait3A = arith.constant 0 : i32
      %dma_wait3A_164 = tpu.memref_slice %arg7[%mul3A_153, %dma_wait3A] : memref<80x64xi32, #tpu.memory_space<vmem>> -> memref<1x64xi32, #tpu.memory_space<vmem>>
      %dma_wait3A_165 = tpu.memref_squeeze %dma_wait3A_164 : memref<1x64xi32, #tpu.memory_space<vmem>> -> memref<64xi32, #tpu.memory_space<vmem>>
      %dma_wait3A_166 = arith.constant 0 : i32
      %dma_wait3A_167 = arith.constant 0 : i32
      %dma_wait3A_168 = tpu.memref_slice %arg4[%dma_wait3A_166, %dma_wait3A_167] : memref<80008x128xf32, #tpu.memory_space<hbm>> -> memref<80008x128xf32, #tpu.memory_space<hbm>>
      tpu.wait_indirect_dma semaphore(%arg12 : memref<!tpu.dma_semaphore, #tpu.memory_space<semaphore_mem>>) src(%dma_wait3A_168 : memref<80008x128xf32, #tpu.memory_space<hbm>>) dst(%arg9 : memref<64x128xf32, #tpu.memory_space<vmem>>)
      "tpu.region"() ({
        %run_scoped3A = tpu.sem_alloc : memref<!tpu.dma_semaphore, #tpu.memory_space<semaphore_mem>>
        %dma_start3A_181 = arith.constant 0 : i32
        %dma_start3A_182 = tpu.memref_slice %arg8[%add3A_155, %dma_start3A_181] : memref<160x64xi32, #tpu.memory_space<vmem>> -> memref<1x64xi32, #tpu.memory_space<vmem>>
        %dma_start3A_183 = tpu.memref_squeeze %dma_start3A_182 : memref<1x64xi32, #tpu.memory_space<vmem>> -> memref<64xi32, #tpu.memory_space<vmem>>
        %dma_start3A_184 = arith.constant 0 : i32
        %dma_start3A_185 = arith.constant 0 : i32
        %dma_start3A_186 = tpu.memref_slice %arg11[%dma_start3A_184, %dma_start3A_185] : memref<10240x128xf32, #tpu.memory_space<vmem_shared>> -> memref<10240x128xf32, #tpu.memory_space<vmem_shared>>
        tpu.enqueue_indirect_dma source(%arg9 : memref<64x128xf32, #tpu.memory_space<vmem>>) target(%dma_start3A_186 : memref<10240x128xf32, #tpu.memory_space<vmem_shared>>) offsets(%dma_start3A_183 : memref<64xi32, #tpu.memory_space<vmem>>) semaphore(%run_scoped3A : memref<!tpu.dma_semaphore, #tpu.memory_space<semaphore_mem>>) {add = true}
        %dma_wait3A_187 = arith.constant 0 : i32
        %dma_wait3A_188 = tpu.memref_slice %arg8[%add3A_155, %dma_wait3A_187] : memref<160x64xi32, #tpu.memory_space<vmem>> -> memref<1x64xi32, #tpu.memory_space<vmem>>
        %dma_wait3A_189 = tpu.memref_squeeze %dma_wait3A_188 : memref<1x64xi32, #tpu.memory_space<vmem>> -> memref<64xi32, #tpu.memory_space<vmem>>
        %dma_wait3A_190 = arith.constant 0 : i32
        %dma_wait3A_191 = arith.constant 0 : i32
        %dma_wait3A_192 = tpu.memref_slice %arg11[%dma_wait3A_190, %dma_wait3A_191] : memref<10240x128xf32, #tpu.memory_space<vmem_shared>> -> memref<10240x128xf32, #tpu.memory_space<vmem_shared>>
        tpu.wait_indirect_dma semaphore(%run_scoped3A : memref<!tpu.dma_semaphore, #tpu.memory_space<semaphore_mem>>) src(%arg9 : memref<64x128xf32, #tpu.memory_space<vmem>>) dst(%dma_wait3A_192 : memref<10240x128xf32, #tpu.memory_space<vmem_shared>>)
        tpu.yield
      }) : () -> ()
      %lt3A = arith.constant 39 : i32
      %lt3A_169 = arith.cmpi slt, %scan3A_151, %lt3A : i32
      %convert_element_type3A = arith.extui %lt3A_169 : i1 to i32
      %cond3A = arith.constant 0 : i32
      %cond3A_170 = arith.cmpi ne, %convert_element_type3A, %cond3A : i32
      scf.if %cond3A_170 {
        %add3A_181 = arith.constant 2 : i32
        %add3A_182 = arith.addi %mul3A_153, %add3A_181 : i32
        %dma_start3A_183 = arith.constant 0 : i32
        %dma_start3A_184 = tpu.memref_slice %arg7[%add3A_182, %dma_start3A_183] : memref<80x64xi32, #tpu.memory_space<vmem>> -> memref<1x64xi32, #tpu.memory_space<vmem>>
        %dma_start3A_185 = tpu.memref_squeeze %dma_start3A_184 : memref<1x64xi32, #tpu.memory_space<vmem>> -> memref<64xi32, #tpu.memory_space<vmem>>
        %dma_start3A_186 = arith.constant 0 : i32
        %dma_start3A_187 = arith.constant 0 : i32
        %dma_start3A_188 = tpu.memref_slice %arg4[%dma_start3A_186, %dma_start3A_187] : memref<80008x128xf32, #tpu.memory_space<hbm>> -> memref<80008x128xf32, #tpu.memory_space<hbm>>
        tpu.enqueue_indirect_dma source(%dma_start3A_188 : memref<80008x128xf32, #tpu.memory_space<hbm>>) target(%arg9 : memref<64x128xf32, #tpu.memory_space<vmem>>) offsets(%dma_start3A_185 : memref<64xi32, #tpu.memory_space<vmem>>) semaphore(%arg12 : memref<!tpu.dma_semaphore, #tpu.memory_space<semaphore_mem>>)
      } else {
      }
      %add3A_171 = arith.constant 1 : i32
      %add3A_172 = arith.addi %mul3A_153, %add3A_171 : i32
      %dma_wait3A_173 = arith.constant 0 : i32
      %dma_wait3A_174 = tpu.memref_slice %arg7[%add3A_172, %dma_wait3A_173] : memref<80x64xi32, #tpu.memory_space<vmem>> -> memref<1x64xi32, #tpu.memory_space<vmem>>
      %dma_wait3A_175 = tpu.memref_squeeze %dma_wait3A_174 : memref<1x64xi32, #tpu.memory_space<vmem>> -> memref<64xi32, #tpu.memory_space<vmem>>
      %dma_wait3A_176 = arith.constant 0 : i32
      %dma_wait3A_177 = arith.constant 0 : i32
      %dma_wait3A_178 = tpu.memref_slice %arg4[%dma_wait3A_176, %dma_wait3A_177] : memref<80008x128xf32, #tpu.memory_space<hbm>> -> memref<80008x128xf32, #tpu.memory_space<hbm>>
      tpu.wait_indirect_dma semaphore(%arg13 : memref<!tpu.dma_semaphore, #tpu.memory_space<semaphore_mem>>) src(%dma_wait3A_178 : memref<80008x128xf32, #tpu.memory_space<hbm>>) dst(%arg10 : memref<64x128xf32, #tpu.memory_space<vmem>>)
      %add3A_179 = arith.constant 1 : i32
      %add3A_180 = arith.addi %add3A_155, %add3A_179 : i32
      "tpu.region"() ({
        %run_scoped3A = tpu.sem_alloc : memref<!tpu.dma_semaphore, #tpu.memory_space<semaphore_mem>>
        %dma_start3A_181 = arith.constant 0 : i32
        %dma_start3A_182 = tpu.memref_slice %arg8[%add3A_180, %dma_start3A_181] : memref<160x64xi32, #tpu.memory_space<vmem>> -> memref<1x64xi32, #tpu.memory_space<vmem>>
        %dma_start3A_183 = tpu.memref_squeeze %dma_start3A_182 : memref<1x64xi32, #tpu.memory_space<vmem>> -> memref<64xi32, #tpu.memory_space<vmem>>
        %dma_start3A_184 = arith.constant 0 : i32
        %dma_start3A_185 = arith.constant 0 : i32
        %dma_start3A_186 = tpu.memref_slice %arg11[%dma_start3A_184, %dma_start3A_185] : memref<10240x128xf32, #tpu.memory_space<vmem_shared>> -> memref<10240x128xf32, #tpu.memory_space<vmem_shared>>
        tpu.enqueue_indirect_dma source(%arg10 : memref<64x128xf32, #tpu.memory_space<vmem>>) target(%dma_start3A_186 : memref<10240x128xf32, #tpu.memory_space<vmem_shared>>) offsets(%dma_start3A_183 : memref<64xi32, #tpu.memory_space<vmem>>) semaphore(%run_scoped3A : memref<!tpu.dma_semaphore, #tpu.memory_space<semaphore_mem>>) {add = true}
        %dma_wait3A_187 = arith.constant 0 : i32
        %dma_wait3A_188 = tpu.memref_slice %arg8[%add3A_180, %dma_wait3A_187] : memref<160x64xi32, #tpu.memory_space<vmem>> -> memref<1x64xi32, #tpu.memory_space<vmem>>
        %dma_wait3A_189 = tpu.memref_squeeze %dma_wait3A_188 : memref<1x64xi32, #tpu.memory_space<vmem>> -> memref<64xi32, #tpu.memory_space<vmem>>
        %dma_wait3A_190 = arith.constant 0 : i32
        %dma_wait3A_191 = arith.constant 0 : i32
        %dma_wait3A_192 = tpu.memref_slice %arg11[%dma_wait3A_190, %dma_wait3A_191] : memref<10240x128xf32, #tpu.memory_space<vmem_shared>> -> memref<10240x128xf32, #tpu.memory_space<vmem_shared>>
        tpu.wait_indirect_dma semaphore(%run_scoped3A : memref<!tpu.dma_semaphore, #tpu.memory_space<semaphore_mem>>) src(%arg10 : memref<64x128xf32, #tpu.memory_space<vmem>>) dst(%dma_wait3A_192 : memref<10240x128xf32, #tpu.memory_space<vmem_shared>>)
        tpu.yield
      }) : () -> ()
    }
    %scan3A_103 = arith.constant 40 : i32
    %barrier3A_104 = arith.constant 0 : index
    tpu.barrier barrier_id(%barrier3A_104)
    %mul3A_105 = arith.constant 640 : i32
    %mul3A_106 = arith.muli %arg1, %mul3A_105 : i32
    %mul3A_107 = arith.constant 640 : i32
    %mul3A_108 = arith.muli %arg1, %mul3A_107 : i32
    %mul3A_109 = arith.constant 128 : i32
    %mul3A_110 = arith.muli %add3A_74, %mul3A_109 : i32
    "tpu.region"() ({
      %run_scoped3A = tpu.sem_alloc : memref<!tpu.dma_semaphore, #tpu.memory_space<semaphore_mem>>
      %dma_start3A_151 = tpu.memref_slice %arg6[%mul3A_108, %mul3A_110] : memref<10240x1024xf32, #tpu.memory_space<hbm>> -> memref<640x128xf32, #tpu.memory_space<hbm>>
      %dma_start3A_152 = arith.constant 0 : i32
      %dma_start3A_153 = tpu.memref_slice %arg11[%mul3A_106, %dma_start3A_152] : memref<10240x128xf32, #tpu.memory_space<vmem_shared>> -> memref<640x128xf32, #tpu.memory_space<vmem_shared>>
      tpu.enqueue_dma source(%dma_start3A_153 : memref<640x128xf32, #tpu.memory_space<vmem_shared>>) target(%dma_start3A_151 : memref<640x128xf32, #tpu.memory_space<hbm>>) target_semaphore(%run_scoped3A : memref<!tpu.dma_semaphore, #tpu.memory_space<semaphore_mem>>)
      %dma_wait3A = tpu.memref_slice %arg6[%mul3A_108, %mul3A_110] : memref<10240x1024xf32, #tpu.memory_space<hbm>> -> memref<640x128xf32, #tpu.memory_space<hbm>>
      %dma_wait3A_154 = arith.constant 0 : i32
      %dma_wait3A_155 = tpu.memref_slice %arg11[%mul3A_106, %dma_wait3A_154] : memref<10240x128xf32, #tpu.memory_space<vmem_shared>> -> memref<640x128xf32, #tpu.memory_space<vmem_shared>>
      tpu.wait_dma2 semaphore(%run_scoped3A : memref<!tpu.dma_semaphore, #tpu.memory_space<semaphore_mem>>) src(%dma_wait3A_155 : memref<640x128xf32, #tpu.memory_space<vmem_shared>>) dst(%dma_wait3A : memref<640x128xf32, #tpu.memory_space<hbm>>)
      tpu.yield
    }) : () -> ()
    %barrier3A_111 = arith.constant 0 : index
    tpu.barrier barrier_id(%barrier3A_111)
    %add3A_112 = arith.constant 6 : i32
    %add3A_113 = arith.addi %add3A_112, %arg0 : i32
    %mul3A_114 = arith.constant 640 : i32
    %mul3A_115 = arith.muli %arg1, %mul3A_114 : i32
    "tpu.region"() ({
      %run_scoped3A = tpu.sem_alloc : memref<!tpu.dma_semaphore, #tpu.memory_space<semaphore_mem>>
      %dma_start3A_151 = arith.constant 0 : i32
      %dma_start3A_152 = tpu.memref_slice %arg11[%mul3A_115, %dma_start3A_151] : memref<10240x128xf32, #tpu.memory_space<vmem_shared>> -> memref<640x128xf32, #tpu.memory_space<vmem_shared>>
      tpu.enqueue_dma source(%arg5 : memref<640x128xf32, #tpu.memory_space<hbm>>) target(%dma_start3A_152 : memref<640x128xf32, #tpu.memory_space<vmem_shared>>) target_semaphore(%run_scoped3A : memref<!tpu.dma_semaphore, #tpu.memory_space<semaphore_mem>>)
      %dma_wait3A = arith.constant 0 : i32
      %dma_wait3A_153 = tpu.memref_slice %arg11[%mul3A_115, %dma_wait3A] : memref<10240x128xf32, #tpu.memory_space<vmem_shared>> -> memref<640x128xf32, #tpu.memory_space<vmem_shared>>
      tpu.wait_dma2 semaphore(%run_scoped3A : memref<!tpu.dma_semaphore, #tpu.memory_space<semaphore_mem>>) src(%arg5 : memref<640x128xf32, #tpu.memory_space<hbm>>) dst(%dma_wait3A_153 : memref<640x128xf32, #tpu.memory_space<vmem_shared>>)
      tpu.yield
    }) : () -> ()
    %barrier3A_116 = arith.constant 0 : index
    tpu.barrier barrier_id(%barrier3A_116)
    "tpu.region"() ({
      %run_scoped3A = tpu.sem_alloc : memref<!tpu.dma_semaphore, #tpu.memory_space<semaphore_mem>>
      %dma_start3A_151 = arith.constant 0 : i32
      %dma_start3A_152 = arith.constant 0 : i32
      %dma_start3A_153 = tpu.memref_slice %arg2[%add3A_113, %arg1, %dma_start3A_151, %dma_start3A_152] : memref<8x16x160x64xi32, #tpu.memory_space<hbm>> -> memref<1x1x80x64xi32, #tpu.memory_space<hbm>>
      %dma_start3A_154 = tpu.memref_squeeze %dma_start3A_153 : memref<1x1x80x64xi32, #tpu.memory_space<hbm>> -> memref<80x64xi32, #tpu.memory_space<hbm>>
      %dma_start3A_155 = arith.constant 0 : i32
      %dma_start3A_156 = arith.constant 0 : i32
      %dma_start3A_157 = tpu.memref_slice %arg2[%add3A_113, %arg1, %dma_start3A_155, %dma_start3A_156] : memref<8x16x160x64xi32, #tpu.memory_space<hbm>> -> memref<1x1x80x64xi32, #tpu.memory_space<hbm>>
      %dma_start3A_158 = tpu.memref_squeeze %dma_start3A_157 : memref<1x1x80x64xi32, #tpu.memory_space<hbm>> -> memref<80x64xi32, #tpu.memory_space<hbm>>
      tpu.enqueue_dma source(%dma_start3A_158 : memref<80x64xi32, #tpu.memory_space<hbm>>) target(%arg7 : memref<80x64xi32, #tpu.memory_space<vmem>>) target_semaphore(%run_scoped3A : memref<!tpu.dma_semaphore, #tpu.memory_space<semaphore_mem>>)
      %dma_wait3A = arith.constant 0 : i32
      %dma_wait3A_159 = arith.constant 0 : i32
      %dma_wait3A_160 = tpu.memref_slice %arg2[%add3A_113, %arg1, %dma_wait3A, %dma_wait3A_159] : memref<8x16x160x64xi32, #tpu.memory_space<hbm>> -> memref<1x1x80x64xi32, #tpu.memory_space<hbm>>
      %dma_wait3A_161 = tpu.memref_squeeze %dma_wait3A_160 : memref<1x1x80x64xi32, #tpu.memory_space<hbm>> -> memref<80x64xi32, #tpu.memory_space<hbm>>
      %dma_wait3A_162 = arith.constant 0 : i32
      %dma_wait3A_163 = arith.constant 0 : i32
      %dma_wait3A_164 = tpu.memref_slice %arg2[%add3A_113, %arg1, %dma_wait3A_162, %dma_wait3A_163] : memref<8x16x160x64xi32, #tpu.memory_space<hbm>> -> memref<1x1x80x64xi32, #tpu.memory_space<hbm>>
      %dma_wait3A_165 = tpu.memref_squeeze %dma_wait3A_164 : memref<1x1x80x64xi32, #tpu.memory_space<hbm>> -> memref<80x64xi32, #tpu.memory_space<hbm>>
      tpu.wait_dma2 semaphore(%run_scoped3A : memref<!tpu.dma_semaphore, #tpu.memory_space<semaphore_mem>>) src(%dma_wait3A_165 : memref<80x64xi32, #tpu.memory_space<hbm>>) dst(%arg7 : memref<80x64xi32, #tpu.memory_space<vmem>>)
      tpu.yield
    }) : () -> ()
    %dma_start3A_117 = arith.constant 0 : i32
    %dma_start3A_118 = arith.constant 0 : i32
    %dma_start3A_119 = tpu.memref_slice %arg7[%dma_start3A_117, %dma_start3A_118] : memref<80x64xi32, #tpu.memory_space<vmem>> -> memref<1x64xi32, #tpu.memory_space<vmem>>
    %dma_start3A_120 = tpu.memref_squeeze %dma_start3A_119 : memref<1x64xi32, #tpu.memory_space<vmem>> -> memref<64xi32, #tpu.memory_space<vmem>>
    %dma_start3A_121 = arith.constant 0 : i32
    %dma_start3A_122 = arith.constant 0 : i32
    %dma_start3A_123 = tpu.memref_slice %arg4[%dma_start3A_121, %dma_start3A_122] : memref<80008x128xf32, #tpu.memory_space<hbm>> -> memref<80008x128xf32, #tpu.memory_space<hbm>>
    tpu.enqueue_indirect_dma source(%dma_start3A_123 : memref<80008x128xf32, #tpu.memory_space<hbm>>) target(%arg9 : memref<64x128xf32, #tpu.memory_space<vmem>>) offsets(%dma_start3A_120 : memref<64xi32, #tpu.memory_space<vmem>>) semaphore(%arg12 : memref<!tpu.dma_semaphore, #tpu.memory_space<semaphore_mem>>)
    %scan3A_124 = arith.constant 0 : i32
    %scan3A_125 = arith.constant 0 : i32
    %scan3A_126 = arith.constant 40 : i32
    %scan3A_127 = arith.addi %scan3A_125, %scan3A_126 : i32
    %scan3A_128 = arith.constant 1 : i32
    scf.for %scan3A_151 = %scan3A_125 to %scan3A_127 step %scan3A_128  : i32 {
      %mul3A_152 = arith.constant 2 : i32
      %mul3A_153 = arith.muli %mul3A_152, %scan3A_151 : i32
      %add3A_154 = arith.constant 0 : i32
      %add3A_155 = arith.addi %add3A_154, %mul3A_153 : i32
      %add3A_156 = arith.constant 1 : i32
      %add3A_157 = arith.addi %mul3A_153, %add3A_156 : i32
      %dma_start3A_158 = arith.constant 0 : i32
      %dma_start3A_159 = tpu.memref_slice %arg7[%add3A_157, %dma_start3A_158] : memref<80x64xi32, #tpu.memory_space<vmem>> -> memref<1x64xi32, #tpu.memory_space<vmem>>
      %dma_start3A_160 = tpu.memref_squeeze %dma_start3A_159 : memref<1x64xi32, #tpu.memory_space<vmem>> -> memref<64xi32, #tpu.memory_space<vmem>>
      %dma_start3A_161 = arith.constant 0 : i32
      %dma_start3A_162 = arith.constant 0 : i32
      %dma_start3A_163 = tpu.memref_slice %arg4[%dma_start3A_161, %dma_start3A_162] : memref<80008x128xf32, #tpu.memory_space<hbm>> -> memref<80008x128xf32, #tpu.memory_space<hbm>>
      tpu.enqueue_indirect_dma source(%dma_start3A_163 : memref<80008x128xf32, #tpu.memory_space<hbm>>) target(%arg10 : memref<64x128xf32, #tpu.memory_space<vmem>>) offsets(%dma_start3A_160 : memref<64xi32, #tpu.memory_space<vmem>>) semaphore(%arg13 : memref<!tpu.dma_semaphore, #tpu.memory_space<semaphore_mem>>)
      %dma_wait3A = arith.constant 0 : i32
      %dma_wait3A_164 = tpu.memref_slice %arg7[%mul3A_153, %dma_wait3A] : memref<80x64xi32, #tpu.memory_space<vmem>> -> memref<1x64xi32, #tpu.memory_space<vmem>>
      %dma_wait3A_165 = tpu.memref_squeeze %dma_wait3A_164 : memref<1x64xi32, #tpu.memory_space<vmem>> -> memref<64xi32, #tpu.memory_space<vmem>>
      %dma_wait3A_166 = arith.constant 0 : i32
      %dma_wait3A_167 = arith.constant 0 : i32
      %dma_wait3A_168 = tpu.memref_slice %arg4[%dma_wait3A_166, %dma_wait3A_167] : memref<80008x128xf32, #tpu.memory_space<hbm>> -> memref<80008x128xf32, #tpu.memory_space<hbm>>
      tpu.wait_indirect_dma semaphore(%arg12 : memref<!tpu.dma_semaphore, #tpu.memory_space<semaphore_mem>>) src(%dma_wait3A_168 : memref<80008x128xf32, #tpu.memory_space<hbm>>) dst(%arg9 : memref<64x128xf32, #tpu.memory_space<vmem>>)
      "tpu.region"() ({
        %run_scoped3A = tpu.sem_alloc : memref<!tpu.dma_semaphore, #tpu.memory_space<semaphore_mem>>
        %dma_start3A_181 = arith.constant 0 : i32
        %dma_start3A_182 = tpu.memref_slice %arg8[%add3A_155, %dma_start3A_181] : memref<160x64xi32, #tpu.memory_space<vmem>> -> memref<1x64xi32, #tpu.memory_space<vmem>>
        %dma_start3A_183 = tpu.memref_squeeze %dma_start3A_182 : memref<1x64xi32, #tpu.memory_space<vmem>> -> memref<64xi32, #tpu.memory_space<vmem>>
        %dma_start3A_184 = arith.constant 0 : i32
        %dma_start3A_185 = arith.constant 0 : i32
        %dma_start3A_186 = tpu.memref_slice %arg11[%dma_start3A_184, %dma_start3A_185] : memref<10240x128xf32, #tpu.memory_space<vmem_shared>> -> memref<10240x128xf32, #tpu.memory_space<vmem_shared>>
        tpu.enqueue_indirect_dma source(%arg9 : memref<64x128xf32, #tpu.memory_space<vmem>>) target(%dma_start3A_186 : memref<10240x128xf32, #tpu.memory_space<vmem_shared>>) offsets(%dma_start3A_183 : memref<64xi32, #tpu.memory_space<vmem>>) semaphore(%run_scoped3A : memref<!tpu.dma_semaphore, #tpu.memory_space<semaphore_mem>>) {add = true}
        %dma_wait3A_187 = arith.constant 0 : i32
        %dma_wait3A_188 = tpu.memref_slice %arg8[%add3A_155, %dma_wait3A_187] : memref<160x64xi32, #tpu.memory_space<vmem>> -> memref<1x64xi32, #tpu.memory_space<vmem>>
        %dma_wait3A_189 = tpu.memref_squeeze %dma_wait3A_188 : memref<1x64xi32, #tpu.memory_space<vmem>> -> memref<64xi32, #tpu.memory_space<vmem>>
        %dma_wait3A_190 = arith.constant 0 : i32
        %dma_wait3A_191 = arith.constant 0 : i32
        %dma_wait3A_192 = tpu.memref_slice %arg11[%dma_wait3A_190, %dma_wait3A_191] : memref<10240x128xf32, #tpu.memory_space<vmem_shared>> -> memref<10240x128xf32, #tpu.memory_space<vmem_shared>>
        tpu.wait_indirect_dma semaphore(%run_scoped3A : memref<!tpu.dma_semaphore, #tpu.memory_space<semaphore_mem>>) src(%arg9 : memref<64x128xf32, #tpu.memory_space<vmem>>) dst(%dma_wait3A_192 : memref<10240x128xf32, #tpu.memory_space<vmem_shared>>)
        tpu.yield
      }) : () -> ()
      %lt3A = arith.constant 39 : i32
      %lt3A_169 = arith.cmpi slt, %scan3A_151, %lt3A : i32
      %convert_element_type3A = arith.extui %lt3A_169 : i1 to i32
      %cond3A = arith.constant 0 : i32
      %cond3A_170 = arith.cmpi ne, %convert_element_type3A, %cond3A : i32
      scf.if %cond3A_170 {
        %add3A_181 = arith.constant 2 : i32
        %add3A_182 = arith.addi %mul3A_153, %add3A_181 : i32
        %dma_start3A_183 = arith.constant 0 : i32
        %dma_start3A_184 = tpu.memref_slice %arg7[%add3A_182, %dma_start3A_183] : memref<80x64xi32, #tpu.memory_space<vmem>> -> memref<1x64xi32, #tpu.memory_space<vmem>>
        %dma_start3A_185 = tpu.memref_squeeze %dma_start3A_184 : memref<1x64xi32, #tpu.memory_space<vmem>> -> memref<64xi32, #tpu.memory_space<vmem>>
        %dma_start3A_186 = arith.constant 0 : i32
        %dma_start3A_187 = arith.constant 0 : i32
        %dma_start3A_188 = tpu.memref_slice %arg4[%dma_start3A_186, %dma_start3A_187] : memref<80008x128xf32, #tpu.memory_space<hbm>> -> memref<80008x128xf32, #tpu.memory_space<hbm>>
        tpu.enqueue_indirect_dma source(%dma_start3A_188 : memref<80008x128xf32, #tpu.memory_space<hbm>>) target(%arg9 : memref<64x128xf32, #tpu.memory_space<vmem>>) offsets(%dma_start3A_185 : memref<64xi32, #tpu.memory_space<vmem>>) semaphore(%arg12 : memref<!tpu.dma_semaphore, #tpu.memory_space<semaphore_mem>>)
      } else {
      }
      %add3A_171 = arith.constant 1 : i32
      %add3A_172 = arith.addi %mul3A_153, %add3A_171 : i32
      %dma_wait3A_173 = arith.constant 0 : i32
      %dma_wait3A_174 = tpu.memref_slice %arg7[%add3A_172, %dma_wait3A_173] : memref<80x64xi32, #tpu.memory_space<vmem>> -> memref<1x64xi32, #tpu.memory_space<vmem>>
      %dma_wait3A_175 = tpu.memref_squeeze %dma_wait3A_174 : memref<1x64xi32, #tpu.memory_space<vmem>> -> memref<64xi32, #tpu.memory_space<vmem>>
      %dma_wait3A_176 = arith.constant 0 : i32
      %dma_wait3A_177 = arith.constant 0 : i32
      %dma_wait3A_178 = tpu.memref_slice %arg4[%dma_wait3A_176, %dma_wait3A_177] : memref<80008x128xf32, #tpu.memory_space<hbm>> -> memref<80008x128xf32, #tpu.memory_space<hbm>>
      tpu.wait_indirect_dma semaphore(%arg13 : memref<!tpu.dma_semaphore, #tpu.memory_space<semaphore_mem>>) src(%dma_wait3A_178 : memref<80008x128xf32, #tpu.memory_space<hbm>>) dst(%arg10 : memref<64x128xf32, #tpu.memory_space<vmem>>)
      %add3A_179 = arith.constant 1 : i32
      %add3A_180 = arith.addi %add3A_155, %add3A_179 : i32
      "tpu.region"() ({
        %run_scoped3A = tpu.sem_alloc : memref<!tpu.dma_semaphore, #tpu.memory_space<semaphore_mem>>
        %dma_start3A_181 = arith.constant 0 : i32
        %dma_start3A_182 = tpu.memref_slice %arg8[%add3A_180, %dma_start3A_181] : memref<160x64xi32, #tpu.memory_space<vmem>> -> memref<1x64xi32, #tpu.memory_space<vmem>>
        %dma_start3A_183 = tpu.memref_squeeze %dma_start3A_182 : memref<1x64xi32, #tpu.memory_space<vmem>> -> memref<64xi32, #tpu.memory_space<vmem>>
        %dma_start3A_184 = arith.constant 0 : i32
        %dma_start3A_185 = arith.constant 0 : i32
        %dma_start3A_186 = tpu.memref_slice %arg11[%dma_start3A_184, %dma_start3A_185] : memref<10240x128xf32, #tpu.memory_space<vmem_shared>> -> memref<10240x128xf32, #tpu.memory_space<vmem_shared>>
        tpu.enqueue_indirect_dma source(%arg10 : memref<64x128xf32, #tpu.memory_space<vmem>>) target(%dma_start3A_186 : memref<10240x128xf32, #tpu.memory_space<vmem_shared>>) offsets(%dma_start3A_183 : memref<64xi32, #tpu.memory_space<vmem>>) semaphore(%run_scoped3A : memref<!tpu.dma_semaphore, #tpu.memory_space<semaphore_mem>>) {add = true}
        %dma_wait3A_187 = arith.constant 0 : i32
        %dma_wait3A_188 = tpu.memref_slice %arg8[%add3A_180, %dma_wait3A_187] : memref<160x64xi32, #tpu.memory_space<vmem>> -> memref<1x64xi32, #tpu.memory_space<vmem>>
        %dma_wait3A_189 = tpu.memref_squeeze %dma_wait3A_188 : memref<1x64xi32, #tpu.memory_space<vmem>> -> memref<64xi32, #tpu.memory_space<vmem>>
        %dma_wait3A_190 = arith.constant 0 : i32
        %dma_wait3A_191 = arith.constant 0 : i32
        %dma_wait3A_192 = tpu.memref_slice %arg11[%dma_wait3A_190, %dma_wait3A_191] : memref<10240x128xf32, #tpu.memory_space<vmem_shared>> -> memref<10240x128xf32, #tpu.memory_space<vmem_shared>>
        tpu.wait_indirect_dma semaphore(%run_scoped3A : memref<!tpu.dma_semaphore, #tpu.memory_space<semaphore_mem>>) src(%arg10 : memref<64x128xf32, #tpu.memory_space<vmem>>) dst(%dma_wait3A_192 : memref<10240x128xf32, #tpu.memory_space<vmem_shared>>)
        tpu.yield
      }) : () -> ()
    }
    %scan3A_129 = arith.constant 40 : i32
    "tpu.region"() ({
      %run_scoped3A = tpu.sem_alloc : memref<!tpu.dma_semaphore, #tpu.memory_space<semaphore_mem>>
      %dma_start3A_151 = arith.constant 80 : i32
      %dma_start3A_152 = arith.constant 0 : i32
      %dma_start3A_153 = tpu.memref_slice %arg2[%add3A_113, %arg1, %dma_start3A_151, %dma_start3A_152] : memref<8x16x160x64xi32, #tpu.memory_space<hbm>> -> memref<1x1x80x64xi32, #tpu.memory_space<hbm>>
      %dma_start3A_154 = tpu.memref_squeeze %dma_start3A_153 : memref<1x1x80x64xi32, #tpu.memory_space<hbm>> -> memref<80x64xi32, #tpu.memory_space<hbm>>
      %dma_start3A_155 = arith.constant 80 : i32
      %dma_start3A_156 = arith.constant 0 : i32
      %dma_start3A_157 = tpu.memref_slice %arg2[%add3A_113, %arg1, %dma_start3A_155, %dma_start3A_156] : memref<8x16x160x64xi32, #tpu.memory_space<hbm>> -> memref<1x1x80x64xi32, #tpu.memory_space<hbm>>
      %dma_start3A_158 = tpu.memref_squeeze %dma_start3A_157 : memref<1x1x80x64xi32, #tpu.memory_space<hbm>> -> memref<80x64xi32, #tpu.memory_space<hbm>>
      tpu.enqueue_dma source(%dma_start3A_158 : memref<80x64xi32, #tpu.memory_space<hbm>>) target(%arg7 : memref<80x64xi32, #tpu.memory_space<vmem>>) target_semaphore(%run_scoped3A : memref<!tpu.dma_semaphore, #tpu.memory_space<semaphore_mem>>)
      %dma_wait3A = arith.constant 80 : i32
      %dma_wait3A_159 = arith.constant 0 : i32
      %dma_wait3A_160 = tpu.memref_slice %arg2[%add3A_113, %arg1, %dma_wait3A, %dma_wait3A_159] : memref<8x16x160x64xi32, #tpu.memory_space<hbm>> -> memref<1x1x80x64xi32, #tpu.memory_space<hbm>>
      %dma_wait3A_161 = tpu.memref_squeeze %dma_wait3A_160 : memref<1x1x80x64xi32, #tpu.memory_space<hbm>> -> memref<80x64xi32, #tpu.memory_space<hbm>>
      %dma_wait3A_162 = arith.constant 80 : i32
      %dma_wait3A_163 = arith.constant 0 : i32
      %dma_wait3A_164 = tpu.memref_slice %arg2[%add3A_113, %arg1, %dma_wait3A_162, %dma_wait3A_163] : memref<8x16x160x64xi32, #tpu.memory_space<hbm>> -> memref<1x1x80x64xi32, #tpu.memory_space<hbm>>
      %dma_wait3A_165 = tpu.memref_squeeze %dma_wait3A_164 : memref<1x1x80x64xi32, #tpu.memory_space<hbm>> -> memref<80x64xi32, #tpu.memory_space<hbm>>
      tpu.wait_dma2 semaphore(%run_scoped3A : memref<!tpu.dma_semaphore, #tpu.memory_space<semaphore_mem>>) src(%dma_wait3A_165 : memref<80x64xi32, #tpu.memory_space<hbm>>) dst(%arg7 : memref<80x64xi32, #tpu.memory_space<vmem>>)
      tpu.yield
    }) : () -> ()
    %dma_start3A_130 = arith.constant 0 : i32
    %dma_start3A_131 = arith.constant 0 : i32
    %dma_start3A_132 = tpu.memref_slice %arg7[%dma_start3A_130, %dma_start3A_131] : memref<80x64xi32, #tpu.memory_space<vmem>> -> memref<1x64xi32, #tpu.memory_space<vmem>>
    %dma_start3A_133 = tpu.memref_squeeze %dma_start3A_132 : memref<1x64xi32, #tpu.memory_space<vmem>> -> memref<64xi32, #tpu.memory_space<vmem>>
    %dma_start3A_134 = arith.constant 0 : i32
    %dma_start3A_135 = arith.constant 0 : i32
    %dma_start3A_136 = tpu.memref_slice %arg4[%dma_start3A_134, %dma_start3A_135] : memref<80008x128xf32, #tpu.memory_space<hbm>> -> memref<80008x128xf32, #tpu.memory_space<hbm>>
    tpu.enqueue_indirect_dma source(%dma_start3A_136 : memref<80008x128xf32, #tpu.memory_space<hbm>>) target(%arg9 : memref<64x128xf32, #tpu.memory_space<vmem>>) offsets(%dma_start3A_133 : memref<64xi32, #tpu.memory_space<vmem>>) semaphore(%arg12 : memref<!tpu.dma_semaphore, #tpu.memory_space<semaphore_mem>>)
    %scan3A_137 = arith.constant 0 : i32
    %scan3A_138 = arith.constant 0 : i32
    %scan3A_139 = arith.constant 40 : i32
    %scan3A_140 = arith.addi %scan3A_138, %scan3A_139 : i32
    %scan3A_141 = arith.constant 1 : i32
    scf.for %scan3A_151 = %scan3A_138 to %scan3A_140 step %scan3A_141  : i32 {
      %mul3A_152 = arith.constant 2 : i32
      %mul3A_153 = arith.muli %mul3A_152, %scan3A_151 : i32
      %add3A_154 = arith.constant 80 : i32
      %add3A_155 = arith.addi %add3A_154, %mul3A_153 : i32
      %add3A_156 = arith.constant 1 : i32
      %add3A_157 = arith.addi %mul3A_153, %add3A_156 : i32
      %dma_start3A_158 = arith.constant 0 : i32
      %dma_start3A_159 = tpu.memref_slice %arg7[%add3A_157, %dma_start3A_158] : memref<80x64xi32, #tpu.memory_space<vmem>> -> memref<1x64xi32, #tpu.memory_space<vmem>>
      %dma_start3A_160 = tpu.memref_squeeze %dma_start3A_159 : memref<1x64xi32, #tpu.memory_space<vmem>> -> memref<64xi32, #tpu.memory_space<vmem>>
      %dma_start3A_161 = arith.constant 0 : i32
      %dma_start3A_162 = arith.constant 0 : i32
      %dma_start3A_163 = tpu.memref_slice %arg4[%dma_start3A_161, %dma_start3A_162] : memref<80008x128xf32, #tpu.memory_space<hbm>> -> memref<80008x128xf32, #tpu.memory_space<hbm>>
      tpu.enqueue_indirect_dma source(%dma_start3A_163 : memref<80008x128xf32, #tpu.memory_space<hbm>>) target(%arg10 : memref<64x128xf32, #tpu.memory_space<vmem>>) offsets(%dma_start3A_160 : memref<64xi32, #tpu.memory_space<vmem>>) semaphore(%arg13 : memref<!tpu.dma_semaphore, #tpu.memory_space<semaphore_mem>>)
      %dma_wait3A = arith.constant 0 : i32
      %dma_wait3A_164 = tpu.memref_slice %arg7[%mul3A_153, %dma_wait3A] : memref<80x64xi32, #tpu.memory_space<vmem>> -> memref<1x64xi32, #tpu.memory_space<vmem>>
      %dma_wait3A_165 = tpu.memref_squeeze %dma_wait3A_164 : memref<1x64xi32, #tpu.memory_space<vmem>> -> memref<64xi32, #tpu.memory_space<vmem>>
      %dma_wait3A_166 = arith.constant 0 : i32
      %dma_wait3A_167 = arith.constant 0 : i32
      %dma_wait3A_168 = tpu.memref_slice %arg4[%dma_wait3A_166, %dma_wait3A_167] : memref<80008x128xf32, #tpu.memory_space<hbm>> -> memref<80008x128xf32, #tpu.memory_space<hbm>>
      tpu.wait_indirect_dma semaphore(%arg12 : memref<!tpu.dma_semaphore, #tpu.memory_space<semaphore_mem>>) src(%dma_wait3A_168 : memref<80008x128xf32, #tpu.memory_space<hbm>>) dst(%arg9 : memref<64x128xf32, #tpu.memory_space<vmem>>)
      "tpu.region"() ({
        %run_scoped3A = tpu.sem_alloc : memref<!tpu.dma_semaphore, #tpu.memory_space<semaphore_mem>>
        %dma_start3A_181 = arith.constant 0 : i32
        %dma_start3A_182 = tpu.memref_slice %arg8[%add3A_155, %dma_start3A_181] : memref<160x64xi32, #tpu.memory_space<vmem>> -> memref<1x64xi32, #tpu.memory_space<vmem>>
        %dma_start3A_183 = tpu.memref_squeeze %dma_start3A_182 : memref<1x64xi32, #tpu.memory_space<vmem>> -> memref<64xi32, #tpu.memory_space<vmem>>
        %dma_start3A_184 = arith.constant 0 : i32
        %dma_start3A_185 = arith.constant 0 : i32
        %dma_start3A_186 = tpu.memref_slice %arg11[%dma_start3A_184, %dma_start3A_185] : memref<10240x128xf32, #tpu.memory_space<vmem_shared>> -> memref<10240x128xf32, #tpu.memory_space<vmem_shared>>
        tpu.enqueue_indirect_dma source(%arg9 : memref<64x128xf32, #tpu.memory_space<vmem>>) target(%dma_start3A_186 : memref<10240x128xf32, #tpu.memory_space<vmem_shared>>) offsets(%dma_start3A_183 : memref<64xi32, #tpu.memory_space<vmem>>) semaphore(%run_scoped3A : memref<!tpu.dma_semaphore, #tpu.memory_space<semaphore_mem>>) {add = true}
        %dma_wait3A_187 = arith.constant 0 : i32
        %dma_wait3A_188 = tpu.memref_slice %arg8[%add3A_155, %dma_wait3A_187] : memref<160x64xi32, #tpu.memory_space<vmem>> -> memref<1x64xi32, #tpu.memory_space<vmem>>
        %dma_wait3A_189 = tpu.memref_squeeze %dma_wait3A_188 : memref<1x64xi32, #tpu.memory_space<vmem>> -> memref<64xi32, #tpu.memory_space<vmem>>
        %dma_wait3A_190 = arith.constant 0 : i32
        %dma_wait3A_191 = arith.constant 0 : i32
        %dma_wait3A_192 = tpu.memref_slice %arg11[%dma_wait3A_190, %dma_wait3A_191] : memref<10240x128xf32, #tpu.memory_space<vmem_shared>> -> memref<10240x128xf32, #tpu.memory_space<vmem_shared>>
        tpu.wait_indirect_dma semaphore(%run_scoped3A : memref<!tpu.dma_semaphore, #tpu.memory_space<semaphore_mem>>) src(%arg9 : memref<64x128xf32, #tpu.memory_space<vmem>>) dst(%dma_wait3A_192 : memref<10240x128xf32, #tpu.memory_space<vmem_shared>>)
        tpu.yield
      }) : () -> ()
      %lt3A = arith.constant 39 : i32
      %lt3A_169 = arith.cmpi slt, %scan3A_151, %lt3A : i32
      %convert_element_type3A = arith.extui %lt3A_169 : i1 to i32
      %cond3A = arith.constant 0 : i32
      %cond3A_170 = arith.cmpi ne, %convert_element_type3A, %cond3A : i32
      scf.if %cond3A_170 {
        %add3A_181 = arith.constant 2 : i32
        %add3A_182 = arith.addi %mul3A_153, %add3A_181 : i32
        %dma_start3A_183 = arith.constant 0 : i32
        %dma_start3A_184 = tpu.memref_slice %arg7[%add3A_182, %dma_start3A_183] : memref<80x64xi32, #tpu.memory_space<vmem>> -> memref<1x64xi32, #tpu.memory_space<vmem>>
        %dma_start3A_185 = tpu.memref_squeeze %dma_start3A_184 : memref<1x64xi32, #tpu.memory_space<vmem>> -> memref<64xi32, #tpu.memory_space<vmem>>
        %dma_start3A_186 = arith.constant 0 : i32
        %dma_start3A_187 = arith.constant 0 : i32
        %dma_start3A_188 = tpu.memref_slice %arg4[%dma_start3A_186, %dma_start3A_187] : memref<80008x128xf32, #tpu.memory_space<hbm>> -> memref<80008x128xf32, #tpu.memory_space<hbm>>
        tpu.enqueue_indirect_dma source(%dma_start3A_188 : memref<80008x128xf32, #tpu.memory_space<hbm>>) target(%arg9 : memref<64x128xf32, #tpu.memory_space<vmem>>) offsets(%dma_start3A_185 : memref<64xi32, #tpu.memory_space<vmem>>) semaphore(%arg12 : memref<!tpu.dma_semaphore, #tpu.memory_space<semaphore_mem>>)
      } else {
      }
      %add3A_171 = arith.constant 1 : i32
      %add3A_172 = arith.addi %mul3A_153, %add3A_171 : i32
      %dma_wait3A_173 = arith.constant 0 : i32
      %dma_wait3A_174 = tpu.memref_slice %arg7[%add3A_172, %dma_wait3A_173] : memref<80x64xi32, #tpu.memory_space<vmem>> -> memref<1x64xi32, #tpu.memory_space<vmem>>
      %dma_wait3A_175 = tpu.memref_squeeze %dma_wait3A_174 : memref<1x64xi32, #tpu.memory_space<vmem>> -> memref<64xi32, #tpu.memory_space<vmem>>
      %dma_wait3A_176 = arith.constant 0 : i32
      %dma_wait3A_177 = arith.constant 0 : i32
      %dma_wait3A_178 = tpu.memref_slice %arg4[%dma_wait3A_176, %dma_wait3A_177] : memref<80008x128xf32, #tpu.memory_space<hbm>> -> memref<80008x128xf32, #tpu.memory_space<hbm>>
      tpu.wait_indirect_dma semaphore(%arg13 : memref<!tpu.dma_semaphore, #tpu.memory_space<semaphore_mem>>) src(%dma_wait3A_178 : memref<80008x128xf32, #tpu.memory_space<hbm>>) dst(%arg10 : memref<64x128xf32, #tpu.memory_space<vmem>>)
      %add3A_179 = arith.constant 1 : i32
      %add3A_180 = arith.addi %add3A_155, %add3A_179 : i32
      "tpu.region"() ({
        %run_scoped3A = tpu.sem_alloc : memref<!tpu.dma_semaphore, #tpu.memory_space<semaphore_mem>>
        %dma_start3A_181 = arith.constant 0 : i32
        %dma_start3A_182 = tpu.memref_slice %arg8[%add3A_180, %dma_start3A_181] : memref<160x64xi32, #tpu.memory_space<vmem>> -> memref<1x64xi32, #tpu.memory_space<vmem>>
        %dma_start3A_183 = tpu.memref_squeeze %dma_start3A_182 : memref<1x64xi32, #tpu.memory_space<vmem>> -> memref<64xi32, #tpu.memory_space<vmem>>
        %dma_start3A_184 = arith.constant 0 : i32
        %dma_start3A_185 = arith.constant 0 : i32
        %dma_start3A_186 = tpu.memref_slice %arg11[%dma_start3A_184, %dma_start3A_185] : memref<10240x128xf32, #tpu.memory_space<vmem_shared>> -> memref<10240x128xf32, #tpu.memory_space<vmem_shared>>
        tpu.enqueue_indirect_dma source(%arg10 : memref<64x128xf32, #tpu.memory_space<vmem>>) target(%dma_start3A_186 : memref<10240x128xf32, #tpu.memory_space<vmem_shared>>) offsets(%dma_start3A_183 : memref<64xi32, #tpu.memory_space<vmem>>) semaphore(%run_scoped3A : memref<!tpu.dma_semaphore, #tpu.memory_space<semaphore_mem>>) {add = true}
        %dma_wait3A_187 = arith.constant 0 : i32
        %dma_wait3A_188 = tpu.memref_slice %arg8[%add3A_180, %dma_wait3A_187] : memref<160x64xi32, #tpu.memory_space<vmem>> -> memref<1x64xi32, #tpu.memory_space<vmem>>
        %dma_wait3A_189 = tpu.memref_squeeze %dma_wait3A_188 : memref<1x64xi32, #tpu.memory_space<vmem>> -> memref<64xi32, #tpu.memory_space<vmem>>
        %dma_wait3A_190 = arith.constant 0 : i32
        %dma_wait3A_191 = arith.constant 0 : i32
        %dma_wait3A_192 = tpu.memref_slice %arg11[%dma_wait3A_190, %dma_wait3A_191] : memref<10240x128xf32, #tpu.memory_space<vmem_shared>> -> memref<10240x128xf32, #tpu.memory_space<vmem_shared>>
        tpu.wait_indirect_dma semaphore(%run_scoped3A : memref<!tpu.dma_semaphore, #tpu.memory_space<semaphore_mem>>) src(%arg10 : memref<64x128xf32, #tpu.memory_space<vmem>>) dst(%dma_wait3A_192 : memref<10240x128xf32, #tpu.memory_space<vmem_shared>>)
        tpu.yield
      }) : () -> ()
    }
    %scan3A_142 = arith.constant 40 : i32
    %barrier3A_143 = arith.constant 0 : index
    tpu.barrier barrier_id(%barrier3A_143)
    %mul3A_144 = arith.constant 640 : i32
    %mul3A_145 = arith.muli %arg1, %mul3A_144 : i32
    %mul3A_146 = arith.constant 640 : i32
    %mul3A_147 = arith.muli %arg1, %mul3A_146 : i32
    %mul3A_148 = arith.constant 128 : i32
    %mul3A_149 = arith.muli %add3A_113, %mul3A_148 : i32
    "tpu.region"() ({
      %run_scoped3A = tpu.sem_alloc : memref<!tpu.dma_semaphore, #tpu.memory_space<semaphore_mem>>
      %dma_start3A_151 = tpu.memref_slice %arg6[%mul3A_147, %mul3A_149] : memref<10240x1024xf32, #tpu.memory_space<hbm>> -> memref<640x128xf32, #tpu.memory_space<hbm>>
      %dma_start3A_152 = arith.constant 0 : i32
      %dma_start3A_153 = tpu.memref_slice %arg11[%mul3A_145, %dma_start3A_152] : memref<10240x128xf32, #tpu.memory_space<vmem_shared>> -> memref<640x128xf32, #tpu.memory_space<vmem_shared>>
      tpu.enqueue_dma source(%dma_start3A_153 : memref<640x128xf32, #tpu.memory_space<vmem_shared>>) target(%dma_start3A_151 : memref<640x128xf32, #tpu.memory_space<hbm>>) target_semaphore(%run_scoped3A : memref<!tpu.dma_semaphore, #tpu.memory_space<semaphore_mem>>)
      %dma_wait3A = tpu.memref_slice %arg6[%mul3A_147, %mul3A_149] : memref<10240x1024xf32, #tpu.memory_space<hbm>> -> memref<640x128xf32, #tpu.memory_space<hbm>>
      %dma_wait3A_154 = arith.constant 0 : i32
      %dma_wait3A_155 = tpu.memref_slice %arg11[%mul3A_145, %dma_wait3A_154] : memref<10240x128xf32, #tpu.memory_space<vmem_shared>> -> memref<640x128xf32, #tpu.memory_space<vmem_shared>>
      tpu.wait_dma2 semaphore(%run_scoped3A : memref<!tpu.dma_semaphore, #tpu.memory_space<semaphore_mem>>) src(%dma_wait3A_155 : memref<640x128xf32, #tpu.memory_space<vmem_shared>>) dst(%dma_wait3A : memref<640x128xf32, #tpu.memory_space<hbm>>)
      tpu.yield
    }) : () -> ()
    %barrier3A_150 = arith.constant 0 : index
    tpu.barrier barrier_id(%barrier3A_150)
    return
  }
}

#map = affine_map<(d0, d1) -> (0, 0, 0)>
#map1 = affine_map<(d0, d1) -> (0)>
#map2 = affine_map<(d0, d1) -> (0, 0)>
module attributes {stable_mosaic.version = 14 : i64} {
  func.func @_sc_deg_body(%arg0: i32, %arg1: i32, %arg2: memref<16x160x64xi32, #tpu.memory_space<hbm>>, %arg3: memref<16x160x64xi32, #tpu.memory_space<hbm>>, %arg4: memref<10240xf32, #tpu.memory_space<hbm>>, %arg5: memref<640xf32, #tpu.memory_space<hbm>>, %arg6: memref<2x10240xf32, #tpu.memory_space<hbm>>, %arg7: memref<80x64xi32, #tpu.memory_space<vmem>>, %arg8: memref<80x64xi32, #tpu.memory_space<vmem>>, %arg9: memref<64xf32, #tpu.memory_space<vmem>>, %arg10: memref<10240xf32, #tpu.memory_space<vmem_shared>>, %arg11: memref<!tpu.dma_semaphore, #tpu.memory_space<semaphore_mem>>) attributes {dimension_semantics = [#tpu.dimension_semantics<core_parallel>, #tpu.dimension_semantics<subcore_parallel>], iteration_bounds = array<i64: 2, 16>, scalar_prefetch = 0 : i64, scratch_operands = 5 : i64, tpu.core_type = #tpu.core_type<sc_vector_subcore>, window_params = [{transform_indices = #map}, {transform_indices = #map}, {transform_indices = #map1}, {transform_indices = #map1}, {transform_indices = #map2}]} {
    %mul3A = arith.constant 640 : i32
    %mul3A_0 = arith.muli %arg1, %mul3A : i32
    "tpu.region"() ({
      %run_scoped3A = tpu.sem_alloc : memref<!tpu.dma_semaphore, #tpu.memory_space<semaphore_mem>>
      %dma_start3A = tpu.memref_slice %arg10[%mul3A_0] : memref<10240xf32, #tpu.memory_space<vmem_shared>> -> memref<640xf32, #tpu.memory_space<vmem_shared>>
      tpu.enqueue_dma source(%arg5 : memref<640xf32, #tpu.memory_space<hbm>>) target(%dma_start3A : memref<640xf32, #tpu.memory_space<vmem_shared>>) target_semaphore(%run_scoped3A : memref<!tpu.dma_semaphore, #tpu.memory_space<semaphore_mem>>)
      %dma_wait3A = tpu.memref_slice %arg10[%mul3A_0] : memref<10240xf32, #tpu.memory_space<vmem_shared>> -> memref<640xf32, #tpu.memory_space<vmem_shared>>
      tpu.wait_dma2 semaphore(%run_scoped3A : memref<!tpu.dma_semaphore, #tpu.memory_space<semaphore_mem>>) src(%arg5 : memref<640xf32, #tpu.memory_space<hbm>>) dst(%dma_wait3A : memref<640xf32, #tpu.memory_space<vmem_shared>>)
      tpu.yield
    }) : () -> ()
    %mul3A_1 = arith.constant 80 : i32
    %mul3A_2 = arith.muli %arg0, %mul3A_1 : i32
    "tpu.region"() ({
      %run_scoped3A = tpu.sem_alloc : memref<!tpu.dma_semaphore, #tpu.memory_space<semaphore_mem>>
      %dma_start3A = arith.constant 0 : i32
      %dma_start3A_15 = tpu.memref_slice %arg2[%arg1, %mul3A_2, %dma_start3A] : memref<16x160x64xi32, #tpu.memory_space<hbm>> -> memref<1x80x64xi32, #tpu.memory_space<hbm>>
      %dma_start3A_16 = tpu.memref_squeeze %dma_start3A_15 : memref<1x80x64xi32, #tpu.memory_space<hbm>> -> memref<80x64xi32, #tpu.memory_space<hbm>>
      %dma_start3A_17 = arith.constant 0 : i32
      %dma_start3A_18 = tpu.memref_slice %arg2[%arg1, %mul3A_2, %dma_start3A_17] : memref<16x160x64xi32, #tpu.memory_space<hbm>> -> memref<1x80x64xi32, #tpu.memory_space<hbm>>
      %dma_start3A_19 = tpu.memref_squeeze %dma_start3A_18 : memref<1x80x64xi32, #tpu.memory_space<hbm>> -> memref<80x64xi32, #tpu.memory_space<hbm>>
      tpu.enqueue_dma source(%dma_start3A_19 : memref<80x64xi32, #tpu.memory_space<hbm>>) target(%arg7 : memref<80x64xi32, #tpu.memory_space<vmem>>) target_semaphore(%run_scoped3A : memref<!tpu.dma_semaphore, #tpu.memory_space<semaphore_mem>>)
      %dma_wait3A = arith.constant 0 : i32
      %dma_wait3A_20 = tpu.memref_slice %arg2[%arg1, %mul3A_2, %dma_wait3A] : memref<16x160x64xi32, #tpu.memory_space<hbm>> -> memref<1x80x64xi32, #tpu.memory_space<hbm>>
      %dma_wait3A_21 = tpu.memref_squeeze %dma_wait3A_20 : memref<1x80x64xi32, #tpu.memory_space<hbm>> -> memref<80x64xi32, #tpu.memory_space<hbm>>
      %dma_wait3A_22 = arith.constant 0 : i32
      %dma_wait3A_23 = tpu.memref_slice %arg2[%arg1, %mul3A_2, %dma_wait3A_22] : memref<16x160x64xi32, #tpu.memory_space<hbm>> -> memref<1x80x64xi32, #tpu.memory_space<hbm>>
      %dma_wait3A_24 = tpu.memref_squeeze %dma_wait3A_23 : memref<1x80x64xi32, #tpu.memory_space<hbm>> -> memref<80x64xi32, #tpu.memory_space<hbm>>
      tpu.wait_dma2 semaphore(%run_scoped3A : memref<!tpu.dma_semaphore, #tpu.memory_space<semaphore_mem>>) src(%dma_wait3A_24 : memref<80x64xi32, #tpu.memory_space<hbm>>) dst(%arg7 : memref<80x64xi32, #tpu.memory_space<vmem>>)
      tpu.yield
    }) : () -> ()
    %mul3A_3 = arith.constant 80 : i32
    %mul3A_4 = arith.muli %arg0, %mul3A_3 : i32
    "tpu.region"() ({
      %run_scoped3A = tpu.sem_alloc : memref<!tpu.dma_semaphore, #tpu.memory_space<semaphore_mem>>
      %dma_start3A = arith.constant 0 : i32
      %dma_start3A_15 = tpu.memref_slice %arg3[%arg1, %mul3A_4, %dma_start3A] : memref<16x160x64xi32, #tpu.memory_space<hbm>> -> memref<1x80x64xi32, #tpu.memory_space<hbm>>
      %dma_start3A_16 = tpu.memref_squeeze %dma_start3A_15 : memref<1x80x64xi32, #tpu.memory_space<hbm>> -> memref<80x64xi32, #tpu.memory_space<hbm>>
      %dma_start3A_17 = arith.constant 0 : i32
      %dma_start3A_18 = tpu.memref_slice %arg3[%arg1, %mul3A_4, %dma_start3A_17] : memref<16x160x64xi32, #tpu.memory_space<hbm>> -> memref<1x80x64xi32, #tpu.memory_space<hbm>>
      %dma_start3A_19 = tpu.memref_squeeze %dma_start3A_18 : memref<1x80x64xi32, #tpu.memory_space<hbm>> -> memref<80x64xi32, #tpu.memory_space<hbm>>
      tpu.enqueue_dma source(%dma_start3A_19 : memref<80x64xi32, #tpu.memory_space<hbm>>) target(%arg8 : memref<80x64xi32, #tpu.memory_space<vmem>>) target_semaphore(%run_scoped3A : memref<!tpu.dma_semaphore, #tpu.memory_space<semaphore_mem>>)
      %dma_wait3A = arith.constant 0 : i32
      %dma_wait3A_20 = tpu.memref_slice %arg3[%arg1, %mul3A_4, %dma_wait3A] : memref<16x160x64xi32, #tpu.memory_space<hbm>> -> memref<1x80x64xi32, #tpu.memory_space<hbm>>
      %dma_wait3A_21 = tpu.memref_squeeze %dma_wait3A_20 : memref<1x80x64xi32, #tpu.memory_space<hbm>> -> memref<80x64xi32, #tpu.memory_space<hbm>>
      %dma_wait3A_22 = arith.constant 0 : i32
      %dma_wait3A_23 = tpu.memref_slice %arg3[%arg1, %mul3A_4, %dma_wait3A_22] : memref<16x160x64xi32, #tpu.memory_space<hbm>> -> memref<1x80x64xi32, #tpu.memory_space<hbm>>
      %dma_wait3A_24 = tpu.memref_squeeze %dma_wait3A_23 : memref<1x80x64xi32, #tpu.memory_space<hbm>> -> memref<80x64xi32, #tpu.memory_space<hbm>>
      tpu.wait_dma2 semaphore(%run_scoped3A : memref<!tpu.dma_semaphore, #tpu.memory_space<semaphore_mem>>) src(%dma_wait3A_24 : memref<80x64xi32, #tpu.memory_space<hbm>>) dst(%arg8 : memref<80x64xi32, #tpu.memory_space<vmem>>)
      tpu.yield
    }) : () -> ()
    %barrier3A = arith.constant 0 : index
    tpu.barrier barrier_id(%barrier3A)
    %scan3A = arith.constant 0 : i32
    %scan3A_5 = arith.constant 0 : i32
    %scan3A_6 = arith.constant 80 : i32
    %scan3A_7 = arith.addi %scan3A_5, %scan3A_6 : i32
    %scan3A_8 = arith.constant 1 : i32
    scf.for %scan3A_15 = %scan3A_5 to %scan3A_7 step %scan3A_8  : i32 {
      %dma_start3A = arith.constant 0 : i32
      %dma_start3A_16 = tpu.memref_slice %arg7[%scan3A_15, %dma_start3A] : memref<80x64xi32, #tpu.memory_space<vmem>> -> memref<1x64xi32, #tpu.memory_space<vmem>>
      %dma_start3A_17 = tpu.memref_squeeze %dma_start3A_16 : memref<1x64xi32, #tpu.memory_space<vmem>> -> memref<64xi32, #tpu.memory_space<vmem>>
      %dma_start3A_18 = arith.constant 0 : i32
      %dma_start3A_19 = tpu.memref_slice %arg4[%dma_start3A_18] : memref<10240xf32, #tpu.memory_space<hbm>> -> memref<10240xf32, #tpu.memory_space<hbm>>
      tpu.enqueue_indirect_dma source(%dma_start3A_19 : memref<10240xf32, #tpu.memory_space<hbm>>) target(%arg9 : memref<64xf32, #tpu.memory_space<vmem>>) offsets(%dma_start3A_17 : memref<64xi32, #tpu.memory_space<vmem>>) semaphore(%arg11 : memref<!tpu.dma_semaphore, #tpu.memory_space<semaphore_mem>>)
      %dma_wait3A = arith.constant 0 : i32
      %dma_wait3A_20 = tpu.memref_slice %arg7[%scan3A_15, %dma_wait3A] : memref<80x64xi32, #tpu.memory_space<vmem>> -> memref<1x64xi32, #tpu.memory_space<vmem>>
      %dma_wait3A_21 = tpu.memref_squeeze %dma_wait3A_20 : memref<1x64xi32, #tpu.memory_space<vmem>> -> memref<64xi32, #tpu.memory_space<vmem>>
      %dma_wait3A_22 = arith.constant 0 : i32
      %dma_wait3A_23 = tpu.memref_slice %arg4[%dma_wait3A_22] : memref<10240xf32, #tpu.memory_space<hbm>> -> memref<10240xf32, #tpu.memory_space<hbm>>
      tpu.wait_indirect_dma semaphore(%arg11 : memref<!tpu.dma_semaphore, #tpu.memory_space<semaphore_mem>>) src(%dma_wait3A_23 : memref<10240xf32, #tpu.memory_space<hbm>>) dst(%arg9 : memref<64xf32, #tpu.memory_space<vmem>>)
      "tpu.region"() ({
        %run_scoped3A = tpu.sem_alloc : memref<!tpu.dma_semaphore, #tpu.memory_space<semaphore_mem>>
        %dma_start3A_24 = arith.constant 0 : i32
        %dma_start3A_25 = tpu.memref_slice %arg8[%scan3A_15, %dma_start3A_24] : memref<80x64xi32, #tpu.memory_space<vmem>> -> memref<1x64xi32, #tpu.memory_space<vmem>>
        %dma_start3A_26 = tpu.memref_squeeze %dma_start3A_25 : memref<1x64xi32, #tpu.memory_space<vmem>> -> memref<64xi32, #tpu.memory_space<vmem>>
        %dma_start3A_27 = arith.constant 0 : i32
        %dma_start3A_28 = tpu.memref_slice %arg10[%dma_start3A_27] : memref<10240xf32, #tpu.memory_space<vmem_shared>> -> memref<10240xf32, #tpu.memory_space<vmem_shared>>
        tpu.enqueue_indirect_dma source(%arg9 : memref<64xf32, #tpu.memory_space<vmem>>) target(%dma_start3A_28 : memref<10240xf32, #tpu.memory_space<vmem_shared>>) offsets(%dma_start3A_26 : memref<64xi32, #tpu.memory_space<vmem>>) semaphore(%run_scoped3A : memref<!tpu.dma_semaphore, #tpu.memory_space<semaphore_mem>>) {add = true}
        %dma_wait3A_29 = arith.constant 0 : i32
        %dma_wait3A_30 = tpu.memref_slice %arg8[%scan3A_15, %dma_wait3A_29] : memref<80x64xi32, #tpu.memory_space<vmem>> -> memref<1x64xi32, #tpu.memory_space<vmem>>
        %dma_wait3A_31 = tpu.memref_squeeze %dma_wait3A_30 : memref<1x64xi32, #tpu.memory_space<vmem>> -> memref<64xi32, #tpu.memory_space<vmem>>
        %dma_wait3A_32 = arith.constant 0 : i32
        %dma_wait3A_33 = tpu.memref_slice %arg10[%dma_wait3A_32] : memref<10240xf32, #tpu.memory_space<vmem_shared>> -> memref<10240xf32, #tpu.memory_space<vmem_shared>>
        tpu.wait_indirect_dma semaphore(%run_scoped3A : memref<!tpu.dma_semaphore, #tpu.memory_space<semaphore_mem>>) src(%arg9 : memref<64xf32, #tpu.memory_space<vmem>>) dst(%dma_wait3A_33 : memref<10240xf32, #tpu.memory_space<vmem_shared>>)
        tpu.yield
      }) : () -> ()
    }
    %scan3A_9 = arith.constant 80 : i32
    %barrier3A_10 = arith.constant 0 : index
    tpu.barrier barrier_id(%barrier3A_10)
    %mul3A_11 = arith.constant 640 : i32
    %mul3A_12 = arith.muli %arg1, %mul3A_11 : i32
    %mul3A_13 = arith.constant 640 : i32
    %mul3A_14 = arith.muli %arg1, %mul3A_13 : i32
    "tpu.region"() ({
      %run_scoped3A = tpu.sem_alloc : memref<!tpu.dma_semaphore, #tpu.memory_space<semaphore_mem>>
      %dma_start3A = tpu.memref_slice %arg6[%arg0, %mul3A_14] : memref<2x10240xf32, #tpu.memory_space<hbm>> -> memref<1x640xf32, #tpu.memory_space<hbm>>
      %dma_start3A_15 = tpu.memref_squeeze %dma_start3A : memref<1x640xf32, #tpu.memory_space<hbm>> -> memref<640xf32, #tpu.memory_space<hbm>>
      %dma_start3A_16 = tpu.memref_slice %arg10[%mul3A_12] : memref<10240xf32, #tpu.memory_space<vmem_shared>> -> memref<640xf32, #tpu.memory_space<vmem_shared>>
      tpu.enqueue_dma source(%dma_start3A_16 : memref<640xf32, #tpu.memory_space<vmem_shared>>) target(%dma_start3A_15 : memref<640xf32, #tpu.memory_space<hbm>>) target_semaphore(%run_scoped3A : memref<!tpu.dma_semaphore, #tpu.memory_space<semaphore_mem>>)
      %dma_wait3A = tpu.memref_slice %arg6[%arg0, %mul3A_14] : memref<2x10240xf32, #tpu.memory_space<hbm>> -> memref<1x640xf32, #tpu.memory_space<hbm>>
      %dma_wait3A_17 = tpu.memref_squeeze %dma_wait3A : memref<1x640xf32, #tpu.memory_space<hbm>> -> memref<640xf32, #tpu.memory_space<hbm>>
      %dma_wait3A_18 = tpu.memref_slice %arg10[%mul3A_12] : memref<10240xf32, #tpu.memory_space<vmem_shared>> -> memref<640xf32, #tpu.memory_space<vmem_shared>>
      tpu.wait_dma2 semaphore(%run_scoped3A : memref<!tpu.dma_semaphore, #tpu.memory_space<semaphore_mem>>) src(%dma_wait3A_18 : memref<640xf32, #tpu.memory_space<vmem_shared>>) dst(%dma_wait3A_17 : memref<640xf32, #tpu.memory_space<hbm>>)
      tpu.yield
    }) : () -> ()
    return
  }
}

#map = affine_map<(d0, d1) -> (0, 0, 0, 0)>
#map1 = affine_map<(d0, d1) -> (0, 0, 0)>
#map2 = affine_map<(d0, d1) -> (0, 0)>
module attributes {stable_mosaic.version = 14 : i64} {
  func.func @_sc_agg_body(%arg0: i32, %arg1: i32, %arg2: memref<2x16x160x64xi32, #tpu.memory_space<hbm>>, %arg3: memref<16x160x64xi32, #tpu.memory_space<hbm>>, %arg4: memref<20002x128xf32, #tpu.memory_space<hbm>>, %arg5: memref<640x128xf32, #tpu.memory_space<hbm>>, %arg6: memref<10240x256xf32, #tpu.memory_space<hbm>>, %arg7: memref<80x64xi32, #tpu.memory_space<vmem>>, %arg8: memref<160x64xi32, #tpu.memory_space<vmem>>, %arg9: memref<64x128xf32, #tpu.memory_space<vmem>>, %arg10: memref<64x128xf32, #tpu.memory_space<vmem>>, %arg11: memref<10240x128xf32, #tpu.memory_space<vmem_shared>>, %arg12: memref<!tpu.dma_semaphore, #tpu.memory_space<semaphore_mem>>, %arg13: memref<!tpu.dma_semaphore, #tpu.memory_space<semaphore_mem>>) attributes {dimension_semantics = [#tpu.dimension_semantics<core_parallel>, #tpu.dimension_semantics<subcore_parallel>], iteration_bounds = array<i64: 2, 16>, scalar_prefetch = 0 : i64, scratch_operands = 7 : i64, tpu.core_type = #tpu.core_type<sc_vector_subcore>, window_params = [{transform_indices = #map}, {transform_indices = #map1}, {transform_indices = #map2}, {transform_indices = #map2}, {transform_indices = #map2}]} {
    "tpu.region"() ({
      %run_scoped3A = tpu.sem_alloc : memref<!tpu.dma_semaphore, #tpu.memory_space<semaphore_mem>>
      %dma_start3A_34 = arith.constant 0 : i32
      %dma_start3A_35 = arith.constant 0 : i32
      %dma_start3A_36 = tpu.memref_slice %arg3[%arg1, %dma_start3A_34, %dma_start3A_35] : memref<16x160x64xi32, #tpu.memory_space<hbm>> -> memref<1x160x64xi32, #tpu.memory_space<hbm>>
      %dma_start3A_37 = tpu.memref_squeeze %dma_start3A_36 : memref<1x160x64xi32, #tpu.memory_space<hbm>> -> memref<160x64xi32, #tpu.memory_space<hbm>>
      %dma_start3A_38 = arith.constant 0 : i32
      %dma_start3A_39 = arith.constant 0 : i32
      %dma_start3A_40 = tpu.memref_slice %arg3[%arg1, %dma_start3A_38, %dma_start3A_39] : memref<16x160x64xi32, #tpu.memory_space<hbm>> -> memref<1x160x64xi32, #tpu.memory_space<hbm>>
      %dma_start3A_41 = tpu.memref_squeeze %dma_start3A_40 : memref<1x160x64xi32, #tpu.memory_space<hbm>> -> memref<160x64xi32, #tpu.memory_space<hbm>>
      tpu.enqueue_dma source(%dma_start3A_41 : memref<160x64xi32, #tpu.memory_space<hbm>>) target(%arg8 : memref<160x64xi32, #tpu.memory_space<vmem>>) target_semaphore(%run_scoped3A : memref<!tpu.dma_semaphore, #tpu.memory_space<semaphore_mem>>)
      %dma_wait3A = arith.constant 0 : i32
      %dma_wait3A_42 = arith.constant 0 : i32
      %dma_wait3A_43 = tpu.memref_slice %arg3[%arg1, %dma_wait3A, %dma_wait3A_42] : memref<16x160x64xi32, #tpu.memory_space<hbm>> -> memref<1x160x64xi32, #tpu.memory_space<hbm>>
      %dma_wait3A_44 = tpu.memref_squeeze %dma_wait3A_43 : memref<1x160x64xi32, #tpu.memory_space<hbm>> -> memref<160x64xi32, #tpu.memory_space<hbm>>
      %dma_wait3A_45 = arith.constant 0 : i32
      %dma_wait3A_46 = arith.constant 0 : i32
      %dma_wait3A_47 = tpu.memref_slice %arg3[%arg1, %dma_wait3A_45, %dma_wait3A_46] : memref<16x160x64xi32, #tpu.memory_space<hbm>> -> memref<1x160x64xi32, #tpu.memory_space<hbm>>
      %dma_wait3A_48 = tpu.memref_squeeze %dma_wait3A_47 : memref<1x160x64xi32, #tpu.memory_space<hbm>> -> memref<160x64xi32, #tpu.memory_space<hbm>>
      tpu.wait_dma2 semaphore(%run_scoped3A : memref<!tpu.dma_semaphore, #tpu.memory_space<semaphore_mem>>) src(%dma_wait3A_48 : memref<160x64xi32, #tpu.memory_space<hbm>>) dst(%arg8 : memref<160x64xi32, #tpu.memory_space<vmem>>)
      tpu.yield
    }) : () -> ()
    %add3A = arith.constant 0 : i32
    %add3A_0 = arith.addi %add3A, %arg0 : i32
    %mul3A = arith.constant 640 : i32
    %mul3A_1 = arith.muli %arg1, %mul3A : i32
    "tpu.region"() ({
      %run_scoped3A = tpu.sem_alloc : memref<!tpu.dma_semaphore, #tpu.memory_space<semaphore_mem>>
      %dma_start3A_34 = arith.constant 0 : i32
      %dma_start3A_35 = tpu.memref_slice %arg11[%mul3A_1, %dma_start3A_34] : memref<10240x128xf32, #tpu.memory_space<vmem_shared>> -> memref<640x128xf32, #tpu.memory_space<vmem_shared>>
      tpu.enqueue_dma source(%arg5 : memref<640x128xf32, #tpu.memory_space<hbm>>) target(%dma_start3A_35 : memref<640x128xf32, #tpu.memory_space<vmem_shared>>) target_semaphore(%run_scoped3A : memref<!tpu.dma_semaphore, #tpu.memory_space<semaphore_mem>>)
      %dma_wait3A = arith.constant 0 : i32
      %dma_wait3A_36 = tpu.memref_slice %arg11[%mul3A_1, %dma_wait3A] : memref<10240x128xf32, #tpu.memory_space<vmem_shared>> -> memref<640x128xf32, #tpu.memory_space<vmem_shared>>
      tpu.wait_dma2 semaphore(%run_scoped3A : memref<!tpu.dma_semaphore, #tpu.memory_space<semaphore_mem>>) src(%arg5 : memref<640x128xf32, #tpu.memory_space<hbm>>) dst(%dma_wait3A_36 : memref<640x128xf32, #tpu.memory_space<vmem_shared>>)
      tpu.yield
    }) : () -> ()
    %barrier3A = arith.constant 0 : index
    tpu.barrier barrier_id(%barrier3A)
    "tpu.region"() ({
      %run_scoped3A = tpu.sem_alloc : memref<!tpu.dma_semaphore, #tpu.memory_space<semaphore_mem>>
      %dma_start3A_34 = arith.constant 0 : i32
      %dma_start3A_35 = arith.constant 0 : i32
      %dma_start3A_36 = tpu.memref_slice %arg2[%add3A_0, %arg1, %dma_start3A_34, %dma_start3A_35] : memref<2x16x160x64xi32, #tpu.memory_space<hbm>> -> memref<1x1x80x64xi32, #tpu.memory_space<hbm>>
      %dma_start3A_37 = tpu.memref_squeeze %dma_start3A_36 : memref<1x1x80x64xi32, #tpu.memory_space<hbm>> -> memref<80x64xi32, #tpu.memory_space<hbm>>
      %dma_start3A_38 = arith.constant 0 : i32
      %dma_start3A_39 = arith.constant 0 : i32
      %dma_start3A_40 = tpu.memref_slice %arg2[%add3A_0, %arg1, %dma_start3A_38, %dma_start3A_39] : memref<2x16x160x64xi32, #tpu.memory_space<hbm>> -> memref<1x1x80x64xi32, #tpu.memory_space<hbm>>
      %dma_start3A_41 = tpu.memref_squeeze %dma_start3A_40 : memref<1x1x80x64xi32, #tpu.memory_space<hbm>> -> memref<80x64xi32, #tpu.memory_space<hbm>>
      tpu.enqueue_dma source(%dma_start3A_41 : memref<80x64xi32, #tpu.memory_space<hbm>>) target(%arg7 : memref<80x64xi32, #tpu.memory_space<vmem>>) target_semaphore(%run_scoped3A : memref<!tpu.dma_semaphore, #tpu.memory_space<semaphore_mem>>)
      %dma_wait3A = arith.constant 0 : i32
      %dma_wait3A_42 = arith.constant 0 : i32
      %dma_wait3A_43 = tpu.memref_slice %arg2[%add3A_0, %arg1, %dma_wait3A, %dma_wait3A_42] : memref<2x16x160x64xi32, #tpu.memory_space<hbm>> -> memref<1x1x80x64xi32, #tpu.memory_space<hbm>>
      %dma_wait3A_44 = tpu.memref_squeeze %dma_wait3A_43 : memref<1x1x80x64xi32, #tpu.memory_space<hbm>> -> memref<80x64xi32, #tpu.memory_space<hbm>>
      %dma_wait3A_45 = arith.constant 0 : i32
      %dma_wait3A_46 = arith.constant 0 : i32
      %dma_wait3A_47 = tpu.memref_slice %arg2[%add3A_0, %arg1, %dma_wait3A_45, %dma_wait3A_46] : memref<2x16x160x64xi32, #tpu.memory_space<hbm>> -> memref<1x1x80x64xi32, #tpu.memory_space<hbm>>
      %dma_wait3A_48 = tpu.memref_squeeze %dma_wait3A_47 : memref<1x1x80x64xi32, #tpu.memory_space<hbm>> -> memref<80x64xi32, #tpu.memory_space<hbm>>
      tpu.wait_dma2 semaphore(%run_scoped3A : memref<!tpu.dma_semaphore, #tpu.memory_space<semaphore_mem>>) src(%dma_wait3A_48 : memref<80x64xi32, #tpu.memory_space<hbm>>) dst(%arg7 : memref<80x64xi32, #tpu.memory_space<vmem>>)
      tpu.yield
    }) : () -> ()
    %dma_start3A = arith.constant 0 : i32
    %dma_start3A_2 = arith.constant 0 : i32
    %dma_start3A_3 = tpu.memref_slice %arg7[%dma_start3A, %dma_start3A_2] : memref<80x64xi32, #tpu.memory_space<vmem>> -> memref<1x64xi32, #tpu.memory_space<vmem>>
    %dma_start3A_4 = tpu.memref_squeeze %dma_start3A_3 : memref<1x64xi32, #tpu.memory_space<vmem>> -> memref<64xi32, #tpu.memory_space<vmem>>
    %dma_start3A_5 = arith.constant 0 : i32
    %dma_start3A_6 = arith.constant 0 : i32
    %dma_start3A_7 = tpu.memref_slice %arg4[%dma_start3A_5, %dma_start3A_6] : memref<20002x128xf32, #tpu.memory_space<hbm>> -> memref<20002x128xf32, #tpu.memory_space<hbm>>
    tpu.enqueue_indirect_dma source(%dma_start3A_7 : memref<20002x128xf32, #tpu.memory_space<hbm>>) target(%arg9 : memref<64x128xf32, #tpu.memory_space<vmem>>) offsets(%dma_start3A_4 : memref<64xi32, #tpu.memory_space<vmem>>) semaphore(%arg12 : memref<!tpu.dma_semaphore, #tpu.memory_space<semaphore_mem>>)
    %scan3A = arith.constant 0 : i32
    %scan3A_8 = arith.constant 0 : i32
    %scan3A_9 = arith.constant 40 : i32
    %scan3A_10 = arith.addi %scan3A_8, %scan3A_9 : i32
    %scan3A_11 = arith.constant 1 : i32
    scf.for %scan3A_34 = %scan3A_8 to %scan3A_10 step %scan3A_11  : i32 {
      %mul3A_35 = arith.constant 2 : i32
      %mul3A_36 = arith.muli %mul3A_35, %scan3A_34 : i32
      %add3A_37 = arith.constant 0 : i32
      %add3A_38 = arith.addi %add3A_37, %mul3A_36 : i32
      %add3A_39 = arith.constant 1 : i32
      %add3A_40 = arith.addi %mul3A_36, %add3A_39 : i32
      %dma_start3A_41 = arith.constant 0 : i32
      %dma_start3A_42 = tpu.memref_slice %arg7[%add3A_40, %dma_start3A_41] : memref<80x64xi32, #tpu.memory_space<vmem>> -> memref<1x64xi32, #tpu.memory_space<vmem>>
      %dma_start3A_43 = tpu.memref_squeeze %dma_start3A_42 : memref<1x64xi32, #tpu.memory_space<vmem>> -> memref<64xi32, #tpu.memory_space<vmem>>
      %dma_start3A_44 = arith.constant 0 : i32
      %dma_start3A_45 = arith.constant 0 : i32
      %dma_start3A_46 = tpu.memref_slice %arg4[%dma_start3A_44, %dma_start3A_45] : memref<20002x128xf32, #tpu.memory_space<hbm>> -> memref<20002x128xf32, #tpu.memory_space<hbm>>
      tpu.enqueue_indirect_dma source(%dma_start3A_46 : memref<20002x128xf32, #tpu.memory_space<hbm>>) target(%arg10 : memref<64x128xf32, #tpu.memory_space<vmem>>) offsets(%dma_start3A_43 : memref<64xi32, #tpu.memory_space<vmem>>) semaphore(%arg13 : memref<!tpu.dma_semaphore, #tpu.memory_space<semaphore_mem>>)
      %dma_wait3A = arith.constant 0 : i32
      %dma_wait3A_47 = tpu.memref_slice %arg7[%mul3A_36, %dma_wait3A] : memref<80x64xi32, #tpu.memory_space<vmem>> -> memref<1x64xi32, #tpu.memory_space<vmem>>
      %dma_wait3A_48 = tpu.memref_squeeze %dma_wait3A_47 : memref<1x64xi32, #tpu.memory_space<vmem>> -> memref<64xi32, #tpu.memory_space<vmem>>
      %dma_wait3A_49 = arith.constant 0 : i32
      %dma_wait3A_50 = arith.constant 0 : i32
      %dma_wait3A_51 = tpu.memref_slice %arg4[%dma_wait3A_49, %dma_wait3A_50] : memref<20002x128xf32, #tpu.memory_space<hbm>> -> memref<20002x128xf32, #tpu.memory_space<hbm>>
      tpu.wait_indirect_dma semaphore(%arg12 : memref<!tpu.dma_semaphore, #tpu.memory_space<semaphore_mem>>) src(%dma_wait3A_51 : memref<20002x128xf32, #tpu.memory_space<hbm>>) dst(%arg9 : memref<64x128xf32, #tpu.memory_space<vmem>>)
      "tpu.region"() ({
        %run_scoped3A = tpu.sem_alloc : memref<!tpu.dma_semaphore, #tpu.memory_space<semaphore_mem>>
        %dma_start3A_64 = arith.constant 0 : i32
        %dma_start3A_65 = tpu.memref_slice %arg8[%add3A_38, %dma_start3A_64] : memref<160x64xi32, #tpu.memory_space<vmem>> -> memref<1x64xi32, #tpu.memory_space<vmem>>
        %dma_start3A_66 = tpu.memref_squeeze %dma_start3A_65 : memref<1x64xi32, #tpu.memory_space<vmem>> -> memref<64xi32, #tpu.memory_space<vmem>>
        %dma_start3A_67 = arith.constant 0 : i32
        %dma_start3A_68 = arith.constant 0 : i32
        %dma_start3A_69 = tpu.memref_slice %arg11[%dma_start3A_67, %dma_start3A_68] : memref<10240x128xf32, #tpu.memory_space<vmem_shared>> -> memref<10240x128xf32, #tpu.memory_space<vmem_shared>>
        tpu.enqueue_indirect_dma source(%arg9 : memref<64x128xf32, #tpu.memory_space<vmem>>) target(%dma_start3A_69 : memref<10240x128xf32, #tpu.memory_space<vmem_shared>>) offsets(%dma_start3A_66 : memref<64xi32, #tpu.memory_space<vmem>>) semaphore(%run_scoped3A : memref<!tpu.dma_semaphore, #tpu.memory_space<semaphore_mem>>) {add = true}
        %dma_wait3A_70 = arith.constant 0 : i32
        %dma_wait3A_71 = tpu.memref_slice %arg8[%add3A_38, %dma_wait3A_70] : memref<160x64xi32, #tpu.memory_space<vmem>> -> memref<1x64xi32, #tpu.memory_space<vmem>>
        %dma_wait3A_72 = tpu.memref_squeeze %dma_wait3A_71 : memref<1x64xi32, #tpu.memory_space<vmem>> -> memref<64xi32, #tpu.memory_space<vmem>>
        %dma_wait3A_73 = arith.constant 0 : i32
        %dma_wait3A_74 = arith.constant 0 : i32
        %dma_wait3A_75 = tpu.memref_slice %arg11[%dma_wait3A_73, %dma_wait3A_74] : memref<10240x128xf32, #tpu.memory_space<vmem_shared>> -> memref<10240x128xf32, #tpu.memory_space<vmem_shared>>
        tpu.wait_indirect_dma semaphore(%run_scoped3A : memref<!tpu.dma_semaphore, #tpu.memory_space<semaphore_mem>>) src(%arg9 : memref<64x128xf32, #tpu.memory_space<vmem>>) dst(%dma_wait3A_75 : memref<10240x128xf32, #tpu.memory_space<vmem_shared>>)
        tpu.yield
      }) : () -> ()
      %lt3A = arith.constant 39 : i32
      %lt3A_52 = arith.cmpi slt, %scan3A_34, %lt3A : i32
      %convert_element_type3A = arith.extui %lt3A_52 : i1 to i32
      %cond3A = arith.constant 0 : i32
      %cond3A_53 = arith.cmpi ne, %convert_element_type3A, %cond3A : i32
      scf.if %cond3A_53 {
        %add3A_64 = arith.constant 2 : i32
        %add3A_65 = arith.addi %mul3A_36, %add3A_64 : i32
        %dma_start3A_66 = arith.constant 0 : i32
        %dma_start3A_67 = tpu.memref_slice %arg7[%add3A_65, %dma_start3A_66] : memref<80x64xi32, #tpu.memory_space<vmem>> -> memref<1x64xi32, #tpu.memory_space<vmem>>
        %dma_start3A_68 = tpu.memref_squeeze %dma_start3A_67 : memref<1x64xi32, #tpu.memory_space<vmem>> -> memref<64xi32, #tpu.memory_space<vmem>>
        %dma_start3A_69 = arith.constant 0 : i32
        %dma_start3A_70 = arith.constant 0 : i32
        %dma_start3A_71 = tpu.memref_slice %arg4[%dma_start3A_69, %dma_start3A_70] : memref<20002x128xf32, #tpu.memory_space<hbm>> -> memref<20002x128xf32, #tpu.memory_space<hbm>>
        tpu.enqueue_indirect_dma source(%dma_start3A_71 : memref<20002x128xf32, #tpu.memory_space<hbm>>) target(%arg9 : memref<64x128xf32, #tpu.memory_space<vmem>>) offsets(%dma_start3A_68 : memref<64xi32, #tpu.memory_space<vmem>>) semaphore(%arg12 : memref<!tpu.dma_semaphore, #tpu.memory_space<semaphore_mem>>)
      } else {
      }
      %add3A_54 = arith.constant 1 : i32
      %add3A_55 = arith.addi %mul3A_36, %add3A_54 : i32
      %dma_wait3A_56 = arith.constant 0 : i32
      %dma_wait3A_57 = tpu.memref_slice %arg7[%add3A_55, %dma_wait3A_56] : memref<80x64xi32, #tpu.memory_space<vmem>> -> memref<1x64xi32, #tpu.memory_space<vmem>>
      %dma_wait3A_58 = tpu.memref_squeeze %dma_wait3A_57 : memref<1x64xi32, #tpu.memory_space<vmem>> -> memref<64xi32, #tpu.memory_space<vmem>>
      %dma_wait3A_59 = arith.constant 0 : i32
      %dma_wait3A_60 = arith.constant 0 : i32
      %dma_wait3A_61 = tpu.memref_slice %arg4[%dma_wait3A_59, %dma_wait3A_60] : memref<20002x128xf32, #tpu.memory_space<hbm>> -> memref<20002x128xf32, #tpu.memory_space<hbm>>
      tpu.wait_indirect_dma semaphore(%arg13 : memref<!tpu.dma_semaphore, #tpu.memory_space<semaphore_mem>>) src(%dma_wait3A_61 : memref<20002x128xf32, #tpu.memory_space<hbm>>) dst(%arg10 : memref<64x128xf32, #tpu.memory_space<vmem>>)
      %add3A_62 = arith.constant 1 : i32
      %add3A_63 = arith.addi %add3A_38, %add3A_62 : i32
      "tpu.region"() ({
        %run_scoped3A = tpu.sem_alloc : memref<!tpu.dma_semaphore, #tpu.memory_space<semaphore_mem>>
        %dma_start3A_64 = arith.constant 0 : i32
        %dma_start3A_65 = tpu.memref_slice %arg8[%add3A_63, %dma_start3A_64] : memref<160x64xi32, #tpu.memory_space<vmem>> -> memref<1x64xi32, #tpu.memory_space<vmem>>
        %dma_start3A_66 = tpu.memref_squeeze %dma_start3A_65 : memref<1x64xi32, #tpu.memory_space<vmem>> -> memref<64xi32, #tpu.memory_space<vmem>>
        %dma_start3A_67 = arith.constant 0 : i32
        %dma_start3A_68 = arith.constant 0 : i32
        %dma_start3A_69 = tpu.memref_slice %arg11[%dma_start3A_67, %dma_start3A_68] : memref<10240x128xf32, #tpu.memory_space<vmem_shared>> -> memref<10240x128xf32, #tpu.memory_space<vmem_shared>>
        tpu.enqueue_indirect_dma source(%arg10 : memref<64x128xf32, #tpu.memory_space<vmem>>) target(%dma_start3A_69 : memref<10240x128xf32, #tpu.memory_space<vmem_shared>>) offsets(%dma_start3A_66 : memref<64xi32, #tpu.memory_space<vmem>>) semaphore(%run_scoped3A : memref<!tpu.dma_semaphore, #tpu.memory_space<semaphore_mem>>) {add = true}
        %dma_wait3A_70 = arith.constant 0 : i32
        %dma_wait3A_71 = tpu.memref_slice %arg8[%add3A_63, %dma_wait3A_70] : memref<160x64xi32, #tpu.memory_space<vmem>> -> memref<1x64xi32, #tpu.memory_space<vmem>>
        %dma_wait3A_72 = tpu.memref_squeeze %dma_wait3A_71 : memref<1x64xi32, #tpu.memory_space<vmem>> -> memref<64xi32, #tpu.memory_space<vmem>>
        %dma_wait3A_73 = arith.constant 0 : i32
        %dma_wait3A_74 = arith.constant 0 : i32
        %dma_wait3A_75 = tpu.memref_slice %arg11[%dma_wait3A_73, %dma_wait3A_74] : memref<10240x128xf32, #tpu.memory_space<vmem_shared>> -> memref<10240x128xf32, #tpu.memory_space<vmem_shared>>
        tpu.wait_indirect_dma semaphore(%run_scoped3A : memref<!tpu.dma_semaphore, #tpu.memory_space<semaphore_mem>>) src(%arg10 : memref<64x128xf32, #tpu.memory_space<vmem>>) dst(%dma_wait3A_75 : memref<10240x128xf32, #tpu.memory_space<vmem_shared>>)
        tpu.yield
      }) : () -> ()
    }
    %scan3A_12 = arith.constant 40 : i32
    "tpu.region"() ({
      %run_scoped3A = tpu.sem_alloc : memref<!tpu.dma_semaphore, #tpu.memory_space<semaphore_mem>>
      %dma_start3A_34 = arith.constant 80 : i32
      %dma_start3A_35 = arith.constant 0 : i32
      %dma_start3A_36 = tpu.memref_slice %arg2[%add3A_0, %arg1, %dma_start3A_34, %dma_start3A_35] : memref<2x16x160x64xi32, #tpu.memory_space<hbm>> -> memref<1x1x80x64xi32, #tpu.memory_space<hbm>>
      %dma_start3A_37 = tpu.memref_squeeze %dma_start3A_36 : memref<1x1x80x64xi32, #tpu.memory_space<hbm>> -> memref<80x64xi32, #tpu.memory_space<hbm>>
      %dma_start3A_38 = arith.constant 80 : i32
      %dma_start3A_39 = arith.constant 0 : i32
      %dma_start3A_40 = tpu.memref_slice %arg2[%add3A_0, %arg1, %dma_start3A_38, %dma_start3A_39] : memref<2x16x160x64xi32, #tpu.memory_space<hbm>> -> memref<1x1x80x64xi32, #tpu.memory_space<hbm>>
      %dma_start3A_41 = tpu.memref_squeeze %dma_start3A_40 : memref<1x1x80x64xi32, #tpu.memory_space<hbm>> -> memref<80x64xi32, #tpu.memory_space<hbm>>
      tpu.enqueue_dma source(%dma_start3A_41 : memref<80x64xi32, #tpu.memory_space<hbm>>) target(%arg7 : memref<80x64xi32, #tpu.memory_space<vmem>>) target_semaphore(%run_scoped3A : memref<!tpu.dma_semaphore, #tpu.memory_space<semaphore_mem>>)
      %dma_wait3A = arith.constant 80 : i32
      %dma_wait3A_42 = arith.constant 0 : i32
      %dma_wait3A_43 = tpu.memref_slice %arg2[%add3A_0, %arg1, %dma_wait3A, %dma_wait3A_42] : memref<2x16x160x64xi32, #tpu.memory_space<hbm>> -> memref<1x1x80x64xi32, #tpu.memory_space<hbm>>
      %dma_wait3A_44 = tpu.memref_squeeze %dma_wait3A_43 : memref<1x1x80x64xi32, #tpu.memory_space<hbm>> -> memref<80x64xi32, #tpu.memory_space<hbm>>
      %dma_wait3A_45 = arith.constant 80 : i32
      %dma_wait3A_46 = arith.constant 0 : i32
      %dma_wait3A_47 = tpu.memref_slice %arg2[%add3A_0, %arg1, %dma_wait3A_45, %dma_wait3A_46] : memref<2x16x160x64xi32, #tpu.memory_space<hbm>> -> memref<1x1x80x64xi32, #tpu.memory_space<hbm>>
      %dma_wait3A_48 = tpu.memref_squeeze %dma_wait3A_47 : memref<1x1x80x64xi32, #tpu.memory_space<hbm>> -> memref<80x64xi32, #tpu.memory_space<hbm>>
      tpu.wait_dma2 semaphore(%run_scoped3A : memref<!tpu.dma_semaphore, #tpu.memory_space<semaphore_mem>>) src(%dma_wait3A_48 : memref<80x64xi32, #tpu.memory_space<hbm>>) dst(%arg7 : memref<80x64xi32, #tpu.memory_space<vmem>>)
      tpu.yield
    }) : () -> ()
    %dma_start3A_13 = arith.constant 0 : i32
    %dma_start3A_14 = arith.constant 0 : i32
    %dma_start3A_15 = tpu.memref_slice %arg7[%dma_start3A_13, %dma_start3A_14] : memref<80x64xi32, #tpu.memory_space<vmem>> -> memref<1x64xi32, #tpu.memory_space<vmem>>
    %dma_start3A_16 = tpu.memref_squeeze %dma_start3A_15 : memref<1x64xi32, #tpu.memory_space<vmem>> -> memref<64xi32, #tpu.memory_space<vmem>>
    %dma_start3A_17 = arith.constant 0 : i32
    %dma_start3A_18 = arith.constant 0 : i32
    %dma_start3A_19 = tpu.memref_slice %arg4[%dma_start3A_17, %dma_start3A_18] : memref<20002x128xf32, #tpu.memory_space<hbm>> -> memref<20002x128xf32, #tpu.memory_space<hbm>>
    tpu.enqueue_indirect_dma source(%dma_start3A_19 : memref<20002x128xf32, #tpu.memory_space<hbm>>) target(%arg9 : memref<64x128xf32, #tpu.memory_space<vmem>>) offsets(%dma_start3A_16 : memref<64xi32, #tpu.memory_space<vmem>>) semaphore(%arg12 : memref<!tpu.dma_semaphore, #tpu.memory_space<semaphore_mem>>)
    %scan3A_20 = arith.constant 0 : i32
    %scan3A_21 = arith.constant 0 : i32
    %scan3A_22 = arith.constant 40 : i32
    %scan3A_23 = arith.addi %scan3A_21, %scan3A_22 : i32
    %scan3A_24 = arith.constant 1 : i32
    scf.for %scan3A_34 = %scan3A_21 to %scan3A_23 step %scan3A_24  : i32 {
      %mul3A_35 = arith.constant 2 : i32
      %mul3A_36 = arith.muli %mul3A_35, %scan3A_34 : i32
      %add3A_37 = arith.constant 80 : i32
      %add3A_38 = arith.addi %add3A_37, %mul3A_36 : i32
      %add3A_39 = arith.constant 1 : i32
      %add3A_40 = arith.addi %mul3A_36, %add3A_39 : i32
      %dma_start3A_41 = arith.constant 0 : i32
      %dma_start3A_42 = tpu.memref_slice %arg7[%add3A_40, %dma_start3A_41] : memref<80x64xi32, #tpu.memory_space<vmem>> -> memref<1x64xi32, #tpu.memory_space<vmem>>
      %dma_start3A_43 = tpu.memref_squeeze %dma_start3A_42 : memref<1x64xi32, #tpu.memory_space<vmem>> -> memref<64xi32, #tpu.memory_space<vmem>>
      %dma_start3A_44 = arith.constant 0 : i32
      %dma_start3A_45 = arith.constant 0 : i32
      %dma_start3A_46 = tpu.memref_slice %arg4[%dma_start3A_44, %dma_start3A_45] : memref<20002x128xf32, #tpu.memory_space<hbm>> -> memref<20002x128xf32, #tpu.memory_space<hbm>>
      tpu.enqueue_indirect_dma source(%dma_start3A_46 : memref<20002x128xf32, #tpu.memory_space<hbm>>) target(%arg10 : memref<64x128xf32, #tpu.memory_space<vmem>>) offsets(%dma_start3A_43 : memref<64xi32, #tpu.memory_space<vmem>>) semaphore(%arg13 : memref<!tpu.dma_semaphore, #tpu.memory_space<semaphore_mem>>)
      %dma_wait3A = arith.constant 0 : i32
      %dma_wait3A_47 = tpu.memref_slice %arg7[%mul3A_36, %dma_wait3A] : memref<80x64xi32, #tpu.memory_space<vmem>> -> memref<1x64xi32, #tpu.memory_space<vmem>>
      %dma_wait3A_48 = tpu.memref_squeeze %dma_wait3A_47 : memref<1x64xi32, #tpu.memory_space<vmem>> -> memref<64xi32, #tpu.memory_space<vmem>>
      %dma_wait3A_49 = arith.constant 0 : i32
      %dma_wait3A_50 = arith.constant 0 : i32
      %dma_wait3A_51 = tpu.memref_slice %arg4[%dma_wait3A_49, %dma_wait3A_50] : memref<20002x128xf32, #tpu.memory_space<hbm>> -> memref<20002x128xf32, #tpu.memory_space<hbm>>
      tpu.wait_indirect_dma semaphore(%arg12 : memref<!tpu.dma_semaphore, #tpu.memory_space<semaphore_mem>>) src(%dma_wait3A_51 : memref<20002x128xf32, #tpu.memory_space<hbm>>) dst(%arg9 : memref<64x128xf32, #tpu.memory_space<vmem>>)
      "tpu.region"() ({
        %run_scoped3A = tpu.sem_alloc : memref<!tpu.dma_semaphore, #tpu.memory_space<semaphore_mem>>
        %dma_start3A_64 = arith.constant 0 : i32
        %dma_start3A_65 = tpu.memref_slice %arg8[%add3A_38, %dma_start3A_64] : memref<160x64xi32, #tpu.memory_space<vmem>> -> memref<1x64xi32, #tpu.memory_space<vmem>>
        %dma_start3A_66 = tpu.memref_squeeze %dma_start3A_65 : memref<1x64xi32, #tpu.memory_space<vmem>> -> memref<64xi32, #tpu.memory_space<vmem>>
        %dma_start3A_67 = arith.constant 0 : i32
        %dma_start3A_68 = arith.constant 0 : i32
        %dma_start3A_69 = tpu.memref_slice %arg11[%dma_start3A_67, %dma_start3A_68] : memref<10240x128xf32, #tpu.memory_space<vmem_shared>> -> memref<10240x128xf32, #tpu.memory_space<vmem_shared>>
        tpu.enqueue_indirect_dma source(%arg9 : memref<64x128xf32, #tpu.memory_space<vmem>>) target(%dma_start3A_69 : memref<10240x128xf32, #tpu.memory_space<vmem_shared>>) offsets(%dma_start3A_66 : memref<64xi32, #tpu.memory_space<vmem>>) semaphore(%run_scoped3A : memref<!tpu.dma_semaphore, #tpu.memory_space<semaphore_mem>>) {add = true}
        %dma_wait3A_70 = arith.constant 0 : i32
        %dma_wait3A_71 = tpu.memref_slice %arg8[%add3A_38, %dma_wait3A_70] : memref<160x64xi32, #tpu.memory_space<vmem>> -> memref<1x64xi32, #tpu.memory_space<vmem>>
        %dma_wait3A_72 = tpu.memref_squeeze %dma_wait3A_71 : memref<1x64xi32, #tpu.memory_space<vmem>> -> memref<64xi32, #tpu.memory_space<vmem>>
        %dma_wait3A_73 = arith.constant 0 : i32
        %dma_wait3A_74 = arith.constant 0 : i32
        %dma_wait3A_75 = tpu.memref_slice %arg11[%dma_wait3A_73, %dma_wait3A_74] : memref<10240x128xf32, #tpu.memory_space<vmem_shared>> -> memref<10240x128xf32, #tpu.memory_space<vmem_shared>>
        tpu.wait_indirect_dma semaphore(%run_scoped3A : memref<!tpu.dma_semaphore, #tpu.memory_space<semaphore_mem>>) src(%arg9 : memref<64x128xf32, #tpu.memory_space<vmem>>) dst(%dma_wait3A_75 : memref<10240x128xf32, #tpu.memory_space<vmem_shared>>)
        tpu.yield
      }) : () -> ()
      %lt3A = arith.constant 39 : i32
      %lt3A_52 = arith.cmpi slt, %scan3A_34, %lt3A : i32
      %convert_element_type3A = arith.extui %lt3A_52 : i1 to i32
      %cond3A = arith.constant 0 : i32
      %cond3A_53 = arith.cmpi ne, %convert_element_type3A, %cond3A : i32
      scf.if %cond3A_53 {
        %add3A_64 = arith.constant 2 : i32
        %add3A_65 = arith.addi %mul3A_36, %add3A_64 : i32
        %dma_start3A_66 = arith.constant 0 : i32
        %dma_start3A_67 = tpu.memref_slice %arg7[%add3A_65, %dma_start3A_66] : memref<80x64xi32, #tpu.memory_space<vmem>> -> memref<1x64xi32, #tpu.memory_space<vmem>>
        %dma_start3A_68 = tpu.memref_squeeze %dma_start3A_67 : memref<1x64xi32, #tpu.memory_space<vmem>> -> memref<64xi32, #tpu.memory_space<vmem>>
        %dma_start3A_69 = arith.constant 0 : i32
        %dma_start3A_70 = arith.constant 0 : i32
        %dma_start3A_71 = tpu.memref_slice %arg4[%dma_start3A_69, %dma_start3A_70] : memref<20002x128xf32, #tpu.memory_space<hbm>> -> memref<20002x128xf32, #tpu.memory_space<hbm>>
        tpu.enqueue_indirect_dma source(%dma_start3A_71 : memref<20002x128xf32, #tpu.memory_space<hbm>>) target(%arg9 : memref<64x128xf32, #tpu.memory_space<vmem>>) offsets(%dma_start3A_68 : memref<64xi32, #tpu.memory_space<vmem>>) semaphore(%arg12 : memref<!tpu.dma_semaphore, #tpu.memory_space<semaphore_mem>>)
      } else {
      }
      %add3A_54 = arith.constant 1 : i32
      %add3A_55 = arith.addi %mul3A_36, %add3A_54 : i32
      %dma_wait3A_56 = arith.constant 0 : i32
      %dma_wait3A_57 = tpu.memref_slice %arg7[%add3A_55, %dma_wait3A_56] : memref<80x64xi32, #tpu.memory_space<vmem>> -> memref<1x64xi32, #tpu.memory_space<vmem>>
      %dma_wait3A_58 = tpu.memref_squeeze %dma_wait3A_57 : memref<1x64xi32, #tpu.memory_space<vmem>> -> memref<64xi32, #tpu.memory_space<vmem>>
      %dma_wait3A_59 = arith.constant 0 : i32
      %dma_wait3A_60 = arith.constant 0 : i32
      %dma_wait3A_61 = tpu.memref_slice %arg4[%dma_wait3A_59, %dma_wait3A_60] : memref<20002x128xf32, #tpu.memory_space<hbm>> -> memref<20002x128xf32, #tpu.memory_space<hbm>>
      tpu.wait_indirect_dma semaphore(%arg13 : memref<!tpu.dma_semaphore, #tpu.memory_space<semaphore_mem>>) src(%dma_wait3A_61 : memref<20002x128xf32, #tpu.memory_space<hbm>>) dst(%arg10 : memref<64x128xf32, #tpu.memory_space<vmem>>)
      %add3A_62 = arith.constant 1 : i32
      %add3A_63 = arith.addi %add3A_38, %add3A_62 : i32
      "tpu.region"() ({
        %run_scoped3A = tpu.sem_alloc : memref<!tpu.dma_semaphore, #tpu.memory_space<semaphore_mem>>
        %dma_start3A_64 = arith.constant 0 : i32
        %dma_start3A_65 = tpu.memref_slice %arg8[%add3A_63, %dma_start3A_64] : memref<160x64xi32, #tpu.memory_space<vmem>> -> memref<1x64xi32, #tpu.memory_space<vmem>>
        %dma_start3A_66 = tpu.memref_squeeze %dma_start3A_65 : memref<1x64xi32, #tpu.memory_space<vmem>> -> memref<64xi32, #tpu.memory_space<vmem>>
        %dma_start3A_67 = arith.constant 0 : i32
        %dma_start3A_68 = arith.constant 0 : i32
        %dma_start3A_69 = tpu.memref_slice %arg11[%dma_start3A_67, %dma_start3A_68] : memref<10240x128xf32, #tpu.memory_space<vmem_shared>> -> memref<10240x128xf32, #tpu.memory_space<vmem_shared>>
        tpu.enqueue_indirect_dma source(%arg10 : memref<64x128xf32, #tpu.memory_space<vmem>>) target(%dma_start3A_69 : memref<10240x128xf32, #tpu.memory_space<vmem_shared>>) offsets(%dma_start3A_66 : memref<64xi32, #tpu.memory_space<vmem>>) semaphore(%run_scoped3A : memref<!tpu.dma_semaphore, #tpu.memory_space<semaphore_mem>>) {add = true}
        %dma_wait3A_70 = arith.constant 0 : i32
        %dma_wait3A_71 = tpu.memref_slice %arg8[%add3A_63, %dma_wait3A_70] : memref<160x64xi32, #tpu.memory_space<vmem>> -> memref<1x64xi32, #tpu.memory_space<vmem>>
        %dma_wait3A_72 = tpu.memref_squeeze %dma_wait3A_71 : memref<1x64xi32, #tpu.memory_space<vmem>> -> memref<64xi32, #tpu.memory_space<vmem>>
        %dma_wait3A_73 = arith.constant 0 : i32
        %dma_wait3A_74 = arith.constant 0 : i32
        %dma_wait3A_75 = tpu.memref_slice %arg11[%dma_wait3A_73, %dma_wait3A_74] : memref<10240x128xf32, #tpu.memory_space<vmem_shared>> -> memref<10240x128xf32, #tpu.memory_space<vmem_shared>>
        tpu.wait_indirect_dma semaphore(%run_scoped3A : memref<!tpu.dma_semaphore, #tpu.memory_space<semaphore_mem>>) src(%arg10 : memref<64x128xf32, #tpu.memory_space<vmem>>) dst(%dma_wait3A_75 : memref<10240x128xf32, #tpu.memory_space<vmem_shared>>)
        tpu.yield
      }) : () -> ()
    }
    %scan3A_25 = arith.constant 40 : i32
    %barrier3A_26 = arith.constant 0 : index
    tpu.barrier barrier_id(%barrier3A_26)
    %mul3A_27 = arith.constant 640 : i32
    %mul3A_28 = arith.muli %arg1, %mul3A_27 : i32
    %mul3A_29 = arith.constant 640 : i32
    %mul3A_30 = arith.muli %arg1, %mul3A_29 : i32
    %mul3A_31 = arith.constant 128 : i32
    %mul3A_32 = arith.muli %add3A_0, %mul3A_31 : i32
    "tpu.region"() ({
      %run_scoped3A = tpu.sem_alloc : memref<!tpu.dma_semaphore, #tpu.memory_space<semaphore_mem>>
      %dma_start3A_34 = tpu.memref_slice %arg6[%mul3A_30, %mul3A_32] : memref<10240x256xf32, #tpu.memory_space<hbm>> -> memref<640x128xf32, #tpu.memory_space<hbm>>
      %dma_start3A_35 = arith.constant 0 : i32
      %dma_start3A_36 = tpu.memref_slice %arg11[%mul3A_28, %dma_start3A_35] : memref<10240x128xf32, #tpu.memory_space<vmem_shared>> -> memref<640x128xf32, #tpu.memory_space<vmem_shared>>
      tpu.enqueue_dma source(%dma_start3A_36 : memref<640x128xf32, #tpu.memory_space<vmem_shared>>) target(%dma_start3A_34 : memref<640x128xf32, #tpu.memory_space<hbm>>) target_semaphore(%run_scoped3A : memref<!tpu.dma_semaphore, #tpu.memory_space<semaphore_mem>>)
      %dma_wait3A = tpu.memref_slice %arg6[%mul3A_30, %mul3A_32] : memref<10240x256xf32, #tpu.memory_space<hbm>> -> memref<640x128xf32, #tpu.memory_space<hbm>>
      %dma_wait3A_37 = arith.constant 0 : i32
      %dma_wait3A_38 = tpu.memref_slice %arg11[%mul3A_28, %dma_wait3A_37] : memref<10240x128xf32, #tpu.memory_space<vmem_shared>> -> memref<640x128xf32, #tpu.memory_space<vmem_shared>>
      tpu.wait_dma2 semaphore(%run_scoped3A : memref<!tpu.dma_semaphore, #tpu.memory_space<semaphore_mem>>) src(%dma_wait3A_38 : memref<640x128xf32, #tpu.memory_space<vmem_shared>>) dst(%dma_wait3A : memref<640x128xf32, #tpu.memory_space<hbm>>)
      tpu.yield
    }) : () -> ()
    %barrier3A_33 = arith.constant 0 : index
    tpu.barrier barrier_id(%barrier3A_33)
    return
  }
}

module attributes {stable_mosaic.version = 14 : i64} {
  func.func @_scale_rows_body(%arg0: i32, %arg1: memref<400x1xf32, #tpu.memory_space<vmem>>, %arg2: memref<400x1xf32, #tpu.memory_space<vmem>>, %arg3: memref<400x256xf32, #tpu.memory_space<vmem>>, %arg4: memref<400x256xf32, #tpu.memory_space<vmem>>, %arg5: memref<400x1xf32, #tpu.memory_space<vmem>>, %arg6: memref<400x1xf32, #tpu.memory_space<vmem>>) attributes {dimension_semantics = [#tpu.dimension_semantics<arbitrary>], iteration_bounds = array<i64: 25>, scalar_prefetch = 0 : i64, scratch_operands = 0 : i64, tpu.core_type = #tpu.core_type<tc>, window_params = [{transform_indices = @transform_0, window_bounds = array<i64: 400, 1>}, {transform_indices = @transform_1, window_bounds = array<i64: 400, 1>}, {transform_indices = @transform_2, window_bounds = array<i64: 400, 256>}, {transform_indices = @transform_3, window_bounds = array<i64: 400, 256>}, {transform_indices = @transform_4, window_bounds = array<i64: 400, 1>}, {transform_indices = @transform_5, window_bounds = array<i64: 400, 1>}]} {
    %get3A = arith.constant 0 : index
    %get3A_0 = arith.constant 0 : index
    %get3A_1 = vector.load %arg1[%get3A, %get3A_0] : memref<400x1xf32, #tpu.memory_space<vmem>>, vector<400x1xf32>
    %get3A_2 = arith.constant 0 : index
    %get3A_3 = arith.constant 0 : index
    %get3A_4 = vector.load %arg2[%get3A_2, %get3A_3] : memref<400x1xf32, #tpu.memory_space<vmem>>, vector<400x1xf32>
    %add3A = arith.addf %get3A_1, %get3A_4 : vector<400x1xf32>
    %add3A_5 = arith.constant 1.000000e+00 : f32
    %add3A_6 = vector.broadcast %add3A_5 : f32 to vector<400x1xf32>
    %add3A_7 = arith.addf %add3A, %add3A_6 : vector<400x1xf32>
    %rsqrt3A = math.rsqrt %add3A_7 : vector<400x1xf32>
    %swap3A = arith.constant 0 : index
    %swap3A_8 = arith.constant 0 : index
    %swap3A_9 = vector.load %arg5[%swap3A, %swap3A_8] : memref<400x1xf32, #tpu.memory_space<vmem>>, vector<400x1xf32>
    tpu.vector_store %arg5[%swap3A, %swap3A_8], %rsqrt3A {strides = array<i32>} : memref<400x1xf32, #tpu.memory_space<vmem>>, vector<400x1xf32>,
    %mul3A = arith.mulf %rsqrt3A, %rsqrt3A : vector<400x1xf32>
    %swap3A_10 = arith.constant 0 : index
    %swap3A_11 = arith.constant 0 : index
    %swap3A_12 = vector.load %arg6[%swap3A_10, %swap3A_11] : memref<400x1xf32, #tpu.memory_space<vmem>>, vector<400x1xf32>
    tpu.vector_store %arg6[%swap3A_10, %swap3A_11], %mul3A {strides = array<i32>} : memref<400x1xf32, #tpu.memory_space<vmem>>, vector<400x1xf32>,
    %get3A_13 = arith.constant 0 : index
    %get3A_14 = arith.constant 0 : index
    %get3A_15 = vector.load %arg3[%get3A_13, %get3A_14] : memref<400x256xf32, #tpu.memory_space<vmem>>, vector<400x256xf32>
    %mul3A_16 = vector.broadcast %rsqrt3A : vector<400x1xf32> to vector<400x256xf32>
    %mul3A_17 = arith.mulf %get3A_15, %mul3A_16 : vector<400x256xf32>
    %swap3A_18 = arith.constant 0 : index
    %swap3A_19 = arith.constant 0 : index
    %swap3A_20 = vector.load %arg4[%swap3A_18, %swap3A_19] : memref<400x256xf32, #tpu.memory_space<vmem>>, vector<400x256xf32>
    tpu.vector_store %arg4[%swap3A_18, %swap3A_19], %mul3A_17 {strides = array<i32>} : memref<400x256xf32, #tpu.memory_space<vmem>>, vector<400x256xf32>,
    return
  }
  func.func @transform_0(%arg0: i32) -> (i32, i32) {
    %c0_i32 = arith.constant 0 : i32
    %c0_i32_0 = arith.constant 0 : i32
    return %arg0, %c0_i32 : i32, i32
  }
  func.func @transform_1(%arg0: i32) -> (i32, i32) {
    %c0_i32 = arith.constant 0 : i32
    %c0_i32_0 = arith.constant 0 : i32
    return %arg0, %c0_i32 : i32, i32
  }
  func.func @transform_2(%arg0: i32) -> (i32, i32) {
    %c0_i32 = arith.constant 0 : i32
    %c0_i32_0 = arith.constant 0 : i32
    return %arg0, %c0_i32 : i32, i32
  }
  func.func @transform_3(%arg0: i32) -> (i32, i32) {
    %c0_i32 = arith.constant 0 : i32
    %c0_i32_0 = arith.constant 0 : i32
    return %arg0, %c0_i32 : i32, i32
  }
  func.func @transform_4(%arg0: i32) -> (i32, i32) {
    %c0_i32 = arith.constant 0 : i32
    %c0_i32_0 = arith.constant 0 : i32
    return %arg0, %c0_i32 : i32, i32
  }
  func.func @transform_5(%arg0: i32) -> (i32, i32) {
    %c0_i32 = arith.constant 0 : i32
    %c0_i32_0 = arith.constant 0 : i32
    return %arg0, %c0_i32 : i32, i32
  }
}

module attributes {stable_mosaic.version = 14 : i64} {
  func.func @_mm_body(%arg0: i32, %arg1: memref<400x256xf32, #tpu.memory_space<vmem>>, %arg2: memref<400x1xf32, #tpu.memory_space<vmem>>, %arg3: memref<400x256xf32, #tpu.memory_space<vmem>>, %arg4: memref<400x1xf32, #tpu.memory_space<vmem>>, %arg5: memref<400x1xf32, #tpu.memory_space<vmem>>, %arg6: memref<256x1024xf32, #tpu.memory_space<vmem>>, %arg7: memref<1x1024xf32, #tpu.memory_space<vmem>>, %arg8: memref<400x1024xf32, #tpu.memory_space<vmem>>, %arg9: memref<8x1024xf32, #tpu.memory_space<vmem>>) attributes {dimension_semantics = [#tpu.dimension_semantics<arbitrary>], iteration_bounds = array<i64: 25>, scalar_prefetch = 0 : i64, scratch_operands = 0 : i64, tpu.core_type = #tpu.core_type<tc>, window_params = [{transform_indices = @transform_0, window_bounds = array<i64: 400, 256>}, {transform_indices = @transform_1, window_bounds = array<i64: 400, 1>}, {transform_indices = @transform_2, window_bounds = array<i64: 400, 256>}, {transform_indices = @transform_3, window_bounds = array<i64: 400, 1>}, {transform_indices = @transform_4, window_bounds = array<i64: 400, 1>}, {pipeline_mode = #tpu.pipeline_mode<synchronous>, transform_indices = @transform_5, window_bounds = array<i64: 256, 1024>}, {pipeline_mode = #tpu.pipeline_mode<synchronous>, transform_indices = @transform_6, window_bounds = array<i64: 1, 1024>}, {transform_indices = @transform_7, window_bounds = array<i64: 400, 1024>}, {pipeline_mode = #tpu.pipeline_mode<synchronous>, transform_indices = @transform_8, window_bounds = array<i64: 8, 1024>}]} {
    %get3A = arith.constant 0 : index
    %get3A_0 = arith.constant 0 : index
    %get3A_1 = vector.load %arg5[%get3A, %get3A_0] : memref<400x1xf32, #tpu.memory_space<vmem>>, vector<400x1xf32>
    %get3A_2 = arith.constant 0 : index
    %get3A_3 = arith.constant 0 : index
    %get3A_4 = vector.load %arg1[%get3A_2, %get3A_3] : memref<400x256xf32, #tpu.memory_space<vmem>>, vector<400x256xf32>
    %get3A_5 = arith.constant 0 : index
    %get3A_6 = arith.constant 0 : index
    %get3A_7 = vector.load %arg2[%get3A_5, %get3A_6] : memref<400x1xf32, #tpu.memory_space<vmem>>, vector<400x1xf32>
    %mul3A = vector.broadcast %get3A_7 : vector<400x1xf32> to vector<400x256xf32>
    %mul3A_8 = arith.mulf %get3A_4, %mul3A : vector<400x256xf32>
    %get3A_9 = arith.constant 0 : index
    %get3A_10 = arith.constant 0 : index
    %get3A_11 = vector.load %arg3[%get3A_9, %get3A_10] : memref<400x256xf32, #tpu.memory_space<vmem>>, vector<400x256xf32>
    %get3A_12 = arith.constant 0 : index
    %get3A_13 = arith.constant 0 : index
    %get3A_14 = vector.load %arg4[%get3A_12, %get3A_13] : memref<400x1xf32, #tpu.memory_space<vmem>>, vector<400x1xf32>
    %mul3A_15 = vector.broadcast %get3A_14 : vector<400x1xf32> to vector<400x256xf32>
    %mul3A_16 = arith.mulf %get3A_11, %mul3A_15 : vector<400x256xf32>
    %add3A = arith.addf %mul3A_8, %mul3A_16 : vector<400x256xf32>
    %mul3A_17 = vector.broadcast %get3A_1 : vector<400x1xf32> to vector<400x256xf32>
    %mul3A_18 = arith.mulf %add3A, %mul3A_17 : vector<400x256xf32>
    %get3A_19 = arith.constant 0 : index
    %get3A_20 = arith.constant 0 : index
    %get3A_21 = vector.load %arg6[%get3A_19, %get3A_20] : memref<256x1024xf32, #tpu.memory_space<vmem>>, vector<256x1024xf32>
    %dot_general3A = arith.constant dense<0.000000e+00> : vector<400x1024xf32>
    %dot_general3A_22 = tpu.matmul %mul3A_18, %get3A_21, %dot_general3A {dimension_numbers = #tpu.dot_dimension_numbers<[1], [0], [0], [1], [0, 0, 1, 1], [], []>, precision = #tpu.contract_precision<fp32>, transpose_lhs_hint = false} : vector<400x256xf32>, vector<256x1024xf32>, vector<400x1024xf32> -> vector<400x1024xf32>
    %get3A_23 = arith.constant 0 : index
    %get3A_24 = arith.constant 0 : index
    %get3A_25 = vector.load %arg7[%get3A_23, %get3A_24] : memref<1x1024xf32, #tpu.memory_space<vmem>>, vector<1x1024xf32>
    %add3A_26 = vector.broadcast %get3A_25 : vector<1x1024xf32> to vector<400x1024xf32>
    %add3A_27 = arith.addf %dot_general3A_22, %add3A_26 : vector<400x1024xf32>
    %swap3A = arith.constant 0 : index
    %swap3A_28 = arith.constant 0 : index
    %swap3A_29 = vector.load %arg8[%swap3A, %swap3A_28] : memref<400x1024xf32, #tpu.memory_space<vmem>>, vector<400x1024xf32>
    tpu.vector_store %arg8[%swap3A, %swap3A_28], %add3A_27 {strides = array<i32>} : memref<400x1024xf32, #tpu.memory_space<vmem>>, vector<400x1024xf32>,
    %mul3A_30 = vector.broadcast %get3A_1 : vector<400x1xf32> to vector<400x1024xf32>
    %mul3A_31 = arith.mulf %add3A_27, %mul3A_30 : vector<400x1024xf32>
    %eq3A = arith.constant 0 : i32
    %eq3A_32 = arith.cmpi eq, %arg0, %eq3A : i32
    %convert_element_type3A = arith.extui %eq3A_32 : i1 to i32
    %cond3A = arith.constant 0 : i32
    %cond3A_33 = arith.cmpi ne, %convert_element_type3A, %cond3A : i32
    scf.if %cond3A_33 {
      %broadcast_in_dim3A_42 = arith.constant 0.000000e+00 : f32
      %broadcast_in_dim3A_43 = vector.broadcast %broadcast_in_dim3A_42 : f32 to vector<8x1024xf32>
      %swap3A_44 = arith.constant 0 : index
      %swap3A_45 = arith.constant 0 : index
      %swap3A_46 = vector.load %arg9[%swap3A_44, %swap3A_45] : memref<8x1024xf32, #tpu.memory_space<vmem>>, vector<8x1024xf32>
      tpu.vector_store %arg9[%swap3A_44, %swap3A_45], %broadcast_in_dim3A_43 {strides = array<i32>} : memref<8x1024xf32, #tpu.memory_space<vmem>>, vector<8x1024xf32>,
    } else {
    }
    %get3A_34 = arith.constant 0 : index
    %get3A_35 = arith.constant 0 : index
    %get3A_36 = vector.load %arg9[%get3A_34, %get3A_35] : memref<8x1024xf32, #tpu.memory_space<vmem>>, vector<1x1024xf32>
    %reduce_sum3A = arith.constant dense<0.000000e+00> : vector<1024xf32>
    %reduce_sum3A_37 = vector.multi_reduction <add>, %mul3A_31, %reduce_sum3A [0] : vector<400x1024xf32> to vector<1024xf32>
    %broadcast_in_dim3A = vector.shape_cast %reduce_sum3A_37 : vector<1024xf32> to vector<1x1024xf32>
    %add3A_38 = arith.addf %get3A_36, %broadcast_in_dim3A : vector<1x1024xf32>
    %swap3A_39 = arith.constant 0 : index
    %swap3A_40 = arith.constant 0 : index
    %swap3A_41 = vector.load %arg9[%swap3A_39, %swap3A_40] : memref<8x1024xf32, #tpu.memory_space<vmem>>, vector<1x1024xf32>
    tpu.vector_store %arg9[%swap3A_39, %swap3A_40], %add3A_38 {strides = array<i32>} : memref<8x1024xf32, #tpu.memory_space<vmem>>, vector<1x1024xf32>,
    return
  }
  func.func @transform_0(%arg0: i32) -> (i32, i32) {
    %c0_i32 = arith.constant 0 : i32
    %c0_i32_0 = arith.constant 0 : i32
    return %arg0, %c0_i32 : i32, i32
  }
  func.func @transform_1(%arg0: i32) -> (i32, i32) {
    %c0_i32 = arith.constant 0 : i32
    %c0_i32_0 = arith.constant 0 : i32
    return %arg0, %c0_i32 : i32, i32
  }
  func.func @transform_2(%arg0: i32) -> (i32, i32) {
    %c0_i32 = arith.constant 0 : i32
    %c0_i32_0 = arith.constant 0 : i32
    return %arg0, %c0_i32 : i32, i32
  }
  func.func @transform_3(%arg0: i32) -> (i32, i32) {
    %c0_i32 = arith.constant 0 : i32
    %c0_i32_0 = arith.constant 0 : i32
    return %arg0, %c0_i32 : i32, i32
  }
  func.func @transform_4(%arg0: i32) -> (i32, i32) {
    %c0_i32 = arith.constant 0 : i32
    %c0_i32_0 = arith.constant 0 : i32
    return %arg0, %c0_i32 : i32, i32
  }
  func.func @transform_5(%arg0: i32) -> (i32, i32) {
    %c0_i32 = arith.constant 0 : i32
    %c0_i32_0 = arith.constant 0 : i32
    %c0_i32_1 = arith.constant 0 : i32
    return %c0_i32, %c0_i32_0 : i32, i32
  }
  func.func @transform_6(%arg0: i32) -> (i32, i32) {
    %c0_i32 = arith.constant 0 : i32
    %c0_i32_0 = arith.constant 0 : i32
    %c0_i32_1 = arith.constant 0 : i32
    return %c0_i32, %c0_i32_0 : i32, i32
  }
  func.func @transform_7(%arg0: i32) -> (i32, i32) {
    %c0_i32 = arith.constant 0 : i32
    %c0_i32_0 = arith.constant 0 : i32
    return %arg0, %c0_i32 : i32, i32
  }
  func.func @transform_8(%arg0: i32) -> (i32, i32) {
    %c0_i32 = arith.constant 0 : i32
    %c0_i32_0 = arith.constant 0 : i32
    %c0_i32_1 = arith.constant 0 : i32
    return %c0_i32, %c0_i32_0 : i32, i32
  }
}

module attributes {stable_mosaic.version = 14 : i64} {
  func.func @_bns_body(%arg0: i32, %arg1: i32, %arg2: memref<400x1024xf32, #tpu.memory_space<vmem>>, %arg3: memref<8x1024xf32, #tpu.memory_space<vmem>>, %arg4: memref<1x1024xf32, #tpu.memory_space<vmem>>, %arg5: memref<1x1024xf32, #tpu.memory_space<vmem>>, %arg6: memref<1x1024xf32, #tpu.memory_space<vmem>>, %arg7: memref<400x1xf32, #tpu.memory_space<vmem>>, %arg8: memref<400x1024xf32, #tpu.memory_space<vmem>>, %arg9: memref<400x1xf32, #tpu.memory_space<vmem>>, %arg10: memref<8x1024xf32, #tpu.memory_space<vmem>>) attributes {dimension_semantics = [#tpu.dimension_semantics<arbitrary>, #tpu.dimension_semantics<arbitrary>], iteration_bounds = array<i64: 2, 25>, scalar_prefetch = 0 : i64, scratch_operands = 1 : i64, tpu.core_type = #tpu.core_type<tc>, window_params = [{transform_indices = @transform_0, window_bounds = array<i64: 400, 1024>}, {pipeline_mode = #tpu.pipeline_mode<synchronous>, transform_indices = @transform_1, window_bounds = array<i64: 8, 1024>}, {pipeline_mode = #tpu.pipeline_mode<synchronous>, transform_indices = @transform_2, window_bounds = array<i64: 1, 1024>}, {pipeline_mode = #tpu.pipeline_mode<synchronous>, transform_indices = @transform_3, window_bounds = array<i64: 1, 1024>}, {pipeline_mode = #tpu.pipeline_mode<synchronous>, transform_indices = @transform_4, window_bounds = array<i64: 1, 1024>}, {transform_indices = @transform_5, window_bounds = array<i64: 400, 1>}, {transform_indices = @transform_6, window_bounds = array<i64: 400, 1024>}, {transform_indices = @transform_7, window_bounds = array<i64: 400, 1>}]} {
    %get3A = arith.constant 0 : index
    %get3A_0 = arith.constant 0 : index
    %get3A_1 = vector.load %arg3[%get3A, %get3A_0] : memref<8x1024xf32, #tpu.memory_space<vmem>>, vector<1x1024xf32>
    %mul3A = arith.constant 9.99999974E-5 : f32
    %mul3A_2 = vector.broadcast %mul3A : f32 to vector<1x1024xf32>
    %mul3A_3 = arith.mulf %get3A_1, %mul3A_2 : vector<1x1024xf32>
    %eq3A = arith.constant 0 : i32
    %eq3A_4 = arith.cmpi eq, %arg0, %eq3A : i32
    %eq3A_5 = arith.constant 0 : i32
    %eq3A_6 = arith.cmpi eq, %arg1, %eq3A_5 : i32
    %and3A = arith.andi %eq3A_4, %eq3A_6 : i1
    %convert_element_type3A = arith.extui %and3A : i1 to i32
    %cond3A = arith.constant 0 : i32
    %cond3A_7 = arith.cmpi ne, %convert_element_type3A, %cond3A : i32
    scf.if %cond3A_7 {
      %broadcast_in_dim3A = arith.constant 0.000000e+00 : f32
      %broadcast_in_dim3A_18 = vector.broadcast %broadcast_in_dim3A : f32 to vector<8x1024xf32>
      %swap3A = arith.constant 0 : index
      %swap3A_19 = arith.constant 0 : index
      %swap3A_20 = vector.load %arg10[%swap3A, %swap3A_19] : memref<8x1024xf32, #tpu.memory_space<vmem>>, vector<8x1024xf32>
      tpu.vector_store %arg10[%swap3A, %swap3A_19], %broadcast_in_dim3A_18 {strides = array<i32>} : memref<8x1024xf32, #tpu.memory_space<vmem>>, vector<8x1024xf32>,
    } else {
    }
    %eq3A_8 = arith.constant 0 : i32
    %eq3A_9 = arith.cmpi eq, %arg0, %eq3A_8 : i32
    %convert_element_type3A_10 = arith.extui %eq3A_9 : i1 to i32
    %cond3A_11 = arith.constant 0 : i32
    %cond3A_12 = arith.cmpi ne, %convert_element_type3A_10, %cond3A_11 : i32
    scf.if %cond3A_12 {
      %get3A_18 = arith.constant 0 : index
      %get3A_19 = arith.constant 0 : index
      %get3A_20 = vector.load %arg2[%get3A_18, %get3A_19] : memref<400x1024xf32, #tpu.memory_space<vmem>>, vector<400x1024xf32>
      %sub3A = vector.broadcast %mul3A_3 : vector<1x1024xf32> to vector<400x1024xf32>
      %sub3A_21 = arith.subf %get3A_20, %sub3A : vector<400x1024xf32>
      %get3A_22 = arith.constant 0 : index
      %get3A_23 = arith.constant 0 : index
      %get3A_24 = vector.load %arg7[%get3A_22, %get3A_23] : memref<400x1xf32, #tpu.memory_space<vmem>>, vector<400x1xf32>
      %mul3A_25 = vector.broadcast %get3A_24 : vector<400x1xf32> to vector<400x1024xf32>
      %mul3A_26 = arith.mulf %sub3A_21, %mul3A_25 : vector<400x1024xf32>
      %get3A_27 = arith.constant 0 : index
      %get3A_28 = arith.constant 0 : index
      %get3A_29 = vector.load %arg10[%get3A_27, %get3A_28] : memref<8x1024xf32, #tpu.memory_space<vmem>>, vector<1x1024xf32>
      %mul3A_30 = arith.mulf %mul3A_26, %mul3A_26 : vector<400x1024xf32>
      %reduce_sum3A = arith.constant dense<0.000000e+00> : vector<1024xf32>
      %reduce_sum3A_31 = vector.multi_reduction <add>, %mul3A_30, %reduce_sum3A [0] : vector<400x1024xf32> to vector<1024xf32>
      %broadcast_in_dim3A = vector.shape_cast %reduce_sum3A_31 : vector<1024xf32> to vector<1x1024xf32>
      %add3A = arith.addf %get3A_29, %broadcast_in_dim3A : vector<1x1024xf32>
      %swap3A = arith.constant 0 : index
      %swap3A_32 = arith.constant 0 : index
      %swap3A_33 = vector.load %arg10[%swap3A, %swap3A_32] : memref<8x1024xf32, #tpu.memory_space<vmem>>, vector<1x1024xf32>
      tpu.vector_store %arg10[%swap3A, %swap3A_32], %add3A {strides = array<i32>} : memref<8x1024xf32, #tpu.memory_space<vmem>>, vector<1x1024xf32>,
    } else {
    }
    %eq3A_13 = arith.constant 1 : i32
    %eq3A_14 = arith.cmpi eq, %arg0, %eq3A_13 : i32
    %convert_element_type3A_15 = arith.extui %eq3A_14 : i1 to i32
    %cond3A_16 = arith.constant 0 : i32
    %cond3A_17 = arith.cmpi ne, %convert_element_type3A_15, %cond3A_16 : i32
    scf.if %cond3A_17 {
      %get3A_18 = arith.constant 0 : index
      %get3A_19 = arith.constant 0 : index
      %get3A_20 = vector.load %arg10[%get3A_18, %get3A_19] : memref<8x1024xf32, #tpu.memory_space<vmem>>, vector<1x1024xf32>
      %mul3A_21 = arith.constant 9.99999974E-5 : f32
      %mul3A_22 = vector.broadcast %mul3A_21 : f32 to vector<1x1024xf32>
      %mul3A_23 = arith.mulf %get3A_20, %mul3A_22 : vector<1x1024xf32>
      %add3A = arith.constant 9.99999974E-6 : f32
      %add3A_24 = vector.broadcast %add3A : f32 to vector<1x1024xf32>
      %add3A_25 = arith.addf %mul3A_23, %add3A_24 : vector<1x1024xf32>
      %rsqrt3A = math.rsqrt %add3A_25 : vector<1x1024xf32>
      %get3A_26 = arith.constant 0 : index
      %get3A_27 = arith.constant 0 : index
      %get3A_28 = vector.load %arg2[%get3A_26, %get3A_27] : memref<400x1024xf32, #tpu.memory_space<vmem>>, vector<400x1024xf32>
      %sub3A = vector.broadcast %mul3A_3 : vector<1x1024xf32> to vector<400x1024xf32>
      %sub3A_29 = arith.subf %get3A_28, %sub3A : vector<400x1024xf32>
      %mul3A_30 = vector.broadcast %rsqrt3A : vector<1x1024xf32> to vector<400x1024xf32>
      %mul3A_31 = arith.mulf %sub3A_29, %mul3A_30 : vector<400x1024xf32>
      %get3A_32 = arith.constant 0 : index
      %get3A_33 = arith.constant 0 : index
      %get3A_34 = vector.load %arg4[%get3A_32, %get3A_33] : memref<1x1024xf32, #tpu.memory_space<vmem>>, vector<1x1024xf32>
      %mul3A_35 = vector.broadcast %get3A_34 : vector<1x1024xf32> to vector<400x1024xf32>
      %mul3A_36 = arith.mulf %mul3A_31, %mul3A_35 : vector<400x1024xf32>
      %get3A_37 = arith.constant 0 : index
      %get3A_38 = arith.constant 0 : index
      %get3A_39 = vector.load %arg5[%get3A_37, %get3A_38] : memref<1x1024xf32, #tpu.memory_space<vmem>>, vector<1x1024xf32>
      %add3A_40 = vector.broadcast %get3A_39 : vector<1x1024xf32> to vector<400x1024xf32>
      %add3A_41 = arith.addf %mul3A_36, %add3A_40 : vector<400x1024xf32>
      %max3A = arith.constant 0.000000e+00 : f32
      %max3A_42 = vector.broadcast %max3A : f32 to vector<400x1024xf32>
      %max3A_43 = arith.maximumf %add3A_41, %max3A_42 : vector<400x1024xf32>
      %swap3A = arith.constant 0 : index
      %swap3A_44 = arith.constant 0 : index
      %swap3A_45 = vector.load %arg8[%swap3A, %swap3A_44] : memref<400x1024xf32, #tpu.memory_space<vmem>>, vector<400x1024xf32>
      tpu.vector_store %arg8[%swap3A, %swap3A_44], %max3A_43 {strides = array<i32>} : memref<400x1024xf32, #tpu.memory_space<vmem>>, vector<400x1024xf32>,
      %get3A_46 = arith.constant 0 : index
      %get3A_47 = arith.constant 0 : index
      %get3A_48 = vector.load %arg6[%get3A_46, %get3A_47] : memref<1x1024xf32, #tpu.memory_space<vmem>>, vector<1x1024xf32>
      %mul3A_49 = arith.mulf %get3A_48, %get3A_48 : vector<1x1024xf32>
      %reduce_sum3A = vector.shape_cast %mul3A_49 : vector<1x1024xf32> to vector<1x1x1024xf32>
      %reduce_sum3A_50 = arith.constant dense<0.000000e+00> : vector<1xf32>
      %reduce_sum3A_51 = vector.multi_reduction <add>, %reduce_sum3A, %reduce_sum3A_50 [1, 2] : vector<1x1x1024xf32> to vector<1xf32>
      %reduce_sum3A_52 = vector.shape_cast %reduce_sum3A_51 : vector<1xf32> to vector<1x1x1xf32>
      %reduce_sum3A_53 = vector.extract %reduce_sum3A_52[0, 0, 0] : f32 from vector<1x1x1xf32>
      %rsqrt3A_54 = math.rsqrt %reduce_sum3A_53 : f32
      %mul3A_55 = vector.broadcast %rsqrt3A_54 : f32 to vector<1x1024xf32>
      %mul3A_56 = arith.mulf %get3A_48, %mul3A_55 : vector<1x1024xf32>
      %reshape3A = vector.shape_cast %mul3A_56 : vector<1x1024xf32> to vector<1024x1xf32>
      %dot_general3A = arith.constant dense<0.000000e+00> : vector<400x1xf32>
      %dot_general3A_57 = tpu.matmul %max3A_43, %reshape3A, %dot_general3A {dimension_numbers = #tpu.dot_dimension_numbers<[1], [0], [0], [1], [0, 0, 1, 1], [], []>, precision = #tpu.contract_precision<fp32>, transpose_lhs_hint = false} : vector<400x1024xf32>, vector<1024x1xf32>, vector<400x1xf32> -> vector<400x1xf32>
      %swap3A_58 = arith.constant 0 : index
      %swap3A_59 = arith.constant 0 : index
      %swap3A_60 = vector.load %arg9[%swap3A_58, %swap3A_59] : memref<400x1xf32, #tpu.memory_space<vmem>>, vector<400x1xf32>
      tpu.vector_store %arg9[%swap3A_58, %swap3A_59], %dot_general3A_57 {strides = array<i32>} : memref<400x1xf32, #tpu.memory_space<vmem>>, vector<400x1xf32>,
    } else {
    }
    return
  }
  func.func @transform_0(%arg0: i32, %arg1: i32) -> (i32, i32) {
    %c0_i32 = arith.constant 0 : i32
    %c0_i32_0 = arith.constant 0 : i32
    return %arg1, %c0_i32 : i32, i32
  }
  func.func @transform_1(%arg0: i32, %arg1: i32) -> (i32, i32) {
    %c0_i32 = arith.constant 0 : i32
    %c0_i32_0 = arith.constant 0 : i32
    %c0_i32_1 = arith.constant 0 : i32
    return %c0_i32, %c0_i32_0 : i32, i32
  }
  func.func @transform_2(%arg0: i32, %arg1: i32) -> (i32, i32) {
    %c0_i32 = arith.constant 0 : i32
    %c0_i32_0 = arith.constant 0 : i32
    %c0_i32_1 = arith.constant 0 : i32
    return %c0_i32, %c0_i32_0 : i32, i32
  }
  func.func @transform_3(%arg0: i32, %arg1: i32) -> (i32, i32) {
    %c0_i32 = arith.constant 0 : i32
    %c0_i32_0 = arith.constant 0 : i32
    %c0_i32_1 = arith.constant 0 : i32
    return %c0_i32, %c0_i32_0 : i32, i32
  }
  func.func @transform_4(%arg0: i32, %arg1: i32) -> (i32, i32) {
    %c0_i32 = arith.constant 0 : i32
    %c0_i32_0 = arith.constant 0 : i32
    %c0_i32_1 = arith.constant 0 : i32
    return %c0_i32, %c0_i32_0 : i32, i32
  }
  func.func @transform_5(%arg0: i32, %arg1: i32) -> (i32, i32) {
    %c0_i32 = arith.constant 0 : i32
    %c0_i32_0 = arith.constant 0 : i32
    return %arg1, %c0_i32 : i32, i32
  }
  func.func @transform_6(%arg0: i32, %arg1: i32) -> (i32, i32) {
    %c0_i32 = arith.constant 0 : i32
    %c0_i32_0 = arith.constant 0 : i32
    return %arg1, %c0_i32 : i32, i32
  }
  func.func @transform_7(%arg0: i32, %arg1: i32) -> (i32, i32) {
    %c0_i32 = arith.constant 0 : i32
    %c0_i32_0 = arith.constant 0 : i32
    return %arg1, %c0_i32 : i32, i32
  }
}

module attributes {stable_mosaic.version = 14 : i64} {
  func.func @_topk_body(%arg0: memref<80x128xf32, #tpu.memory_space<vmem>>, %arg1: memref<80x128xf32, #tpu.memory_space<vmem>>, %arg2: memref<80x128xf32, #tpu.memory_space<vmem>>, %arg3: memref<80x128xf32, #tpu.memory_space<vmem>>) attributes {dimension_semantics = [], scalar_prefetch = 0 : i64, scratch_operands = 0 : i64, tpu.core_type = #tpu.core_type<tc>} {
    %get3A = arith.constant 0 : index
    %get3A_0 = arith.constant 0 : index
    %get3A_1 = vector.load %arg1[%get3A, %get3A_0] : memref<80x128xf32, #tpu.memory_space<vmem>>, vector<80x128xf32>
    %gt3A = arith.constant 0.000000e+00 : f32
    %gt3A_2 = vector.broadcast %gt3A : f32 to vector<80x128xf32>
    %gt3A_3 = arith.cmpf ogt, %get3A_1, %gt3A_2 : vector<80x128xf32>
    %get3A_4 = arith.constant 0 : index
    %get3A_5 = arith.constant 0 : index
    %get3A_6 = vector.load %arg0[%get3A_4, %get3A_5] : memref<80x128xf32, #tpu.memory_space<vmem>>, vector<80x128xf32>
    %jit3A = arith.constant 0xFF800000 : f32
    %broadcast_in_dim3A = vector.broadcast %jit3A : f32 to vector<80x128xf32>
    %select_n3A = arith.select %gt3A_3, %get3A_6, %broadcast_in_dim3A : vector<80x128xi1>, vector<80x128xf32>
    %bitcast_convert_type3A = tpu.bitcast %select_n3A : vector<80x128xf32> -> vector<80x128xi32>
    %lt3A = arith.constant 0 : i32
    %lt3A_7 = vector.broadcast %lt3A : i32 to vector<80x128xi32>
    %lt3A_8 = arith.cmpi slt, %bitcast_convert_type3A, %lt3A_7 : vector<80x128xi32>
    %not3A = arith.constant dense<-1> : vector<80x128xi32>
    %not3A_9 = arith.xori %bitcast_convert_type3A, %not3A : vector<80x128xi32>
    %xor3A = arith.constant -2147483648 : i32
    %xor3A_10 = vector.broadcast %xor3A : i32 to vector<80x128xi32>
    %xor3A_11 = arith.xori %bitcast_convert_type3A, %xor3A_10 : vector<80x128xi32>
    %select_n3A_12 = arith.select %lt3A_8, %not3A_9, %xor3A_11 : vector<80x128xi1>, vector<80x128xi32>
    %scan3A = arith.constant 0 : i32
    %scan3A_13 = arith.constant 0 : i32
    %scan3A_14 = arith.constant 32 : i32
    %scan3A_15 = arith.addi %scan3A_13, %scan3A_14 : i32
    %scan3A_16 = arith.constant 1 : i32
    %scan3A_17 = scf.for %scan3A_55 = %scan3A_13 to %scan3A_15 step %scan3A_16 iter_args(%scan3A_56 = %scan3A) -> (i32)  : i32 {
      %shift_right_logical3A = arith.constant -2147483648 : i32
      %shift_right_logical3A_57 = arith.shrui %shift_right_logical3A, %scan3A_55 : i32
      %or3A_58 = arith.ori %scan3A_56, %shift_right_logical3A_57 : i32
      %ge3A = vector.broadcast %or3A_58 : i32 to vector<80x128xi32>
      %ge3A_59 = arith.cmpi uge, %select_n3A_12, %ge3A : vector<80x128xi32>
      %convert_element_type3A_60 = arith.extui %ge3A_59 : vector<80x128xi1> to vector<80x128xi32>
      %convert_element_type3A_61 = arith.sitofp %convert_element_type3A_60 : vector<80x128xi32> to vector<80x128xf32>
      %reduce_sum3A_62 = vector.shape_cast %convert_element_type3A_61 : vector<80x128xf32> to vector<1x80x128xf32>
      %reduce_sum3A_63 = arith.constant dense<0.000000e+00> : vector<1xf32>
      %reduce_sum3A_64 = vector.multi_reduction <add>, %reduce_sum3A_62, %reduce_sum3A_63 [1, 2] : vector<1x80x128xf32> to vector<1xf32>
      %reduce_sum3A_65 = vector.shape_cast %reduce_sum3A_64 : vector<1xf32> to vector<1x1x1xf32>
      %reduce_sum3A_66 = vector.extract %reduce_sum3A_65[0, 0, 0] : f32 from vector<1x1x1xf32>
      %ge3A_67 = arith.constant 5.000000e+03 : f32
      %ge3A_68 = arith.cmpf oge, %reduce_sum3A_66, %ge3A_67 : f32
      %select_n3A_69 = arith.select %ge3A_68, %or3A_58, %scan3A_56 : i32
      scf.yield %select_n3A_69 : i32
    }
    %scan3A_18 = arith.constant 32 : i32
    %gt3A_19 = vector.broadcast %scan3A_17 : i32 to vector<80x128xi32>
    %gt3A_20 = arith.cmpi ugt, %select_n3A_12, %gt3A_19 : vector<80x128xi32>
    %eq3A = vector.broadcast %scan3A_17 : i32 to vector<80x128xi32>
    %eq3A_21 = arith.cmpi eq, %select_n3A_12, %eq3A : vector<80x128xi32>
    %convert_element_type3A = arith.extui %gt3A_20 : vector<80x128xi1> to vector<80x128xi32>
    %convert_element_type3A_22 = arith.sitofp %convert_element_type3A : vector<80x128xi32> to vector<80x128xf32>
    %reduce_sum3A = vector.shape_cast %convert_element_type3A_22 : vector<80x128xf32> to vector<1x80x128xf32>
    %reduce_sum3A_23 = arith.constant dense<0.000000e+00> : vector<1xf32>
    %reduce_sum3A_24 = vector.multi_reduction <add>, %reduce_sum3A, %reduce_sum3A_23 [1, 2] : vector<1x80x128xf32> to vector<1xf32>
    %reduce_sum3A_25 = vector.shape_cast %reduce_sum3A_24 : vector<1xf32> to vector<1x1x1xf32>
    %reduce_sum3A_26 = vector.extract %reduce_sum3A_25[0, 0, 0] : f32 from vector<1x1x1xf32>
    %sub3A = arith.constant 5.000000e+03 : f32
    %sub3A_27 = arith.subf %sub3A, %reduce_sum3A_26 : f32
    %convert_element_type3A_28 = arith.extui %eq3A_21 : vector<80x128xi1> to vector<80x128xi32>
    %convert_element_type3A_29 = arith.sitofp %convert_element_type3A_28 : vector<80x128xi32> to vector<80x128xf32>
    %iota3A = tpu.iota {dimensions = array<i32: 0>} : vector<128x128xi32>
    %iota3A_30 = tpu.iota {dimensions = array<i32: 1>} : vector<128x128xi32>
    %lt3A_31 = arith.cmpi slt, %iota3A, %iota3A_30 : vector<128x128xi32>
    %convert_element_type3A_32 = arith.extui %lt3A_31 : vector<128x128xi1> to vector<128x128xi32>
    %convert_element_type3A_33 = arith.sitofp %convert_element_type3A_32 : vector<128x128xi32> to vector<128x128xf32>
    %iota3A_34 = tpu.iota {dimensions = array<i32: 0>} : vector<80x80xi32>
    %iota3A_35 = tpu.iota {dimensions = array<i32: 1>} : vector<80x80xi32>
    %lt3A_36 = arith.cmpi slt, %iota3A_35, %iota3A_34 : vector<80x80xi32>
    %convert_element_type3A_37 = arith.extui %lt3A_36 : vector<80x80xi1> to vector<80x80xi32>
    %convert_element_type3A_38 = arith.sitofp %convert_element_type3A_37 : vector<80x80xi32> to vector<80x80xf32>
    %dot_general3A = arith.constant dense<0.000000e+00> : vector<80x128xf32>
    %dot_general3A_39 = tpu.matmul %convert_element_type3A_29, %convert_element_type3A_33, %dot_general3A {dimension_numbers = #tpu.dot_dimension_numbers<[1], [0], [0], [1], [0, 0, 1, 1], [], []>, transpose_lhs_hint = false} : vector<80x128xf32>, vector<128x128xf32>, vector<80x128xf32> -> vector<80x128xf32>
    %reduce_sum3A_40 = arith.constant dense<0.000000e+00> : vector<80xf32>
    %reduce_sum3A_41 = vector.multi_reduction <add>, %convert_element_type3A_29, %reduce_sum3A_40 [1] : vector<80x128xf32> to vector<80xf32>
    %broadcast_in_dim3A_42 = vector.shape_cast %reduce_sum3A_41 : vector<80xf32> to vector<80x1xf32>
    %dot_general3A_43 = arith.constant dense<0.000000e+00> : vector<80x1xf32>
    %dot_general3A_44 = tpu.matmul %convert_element_type3A_38, %broadcast_in_dim3A_42, %dot_general3A_43 {dimension_numbers = #tpu.dot_dimension_numbers<[1], [0], [0], [1], [0, 0, 1, 1], [], []>, transpose_lhs_hint = false} : vector<80x80xf32>, vector<80x1xf32>, vector<80x1xf32> -> vector<80x1xf32>
    %add3A = vector.broadcast %dot_general3A_44 : vector<80x1xf32> to vector<80x128xf32>
    %add3A_45 = arith.addf %add3A, %dot_general3A_39 : vector<80x128xf32>
    %lt3A_46 = vector.broadcast %sub3A_27 : f32 to vector<80x128xf32>
    %lt3A_47 = arith.cmpf olt, %add3A_45, %lt3A_46 : vector<80x128xf32>
    %and3A = arith.andi %eq3A_21, %lt3A_47 : vector<80x128xi1>
    %or3A = arith.ori %gt3A_20, %and3A : vector<80x128xi1>
    %convert_element_type3A_48 = arith.extui %or3A : vector<80x128xi1> to vector<80x128xi32>
    %convert_element_type3A_49 = arith.sitofp %convert_element_type3A_48 : vector<80x128xi32> to vector<80x128xf32>
    %swap3A = arith.constant 0 : index
    %swap3A_50 = arith.constant 0 : index
    %swap3A_51 = vector.load %arg2[%swap3A, %swap3A_50] : memref<80x128xf32, #tpu.memory_space<vmem>>, vector<80x128xf32>
    tpu.vector_store %arg2[%swap3A, %swap3A_50], %convert_element_type3A_49 {strides = array<i32>} : memref<80x128xf32, #tpu.memory_space<vmem>>, vector<80x128xf32>,
    %tanh3A = math.tanh %select_n3A : vector<80x128xf32>
    %mul3A = arith.mulf %convert_element_type3A_49, %tanh3A : vector<80x128xf32>
    %swap3A_52 = arith.constant 0 : index
    %swap3A_53 = arith.constant 0 : index
    %swap3A_54 = vector.load %arg3[%swap3A_52, %swap3A_53] : memref<80x128xf32, #tpu.memory_space<vmem>>, vector<80x128xf32>
    tpu.vector_store %arg3[%swap3A_52, %swap3A_53], %mul3A {strides = array<i32>} : memref<80x128xf32, #tpu.memory_space<vmem>>, vector<80x128xf32>,
    return
  }
}

module attributes {stable_mosaic.version = 14 : i64} {
  func.func @_colsum_body(%arg0: i32, %arg1: memref<400x1024xf32, #tpu.memory_space<vmem>>, %arg2: memref<400x1xf32, #tpu.memory_space<vmem>>, %arg3: memref<400x1024xf32, #tpu.memory_space<vmem>>, %arg4: memref<8x1024xf32, #tpu.memory_space<vmem>>) attributes {dimension_semantics = [#tpu.dimension_semantics<arbitrary>], iteration_bounds = array<i64: 25>, scalar_prefetch = 0 : i64, scratch_operands = 0 : i64, tpu.core_type = #tpu.core_type<tc>, window_params = [{transform_indices = @transform_0, window_bounds = array<i64: 400, 1024>}, {transform_indices = @transform_1, window_bounds = array<i64: 400, 1>}, {transform_indices = @transform_2, window_bounds = array<i64: 400, 1024>}, {pipeline_mode = #tpu.pipeline_mode<synchronous>, transform_indices = @transform_3, window_bounds = array<i64: 8, 1024>}]} {
    %get3A = arith.constant 0 : index
    %get3A_0 = arith.constant 0 : index
    %get3A_1 = vector.load %arg1[%get3A, %get3A_0] : memref<400x1024xf32, #tpu.memory_space<vmem>>, vector<400x1024xf32>
    %get3A_2 = arith.constant 0 : index
    %get3A_3 = arith.constant 0 : index
    %get3A_4 = vector.load %arg2[%get3A_2, %get3A_3] : memref<400x1xf32, #tpu.memory_space<vmem>>, vector<400x1xf32>
    %mul3A = vector.broadcast %get3A_4 : vector<400x1xf32> to vector<400x1024xf32>
    %mul3A_5 = arith.mulf %get3A_1, %mul3A : vector<400x1024xf32>
    %swap3A = arith.constant 0 : index
    %swap3A_6 = arith.constant 0 : index
    %swap3A_7 = vector.load %arg3[%swap3A, %swap3A_6] : memref<400x1024xf32, #tpu.memory_space<vmem>>, vector<400x1024xf32>
    tpu.vector_store %arg3[%swap3A, %swap3A_6], %mul3A_5 {strides = array<i32>} : memref<400x1024xf32, #tpu.memory_space<vmem>>, vector<400x1024xf32>,
    %eq3A = arith.constant 0 : i32
    %eq3A_8 = arith.cmpi eq, %arg0, %eq3A : i32
    %convert_element_type3A = arith.extui %eq3A_8 : i1 to i32
    %cond3A = arith.constant 0 : i32
    %cond3A_9 = arith.cmpi ne, %convert_element_type3A, %cond3A : i32
    scf.if %cond3A_9 {
      %broadcast_in_dim3A_17 = arith.constant 0.000000e+00 : f32
      %broadcast_in_dim3A_18 = vector.broadcast %broadcast_in_dim3A_17 : f32 to vector<8x1024xf32>
      %swap3A_19 = arith.constant 0 : index
      %swap3A_20 = arith.constant 0 : index
      %swap3A_21 = vector.load %arg4[%swap3A_19, %swap3A_20] : memref<8x1024xf32, #tpu.memory_space<vmem>>, vector<8x1024xf32>
      tpu.vector_store %arg4[%swap3A_19, %swap3A_20], %broadcast_in_dim3A_18 {strides = array<i32>} : memref<8x1024xf32, #tpu.memory_space<vmem>>, vector<8x1024xf32>,
    } else {
    }
    %get3A_10 = arith.constant 0 : index
    %get3A_11 = arith.constant 0 : index
    %get3A_12 = vector.load %arg4[%get3A_10, %get3A_11] : memref<8x1024xf32, #tpu.memory_space<vmem>>, vector<1x1024xf32>
    %reduce_sum3A = arith.constant dense<0.000000e+00> : vector<1024xf32>
    %reduce_sum3A_13 = vector.multi_reduction <add>, %mul3A_5, %reduce_sum3A [0] : vector<400x1024xf32> to vector<1024xf32>
    %broadcast_in_dim3A = vector.shape_cast %reduce_sum3A_13 : vector<1024xf32> to vector<1x1024xf32>
    %add3A = arith.addf %get3A_12, %broadcast_in_dim3A : vector<1x1024xf32>
    %swap3A_14 = arith.constant 0 : index
    %swap3A_15 = arith.constant 0 : index
    %swap3A_16 = vector.load %arg4[%swap3A_14, %swap3A_15] : memref<8x1024xf32, #tpu.memory_space<vmem>>, vector<1x1024xf32>
    tpu.vector_store %arg4[%swap3A_14, %swap3A_15], %add3A {strides = array<i32>} : memref<8x1024xf32, #tpu.memory_space<vmem>>, vector<1x1024xf32>,
    return
  }
  func.func @transform_0(%arg0: i32) -> (i32, i32) {
    %c0_i32 = arith.constant 0 : i32
    %c0_i32_0 = arith.constant 0 : i32
    return %arg0, %c0_i32 : i32, i32
  }
  func.func @transform_1(%arg0: i32) -> (i32, i32) {
    %c0_i32 = arith.constant 0 : i32
    %c0_i32_0 = arith.constant 0 : i32
    return %arg0, %c0_i32 : i32, i32
  }
  func.func @transform_2(%arg0: i32) -> (i32, i32) {
    %c0_i32 = arith.constant 0 : i32
    %c0_i32_0 = arith.constant 0 : i32
    return %arg0, %c0_i32 : i32, i32
  }
  func.func @transform_3(%arg0: i32) -> (i32, i32) {
    %c0_i32 = arith.constant 0 : i32
    %c0_i32_0 = arith.constant 0 : i32
    %c0_i32_1 = arith.constant 0 : i32
    return %c0_i32, %c0_i32_0 : i32, i32
  }
}

module attributes {stable_mosaic.version = 14 : i64} {
  func.func @_scale_rows_body(%arg0: i32, %arg1: memref<400x1xf32, #tpu.memory_space<vmem>>, %arg2: memref<400x1xf32, #tpu.memory_space<vmem>>, %arg3: memref<400x1024xf32, #tpu.memory_space<vmem>>, %arg4: memref<400x1024xf32, #tpu.memory_space<vmem>>, %arg5: memref<400x1xf32, #tpu.memory_space<vmem>>, %arg6: memref<400x1xf32, #tpu.memory_space<vmem>>) attributes {dimension_semantics = [#tpu.dimension_semantics<arbitrary>], iteration_bounds = array<i64: 25>, scalar_prefetch = 0 : i64, scratch_operands = 0 : i64, tpu.core_type = #tpu.core_type<tc>, window_params = [{transform_indices = @transform_0, window_bounds = array<i64: 400, 1>}, {transform_indices = @transform_1, window_bounds = array<i64: 400, 1>}, {transform_indices = @transform_2, window_bounds = array<i64: 400, 1024>}, {transform_indices = @transform_3, window_bounds = array<i64: 400, 1024>}, {transform_indices = @transform_4, window_bounds = array<i64: 400, 1>}, {transform_indices = @transform_5, window_bounds = array<i64: 400, 1>}]} {
    %get3A = arith.constant 0 : index
    %get3A_0 = arith.constant 0 : index
    %get3A_1 = vector.load %arg1[%get3A, %get3A_0] : memref<400x1xf32, #tpu.memory_space<vmem>>, vector<400x1xf32>
    %get3A_2 = arith.constant 0 : index
    %get3A_3 = arith.constant 0 : index
    %get3A_4 = vector.load %arg2[%get3A_2, %get3A_3] : memref<400x1xf32, #tpu.memory_space<vmem>>, vector<400x1xf32>
    %add3A = arith.addf %get3A_1, %get3A_4 : vector<400x1xf32>
    %add3A_5 = arith.constant 1.000000e+00 : f32
    %add3A_6 = vector.broadcast %add3A_5 : f32 to vector<400x1xf32>
    %add3A_7 = arith.addf %add3A, %add3A_6 : vector<400x1xf32>
    %rsqrt3A = math.rsqrt %add3A_7 : vector<400x1xf32>
    %swap3A = arith.constant 0 : index
    %swap3A_8 = arith.constant 0 : index
    %swap3A_9 = vector.load %arg5[%swap3A, %swap3A_8] : memref<400x1xf32, #tpu.memory_space<vmem>>, vector<400x1xf32>
    tpu.vector_store %arg5[%swap3A, %swap3A_8], %rsqrt3A {strides = array<i32>} : memref<400x1xf32, #tpu.memory_space<vmem>>, vector<400x1xf32>,
    %mul3A = arith.mulf %rsqrt3A, %rsqrt3A : vector<400x1xf32>
    %swap3A_10 = arith.constant 0 : index
    %swap3A_11 = arith.constant 0 : index
    %swap3A_12 = vector.load %arg6[%swap3A_10, %swap3A_11] : memref<400x1xf32, #tpu.memory_space<vmem>>, vector<400x1xf32>
    tpu.vector_store %arg6[%swap3A_10, %swap3A_11], %mul3A {strides = array<i32>} : memref<400x1xf32, #tpu.memory_space<vmem>>, vector<400x1xf32>,
    %get3A_13 = arith.constant 0 : index
    %get3A_14 = arith.constant 0 : index
    %get3A_15 = vector.load %arg3[%get3A_13, %get3A_14] : memref<400x1024xf32, #tpu.memory_space<vmem>>, vector<400x1024xf32>
    %mul3A_16 = vector.broadcast %rsqrt3A : vector<400x1xf32> to vector<400x1024xf32>
    %mul3A_17 = arith.mulf %get3A_15, %mul3A_16 : vector<400x1024xf32>
    %swap3A_18 = arith.constant 0 : index
    %swap3A_19 = arith.constant 0 : index
    %swap3A_20 = vector.load %arg4[%swap3A_18, %swap3A_19] : memref<400x1024xf32, #tpu.memory_space<vmem>>, vector<400x1024xf32>
    tpu.vector_store %arg4[%swap3A_18, %swap3A_19], %mul3A_17 {strides = array<i32>} : memref<400x1024xf32, #tpu.memory_space<vmem>>, vector<400x1024xf32>,
    return
  }
  func.func @transform_0(%arg0: i32) -> (i32, i32) {
    %c0_i32 = arith.constant 0 : i32
    %c0_i32_0 = arith.constant 0 : i32
    return %arg0, %c0_i32 : i32, i32
  }
  func.func @transform_1(%arg0: i32) -> (i32, i32) {
    %c0_i32 = arith.constant 0 : i32
    %c0_i32_0 = arith.constant 0 : i32
    return %arg0, %c0_i32 : i32, i32
  }
  func.func @transform_2(%arg0: i32) -> (i32, i32) {
    %c0_i32 = arith.constant 0 : i32
    %c0_i32_0 = arith.constant 0 : i32
    return %arg0, %c0_i32 : i32, i32
  }
  func.func @transform_3(%arg0: i32) -> (i32, i32) {
    %c0_i32 = arith.constant 0 : i32
    %c0_i32_0 = arith.constant 0 : i32
    return %arg0, %c0_i32 : i32, i32
  }
  func.func @transform_4(%arg0: i32) -> (i32, i32) {
    %c0_i32 = arith.constant 0 : i32
    %c0_i32_0 = arith.constant 0 : i32
    return %arg0, %c0_i32 : i32, i32
  }
  func.func @transform_5(%arg0: i32) -> (i32, i32) {
    %c0_i32 = arith.constant 0 : i32
    %c0_i32_0 = arith.constant 0 : i32
    return %arg0, %c0_i32 : i32, i32
  }
}

module attributes {stable_mosaic.version = 14 : i64} {
  func.func @_mm_body(%arg0: i32, %arg1: memref<400x1024xf32, #tpu.memory_space<vmem>>, %arg2: memref<400x1xf32, #tpu.memory_space<vmem>>, %arg3: memref<400x1024xf32, #tpu.memory_space<vmem>>, %arg4: memref<400x1xf32, #tpu.memory_space<vmem>>, %arg5: memref<400x1xf32, #tpu.memory_space<vmem>>, %arg6: memref<1024x1024xf32, #tpu.memory_space<vmem>>, %arg7: memref<1x1024xf32, #tpu.memory_space<vmem>>, %arg8: memref<400x1024xf32, #tpu.memory_space<vmem>>, %arg9: memref<8x1024xf32, #tpu.memory_space<vmem>>) attributes {dimension_semantics = [#tpu.dimension_semantics<arbitrary>], iteration_bounds = array<i64: 25>, scalar_prefetch = 0 : i64, scratch_operands = 0 : i64, tpu.core_type = #tpu.core_type<tc>, window_params = [{transform_indices = @transform_0, window_bounds = array<i64: 400, 1024>}, {transform_indices = @transform_1, window_bounds = array<i64: 400, 1>}, {transform_indices = @transform_2, window_bounds = array<i64: 400, 1024>}, {transform_indices = @transform_3, window_bounds = array<i64: 400, 1>}, {transform_indices = @transform_4, window_bounds = array<i64: 400, 1>}, {pipeline_mode = #tpu.pipeline_mode<synchronous>, transform_indices = @transform_5, window_bounds = array<i64: 1024, 1024>}, {pipeline_mode = #tpu.pipeline_mode<synchronous>, transform_indices = @transform_6, window_bounds = array<i64: 1, 1024>}, {transform_indices = @transform_7, window_bounds = array<i64: 400, 1024>}, {pipeline_mode = #tpu.pipeline_mode<synchronous>, transform_indices = @transform_8, window_bounds = array<i64: 8, 1024>}]} {
    %get3A = arith.constant 0 : index
    %get3A_0 = arith.constant 0 : index
    %get3A_1 = vector.load %arg5[%get3A, %get3A_0] : memref<400x1xf32, #tpu.memory_space<vmem>>, vector<400x1xf32>
    %get3A_2 = arith.constant 0 : index
    %get3A_3 = arith.constant 0 : index
    %get3A_4 = vector.load %arg1[%get3A_2, %get3A_3] : memref<400x1024xf32, #tpu.memory_space<vmem>>, vector<400x1024xf32>
    %get3A_5 = arith.constant 0 : index
    %get3A_6 = arith.constant 0 : index
    %get3A_7 = vector.load %arg2[%get3A_5, %get3A_6] : memref<400x1xf32, #tpu.memory_space<vmem>>, vector<400x1xf32>
    %mul3A = vector.broadcast %get3A_7 : vector<400x1xf32> to vector<400x1024xf32>
    %mul3A_8 = arith.mulf %get3A_4, %mul3A : vector<400x1024xf32>
    %get3A_9 = arith.constant 0 : index
    %get3A_10 = arith.constant 0 : index
    %get3A_11 = vector.load %arg3[%get3A_9, %get3A_10] : memref<400x1024xf32, #tpu.memory_space<vmem>>, vector<400x1024xf32>
    %get3A_12 = arith.constant 0 : index
    %get3A_13 = arith.constant 0 : index
    %get3A_14 = vector.load %arg4[%get3A_12, %get3A_13] : memref<400x1xf32, #tpu.memory_space<vmem>>, vector<400x1xf32>
    %mul3A_15 = vector.broadcast %get3A_14 : vector<400x1xf32> to vector<400x1024xf32>
    %mul3A_16 = arith.mulf %get3A_11, %mul3A_15 : vector<400x1024xf32>
    %add3A = arith.addf %mul3A_8, %mul3A_16 : vector<400x1024xf32>
    %mul3A_17 = vector.broadcast %get3A_1 : vector<400x1xf32> to vector<400x1024xf32>
    %mul3A_18 = arith.mulf %add3A, %mul3A_17 : vector<400x1024xf32>
    %get3A_19 = arith.constant 0 : index
    %get3A_20 = arith.constant 0 : index
    %get3A_21 = vector.load %arg6[%get3A_19, %get3A_20] : memref<1024x1024xf32, #tpu.memory_space<vmem>>, vector<1024x1024xf32>
    %dot_general3A = arith.constant dense<0.000000e+00> : vector<400x1024xf32>
    %dot_general3A_22 = tpu.matmul %mul3A_18, %get3A_21, %dot_general3A {dimension_numbers = #tpu.dot_dimension_numbers<[1], [0], [0], [1], [0, 0, 1, 1], [], []>, precision = #tpu.contract_precision<fp32>, transpose_lhs_hint = false} : vector<400x1024xf32>, vector<1024x1024xf32>, vector<400x1024xf32> -> vector<400x1024xf32>
    %get3A_23 = arith.constant 0 : index
    %get3A_24 = arith.constant 0 : index
    %get3A_25 = vector.load %arg7[%get3A_23, %get3A_24] : memref<1x1024xf32, #tpu.memory_space<vmem>>, vector<1x1024xf32>
    %add3A_26 = vector.broadcast %get3A_25 : vector<1x1024xf32> to vector<400x1024xf32>
    %add3A_27 = arith.addf %dot_general3A_22, %add3A_26 : vector<400x1024xf32>
    %swap3A = arith.constant 0 : index
    %swap3A_28 = arith.constant 0 : index
    %swap3A_29 = vector.load %arg8[%swap3A, %swap3A_28] : memref<400x1024xf32, #tpu.memory_space<vmem>>, vector<400x1024xf32>
    tpu.vector_store %arg8[%swap3A, %swap3A_28], %add3A_27 {strides = array<i32>} : memref<400x1024xf32, #tpu.memory_space<vmem>>, vector<400x1024xf32>,
    %mul3A_30 = vector.broadcast %get3A_1 : vector<400x1xf32> to vector<400x1024xf32>
    %mul3A_31 = arith.mulf %add3A_27, %mul3A_30 : vector<400x1024xf32>
    %eq3A = arith.constant 0 : i32
    %eq3A_32 = arith.cmpi eq, %arg0, %eq3A : i32
    %convert_element_type3A = arith.extui %eq3A_32 : i1 to i32
    %cond3A = arith.constant 0 : i32
    %cond3A_33 = arith.cmpi ne, %convert_element_type3A, %cond3A : i32
    scf.if %cond3A_33 {
      %broadcast_in_dim3A_42 = arith.constant 0.000000e+00 : f32
      %broadcast_in_dim3A_43 = vector.broadcast %broadcast_in_dim3A_42 : f32 to vector<8x1024xf32>
      %swap3A_44 = arith.constant 0 : index
      %swap3A_45 = arith.constant 0 : index
      %swap3A_46 = vector.load %arg9[%swap3A_44, %swap3A_45] : memref<8x1024xf32, #tpu.memory_space<vmem>>, vector<8x1024xf32>
      tpu.vector_store %arg9[%swap3A_44, %swap3A_45], %broadcast_in_dim3A_43 {strides = array<i32>} : memref<8x1024xf32, #tpu.memory_space<vmem>>, vector<8x1024xf32>,
    } else {
    }
    %get3A_34 = arith.constant 0 : index
    %get3A_35 = arith.constant 0 : index
    %get3A_36 = vector.load %arg9[%get3A_34, %get3A_35] : memref<8x1024xf32, #tpu.memory_space<vmem>>, vector<1x1024xf32>
    %reduce_sum3A = arith.constant dense<0.000000e+00> : vector<1024xf32>
    %reduce_sum3A_37 = vector.multi_reduction <add>, %mul3A_31, %reduce_sum3A [0] : vector<400x1024xf32> to vector<1024xf32>
    %broadcast_in_dim3A = vector.shape_cast %reduce_sum3A_37 : vector<1024xf32> to vector<1x1024xf32>
    %add3A_38 = arith.addf %get3A_36, %broadcast_in_dim3A : vector<1x1024xf32>
    %swap3A_39 = arith.constant 0 : index
    %swap3A_40 = arith.constant 0 : index
    %swap3A_41 = vector.load %arg9[%swap3A_39, %swap3A_40] : memref<8x1024xf32, #tpu.memory_space<vmem>>, vector<1x1024xf32>
    tpu.vector_store %arg9[%swap3A_39, %swap3A_40], %add3A_38 {strides = array<i32>} : memref<8x1024xf32, #tpu.memory_space<vmem>>, vector<1x1024xf32>,
    return
  }
  func.func @transform_0(%arg0: i32) -> (i32, i32) {
    %c0_i32 = arith.constant 0 : i32
    %c0_i32_0 = arith.constant 0 : i32
    return %arg0, %c0_i32 : i32, i32
  }
  func.func @transform_1(%arg0: i32) -> (i32, i32) {
    %c0_i32 = arith.constant 0 : i32
    %c0_i32_0 = arith.constant 0 : i32
    return %arg0, %c0_i32 : i32, i32
  }
  func.func @transform_2(%arg0: i32) -> (i32, i32) {
    %c0_i32 = arith.constant 0 : i32
    %c0_i32_0 = arith.constant 0 : i32
    return %arg0, %c0_i32 : i32, i32
  }
  func.func @transform_3(%arg0: i32) -> (i32, i32) {
    %c0_i32 = arith.constant 0 : i32
    %c0_i32_0 = arith.constant 0 : i32
    return %arg0, %c0_i32 : i32, i32
  }
  func.func @transform_4(%arg0: i32) -> (i32, i32) {
    %c0_i32 = arith.constant 0 : i32
    %c0_i32_0 = arith.constant 0 : i32
    return %arg0, %c0_i32 : i32, i32
  }
  func.func @transform_5(%arg0: i32) -> (i32, i32) {
    %c0_i32 = arith.constant 0 : i32
    %c0_i32_0 = arith.constant 0 : i32
    %c0_i32_1 = arith.constant 0 : i32
    return %c0_i32, %c0_i32_0 : i32, i32
  }
  func.func @transform_6(%arg0: i32) -> (i32, i32) {
    %c0_i32 = arith.constant 0 : i32
    %c0_i32_0 = arith.constant 0 : i32
    %c0_i32_1 = arith.constant 0 : i32
    return %c0_i32, %c0_i32_0 : i32, i32
  }
  func.func @transform_7(%arg0: i32) -> (i32, i32) {
    %c0_i32 = arith.constant 0 : i32
    %c0_i32_0 = arith.constant 0 : i32
    return %arg0, %c0_i32 : i32, i32
  }
  func.func @transform_8(%arg0: i32) -> (i32, i32) {
    %c0_i32 = arith.constant 0 : i32
    %c0_i32_0 = arith.constant 0 : i32
    %c0_i32_1 = arith.constant 0 : i32
    return %c0_i32, %c0_i32_0 : i32, i32
  }
}

module attributes {stable_mosaic.version = 14 : i64} {
  func.func @_bns_body(%arg0: i32, %arg1: i32, %arg2: memref<400x1024xf32, #tpu.memory_space<vmem>>, %arg3: memref<8x1024xf32, #tpu.memory_space<vmem>>, %arg4: memref<1x1024xf32, #tpu.memory_space<vmem>>, %arg5: memref<1x1024xf32, #tpu.memory_space<vmem>>, %arg6: memref<1x1024xf32, #tpu.memory_space<vmem>>, %arg7: memref<400x1xf32, #tpu.memory_space<vmem>>, %arg8: memref<400x1024xf32, #tpu.memory_space<vmem>>, %arg9: memref<400x1xf32, #tpu.memory_space<vmem>>, %arg10: memref<8x1024xf32, #tpu.memory_space<vmem>>) attributes {dimension_semantics = [#tpu.dimension_semantics<arbitrary>, #tpu.dimension_semantics<arbitrary>], iteration_bounds = array<i64: 2, 25>, scalar_prefetch = 0 : i64, scratch_operands = 1 : i64, tpu.core_type = #tpu.core_type<tc>, window_params = [{transform_indices = @transform_0, window_bounds = array<i64: 400, 1024>}, {pipeline_mode = #tpu.pipeline_mode<synchronous>, transform_indices = @transform_1, window_bounds = array<i64: 8, 1024>}, {pipeline_mode = #tpu.pipeline_mode<synchronous>, transform_indices = @transform_2, window_bounds = array<i64: 1, 1024>}, {pipeline_mode = #tpu.pipeline_mode<synchronous>, transform_indices = @transform_3, window_bounds = array<i64: 1, 1024>}, {pipeline_mode = #tpu.pipeline_mode<synchronous>, transform_indices = @transform_4, window_bounds = array<i64: 1, 1024>}, {transform_indices = @transform_5, window_bounds = array<i64: 400, 1>}, {transform_indices = @transform_6, window_bounds = array<i64: 400, 1024>}, {transform_indices = @transform_7, window_bounds = array<i64: 400, 1>}]} {
    %get3A = arith.constant 0 : index
    %get3A_0 = arith.constant 0 : index
    %get3A_1 = vector.load %arg3[%get3A, %get3A_0] : memref<8x1024xf32, #tpu.memory_space<vmem>>, vector<1x1024xf32>
    %mul3A = arith.constant 2.000000e-04 : f32
    %mul3A_2 = vector.broadcast %mul3A : f32 to vector<1x1024xf32>
    %mul3A_3 = arith.mulf %get3A_1, %mul3A_2 : vector<1x1024xf32>
    %eq3A = arith.constant 0 : i32
    %eq3A_4 = arith.cmpi eq, %arg0, %eq3A : i32
    %eq3A_5 = arith.constant 0 : i32
    %eq3A_6 = arith.cmpi eq, %arg1, %eq3A_5 : i32
    %and3A = arith.andi %eq3A_4, %eq3A_6 : i1
    %convert_element_type3A = arith.extui %and3A : i1 to i32
    %cond3A = arith.constant 0 : i32
    %cond3A_7 = arith.cmpi ne, %convert_element_type3A, %cond3A : i32
    scf.if %cond3A_7 {
      %broadcast_in_dim3A = arith.constant 0.000000e+00 : f32
      %broadcast_in_dim3A_18 = vector.broadcast %broadcast_in_dim3A : f32 to vector<8x1024xf32>
      %swap3A = arith.constant 0 : index
      %swap3A_19 = arith.constant 0 : index
      %swap3A_20 = vector.load %arg10[%swap3A, %swap3A_19] : memref<8x1024xf32, #tpu.memory_space<vmem>>, vector<8x1024xf32>
      tpu.vector_store %arg10[%swap3A, %swap3A_19], %broadcast_in_dim3A_18 {strides = array<i32>} : memref<8x1024xf32, #tpu.memory_space<vmem>>, vector<8x1024xf32>,
    } else {
    }
    %eq3A_8 = arith.constant 0 : i32
    %eq3A_9 = arith.cmpi eq, %arg0, %eq3A_8 : i32
    %convert_element_type3A_10 = arith.extui %eq3A_9 : i1 to i32
    %cond3A_11 = arith.constant 0 : i32
    %cond3A_12 = arith.cmpi ne, %convert_element_type3A_10, %cond3A_11 : i32
    scf.if %cond3A_12 {
      %get3A_18 = arith.constant 0 : index
      %get3A_19 = arith.constant 0 : index
      %get3A_20 = vector.load %arg2[%get3A_18, %get3A_19] : memref<400x1024xf32, #tpu.memory_space<vmem>>, vector<400x1024xf32>
      %sub3A = vector.broadcast %mul3A_3 : vector<1x1024xf32> to vector<400x1024xf32>
      %sub3A_21 = arith.subf %get3A_20, %sub3A : vector<400x1024xf32>
      %get3A_22 = arith.constant 0 : index
      %get3A_23 = arith.constant 0 : index
      %get3A_24 = vector.load %arg7[%get3A_22, %get3A_23] : memref<400x1xf32, #tpu.memory_space<vmem>>, vector<400x1xf32>
      %mul3A_25 = vector.broadcast %get3A_24 : vector<400x1xf32> to vector<400x1024xf32>
      %mul3A_26 = arith.mulf %sub3A_21, %mul3A_25 : vector<400x1024xf32>
      %get3A_27 = arith.constant 0 : index
      %get3A_28 = arith.constant 0 : index
      %get3A_29 = vector.load %arg10[%get3A_27, %get3A_28] : memref<8x1024xf32, #tpu.memory_space<vmem>>, vector<1x1024xf32>
      %mul3A_30 = arith.mulf %mul3A_26, %mul3A_26 : vector<400x1024xf32>
      %reduce_sum3A = arith.constant dense<0.000000e+00> : vector<1024xf32>
      %reduce_sum3A_31 = vector.multi_reduction <add>, %mul3A_30, %reduce_sum3A [0] : vector<400x1024xf32> to vector<1024xf32>
      %broadcast_in_dim3A = vector.shape_cast %reduce_sum3A_31 : vector<1024xf32> to vector<1x1024xf32>
      %add3A = arith.addf %get3A_29, %broadcast_in_dim3A : vector<1x1024xf32>
      %swap3A = arith.constant 0 : index
      %swap3A_32 = arith.constant 0 : index
      %swap3A_33 = vector.load %arg10[%swap3A, %swap3A_32] : memref<8x1024xf32, #tpu.memory_space<vmem>>, vector<1x1024xf32>
      tpu.vector_store %arg10[%swap3A, %swap3A_32], %add3A {strides = array<i32>} : memref<8x1024xf32, #tpu.memory_space<vmem>>, vector<1x1024xf32>,
    } else {
    }
    %eq3A_13 = arith.constant 1 : i32
    %eq3A_14 = arith.cmpi eq, %arg0, %eq3A_13 : i32
    %convert_element_type3A_15 = arith.extui %eq3A_14 : i1 to i32
    %cond3A_16 = arith.constant 0 : i32
    %cond3A_17 = arith.cmpi ne, %convert_element_type3A_15, %cond3A_16 : i32
    scf.if %cond3A_17 {
      %get3A_18 = arith.constant 0 : index
      %get3A_19 = arith.constant 0 : index
      %get3A_20 = vector.load %arg10[%get3A_18, %get3A_19] : memref<8x1024xf32, #tpu.memory_space<vmem>>, vector<1x1024xf32>
      %mul3A_21 = arith.constant 2.000000e-04 : f32
      %mul3A_22 = vector.broadcast %mul3A_21 : f32 to vector<1x1024xf32>
      %mul3A_23 = arith.mulf %get3A_20, %mul3A_22 : vector<1x1024xf32>
      %add3A = arith.constant 9.99999974E-6 : f32
      %add3A_24 = vector.broadcast %add3A : f32 to vector<1x1024xf32>
      %add3A_25 = arith.addf %mul3A_23, %add3A_24 : vector<1x1024xf32>
      %rsqrt3A = math.rsqrt %add3A_25 : vector<1x1024xf32>
      %get3A_26 = arith.constant 0 : index
      %get3A_27 = arith.constant 0 : index
      %get3A_28 = vector.load %arg2[%get3A_26, %get3A_27] : memref<400x1024xf32, #tpu.memory_space<vmem>>, vector<400x1024xf32>
      %sub3A = vector.broadcast %mul3A_3 : vector<1x1024xf32> to vector<400x1024xf32>
      %sub3A_29 = arith.subf %get3A_28, %sub3A : vector<400x1024xf32>
      %mul3A_30 = vector.broadcast %rsqrt3A : vector<1x1024xf32> to vector<400x1024xf32>
      %mul3A_31 = arith.mulf %sub3A_29, %mul3A_30 : vector<400x1024xf32>
      %get3A_32 = arith.constant 0 : index
      %get3A_33 = arith.constant 0 : index
      %get3A_34 = vector.load %arg4[%get3A_32, %get3A_33] : memref<1x1024xf32, #tpu.memory_space<vmem>>, vector<1x1024xf32>
      %mul3A_35 = vector.broadcast %get3A_34 : vector<1x1024xf32> to vector<400x1024xf32>
      %mul3A_36 = arith.mulf %mul3A_31, %mul3A_35 : vector<400x1024xf32>
      %get3A_37 = arith.constant 0 : index
      %get3A_38 = arith.constant 0 : index
      %get3A_39 = vector.load %arg5[%get3A_37, %get3A_38] : memref<1x1024xf32, #tpu.memory_space<vmem>>, vector<1x1024xf32>
      %add3A_40 = vector.broadcast %get3A_39 : vector<1x1024xf32> to vector<400x1024xf32>
      %add3A_41 = arith.addf %mul3A_36, %add3A_40 : vector<400x1024xf32>
      %max3A = arith.constant 0.000000e+00 : f32
      %max3A_42 = vector.broadcast %max3A : f32 to vector<400x1024xf32>
      %max3A_43 = arith.maximumf %add3A_41, %max3A_42 : vector<400x1024xf32>
      %swap3A = arith.constant 0 : index
      %swap3A_44 = arith.constant 0 : index
      %swap3A_45 = vector.load %arg8[%swap3A, %swap3A_44] : memref<400x1024xf32, #tpu.memory_space<vmem>>, vector<400x1024xf32>
      tpu.vector_store %arg8[%swap3A, %swap3A_44], %max3A_43 {strides = array<i32>} : memref<400x1024xf32, #tpu.memory_space<vmem>>, vector<400x1024xf32>,
      %get3A_46 = arith.constant 0 : index
      %get3A_47 = arith.constant 0 : index
      %get3A_48 = vector.load %arg6[%get3A_46, %get3A_47] : memref<1x1024xf32, #tpu.memory_space<vmem>>, vector<1x1024xf32>
      %mul3A_49 = arith.mulf %get3A_48, %get3A_48 : vector<1x1024xf32>
      %reduce_sum3A = vector.shape_cast %mul3A_49 : vector<1x1024xf32> to vector<1x1x1024xf32>
      %reduce_sum3A_50 = arith.constant dense<0.000000e+00> : vector<1xf32>
      %reduce_sum3A_51 = vector.multi_reduction <add>, %reduce_sum3A, %reduce_sum3A_50 [1, 2] : vector<1x1x1024xf32> to vector<1xf32>
      %reduce_sum3A_52 = vector.shape_cast %reduce_sum3A_51 : vector<1xf32> to vector<1x1x1xf32>
      %reduce_sum3A_53 = vector.extract %reduce_sum3A_52[0, 0, 0] : f32 from vector<1x1x1xf32>
      %rsqrt3A_54 = math.rsqrt %reduce_sum3A_53 : f32
      %mul3A_55 = vector.broadcast %rsqrt3A_54 : f32 to vector<1x1024xf32>
      %mul3A_56 = arith.mulf %get3A_48, %mul3A_55 : vector<1x1024xf32>
      %reshape3A = vector.shape_cast %mul3A_56 : vector<1x1024xf32> to vector<1024x1xf32>
      %dot_general3A = arith.constant dense<0.000000e+00> : vector<400x1xf32>
      %dot_general3A_57 = tpu.matmul %max3A_43, %reshape3A, %dot_general3A {dimension_numbers = #tpu.dot_dimension_numbers<[1], [0], [0], [1], [0, 0, 1, 1], [], []>, precision = #tpu.contract_precision<fp32>, transpose_lhs_hint = false} : vector<400x1024xf32>, vector<1024x1xf32>, vector<400x1xf32> -> vector<400x1xf32>
      %swap3A_58 = arith.constant 0 : index
      %swap3A_59 = arith.constant 0 : index
      %swap3A_60 = vector.load %arg9[%swap3A_58, %swap3A_59] : memref<400x1xf32, #tpu.memory_space<vmem>>, vector<400x1xf32>
      tpu.vector_store %arg9[%swap3A_58, %swap3A_59], %dot_general3A_57 {strides = array<i32>} : memref<400x1xf32, #tpu.memory_space<vmem>>, vector<400x1xf32>,
    } else {
    }
    return
  }
  func.func @transform_0(%arg0: i32, %arg1: i32) -> (i32, i32) {
    %c0_i32 = arith.constant 0 : i32
    %c0_i32_0 = arith.constant 0 : i32
    return %arg1, %c0_i32 : i32, i32
  }
  func.func @transform_1(%arg0: i32, %arg1: i32) -> (i32, i32) {
    %c0_i32 = arith.constant 0 : i32
    %c0_i32_0 = arith.constant 0 : i32
    %c0_i32_1 = arith.constant 0 : i32
    return %c0_i32, %c0_i32_0 : i32, i32
  }
  func.func @transform_2(%arg0: i32, %arg1: i32) -> (i32, i32) {
    %c0_i32 = arith.constant 0 : i32
    %c0_i32_0 = arith.constant 0 : i32
    %c0_i32_1 = arith.constant 0 : i32
    return %c0_i32, %c0_i32_0 : i32, i32
  }
  func.func @transform_3(%arg0: i32, %arg1: i32) -> (i32, i32) {
    %c0_i32 = arith.constant 0 : i32
    %c0_i32_0 = arith.constant 0 : i32
    %c0_i32_1 = arith.constant 0 : i32
    return %c0_i32, %c0_i32_0 : i32, i32
  }
  func.func @transform_4(%arg0: i32, %arg1: i32) -> (i32, i32) {
    %c0_i32 = arith.constant 0 : i32
    %c0_i32_0 = arith.constant 0 : i32
    %c0_i32_1 = arith.constant 0 : i32
    return %c0_i32, %c0_i32_0 : i32, i32
  }
  func.func @transform_5(%arg0: i32, %arg1: i32) -> (i32, i32) {
    %c0_i32 = arith.constant 0 : i32
    %c0_i32_0 = arith.constant 0 : i32
    return %arg1, %c0_i32 : i32, i32
  }
  func.func @transform_6(%arg0: i32, %arg1: i32) -> (i32, i32) {
    %c0_i32 = arith.constant 0 : i32
    %c0_i32_0 = arith.constant 0 : i32
    return %arg1, %c0_i32 : i32, i32
  }
  func.func @transform_7(%arg0: i32, %arg1: i32) -> (i32, i32) {
    %c0_i32 = arith.constant 0 : i32
    %c0_i32_0 = arith.constant 0 : i32
    return %arg1, %c0_i32 : i32, i32
  }
}

module attributes {stable_mosaic.version = 14 : i64} {
  func.func @_topk_body(%arg0: memref<80x128xf32, #tpu.memory_space<vmem>>, %arg1: memref<80x128xf32, #tpu.memory_space<vmem>>, %arg2: memref<80x128xf32, #tpu.memory_space<vmem>>, %arg3: memref<80x128xf32, #tpu.memory_space<vmem>>) attributes {dimension_semantics = [], scalar_prefetch = 0 : i64, scratch_operands = 0 : i64, tpu.core_type = #tpu.core_type<tc>} {
    %get3A = arith.constant 0 : index
    %get3A_0 = arith.constant 0 : index
    %get3A_1 = vector.load %arg1[%get3A, %get3A_0] : memref<80x128xf32, #tpu.memory_space<vmem>>, vector<80x128xf32>
    %gt3A = arith.constant 0.000000e+00 : f32
    %gt3A_2 = vector.broadcast %gt3A : f32 to vector<80x128xf32>
    %gt3A_3 = arith.cmpf ogt, %get3A_1, %gt3A_2 : vector<80x128xf32>
    %get3A_4 = arith.constant 0 : index
    %get3A_5 = arith.constant 0 : index
    %get3A_6 = vector.load %arg0[%get3A_4, %get3A_5] : memref<80x128xf32, #tpu.memory_space<vmem>>, vector<80x128xf32>
    %jit3A = arith.constant 0xFF800000 : f32
    %broadcast_in_dim3A = vector.broadcast %jit3A : f32 to vector<80x128xf32>
    %select_n3A = arith.select %gt3A_3, %get3A_6, %broadcast_in_dim3A : vector<80x128xi1>, vector<80x128xf32>
    %bitcast_convert_type3A = tpu.bitcast %select_n3A : vector<80x128xf32> -> vector<80x128xi32>
    %lt3A = arith.constant 0 : i32
    %lt3A_7 = vector.broadcast %lt3A : i32 to vector<80x128xi32>
    %lt3A_8 = arith.cmpi slt, %bitcast_convert_type3A, %lt3A_7 : vector<80x128xi32>
    %not3A = arith.constant dense<-1> : vector<80x128xi32>
    %not3A_9 = arith.xori %bitcast_convert_type3A, %not3A : vector<80x128xi32>
    %xor3A = arith.constant -2147483648 : i32
    %xor3A_10 = vector.broadcast %xor3A : i32 to vector<80x128xi32>
    %xor3A_11 = arith.xori %bitcast_convert_type3A, %xor3A_10 : vector<80x128xi32>
    %select_n3A_12 = arith.select %lt3A_8, %not3A_9, %xor3A_11 : vector<80x128xi1>, vector<80x128xi32>
    %scan3A = arith.constant 0 : i32
    %scan3A_13 = arith.constant 0 : i32
    %scan3A_14 = arith.constant 32 : i32
    %scan3A_15 = arith.addi %scan3A_13, %scan3A_14 : i32
    %scan3A_16 = arith.constant 1 : i32
    %scan3A_17 = scf.for %scan3A_55 = %scan3A_13 to %scan3A_15 step %scan3A_16 iter_args(%scan3A_56 = %scan3A) -> (i32)  : i32 {
      %shift_right_logical3A = arith.constant -2147483648 : i32
      %shift_right_logical3A_57 = arith.shrui %shift_right_logical3A, %scan3A_55 : i32
      %or3A_58 = arith.ori %scan3A_56, %shift_right_logical3A_57 : i32
      %ge3A = vector.broadcast %or3A_58 : i32 to vector<80x128xi32>
      %ge3A_59 = arith.cmpi uge, %select_n3A_12, %ge3A : vector<80x128xi32>
      %convert_element_type3A_60 = arith.extui %ge3A_59 : vector<80x128xi1> to vector<80x128xi32>
      %convert_element_type3A_61 = arith.sitofp %convert_element_type3A_60 : vector<80x128xi32> to vector<80x128xf32>
      %reduce_sum3A_62 = vector.shape_cast %convert_element_type3A_61 : vector<80x128xf32> to vector<1x80x128xf32>
      %reduce_sum3A_63 = arith.constant dense<0.000000e+00> : vector<1xf32>
      %reduce_sum3A_64 = vector.multi_reduction <add>, %reduce_sum3A_62, %reduce_sum3A_63 [1, 2] : vector<1x80x128xf32> to vector<1xf32>
      %reduce_sum3A_65 = vector.shape_cast %reduce_sum3A_64 : vector<1xf32> to vector<1x1x1xf32>
      %reduce_sum3A_66 = vector.extract %reduce_sum3A_65[0, 0, 0] : f32 from vector<1x1x1xf32>
      %ge3A_67 = arith.constant 2.500000e+03 : f32
      %ge3A_68 = arith.cmpf oge, %reduce_sum3A_66, %ge3A_67 : f32
      %select_n3A_69 = arith.select %ge3A_68, %or3A_58, %scan3A_56 : i32
      scf.yield %select_n3A_69 : i32
    }
    %scan3A_18 = arith.constant 32 : i32
    %gt3A_19 = vector.broadcast %scan3A_17 : i32 to vector<80x128xi32>
    %gt3A_20 = arith.cmpi ugt, %select_n3A_12, %gt3A_19 : vector<80x128xi32>
    %eq3A = vector.broadcast %scan3A_17 : i32 to vector<80x128xi32>
    %eq3A_21 = arith.cmpi eq, %select_n3A_12, %eq3A : vector<80x128xi32>
    %convert_element_type3A = arith.extui %gt3A_20 : vector<80x128xi1> to vector<80x128xi32>
    %convert_element_type3A_22 = arith.sitofp %convert_element_type3A : vector<80x128xi32> to vector<80x128xf32>
    %reduce_sum3A = vector.shape_cast %convert_element_type3A_22 : vector<80x128xf32> to vector<1x80x128xf32>
    %reduce_sum3A_23 = arith.constant dense<0.000000e+00> : vector<1xf32>
    %reduce_sum3A_24 = vector.multi_reduction <add>, %reduce_sum3A, %reduce_sum3A_23 [1, 2] : vector<1x80x128xf32> to vector<1xf32>
    %reduce_sum3A_25 = vector.shape_cast %reduce_sum3A_24 : vector<1xf32> to vector<1x1x1xf32>
    %reduce_sum3A_26 = vector.extract %reduce_sum3A_25[0, 0, 0] : f32 from vector<1x1x1xf32>
    %sub3A = arith.constant 2.500000e+03 : f32
    %sub3A_27 = arith.subf %sub3A, %reduce_sum3A_26 : f32
    %convert_element_type3A_28 = arith.extui %eq3A_21 : vector<80x128xi1> to vector<80x128xi32>
    %convert_element_type3A_29 = arith.sitofp %convert_element_type3A_28 : vector<80x128xi32> to vector<80x128xf32>
    %iota3A = tpu.iota {dimensions = array<i32: 0>} : vector<128x128xi32>
    %iota3A_30 = tpu.iota {dimensions = array<i32: 1>} : vector<128x128xi32>
    %lt3A_31 = arith.cmpi slt, %iota3A, %iota3A_30 : vector<128x128xi32>
    %convert_element_type3A_32 = arith.extui %lt3A_31 : vector<128x128xi1> to vector<128x128xi32>
    %convert_element_type3A_33 = arith.sitofp %convert_element_type3A_32 : vector<128x128xi32> to vector<128x128xf32>
    %iota3A_34 = tpu.iota {dimensions = array<i32: 0>} : vector<80x80xi32>
    %iota3A_35 = tpu.iota {dimensions = array<i32: 1>} : vector<80x80xi32>
    %lt3A_36 = arith.cmpi slt, %iota3A_35, %iota3A_34 : vector<80x80xi32>
    %convert_element_type3A_37 = arith.extui %lt3A_36 : vector<80x80xi1> to vector<80x80xi32>
    %convert_element_type3A_38 = arith.sitofp %convert_element_type3A_37 : vector<80x80xi32> to vector<80x80xf32>
    %dot_general3A = arith.constant dense<0.000000e+00> : vector<80x128xf32>
    %dot_general3A_39 = tpu.matmul %convert_element_type3A_29, %convert_element_type3A_33, %dot_general3A {dimension_numbers = #tpu.dot_dimension_numbers<[1], [0], [0], [1], [0, 0, 1, 1], [], []>, transpose_lhs_hint = false} : vector<80x128xf32>, vector<128x128xf32>, vector<80x128xf32> -> vector<80x128xf32>
    %reduce_sum3A_40 = arith.constant dense<0.000000e+00> : vector<80xf32>
    %reduce_sum3A_41 = vector.multi_reduction <add>, %convert_element_type3A_29, %reduce_sum3A_40 [1] : vector<80x128xf32> to vector<80xf32>
    %broadcast_in_dim3A_42 = vector.shape_cast %reduce_sum3A_41 : vector<80xf32> to vector<80x1xf32>
    %dot_general3A_43 = arith.constant dense<0.000000e+00> : vector<80x1xf32>
    %dot_general3A_44 = tpu.matmul %convert_element_type3A_38, %broadcast_in_dim3A_42, %dot_general3A_43 {dimension_numbers = #tpu.dot_dimension_numbers<[1], [0], [0], [1], [0, 0, 1, 1], [], []>, transpose_lhs_hint = false} : vector<80x80xf32>, vector<80x1xf32>, vector<80x1xf32> -> vector<80x1xf32>
    %add3A = vector.broadcast %dot_general3A_44 : vector<80x1xf32> to vector<80x128xf32>
    %add3A_45 = arith.addf %add3A, %dot_general3A_39 : vector<80x128xf32>
    %lt3A_46 = vector.broadcast %sub3A_27 : f32 to vector<80x128xf32>
    %lt3A_47 = arith.cmpf olt, %add3A_45, %lt3A_46 : vector<80x128xf32>
    %and3A = arith.andi %eq3A_21, %lt3A_47 : vector<80x128xi1>
    %or3A = arith.ori %gt3A_20, %and3A : vector<80x128xi1>
    %convert_element_type3A_48 = arith.extui %or3A : vector<80x128xi1> to vector<80x128xi32>
    %convert_element_type3A_49 = arith.sitofp %convert_element_type3A_48 : vector<80x128xi32> to vector<80x128xf32>
    %swap3A = arith.constant 0 : index
    %swap3A_50 = arith.constant 0 : index
    %swap3A_51 = vector.load %arg2[%swap3A, %swap3A_50] : memref<80x128xf32, #tpu.memory_space<vmem>>, vector<80x128xf32>
    tpu.vector_store %arg2[%swap3A, %swap3A_50], %convert_element_type3A_49 {strides = array<i32>} : memref<80x128xf32, #tpu.memory_space<vmem>>, vector<80x128xf32>,
    %tanh3A = math.tanh %select_n3A : vector<80x128xf32>
    %mul3A = arith.mulf %convert_element_type3A_49, %tanh3A : vector<80x128xf32>
    %swap3A_52 = arith.constant 0 : index
    %swap3A_53 = arith.constant 0 : index
    %swap3A_54 = vector.load %arg3[%swap3A_52, %swap3A_53] : memref<80x128xf32, #tpu.memory_space<vmem>>, vector<80x128xf32>
    tpu.vector_store %arg3[%swap3A_52, %swap3A_53], %mul3A {strides = array<i32>} : memref<80x128xf32, #tpu.memory_space<vmem>>, vector<80x128xf32>,
    return
  }
}

module attributes {stable_mosaic.version = 14 : i64} {
  func.func @_colsum_body(%arg0: i32, %arg1: memref<400x1024xf32, #tpu.memory_space<vmem>>, %arg2: memref<400x1xf32, #tpu.memory_space<vmem>>, %arg3: memref<8x1024xf32, #tpu.memory_space<vmem>>) attributes {dimension_semantics = [#tpu.dimension_semantics<arbitrary>], iteration_bounds = array<i64: 25>, scalar_prefetch = 0 : i64, scratch_operands = 0 : i64, tpu.core_type = #tpu.core_type<tc>, window_params = [{transform_indices = @transform_0, window_bounds = array<i64: 400, 1024>}, {transform_indices = @transform_1, window_bounds = array<i64: 400, 1>}, {pipeline_mode = #tpu.pipeline_mode<synchronous>, transform_indices = @transform_2, window_bounds = array<i64: 8, 1024>}]} {
    %get3A = arith.constant 0 : index
    %get3A_0 = arith.constant 0 : index
    %get3A_1 = vector.load %arg1[%get3A, %get3A_0] : memref<400x1024xf32, #tpu.memory_space<vmem>>, vector<400x1024xf32>
    %get3A_2 = arith.constant 0 : index
    %get3A_3 = arith.constant 0 : index
    %get3A_4 = vector.load %arg2[%get3A_2, %get3A_3] : memref<400x1xf32, #tpu.memory_space<vmem>>, vector<400x1xf32>
    %mul3A = vector.broadcast %get3A_4 : vector<400x1xf32> to vector<400x1024xf32>
    %mul3A_5 = arith.mulf %get3A_1, %mul3A : vector<400x1024xf32>
    %eq3A = arith.constant 0 : i32
    %eq3A_6 = arith.cmpi eq, %arg0, %eq3A : i32
    %convert_element_type3A = arith.extui %eq3A_6 : i1 to i32
    %cond3A = arith.constant 0 : i32
    %cond3A_7 = arith.cmpi ne, %convert_element_type3A, %cond3A : i32
    scf.if %cond3A_7 {
      %broadcast_in_dim3A_14 = arith.constant 0.000000e+00 : f32
      %broadcast_in_dim3A_15 = vector.broadcast %broadcast_in_dim3A_14 : f32 to vector<8x1024xf32>
      %swap3A_16 = arith.constant 0 : index
      %swap3A_17 = arith.constant 0 : index
      %swap3A_18 = vector.load %arg3[%swap3A_16, %swap3A_17] : memref<8x1024xf32, #tpu.memory_space<vmem>>, vector<8x1024xf32>
      tpu.vector_store %arg3[%swap3A_16, %swap3A_17], %broadcast_in_dim3A_15 {strides = array<i32>} : memref<8x1024xf32, #tpu.memory_space<vmem>>, vector<8x1024xf32>,
    } else {
    }
    %get3A_8 = arith.constant 0 : index
    %get3A_9 = arith.constant 0 : index
    %get3A_10 = vector.load %arg3[%get3A_8, %get3A_9] : memref<8x1024xf32, #tpu.memory_space<vmem>>, vector<1x1024xf32>
    %reduce_sum3A = arith.constant dense<0.000000e+00> : vector<1024xf32>
    %reduce_sum3A_11 = vector.multi_reduction <add>, %mul3A_5, %reduce_sum3A [0] : vector<400x1024xf32> to vector<1024xf32>
    %broadcast_in_dim3A = vector.shape_cast %reduce_sum3A_11 : vector<1024xf32> to vector<1x1024xf32>
    %add3A = arith.addf %get3A_10, %broadcast_in_dim3A : vector<1x1024xf32>
    %swap3A = arith.constant 0 : index
    %swap3A_12 = arith.constant 0 : index
    %swap3A_13 = vector.load %arg3[%swap3A, %swap3A_12] : memref<8x1024xf32, #tpu.memory_space<vmem>>, vector<1x1024xf32>
    tpu.vector_store %arg3[%swap3A, %swap3A_12], %add3A {strides = array<i32>} : memref<8x1024xf32, #tpu.memory_space<vmem>>, vector<1x1024xf32>,
    return
  }
  func.func @transform_0(%arg0: i32) -> (i32, i32) {
    %c0_i32 = arith.constant 0 : i32
    %c0_i32_0 = arith.constant 0 : i32
    return %arg0, %c0_i32 : i32, i32
  }
  func.func @transform_1(%arg0: i32) -> (i32, i32) {
    %c0_i32 = arith.constant 0 : i32
    %c0_i32_0 = arith.constant 0 : i32
    return %arg0, %c0_i32 : i32, i32
  }
  func.func @transform_2(%arg0: i32) -> (i32, i32) {
    %c0_i32 = arith.constant 0 : i32
    %c0_i32_0 = arith.constant 0 : i32
    %c0_i32_1 = arith.constant 0 : i32
    return %c0_i32, %c0_i32_0 : i32, i32
  }
}

module attributes {stable_mosaic.version = 14 : i64} {
  func.func @_final_body(%arg0: memref<8x1024xf32, #tpu.memory_space<vmem>>, %arg1: memref<8x1024xf32, #tpu.memory_space<vmem>>, %arg2: memref<1024x512xf32, #tpu.memory_space<vmem>>, %arg3: memref<1x512xf32, #tpu.memory_space<vmem>>, %arg4: memref<512x128xf32, #tpu.memory_space<vmem>>, %arg5: memref<1x128xf32, #tpu.memory_space<vmem>>, %arg6: memref<1x128xf32, #tpu.memory_space<vmem>>) attributes {dimension_semantics = [], scalar_prefetch = 0 : i64, scratch_operands = 0 : i64, tpu.core_type = #tpu.core_type<tc>} {
    %get3A = arith.constant 0 : index
    %get3A_0 = arith.constant 0 : index
    %get3A_1 = vector.load %arg0[%get3A, %get3A_0] : memref<8x1024xf32, #tpu.memory_space<vmem>>, vector<1x1024xf32>
    %mul3A = arith.constant 2.000000e-04 : f32
    %mul3A_2 = vector.broadcast %mul3A : f32 to vector<1x1024xf32>
    %mul3A_3 = arith.mulf %get3A_1, %mul3A_2 : vector<1x1024xf32>
    %get3A_4 = arith.constant 0 : index
    %get3A_5 = arith.constant 0 : index
    %get3A_6 = vector.load %arg1[%get3A_4, %get3A_5] : memref<8x1024xf32, #tpu.memory_space<vmem>>, vector<1x1024xf32>
    %mul3A_7 = arith.constant 4.000000e-04 : f32
    %mul3A_8 = vector.broadcast %mul3A_7 : f32 to vector<1x1024xf32>
    %mul3A_9 = arith.mulf %get3A_6, %mul3A_8 : vector<1x1024xf32>
    %add3A = arith.addf %mul3A_3, %mul3A_9 : vector<1x1024xf32>
    %get3A_10 = arith.constant 0 : index
    %get3A_11 = arith.constant 0 : index
    %get3A_12 = vector.load %arg2[%get3A_10, %get3A_11] : memref<1024x512xf32, #tpu.memory_space<vmem>>, vector<1024x512xf32>
    %dot_general3A = arith.constant dense<0.000000e+00> : vector<1x512xf32>
    %dot_general3A_13 = tpu.matmul %add3A, %get3A_12, %dot_general3A {dimension_numbers = #tpu.dot_dimension_numbers<[1], [0], [0], [1], [0, 0, 1, 1], [], []>, transpose_lhs_hint = false} : vector<1x1024xf32>, vector<1024x512xf32>, vector<1x512xf32> -> vector<1x512xf32>
    %get3A_14 = arith.constant 0 : index
    %get3A_15 = arith.constant 0 : index
    %get3A_16 = vector.load %arg3[%get3A_14, %get3A_15] : memref<1x512xf32, #tpu.memory_space<vmem>>, vector<1x512xf32>
    %add3A_17 = arith.addf %dot_general3A_13, %get3A_16 : vector<1x512xf32>
    %max3A = arith.constant 0.000000e+00 : f32
    %max3A_18 = vector.broadcast %max3A : f32 to vector<1x512xf32>
    %max3A_19 = arith.maximumf %add3A_17, %max3A_18 : vector<1x512xf32>
    %get3A_20 = arith.constant 0 : index
    %get3A_21 = arith.constant 0 : index
    %get3A_22 = vector.load %arg4[%get3A_20, %get3A_21] : memref<512x128xf32, #tpu.memory_space<vmem>>, vector<512x128xf32>
    %dot_general3A_23 = arith.constant dense<0.000000e+00> : vector<1x128xf32>
    %dot_general3A_24 = tpu.matmul %max3A_19, %get3A_22, %dot_general3A_23 {dimension_numbers = #tpu.dot_dimension_numbers<[1], [0], [0], [1], [0, 0, 1, 1], [], []>, transpose_lhs_hint = false} : vector<1x512xf32>, vector<512x128xf32>, vector<1x128xf32> -> vector<1x128xf32>
    %get3A_25 = arith.constant 0 : index
    %get3A_26 = arith.constant 0 : index
    %get3A_27 = vector.load %arg5[%get3A_25, %get3A_26] : memref<1x128xf32, #tpu.memory_space<vmem>>, vector<1x128xf32>
    %add3A_28 = arith.addf %dot_general3A_24, %get3A_27 : vector<1x128xf32>
    %swap3A = arith.constant 0 : index
    %swap3A_29 = arith.constant 0 : index
    %swap3A_30 = vector.load %arg6[%swap3A, %swap3A_29] : memref<1x128xf32, #tpu.memory_space<vmem>>, vector<1x128xf32>
    tpu.vector_store %arg6[%swap3A, %swap3A_29], %add3A_28 {strides = array<i32>} : memref<1x128xf32, #tpu.memory_space<vmem>>, vector<1x128xf32>,
    return
  }
}

</mosaic_0001>

<sc_bundles>
// kernel: kernel.17.cloned.1.call-start
scs
__scs_entry_jumppad:
0x0: {  	(pc) =	sbr.rel $0x88, $3  }
0x1: {  	(tag) =	ssettag $0x0;
	lr =	simm.s32 $0x1  }
0x2: {  	[smem:$0x3F91] =	sst lr;
	_ =	strace $0xD0000000  }
0x3: {  	_ = 	snop  }
0x4: {  	_ = 	snop  }
0x5: {  	_ = 	snop  }
0x6: {  	_ = 	snop  }
0x7: {  	_ = 	snop  }
__scs_overlays_trampoline_lowered:
0x8: {  	[smem:$0x3FA0] =	sst s0  }
0x9: {  	[smem:$0x3FA1] =	sst s1  }
0xa: {  	[smem:$0x3FA2] =	sst s2  }
0xb: {  	[smem:$0x3FA3] =	sst s3  }
0xc: {  	[smem:$0x3FA4] =	sst s4  }
0xd: {  	[smem:$0x3FA5] =	sst s5  }
0xe: {  	[smem:$0x3FA6] =	sst s6  }
0xf: {  	[smem:$0x3FA7] =	sst s7  }
0x10: {  	[smem:$0x3FA8] =	sst s8  }
0x11: {  	[smem:$0x3FA9] =	sst s9;
	s0 =	simm.s32 @!p0 $0x0  }
0x12: {  	s1 =	sld [smem:$0x3F8F];
	s0 =	simm.s32 @p0 $0x1  }
0x13: {  	[smem:$0x3FAA] =	sst s0;
	s0 =	simm.s32 @!p1 $0x0  }
0x14: {  	s2 =	sld [smem:$0x3F8E];
	s0 =	simm.s32 @p1 $0x1  }
0x15: {  	[smem:$0x3FAB] =	sst s0;
	s0 =	simm.s32 @!p2 $0x0  }
0x16: {  	s3 =	sld [smem:$0x3FDB];
	s0 =	simm.s32 @p2 $0x1  }
0x17: {  	s4 =	simm.s32 $0x1BF5;
	[smem:$0x3FAD] =	sst s0  }
0x18: {  	s0 =	sld [smem:$0x3F90];
	_ =	swait.ge [sflag:s4], $0x0  }
0x19: {  	s7 =	sld [smem:$0x3F91]  }
0x1a: {  	s8 =	sadd.s32 $0xFFFFE003, lr  }
0x1b: {  	s9 =	sadd.s32 $0xFFFFFEF7, lr;
	s5 =	simm.s32 $0xFFFFFFFF;
	p2 =	slt.u32 s8, $0xFFFFF086  }
0x1c: {  	p1 =	slt.u32 s9, $0xF7A;
	s5 =	simm.s32 @!p2 $0x0  }
0x1d: {  	s5 =	simm.s32 @p1 $0x1;
	p0 =	seq.s32 s7, s2  }
0x1e: {  	s7 =	smul.u32 @!p0 $0xF7A, s2;
	p2 =	seq.s32 @!p0 s5, $0x0  }
0x1f: {  	s9 =	smul.u32 $0xF7A, s1;
	s8 =	simm.s32 @!p0 $0x1BF5;
	p2 =	por !p2, p0  }
0x20: {  	[sflag:s8] =	ssyncset.s32 @!p0 $0xFFFFF086;
	s6 =	sadd.s32 @!p0 s3, s7;
	s7 =	simm.s32 @!p0 $0x108  }
0x21: {  	s3 =	sadd.s32 s3, s9;
	s6 =	sadd.s32 @!p0 $0x88, s6;
	s7 =	simm.s32 @p2 $0x1082  }
0x22: {  	[simem:s7], [sflag:s8] =	dma.local @!p0 [hbm:s6], $0xF7A  }
0x23: {  	s9 =	sor.u32 $0xD0000000, s2;
	s6 =	simm.s32 $0x108;
	_ =	swait.ge @!p0 [sflag:s8], $0x0  }
0x24: {  	s3 =	sadd.s32 $0x88, s3;
	s6 =	simm.s32 @!p1 $0x1082;
	[sflag:s4] =	ssyncset.s32 $0xFFFFF086  }
0x25: {  	[simem:s6], [sflag:s4] =	dma.local [hbm:s3], $0xF7A  }
0x26: {  	[smem:$0x3F91] =	sst s1;
	(tag) =	ssettag s2;
	_ =	strace s9  }
0x27: {  	s1 =	sld [smem:$0x3FA1]  }
0x28: {  	s2 =	sld [smem:$0x3FA2]  }
0x29: {  	s4 =	sld [smem:$0x3FA4]  }
0x2a: {  	p0 =	seq.s32 s5, $0x0;
	s5 =	sld [smem:$0x3FA5]  }
0x2b: {  	s6 =	sld [smem:$0x3FA6]  }
0x2c: {  	s7 =	sld [smem:$0x3FA7]  }
0x2d: {  	s3 =	simm.s32 $0x108;
	s8 =	sld [smem:$0x3FA8]  }
0x2e: {  	s3 =	simm.s32 @!p0 $0x1082;
	s9 =	sld [smem:$0x3FA9]  }
0x2f: {  	lr =	sadd.s32 s0, s3;
	s0 =	sld [smem:$0x3FA0]  }
0x30: {  	s3 =	sld [smem:$0x3FA3]  }
0x31: {  	[smem:$0x3FAC] =	sst s10  }
0x32: {  	s10 =	sld [smem:$0x3FAA];
	_ =	sdelay $0x3  }
0x33: {  	p0 =	seq.s32 s10, $0x1;
	s10 =	sld [smem:$0x3FAC];
	_ =	sdelay $0x3  }
0x34: {  	[smem:$0x3FAC] =	sst s10  }
0x35: {  	s10 =	sld [smem:$0x3FAB];
	_ =	sdelay $0x3  }
0x36: {  	p1 =	seq.s32 s10, $0x1;
	s10 =	sld [smem:$0x3FAC];
	_ =	sdelay $0x3  }
0x37: {  	[smem:$0x3FAC] =	sst s10  }
0x38: {  	s10 =	sld [smem:$0x3FAD]  }
0x39: {  	_ = 	snop;
	(pc) =	sbr.ind lr, $3  }
0x3a: {  	_ = 	snop  }
0x3b: {  	_ = 	snop  }
0x3c: {  	p2 =	seq.s32 s10, $0x1;
	s10 =	sld [smem:$0x3FAC]  }
0x3d: {  	_ =	shalt  }
0x3e: {  	_ =	shalt  }
0x3f: {  	_ =	shalt  }
0x40: {  	_ =	shalt  }
0x41: {  	_ =	shalt  }
0x42: {  	_ =	shalt  }
0x43: {  	_ =	shalt  }
0x44: {  	_ =	shalt  }
0x45: {  	_ =	shalt  }
0x46: {  	_ =	shalt  }
0x47: {  	_ =	shalt  }
0x48: {  	_ =	shalt  }
0x49: {  	_ =	shalt  }
0x4a: {  	_ =	shalt  }
0x4b: {  	_ =	shalt  }
0x4c: {  	_ =	shalt  }
0x4d: {  	_ =	shalt  }
0x4e: {  	_ =	shalt  }
0x4f: {  	_ =	shalt  }
0x50: {  	_ =	shalt  }
0x51: {  	_ =	shalt  }
0x52: {  	_ =	shalt  }
0x53: {  	_ =	shalt  }
0x54: {  	_ =	shalt  }
0x55: {  	_ =	shalt  }
0x56: {  	_ =	shalt  }
0x57: {  	_ =	shalt  }
0x58: {  	_ =	shalt  }
0x59: {  	_ =	shalt  }
0x5a: {  	_ =	shalt  }
0x5b: {  	_ =	shalt  }
0x5c: {  	_ =	shalt  }
0x5d: {  	_ =	shalt  }
0x5e: {  	_ =	shalt  }
0x5f: {  	_ =	shalt  }
0x60: {  	_ =	shalt  }
0x61: {  	_ =	shalt  }
0x62: {  	_ =	shalt  }
0x63: {  	_ =	shalt  }
0x64: {  	_ =	shalt  }
0x65: {  	_ =	shalt  }
0x66: {  	_ =	shalt  }
0x67: {  	_ =	shalt  }
0x68: {  	_ =	shalt  }
0x69: {  	_ =	shalt  }
0x6a: {  	_ =	shalt  }
0x6b: {  	_ =	shalt  }
0x6c: {  	_ =	shalt  }
0x6d: {  	_ =	shalt  }
0x6e: {  	_ =	shalt  }
0x6f: {  	_ =	shalt  }
0x70: {  	_ =	shalt  }
0x71: {  	_ =	shalt  }
0x72: {  	_ =	shalt  }
0x73: {  	_ =	shalt  }
0x74: {  	_ =	shalt  }
0x75: {  	_ =	shalt  }
0x76: {  	_ =	shalt  }
0x77: {  	_ =	shalt  }
0x78: {  	_ =	shalt  }
0x79: {  	_ =	shalt  }
0x7a: {  	_ =	shalt  }
0x7b: {  	_ =	shalt  }
0x7c: {  	_ =	shalt  }
0x7d: {  	_ =	shalt  }
0x7e: {  	_ =	shalt  }
0x7f: {  	_ =	shalt  }
0x80: {  	_ =	shalt  }
0x81: {  	_ =	shalt  }
0x82: {  	_ =	shalt  }
0x83: {  	_ =	shalt  }
0x84: {  	_ =	shalt  }
0x85: {  	_ =	shalt  }
0x86: {  	_ =	shalt  }
0x87: {  	_ =	shalt  }
.Lfunc_end0:
.L_simem_size_0:
called_computation_lowered:
.L_overlay_start_0:
0x88: {  	s2 =	sld [smem:$0x3FD9]  }
0x89: {  	s3 =	sld [smem:$0x3FFE];
	_ =	sdelay $0x1  }
0x8a: {  	s1 =	srdreg.scid  }
0x8b: {  	s0 =	sand.u32 $0x1, s1  }
0x8c: {  	s16 =	sshll.u32 s0, $0xA;
	s2 =	sadd.s32 s3, s2  }
0x8d: {  	s2 =	sadd.s32 s2, s16  }
0x8e: {  	[smem:$0x3FB8] =	sst s2  }
0x8f: {  	_ = 	snop  }
0x90: {  	(tm) =	ssettm $0x1  }
0x91: {  	s17 =	sld [smem:$0x3FFB];
	_ =	sdelay $0x3  }
0x92: {  	_ =	strace s17  }
0x93: {  	s2 =	sld [smem:$0x3FFC];
	_ =	sdelay $0x3  }
0x94: {  	_ =	strace s2  }
0x95: {  	s2 =	sld [smem:$0x3FFD];
	_ =	sdelay $0x3  }
0x96: {  	_ =	strace s2  }
0x97: {  	_ =	strace $0x8FFFFFFF  }
0x98: {  	s18 =	sld [smem:$0x3FDB];
	_ =	sdelay $0x1  }
0x99: {  	s19 =	simm.s32 $_scs_section_size  }
0x9a: {  	s4 =	simm.s32 $_size__tile_overlayer_lowered;
	s5 =	simm.s32 $_tile_overlayer_lowered  }
0x9b: {  	s22 =	simm.s32 $0x1BFF;
	s21 =	sshll.u32 s5, $0x1;
	s2 =	sadd.s32 s19, s18  }
0x9c: {  	s6 =	simm.s32 $0x0;
	s20 =	sshll.u32 s4, $0x1;
	s4 =	sadd.s32 s21, s2  }
0x9d: {  	[timem:s6], [sflag:s22] =	dma.local [hbm:s4], s20  }
0x9e: {  	_ =	swait.ge [sflag:s22], s20  }
0x9f: {  	s3 =	ssub.s32 $0x0, s20;
	[sflag:s22] =	ssyncset.done $0x0  }
0xa0: {  	[sflag:s22] =	ssyncadd.s32 s3;
	_ =	sdelay $0x1  }
0xa1: {  	s23 =	simm.s32 $0x1B8B  }
0xa2: {  	_ =	swait.ge [sflag:s23], $0x1  }
0xa3: {  	[sflag:s23] =	ssyncset.done $0x0  }
0xa4: {  	s25 =	simm.s32 $0x1B8E;
	s24 =	sld [smem:$0x3FFE];
	[sflag:s23] =	ssyncadd.s32 $0xFFFFFFFF  }
0xa5: {  	s26 =	simm.s32 $execute0_lowered;
	[smem:$0x3FD2] =	sst s25  }
0xa6: {  	s4 =	sshll.u32 s26, $0x1;
	_ =	strace $0x80000046;
	[dreg:$0x1] =	wrdreg $0xFFFFFFFF  }
0xa7: {  	s28 =	simm.s32 $_size_execute0_lowered;
	s2 =	sadd.s32 s2, s4;
	[dreg:$0x0] =	wrdreg $0x0  }
0xa8: {  	s4 =	sshll.u32 s28, $0x1;
	[dreg:$0x2] =	wrdreg s2  }
0xa9: {  	[dreg:$0x3] =	wrdreg s4  }
0xaa: {  	[dreg:$0x4] =	wrdreg $0xC0  }
0xab: {  	_ =	task [dreg:s6], $0x5FFFF  }
0xac: {  	[dreg:$0x1] =	wrdreg $0xFFFFFFFF  }
0xad: {  	[dreg:$0x0] =	wrdreg $0x60  }
0xae: {  	[dreg:$0x2] =	wrdreg s24  }
0xaf: {  	[dreg:$0x3] =	wrdreg $0x50800  }
0xb0: {  	[dreg:$0x4] =	wrdreg $0x9  }
0xb1: {  	_ =	task.clear_ibuf [dreg:s6], $0x5FFFF;
	_ =	strace $0x90000046  }
0xb2: {  	s29 =	simm.s32 $0x9;
	_ =	strace $0x80000048  }
0xb3: {  	_ =	swait.ge [sflag:s29], $0x1  }
0xb4: {  	[sflag:s29] =	ssyncadd.s32 $0xFFFFFFFF  }
0xb5: {  	_ =	strace $0x90000048  }
0xb6: {  	_ =	sfence  }
0xb7: {  	s30 =	sld [smem:$0x0];
	_ =	sdelay $0x2  }
0xb8: {  	s31 =	sshll.u32 s1, $0xD;
	s1 =	sshrl.u32 s1, $0x2  }
0xb9: {  	s3 =	sand.u32 $0x4000, s31;
	s1 =	sadd.s32 s1, s30  }
0xba: {  	s0 =	sor.u32 s3, s0;
	s1 =	sshll.u32 s1, $0x11  }
0xbb: {  	s0 =	sor.u32 s1, s0  }
0xbc: {  	s0 =	sadd.s32 $0x8F2B, s0  }
0xbd: {  	[sflag:s0] =	ssyncadd.remote.s32 $0x1  }
0xbe: {  	_ =	sfence.sel $0xFFFF  }
0xbf: {  	[dreg:$0x0] =	wrdreg $0xFFFFFFFF;
	(pc) =	sbr.abs _section_cstart, $3  }
0xc0: {  	[dreg:$0x1] =	wrdreg $0xFFFFFFFF  }
0xc1: {  	_ =	task.clear_ibuf [dreg:s6], $0x2FFFF;
	_ =	strace $0x9FFFFFFF  }
0xc2: {  	(tm) =	ssettm $0x7FFFFFFF  }
0xc3: {  	_ =	shalt  }
tec
execute0_lowered:
.L_overlay_start_1:
0x0: {  	(tag) =	ssettag $0x1  }
0x1: {  	s1 =	srdreg.scid  }
0x2: {  	s0 =	stileid.u32;
	s6 =	rddreg [dreg:$0x0]  }
0x3: {  	s2 =	rddreg [dreg:$0x1];
	s3 =	simm.s32 $0x0;
	s14 =	simm.s32 $0x40  }
0x4: {  	s15 =	simm.s32 $0x5000;
	s16 =	simm.s32 $0x1;
	s17 =	simm.s32 $0x20  }
0x5: {  	s18 =	simm.s32 $0x10;
	s19 =	simm.s32 $0x0;
	s4 =	smul.u32 $0x5000, s0  }
0x6: {  	s5 =	sand.u32 $0x1, s1;
	s1 =	rddreg [dreg:$0x2];
	s26 =	smul.u32 $0x500, s0  }
0x7: {  	[smem:$0x7FF] =	sst s3;
	s10 =	smul.u32 $0xA00, s0;
	s31 =	sshll.u32 s0, $0x6  }
0x8: {  	s7 =	smul.u32 $0x2800, s5;
	_ =	strace $0x80000047;
	s28 =	ssub.s32 $0x2, s5  }
0x9: {  	s8 =	sshll.u32 s5, $0x7;
	s5 =	sadd.s32 $0x19A00, s6;
	s29 =	sshrl.u32 s28, $0x1  }
0xa: {  	s30 =	sshrl.u32 s10, $0x2;
	s4 =	sadd.s32 s7, s4;
	s7 =	sor.u32 s8, s26  }
0xb: {  	s12 =	ssub.s32 s28, s29;
	s13 =	sadd.s32 s30, s2;
	s4 =	sshrl.u32 s4, $0x3  }
0xc: {  	s7 =	sshrl.u32 s7, $0x3;
	s10 =	smax.u32 s12, $0x1;
	s12 =	simm.s32 $0x2  }
0xd: {  	s9 =	sadd.s32 s4, s6;
	s4 =	sadd.s32 $0x19400, s6;
	s11 =	sadd.s32 s7, s6  }
0xe: {  	s6 =	sor.u32 $0x1C02, s31;
	s7 =	sadd.s32 $0x5400, s9;
	s8 =	sadd.s32 $0xF400, s9  }
0xf: {  	s9 =	sadd.s32 $0x19C00, s11;
	s11 =	sshrl.u32 s13, $0x3;
	s13 =	simm.s32 $0x2800  }
.LBB2_1:
0x10: {  	[spmem:s11], [sflag:s6] =	dma.local [hbm:s5], $0x50  }
0x11: {  	_ =	swait.ge [sflag:s12], $0x50  }
0x12: {  	[sflag:s12] =	ssyncset.done $0x0  }
0x13: {  	[sflag:s12] =	ssyncadd.s32 $0xFFFFFFB0  }
0x14: {  	[tilespmem:s3], [sflag:$0x2] =	stream.linear.gather [hbm4b:s7+s3], $0x2800, $0x38;
	[tilespmem:$0x5300] =	vst v63  }
0x15: {  	_ =	swait.ge [sflag:s12], $0x2800  }
0x16: {  	[sflag:s12] =	ssyncset.done $0x0  }
0x17: {  	[sflag:s12] =	ssyncadd.s32 $0xFFFFD800  }
0x18: {  	[tilespmem:s13], [sflag:$0x2] =	stream.linear.gather [hbm4b:s8+s3], $0x2800, $0x38;
	[tilespmem:$0x5300] =	vst v63  }
0x19: {  	_ =	swait.ge [sflag:s12], $0x2800  }
0x1a: {  	[sflag:s12] =	ssyncset.done $0x0  }
0x1b: {  	[sflag:s12] =	ssyncadd.s32 $0xFFFFD800  }
0x1c: {  	s20 =	simm.s32 $0x0;
	[bflag:$0x0] =	sbarrier.arrive $0xFFFF  }
0x1d: {  	[tilespmem:s15], [sflag:$0x1] =	stream.indirect.gather [hbm4b:s4+s14], $0x1, s20, s14, $0xb8;
	[tilespmem:$0x5300] =	vst v63  }
0x1e: {  	_ =	swait.ge [sflag:s16], $0x40  }
0x1f: {  	[sflag:s16] =	ssyncset.done $0x0  }
0x20: {  	s31 =	simm.s32 $0x2800;
	[sflag:s16] =	ssyncadd.s32 $0xFFFFFFC0  }
0x21: {  	[spmem:s2] =	stream.indirect.scatter.add.f32 [tilespmem:s15], [sflag:$0x2], $0x1, s31, s14, $0xb8;
	[tilespmem:$0x5300] =	vst v63  }
0x22: {  	_ =	swait.ge [sflag:s12], $0x40  }
0x23: {  	s21 =	simm.s32 $0x400;
	s20 =	simm.s32 $0x200;
	[sflag:s12] =	ssyncset.done $0x0  }
.LBB2_2:
0x24: {  	s22 =	sshra.s32 s20, $0x2  }
0x25: {  	[sflag:s12] =	ssyncadd.s32 $0xFFFFFFC0;
	s20 =	smov.u32 s21;
	s23 =	sadd.s32 $0x200, s21  }
0x26: {  	[tilespmem:s15], [sflag:$0x1] =	stream.indirect.gather [hbm4b:s4+s14], $0x1, s22, s14, $0xb8;
	[tilespmem:$0x5300] =	vst v63  }
0x27: {  	p0 =	sne.s32 s21, $0x9E00;
	_ =	swait.ge [sflag:s16], $0x40  }
.Ltmp0:
0x28: {  	[sflag:s16] =	ssyncset.done $0x0;
	(pc) =	sbr.rel @p0 .LBB2_2-.Ltmp0, $4  }
0x29: {  	s21 =	sadd.s32 $0x2800, s22;
	[sflag:s16] =	ssyncadd.s32 $0xFFFFFFC0  }
0x2a: {  	[spmem:s2] =	stream.indirect.scatter.add.f32 [tilespmem:s15], [sflag:$0x2], $0x1, s21, s14, $0xb8;
	[tilespmem:$0x5300] =	vst v63  }
0x2b: {  	_ =	swait.ge [sflag:s12], $0x40  }
0x2c: {  	s21 =	smov.u32 s23;
	[sflag:s12] =	ssyncset.done $0x0  }
0x2d: {  	s20 =	sshra.s32 s20, $0x2;
	[sflag:s12] =	ssyncadd.s32 $0xFFFFFFC0  }
0x2e: {  	[tilespmem:s15], [sflag:$0x1] =	stream.indirect.gather [hbm4b:s4+s14], $0x1, s20, s14, $0xb8;
	[tilespmem:$0x5300] =	vst v63  }
0x2f: {  	_ =	swait.ge [sflag:s16], $0x40  }
0x30: {  	[sflag:s16] =	ssyncset.done $0x0  }
0x31: {  	s20 =	sadd.s32 $0x2800, s20;
	[sflag:s16] =	ssyncadd.s32 $0xFFFFFFC0  }
0x32: {  	[spmem:s2] =	stream.indirect.scatter.add.f32 [tilespmem:s15], [sflag:$0x2], $0x1, s20, s14, $0xb8;
	[tilespmem:$0x5300] =	vst v63  }
0x33: {  	_ =	swait.ge [sflag:s12], $0x40  }
0x34: {  	s19 =	sadd.s32 $0x1, s19;
	[sflag:s12] =	ssyncset.done $0x0  }
0x35: {  	p0 =	sne.s32 s19, s10;
	[sflag:s12] =	ssyncadd.s32 $0xFFFFFFC0  }
.Ltmp1:
0x36: {  	[bflag:$0x0] =	sbarrier.arrive $0xFFFF;
	(pc) =	sbr.rel @p0 .LBB2_1-.Ltmp1, $4  }
0x37: {  	[hbm:s9@s17], [sflag:s6] =	dma.strided [spmem:s11@s18], $0x50, s16, $0x10   }
0x38: {  	_ =	swait.ge [sflag:s12], $0x50  }
0x39: {  	[sflag:s12] =	ssyncset.done $0x0  }
0x3a: {  	[sflag:s12] =	ssyncadd.s32 $0xFFFFFFB0  }
0x3b: {  	_ =	sfence.sel $0x180000  }
0x3c: {  	[bflag:$0x0] =	sbarrier.arrive $0xFFFF  }
0x3d: {  	p0 =	sne.s32 s0, $0x0;
	_ =	strace $0x90000047  }
0x3e: {  	s0 =	sadd.s32 @!p0 $0x100000, s1;
	[bflag:$0x2] =	sbarrier.arrive $0xFFFF  }
0x3f: {  	[sflag:s0] =	ssyncadd.tile.s32 @!p0 $0x1;
	_ =	shalt  }
.Lfunc_end2:
_tile_overlayer_lowered:
.L_overlay_start_2:
0x40: {  	(tag) =	ssettag $0x2  }
0x41: {  	s0 =	rddreg [dreg:$0x0];
	s2 =	stileid.u32  }
0x42: {  	s1 =	rddreg [dreg:$0x1];
	p0 =	sne.s32 s2, $0x0  }
0x43: {  	s3 =	rddreg [dreg:$0x2];
	[bflag:$0x3] =	sbarrier.arrive $0xFFFF;
	s2 =	simm.s32 @!p0 $0x1C02  }
0x44: {  	[timem:s3], [sflag:s2] =	dma.local @!p0 [hbm:s0], s1  }
0x45: {  	s0 =	simm.s32 @!p0 $0x2  }
0x46: {  	_ =	swait.ge @!p0 [sflag:s0], s1  }
0x47: {  	s1 =	ssub.s32 @!p0 $0x0, s1;
	[sflag:s0] =	ssyncset.done @!p0 $0x0  }
0x48: {  	[sflag:s0] =	ssyncadd.s32 @!p0 s1  }
0x49: {  	[bflag:$0x3] =	sbarrier.arrive $0xFFFF  }
0x4a: {  	_ =	shalt  }

// kernel: kernel.20.cloned.1.call-start
scs
__scs_entry_jumppad:
0x0: {  	(pc) =	sbr.rel $0x88, $3  }
0x1: {  	(tag) =	ssettag $0x0;
	lr =	simm.s32 $0x1  }
0x2: {  	[smem:$0x3F91] =	sst lr;
	_ =	strace $0xD0000000  }
0x3: {  	_ = 	snop  }
0x4: {  	_ = 	snop  }
0x5: {  	_ = 	snop  }
0x6: {  	_ = 	snop  }
0x7: {  	_ = 	snop  }
__scs_overlays_trampoline_lowered:
0x8: {  	[smem:$0x3FA0] =	sst s0  }
0x9: {  	[smem:$0x3FA1] =	sst s1  }
0xa: {  	[smem:$0x3FA2] =	sst s2  }
0xb: {  	[smem:$0x3FA3] =	sst s3  }
0xc: {  	[smem:$0x3FA4] =	sst s4  }
0xd: {  	[smem:$0x3FA5] =	sst s5  }
0xe: {  	[smem:$0x3FA6] =	sst s6  }
0xf: {  	[smem:$0x3FA7] =	sst s7  }
0x10: {  	[smem:$0x3FA8] =	sst s8  }
0x11: {  	[smem:$0x3FA9] =	sst s9;
	s0 =	simm.s32 @!p0 $0x0  }
0x12: {  	s1 =	sld [smem:$0x3F8F];
	s0 =	simm.s32 @p0 $0x1  }
0x13: {  	[smem:$0x3FAA] =	sst s0;
	s0 =	simm.s32 @!p1 $0x0  }
0x14: {  	s2 =	sld [smem:$0x3F8E];
	s0 =	simm.s32 @p1 $0x1  }
0x15: {  	[smem:$0x3FAB] =	sst s0;
	s0 =	simm.s32 @!p2 $0x0  }
0x16: {  	s3 =	sld [smem:$0x3FDB];
	s0 =	simm.s32 @p2 $0x1  }
0x17: {  	s4 =	simm.s32 $0x1BF5;
	[smem:$0x3FAD] =	sst s0  }
0x18: {  	s0 =	sld [smem:$0x3F90];
	_ =	swait.ge [sflag:s4], $0x0  }
0x19: {  	s7 =	sld [smem:$0x3F91]  }
0x1a: {  	s8 =	sadd.s32 $0xFFFFE003, lr  }
0x1b: {  	s9 =	sadd.s32 $0xFFFFFEF7, lr;
	s5 =	simm.s32 $0xFFFFFFFF;
	p2 =	slt.u32 s8, $0xFFFFF086  }
0x1c: {  	p1 =	slt.u32 s9, $0xF7A;
	s5 =	simm.s32 @!p2 $0x0  }
0x1d: {  	s5 =	simm.s32 @p1 $0x1;
	p0 =	seq.s32 s7, s2  }
0x1e: {  	s7 =	smul.u32 @!p0 $0xF7A, s2;
	p2 =	seq.s32 @!p0 s5, $0x0  }
0x1f: {  	s9 =	smul.u32 $0xF7A, s1;
	s8 =	simm.s32 @!p0 $0x1BF5;
	p2 =	por !p2, p0  }
0x20: {  	[sflag:s8] =	ssyncset.s32 @!p0 $0xFFFFF086;
	s6 =	sadd.s32 @!p0 s3, s7;
	s7 =	simm.s32 @!p0 $0x108  }
0x21: {  	s3 =	sadd.s32 s3, s9;
	s6 =	sadd.s32 @!p0 $0x88, s6;
	s7 =	simm.s32 @p2 $0x1082  }
0x22: {  	[simem:s7], [sflag:s8] =	dma.local @!p0 [hbm:s6], $0xF7A  }
0x23: {  	s9 =	sor.u32 $0xD0000000, s2;
	s6 =	simm.s32 $0x108;
	_ =	swait.ge @!p0 [sflag:s8], $0x0  }
0x24: {  	s3 =	sadd.s32 $0x88, s3;
	s6 =	simm.s32 @!p1 $0x1082;
	[sflag:s4] =	ssyncset.s32 $0xFFFFF086  }
0x25: {  	[simem:s6], [sflag:s4] =	dma.local [hbm:s3], $0xF7A  }
0x26: {  	[smem:$0x3F91] =	sst s1;
	(tag) =	ssettag s2;
	_ =	strace s9  }
0x27: {  	s1 =	sld [smem:$0x3FA1]  }
0x28: {  	s2 =	sld [smem:$0x3FA2]  }
0x29: {  	s4 =	sld [smem:$0x3FA4]  }
0x2a: {  	p0 =	seq.s32 s5, $0x0;
	s5 =	sld [smem:$0x3FA5]  }
0x2b: {  	s6 =	sld [smem:$0x3FA6]  }
0x2c: {  	s7 =	sld [smem:$0x3FA7]  }
0x2d: {  	s3 =	simm.s32 $0x108;
	s8 =	sld [smem:$0x3FA8]  }
0x2e: {  	s3 =	simm.s32 @!p0 $0x1082;
	s9 =	sld [smem:$0x3FA9]  }
0x2f: {  	lr =	sadd.s32 s0, s3;
	s0 =	sld [smem:$0x3FA0]  }
0x30: {  	s3 =	sld [smem:$0x3FA3]  }
0x31: {  	[smem:$0x3FAC] =	sst s10  }
0x32: {  	s10 =	sld [smem:$0x3FAA];
	_ =	sdelay $0x3  }
0x33: {  	p0 =	seq.s32 s10, $0x1;
	s10 =	sld [smem:$0x3FAC];
	_ =	sdelay $0x3  }
0x34: {  	[smem:$0x3FAC] =	sst s10  }
0x35: {  	s10 =	sld [smem:$0x3FAB];
	_ =	sdelay $0x3  }
0x36: {  	p1 =	seq.s32 s10, $0x1;
	s10 =	sld [smem:$0x3FAC];
	_ =	sdelay $0x3  }
0x37: {  	[smem:$0x3FAC] =	sst s10  }
0x38: {  	s10 =	sld [smem:$0x3FAD]  }
0x39: {  	_ = 	snop;
	(pc) =	sbr.ind lr, $3  }
0x3a: {  	_ = 	snop  }
0x3b: {  	_ = 	snop  }
0x3c: {  	p2 =	seq.s32 s10, $0x1;
	s10 =	sld [smem:$0x3FAC]  }
0x3d: {  	_ =	shalt  }
0x3e: {  	_ =	shalt  }
0x3f: {  	_ =	shalt  }
0x40: {  	_ =	shalt  }
0x41: {  	_ =	shalt  }
0x42: {  	_ =	shalt  }
0x43: {  	_ =	shalt  }
0x44: {  	_ =	shalt  }
0x45: {  	_ =	shalt  }
0x46: {  	_ =	shalt  }
0x47: {  	_ =	shalt  }
0x48: {  	_ =	shalt  }
0x49: {  	_ =	shalt  }
0x4a: {  	_ =	shalt  }
0x4b: {  	_ =	shalt  }
0x4c: {  	_ =	shalt  }
0x4d: {  	_ =	shalt  }
0x4e: {  	_ =	shalt  }
0x4f: {  	_ =	shalt  }
0x50: {  	_ =	shalt  }
0x51: {  	_ =	shalt  }
0x52: {  	_ =	shalt  }
0x53: {  	_ =	shalt  }
0x54: {  	_ =	shalt  }
0x55: {  	_ =	shalt  }
0x56: {  	_ =	shalt  }
0x57: {  	_ =	shalt  }
0x58: {  	_ =	shalt  }
0x59: {  	_ =	shalt  }
0x5a: {  	_ =	shalt  }
0x5b: {  	_ =	shalt  }
0x5c: {  	_ =	shalt  }
0x5d: {  	_ =	shalt  }
0x5e: {  	_ =	shalt  }
0x5f: {  	_ =	shalt  }
0x60: {  	_ =	shalt  }
0x61: {  	_ =	shalt  }
0x62: {  	_ =	shalt  }
0x63: {  	_ =	shalt  }
0x64: {  	_ =	shalt  }
0x65: {  	_ =	shalt  }
0x66: {  	_ =	shalt  }
0x67: {  	_ =	shalt  }
0x68: {  	_ =	shalt  }
0x69: {  	_ =	shalt  }
0x6a: {  	_ =	shalt  }
0x6b: {  	_ =	shalt  }
0x6c: {  	_ =	shalt  }
0x6d: {  	_ =	shalt  }
0x6e: {  	_ =	shalt  }
0x6f: {  	_ =	shalt  }
0x70: {  	_ =	shalt  }
0x71: {  	_ =	shalt  }
0x72: {  	_ =	shalt  }
0x73: {  	_ =	shalt  }
0x74: {  	_ =	shalt  }
0x75: {  	_ =	shalt  }
0x76: {  	_ =	shalt  }
0x77: {  	_ =	shalt  }
0x78: {  	_ =	shalt  }
0x79: {  	_ =	shalt  }
0x7a: {  	_ =	shalt  }
0x7b: {  	_ =	shalt  }
0x7c: {  	_ =	shalt  }
0x7d: {  	_ =	shalt  }
0x7e: {  	_ =	shalt  }
0x7f: {  	_ =	shalt  }
0x80: {  	_ =	shalt  }
0x81: {  	_ =	shalt  }
0x82: {  	_ =	shalt  }
0x83: {  	_ =	shalt  }
0x84: {  	_ =	shalt  }
0x85: {  	_ =	shalt  }
0x86: {  	_ =	shalt  }
0x87: {  	_ =	shalt  }
.Lfunc_end0:
.L_simem_size_0:
called_computation.1_lowered:
.L_overlay_start_0:
0x88: {  	s2 =	sld [smem:$0x3FD9]  }
0x89: {  	s3 =	sld [smem:$0x3FFE];
	_ =	sdelay $0x1  }
0x8a: {  	s1 =	srdreg.scid  }
0x8b: {  	s0 =	sand.u32 $0x1, s1  }
0x8c: {  	s16 =	sshll.u32 s0, $0xA;
	s2 =	sadd.s32 s3, s2  }
0x8d: {  	s2 =	sadd.s32 s2, s16  }
0x8e: {  	[smem:$0x3FB8] =	sst s2  }
0x8f: {  	_ = 	snop  }
0x90: {  	(tm) =	ssettm $0x1  }
0x91: {  	s17 =	sld [smem:$0x3FFB];
	_ =	sdelay $0x3  }
0x92: {  	_ =	strace s17  }
0x93: {  	s2 =	sld [smem:$0x3FFC];
	_ =	sdelay $0x3  }
0x94: {  	_ =	strace s2  }
0x95: {  	s2 =	sld [smem:$0x3FFD];
	_ =	sdelay $0x3  }
0x96: {  	_ =	strace s2  }
0x97: {  	_ =	strace $0x8FFFFFFF  }
0x98: {  	s18 =	sld [smem:$0x3FDB];
	_ =	sdelay $0x1  }
0x99: {  	s19 =	simm.s32 $_scs_section_size  }
0x9a: {  	s4 =	simm.s32 $_size__tile_overlayer_lowered;
	s5 =	simm.s32 $_tile_overlayer_lowered  }
0x9b: {  	s22 =	simm.s32 $0x1BFF;
	s21 =	sshll.u32 s5, $0x1;
	s2 =	sadd.s32 s19, s18  }
0x9c: {  	s6 =	simm.s32 $0x0;
	s20 =	sshll.u32 s4, $0x1;
	s4 =	sadd.s32 s21, s2  }
0x9d: {  	[timem:s6], [sflag:s22] =	dma.local [hbm:s4], s20  }
0x9e: {  	_ =	swait.ge [sflag:s22], s20  }
0x9f: {  	s3 =	ssub.s32 $0x0, s20;
	[sflag:s22] =	ssyncset.done $0x0  }
0xa0: {  	[sflag:s22] =	ssyncadd.s32 s3;
	_ =	sdelay $0x1  }
0xa1: {  	s23 =	simm.s32 $0x1B8B  }
0xa2: {  	_ =	swait.ge [sflag:s23], $0x1  }
0xa3: {  	[sflag:s23] =	ssyncset.done $0x0  }
0xa4: {  	s25 =	simm.s32 $0x1B8E;
	s24 =	sld [smem:$0x3FFE];
	[sflag:s23] =	ssyncadd.s32 $0xFFFFFFFF  }
0xa5: {  	s26 =	simm.s32 $execute0_lowered;
	[smem:$0x3FD2] =	sst s25  }
0xa6: {  	s4 =	sshll.u32 s26, $0x1;
	_ =	strace $0x80000049;
	[dreg:$0x1] =	wrdreg $0xFFFFFFFF  }
0xa7: {  	s28 =	simm.s32 $_size_execute0_lowered;
	s2 =	sadd.s32 s2, s4;
	[dreg:$0x0] =	wrdreg $0x0  }
0xa8: {  	s4 =	sshll.u32 s28, $0x1;
	[dreg:$0x2] =	wrdreg s2  }
0xa9: {  	[dreg:$0x3] =	wrdreg s4  }
0xaa: {  	[dreg:$0x4] =	wrdreg $0xC0  }
0xab: {  	_ =	task [dreg:s6], $0x5FFFF  }
0xac: {  	[dreg:$0x1] =	wrdreg $0xFFFFFFFF  }
0xad: {  	[dreg:$0x0] =	wrdreg $0x60  }
0xae: {  	[dreg:$0x2] =	wrdreg s24  }
0xaf: {  	[dreg:$0x3] =	wrdreg $0xB8000  }
0xb0: {  	[dreg:$0x4] =	wrdreg $0x9  }
0xb1: {  	_ =	task.clear_ibuf [dreg:s6], $0x5FFFF;
	_ =	strace $0x90000049  }
0xb2: {  	s29 =	simm.s32 $0x9;
	_ =	strace $0x8000004B  }
0xb3: {  	_ =	swait.ge [sflag:s29], $0x1  }
0xb4: {  	[sflag:s29] =	ssyncadd.s32 $0xFFFFFFFF  }
0xb5: {  	_ =	strace $0x9000004B  }
0xb6: {  	_ =	sfence  }
0xb7: {  	s30 =	sld [smem:$0x0];
	_ =	sdelay $0x2  }
0xb8: {  	s31 =	sshll.u32 s1, $0xD;
	s1 =	sshrl.u32 s1, $0x2  }
0xb9: {  	s3 =	sand.u32 $0x4000, s31;
	s1 =	sadd.s32 s1, s30  }
0xba: {  	s0 =	sor.u32 s3, s0;
	s1 =	sshll.u32 s1, $0x11  }
0xbb: {  	s0 =	sor.u32 s1, s0  }
0xbc: {  	s0 =	sadd.s32 $0x8F2B, s0  }
0xbd: {  	[sflag:s0] =	ssyncadd.remote.s32 $0x1  }
0xbe: {  	_ =	sfence.sel $0xFFFF  }
0xbf: {  	[dreg:$0x0] =	wrdreg $0xFFFFFFFF;
	(pc) =	sbr.abs _section_cstart, $3  }
0xc0: {  	[dreg:$0x1] =	wrdreg $0xFFFFFFFF  }
0xc1: {  	_ =	task.clear_ibuf [dreg:s6], $0x2FFFF;
	_ =	strace $0x9FFFFFFF  }
0xc2: {  	(tm) =	ssettm $0x7FFFFFFF  }
0xc3: {  	_ =	shalt  }
tec
execute0_lowered:
.L_overlay_start_1:
0x0: {  	(tag) =	ssettag $0x1  }
0x1: {  	s1 =	srdreg.scid  }
0x2: {  	s0 =	stileid.u32;
	s6 =	rddreg [dreg:$0x0]  }
0x3: {  	s2 =	rddreg [dreg:$0x1];
	s3 =	simm.s32 $0x0;
	s15 =	simm.s32 $0x40  }
0x4: {  	s16 =	simm.s32 $0x7800;
	s17 =	simm.s32 $0x9800;
	s18 =	simm.s32 $0x1  }
0x5: {  	s19 =	simm.s32 $0x2;
	s20 =	simm.s32 $0x2780;
	s21 =	simm.s32 $0x4F00  }
0x6: {  	s22 =	simm.s32 $0x4F80;
	s23 =	simm.s32 $0x7700;
	s4 =	smul.u32 $0x5000, s0  }
0x7: {  	s28 =	simm.s32 $0x80;
	s29 =	simm.s32 $0x0;
	s8 =	smul.u32 $0x28000, s0  }
0x8: {  	s5 =	sand.u32 $0x1, s1;
	[smem:$0x7FF] =	sst s3;
	s11 =	smul.u32 $0x50000, s0  }
0x9: {  	s31 =	sshll.u32 s0, $0x6;
	s7 =	smul.u32 $0x50000, s5;
	_ =	strace $0x8000004A  }
0xa: {  	s24 =	sshll.u32 s5, $0xA;
	s25 =	ssub.s32 $0x2, s5;
	s5 =	sadd.s32 $0x7CA00, s6  }
0xb: {  	s26 =	sshrl.u32 s25, $0x1;
	s30 =	sshrl.u32 s11, $0x2;
	s7 =	sadd.s32 s4, s7  }
0xc: {  	s4 =	sshrl.u32 s4, $0x3;
	s13 =	ssub.s32 s25, s26;
	s14 =	sadd.s32 s30, s2  }
0xd: {  	s25 =	simm.s32 $0x8;
	s26 =	simm.s32 $0x100;
	s7 =	sshrl.u32 s7, $0x3  }
0xe: {  	s10 =	sadd.s32 s4, s6;
	s9 =	sadd.s32 s7, s6;
	s7 =	sor.u32 s24, s8  }
0xf: {  	s4 =	sadd.s32 $0x2E600, s6;
	s14 =	sshrl.u32 s14, $0x3;
	s7 =	sshrl.u32 s7, $0x3  }
0x10: {  	s24 =	simm.s32 $0x7780;
	s8 =	sadd.s32 $0x1AB00, s9;
	s12 =	sadd.s32 s7, s6  }
0x11: {  	s6 =	sadd.s32 $0xF400, s10;
	s7 =	sadd.s32 $0x1A600, s9;
	s10 =	smax.u32 s13, $0x1  }
0x12: {  	s13 =	sor.u32 $0x1C03, s31;
	s9 =	sadd.s32 $0x7F200, s12;
	s12 =	simm.s32 $0x3  }
.LBB2_1:
0x13: {  	s0 =	simm.s32 $0x2800  }
0x14: {  	[tilespmem:s0], [sflag:$0x3] =	stream.linear.gather [hbm4b:s6+s3], $0x5000, $0x38;
	[tilespmem:$0x1F800] =	vst v63  }
0x15: {  	_ =	swait.ge [sflag:s12], $0x5000  }
0x16: {  	[sflag:s12] =	ssyncset.done $0x0  }
0x17: {  	[sflag:s12] =	ssyncadd.s32 $0xFFFFB000  }
0x18: {  	[spmem:s14], [sflag:s13] =	dma.local [hbm:s5], $0x2800  }
0x19: {  	_ =	swait.ge [sflag:s12], $0x2800  }
0x1a: {  	[sflag:s12] =	ssyncset.done $0x0  }
0x1b: {  	[sflag:s12] =	ssyncadd.s32 $0xFFFFD800  }
0x1c: {  	[bflag:$0x0] =	sbarrier.arrive $0xFFFF  }
0x1d: {  	[tilespmem:s3], [sflag:$0x3] =	stream.linear.gather [hbm4b:s7+s3], $0x2800, $0x38;
	[tilespmem:$0x1F800] =	vst v63  }
0x1e: {  	_ =	swait.ge [sflag:s12], $0x2800  }
0x1f: {  	[sflag:s12] =	ssyncset.done $0x0  }
0x20: {  	[sflag:s12] =	ssyncadd.s32 $0xFFFFD800  }
0x21: {  	[tilespmem:s16], [sflag:$0x1] =	stream.indirect.gather [hbm4b:s4+s15], $0x80, s3, s15, $0xb8;
	[tilespmem:$0x1F800] =	vst v63  }
0x22: {  	s30 =	simm.s32 $0x80  }
0x23: {  	[tilespmem:s17], [sflag:$0x2] =	stream.indirect.gather [hbm4b:s4+s15], $0x80, s30, s15, $0xb8;
	[tilespmem:$0x1F800] =	vst v63  }
0x24: {  	_ =	swait.ge [sflag:s18], $0x2000  }
0x25: {  	[sflag:s18] =	ssyncset.done $0x0  }
0x26: {  	s30 =	simm.s32 $0x2800;
	[sflag:s18] =	ssyncadd.s32 $0xFFFFE000  }
0x27: {  	[spmem:s2] =	stream.indirect.scatter.add.f32 [tilespmem:s16], [sflag:$0x3], $0x80, s30, s15, $0xb8;
	[tilespmem:$0x1F800] =	vst v63  }
0x28: {  	_ =	swait.ge [sflag:s12], $0x2000  }
0x29: {  	[sflag:s12] =	ssyncset.done $0x0  }
0x2a: {  	s30 =	simm.s32 $0x100;
	[sflag:s12] =	ssyncadd.s32 $0xFFFFE000  }
0x2b: {  	[tilespmem:s16], [sflag:$0x1] =	stream.indirect.gather [hbm4b:s4+s15], $0x80, s30, s15, $0xb8;
	[tilespmem:$0x1F800] =	vst v63  }
0x2c: {  	_ =	swait.ge [sflag:s19], $0x2000  }
0x2d: {  	[sflag:s19] =	ssyncset.done $0x0  }
0x2e: {  	s30 =	simm.s32 $0x2880;
	[sflag:s19] =	ssyncadd.s32 $0xFFFFE000  }
0x2f: {  	[spmem:s2] =	stream.indirect.scatter.add.f32 [tilespmem:s17], [sflag:$0x3], $0x80, s30, s15, $0xb8;
	[tilespmem:$0x1F800] =	vst v63  }
0x30: {  	_ =	swait.ge [sflag:s12], $0x2000  }
0x31: {  	s31 =	simm.s32 $0x800;
	s30 =	simm.s32 $0x100;
	[sflag:s12] =	ssyncset.done $0x0  }
.LBB2_2:
0x32: {  	s1 =	sadd.s32 $0x80, s30  }
0x33: {  	[sflag:s12] =	ssyncadd.s32 $0xFFFFE000;
	s0 =	smov.u32 s31;
	s11 =	sadd.s32 $0x400, s31  }
0x34: {  	[tilespmem:s17], [sflag:$0x2] =	stream.indirect.gather [hbm4b:s4+s15], $0x80, s1, s15, $0xb8;
	[tilespmem:$0x1F800] =	vst v63  }
0x35: {  	p0 =	sne.s32 s31, $0x9800;
	_ =	swait.ge [sflag:s18], $0x2000  }
0x36: {  	[sflag:s18] =	ssyncset.done $0x0  }
0x37: {  	s1 =	sadd.s32 $0x2800, s30;
	[sflag:s18] =	ssyncadd.s32 $0xFFFFE000  }
0x38: {  	[spmem:s2] =	stream.indirect.scatter.add.f32 [tilespmem:s16], [sflag:$0x3], $0x80, s1, s15, $0xb8;
	[tilespmem:$0x1F800] =	vst v63  }
0x39: {  	_ =	swait.ge [sflag:s12], $0x2000  }
0x3a: {  	[sflag:s12] =	ssyncset.done $0x0  }
0x3b: {  	s1 =	sadd.s32 $0x100, s30;
	[sflag:s12] =	ssyncadd.s32 $0xFFFFE000  }
0x3c: {  	[tilespmem:s16], [sflag:$0x1] =	stream.indirect.gather [hbm4b:s4+s15], $0x80, s1, s15, $0xb8;
	[tilespmem:$0x1F800] =	vst v63  }
0x3d: {  	_ =	swait.ge [sflag:s19], $0x2000  }
.Ltmp0:
0x3e: {  	[sflag:s19] =	ssyncset.done $0x0;
	(pc) =	sbr.rel @p0 .LBB2_2-.Ltmp0, $4  }
0x3f: {  	s1 =	sadd.s32 $0x2880, s30;
	[sflag:s19] =	ssyncadd.s32 $0xFFFFE000  }
0x40: {  	[spmem:s2] =	stream.indirect.scatter.add.f32 [tilespmem:s17], [sflag:$0x3], $0x80, s1, s15, $0xb8;
	[tilespmem:$0x1F800] =	vst v63  }
0x41: {  	_ =	swait.ge [sflag:s12], $0x2000  }
0x42: {  	s31 =	smov.u32 s11;
	s30 =	sshra.s32 s0, $0x2;
	[sflag:s12] =	ssyncset.done $0x0  }
0x43: {  	s0 =	sadd.s32 $0x80, s30;
	[sflag:s12] =	ssyncadd.s32 $0xFFFFE000  }
0x44: {  	[tilespmem:s17], [sflag:$0x2] =	stream.indirect.gather [hbm4b:s4+s15], $0x80, s0, s15, $0xb8;
	[tilespmem:$0x1F800] =	vst v63  }
0x45: {  	_ =	swait.ge [sflag:s18], $0x2000  }
0x46: {  	[sflag:s18] =	ssyncset.done $0x0  }
0x47: {  	s11 =	sadd.s32 $0x2800, s30;
	[sflag:s18] =	ssyncadd.s32 $0xFFFFE000  }
0x48: {  	[spmem:s2] =	stream.indirect.scatter.add.f32 [tilespmem:s16], [sflag:$0x3], $0x80, s11, s15, $0xb8;
	[tilespmem:$0x1F800] =	vst v63  }
0x49: {  	_ =	swait.ge [sflag:s12], $0x2000  }
0x4a: {  	[sflag:s12] =	ssyncset.done $0x0  }
0x4b: {  	s1 =	sadd.s32 $0x100, s30;
	[sflag:s12] =	ssyncadd.s32 $0xFFFFE000  }
0x4c: {  	[tilespmem:s16], [sflag:$0x1] =	stream.indirect.gather [hbm4b:s4+s15], $0x80, s1, s15, $0xb8;
	[tilespmem:$0x1F800] =	vst v63  }
0x4d: {  	_ =	swait.ge [sflag:s19], $0x2000  }
0x4e: {  	[sflag:s19] =	ssyncset.done $0x0  }
0x4f: {  	s11 =	sadd.s32 $0x2880, s30;
	[sflag:s19] =	ssyncadd.s32 $0xFFFFE000  }
0x50: {  	[spmem:s2] =	stream.indirect.scatter.add.f32 [tilespmem:s17], [sflag:$0x3], $0x80, s11, s15, $0xb8;
	[tilespmem:$0x1F800] =	vst v63  }
0x51: {  	_ =	swait.ge [sflag:s12], $0x2000  }
0x52: {  	[sflag:s12] =	ssyncset.done $0x0  }
0x53: {  	[sflag:s12] =	ssyncadd.s32 $0xFFFFE000  }
0x54: {  	[tilespmem:s17], [sflag:$0x2] =	stream.indirect.gather [hbm4b:s4+s15], $0x80, s20, s15, $0xb8;
	[tilespmem:$0x1F800] =	vst v63  }
0x55: {  	_ =	swait.ge [sflag:s18], $0x2000  }
0x56: {  	[sflag:s18] =	ssyncset.done $0x0  }
0x57: {  	[sflag:s18] =	ssyncadd.s32 $0xFFFFE000  }
0x58: {  	[spmem:s2] =	stream.indirect.scatter.add.f32 [tilespmem:s16], [sflag:$0x3], $0x80, s21, s15, $0xb8;
	[tilespmem:$0x1F800] =	vst v63  }
0x59: {  	_ =	swait.ge [sflag:s12], $0x2000  }
0x5a: {  	[sflag:s12] =	ssyncset.done $0x0  }
0x5b: {  	[sflag:s12] =	ssyncadd.s32 $0xFFFFE000  }
0x5c: {  	_ =	swait.ge [sflag:s19], $0x2000  }
0x5d: {  	[sflag:s19] =	ssyncset.done $0x0  }
0x5e: {  	[sflag:s19] =	ssyncadd.s32 $0xFFFFE000  }
0x5f: {  	[spmem:s2] =	stream.indirect.scatter.add.f32 [tilespmem:s17], [sflag:$0x3], $0x80, s22, s15, $0xb8;
	[tilespmem:$0x1F800] =	vst v63  }
0x60: {  	_ =	swait.ge [sflag:s12], $0x2000  }
0x61: {  	[sflag:s12] =	ssyncset.done $0x0  }
0x62: {  	[sflag:s12] =	ssyncadd.s32 $0xFFFFE000  }
0x63: {  	[tilespmem:s3], [sflag:$0x3] =	stream.linear.gather [hbm4b:s8+s3], $0x2800, $0x38;
	[tilespmem:$0x1F800] =	vst v63  }
0x64: {  	_ =	swait.ge [sflag:s12], $0x2800  }
0x65: {  	[sflag:s12] =	ssyncset.done $0x0  }
0x66: {  	[sflag:s12] =	ssyncadd.s32 $0xFFFFD800  }
0x67: {  	[tilespmem:s16], [sflag:$0x1] =	stream.indirect.gather [hbm4b:s4+s15], $0x80, s3, s15, $0xb8;
	[tilespmem:$0x1F800] =	vst v63  }
0x68: {  	s1 =	simm.s32 $0x80  }
0x69: {  	[tilespmem:s17], [sflag:$0x2] =	stream.indirect.gather [hbm4b:s4+s15], $0x80, s1, s15, $0xb8;
	[tilespmem:$0x1F800] =	vst v63  }
0x6a: {  	_ =	swait.ge [sflag:s18], $0x2000  }
0x6b: {  	[sflag:s18] =	ssyncset.done $0x0  }
0x6c: {  	s11 =	simm.s32 $0x5000;
	[sflag:s18] =	ssyncadd.s32 $0xFFFFE000  }
0x6d: {  	[spmem:s2] =	stream.indirect.scatter.add.f32 [tilespmem:s16], [sflag:$0x3], $0x80, s11, s15, $0xb8;
	[tilespmem:$0x1F800] =	vst v63  }
0x6e: {  	_ =	swait.ge [sflag:s12], $0x2000  }
0x6f: {  	[sflag:s12] =	ssyncset.done $0x0  }
0x70: {  	s1 =	simm.s32 $0x100;
	[sflag:s12] =	ssyncadd.s32 $0xFFFFE000  }
0x71: {  	[tilespmem:s16], [sflag:$0x1] =	stream.indirect.gather [hbm4b:s4+s15], $0x80, s1, s15, $0xb8;
	[tilespmem:$0x1F800] =	vst v63  }
0x72: {  	_ =	swait.ge [sflag:s19], $0x2000  }
0x73: {  	[sflag:s19] =	ssyncset.done $0x0  }
0x74: {  	s11 =	simm.s32 $0x5080;
	[sflag:s19] =	ssyncadd.s32 $0xFFFFE000  }
0x75: {  	[spmem:s2] =	stream.indirect.scatter.add.f32 [tilespmem:s17], [sflag:$0x3], $0x80, s11, s15, $0xb8;
	[tilespmem:$0x1F800] =	vst v63  }
0x76: {  	_ =	swait.ge [sflag:s12], $0x2000  }
0x77: {  	s31 =	simm.s32 $0xFFFF6C00;
	s30 =	simm.s32 $0xFFFFDA00;
	[sflag:s12] =	ssyncset.done $0x0  }
.LBB2_4:
0x78: {  	s0 =	sadd.s32 $0x2780, s30  }
0x79: {  	[sflag:s12] =	ssyncadd.s32 $0xFFFFE000;
	s1 =	smov.u32 s31;
	s11 =	sadd.s32 $0x400, s31  }
0x7a: {  	[tilespmem:s17], [sflag:$0x2] =	stream.indirect.gather [hbm4b:s4+s15], $0x80, s0, s15, $0xb8;
	[tilespmem:$0x1F800] =	vst v63  }
0x7b: {  	p0 =	sne.s32 s31, $0xFFFFFC00;
	_ =	swait.ge [sflag:s18], $0x2000  }
0x7c: {  	[sflag:s18] =	ssyncset.done $0x0  }
0x7d: {  	s0 =	sadd.s32 $0x7700, s30;
	[sflag:s18] =	ssyncadd.s32 $0xFFFFE000  }
0x7e: {  	[spmem:s2] =	stream.indirect.scatter.add.f32 [tilespmem:s16], [sflag:$0x3], $0x80, s0, s15, $0xb8;
	[tilespmem:$0x1F800] =	vst v63  }
0x7f: {  	_ =	swait.ge [sflag:s12], $0x2000  }
0x80: {  	[sflag:s12] =	ssyncset.done $0x0  }
0x81: {  	s0 =	sadd.s32 $0x2800, s30;
	[sflag:s12] =	ssyncadd.s32 $0xFFFFE000  }
0x82: {  	[tilespmem:s16], [sflag:$0x1] =	stream.indirect.gather [hbm4b:s4+s15], $0x80, s0, s15, $0xb8;
	[tilespmem:$0x1F800] =	vst v63  }
0x83: {  	_ =	swait.ge [sflag:s19], $0x2000  }
.Ltmp1:
0x84: {  	[sflag:s19] =	ssyncset.done $0x0;
	(pc) =	sbr.rel @p0 .LBB2_4-.Ltmp1, $4  }
0x85: {  	s0 =	sadd.s32 $0x7780, s30;
	[sflag:s19] =	ssyncadd.s32 $0xFFFFE000  }
0x86: {  	[spmem:s2] =	stream.indirect.scatter.add.f32 [tilespmem:s17], [sflag:$0x3], $0x80, s0, s15, $0xb8;
	[tilespmem:$0x1F800] =	vst v63  }
0x87: {  	_ =	swait.ge [sflag:s12], $0x2000  }
0x88: {  	s31 =	smov.u32 s11;
	s30 =	sshra.s32 s1, $0x2;
	[sflag:s12] =	ssyncset.done $0x0  }
0x89: {  	s0 =	sadd.s32 $0x2780, s30;
	[sflag:s12] =	ssyncadd.s32 $0xFFFFE000  }
0x8a: {  	[tilespmem:s17], [sflag:$0x2] =	stream.indirect.gather [hbm4b:s4+s15], $0x80, s0, s15, $0xb8;
	[tilespmem:$0x1F800] =	vst v63  }
0x8b: {  	_ =	swait.ge [sflag:s18], $0x2000  }
0x8c: {  	[sflag:s18] =	ssyncset.done $0x0  }
0x8d: {  	s1 =	sadd.s32 $0x7700, s30;
	[sflag:s18] =	ssyncadd.s32 $0xFFFFE000  }
0x8e: {  	[spmem:s2] =	stream.indirect.scatter.add.f32 [tilespmem:s16], [sflag:$0x3], $0x80, s1, s15, $0xb8;
	[tilespmem:$0x1F800] =	vst v63  }
0x8f: {  	_ =	swait.ge [sflag:s12], $0x2000  }
0x90: {  	[sflag:s12] =	ssyncset.done $0x0  }
0x91: {  	s11 =	sadd.s32 $0x2800, s30;
	[sflag:s12] =	ssyncadd.s32 $0xFFFFE000  }
0x92: {  	[tilespmem:s16], [sflag:$0x1] =	stream.indirect.gather [hbm4b:s4+s15], $0x80, s11, s15, $0xb8;
	[tilespmem:$0x1F800] =	vst v63  }
0x93: {  	_ =	swait.ge [sflag:s19], $0x2000  }
0x94: {  	[sflag:s19] =	ssyncset.done $0x0  }
0x95: {  	s31 =	sadd.s32 $0x7780, s30;
	[sflag:s19] =	ssyncadd.s32 $0xFFFFE000  }
0x96: {  	[spmem:s2] =	stream.indirect.scatter.add.f32 [tilespmem:s17], [sflag:$0x3], $0x80, s31, s15, $0xb8;
	[tilespmem:$0x1F800] =	vst v63  }
0x97: {  	_ =	swait.ge [sflag:s12], $0x2000  }
0x98: {  	[sflag:s12] =	ssyncset.done $0x0  }
0x99: {  	[sflag:s12] =	ssyncadd.s32 $0xFFFFE000  }
0x9a: {  	[tilespmem:s17], [sflag:$0x2] =	stream.indirect.gather [hbm4b:s4+s15], $0x80, s20, s15, $0xb8;
	[tilespmem:$0x1F800] =	vst v63  }
0x9b: {  	_ =	swait.ge [sflag:s18], $0x2000  }
0x9c: {  	[sflag:s18] =	ssyncset.done $0x0  }
0x9d: {  	[sflag:s18] =	ssyncadd.s32 $0xFFFFE000  }
0x9e: {  	[spmem:s2] =	stream.indirect.scatter.add.f32 [tilespmem:s16], [sflag:$0x3], $0x80, s23, s15, $0xb8;
	[tilespmem:$0x1F800] =	vst v63  }
0x9f: {  	_ =	swait.ge [sflag:s12], $0x2000  }
0xa0: {  	[sflag:s12] =	ssyncset.done $0x0  }
0xa1: {  	[sflag:s12] =	ssyncadd.s32 $0xFFFFE000  }
0xa2: {  	_ =	swait.ge [sflag:s19], $0x2000  }
0xa3: {  	[sflag:s19] =	ssyncset.done $0x0  }
0xa4: {  	[sflag:s19] =	ssyncadd.s32 $0xFFFFE000  }
0xa5: {  	[spmem:s2] =	stream.indirect.scatter.add.f32 [tilespmem:s17], [sflag:$0x3], $0x80, s24, s15, $0xb8;
	[tilespmem:$0x1F800] =	vst v63  }
0xa6: {  	_ =	swait.ge [sflag:s12], $0x2000  }
0xa7: {  	[sflag:s12] =	ssyncset.done $0x0  }
0xa8: {  	s29 =	sadd.s32 $0x1, s29;
	[sflag:s12] =	ssyncadd.s32 $0xFFFFE000  }
0xa9: {  	p0 =	sne.s32 s29, s10;
	[bflag:$0x0] =	sbarrier.arrive $0xFFFF  }
0xaa: {  	[hbm:s9@s26], [sflag:s13] =	dma.strided [spmem:s14@s28], $0x2800, s25, $0x10   }
.Ltmp2:
0xab: {  	_ =	swait.ge [sflag:s12], $0x2800;
	(pc) =	sbr.rel @p0 .LBB2_1-.Ltmp2, $3  }
0xac: {  	[sflag:s12] =	ssyncset.done $0x0  }
0xad: {  	[sflag:s12] =	ssyncadd.s32 $0xFFFFD800  }
0xae: {  	[bflag:$0x0] =	sbarrier.arrive $0xFFFF;
	_ =	sdelay $0x1  }
0xaf: {  	_ =	sfence.sel $0x180000  }
0xb0: {  	[bflag:$0x0] =	sbarrier.arrive $0xFFFF  }
0xb1: {  	_ =	strace $0x9000004A  }
0xb2: {  	s0 =	stileid.u32;
	[bflag:$0x2] =	sbarrier.arrive $0xFFFF  }
0xb3: {  	p0 =	sne.s32 s0, $0x0;
	s0 =	rddreg [dreg:$0x2]  }
0xb4: {  	s0 =	sadd.s32 @!p0 $0x100000, s0  }
0xb5: {  	[sflag:s0] =	ssyncadd.tile.s32 @!p0 $0x1;
	_ =	shalt  }
.Lfunc_end2:
_tile_overlayer_lowered:
.L_overlay_start_2:
0xb6: {  	(tag) =	ssettag $0x2  }
0xb7: {  	s0 =	rddreg [dreg:$0x0];
	s2 =	stileid.u32  }
0xb8: {  	s1 =	rddreg [dreg:$0x1];
	p0 =	sne.s32 s2, $0x0  }
0xb9: {  	s3 =	rddreg [dreg:$0x2];
	[bflag:$0x3] =	sbarrier.arrive $0xFFFF;
	s2 =	simm.s32 @!p0 $0x1C03  }
0xba: {  	[timem:s3], [sflag:s2] =	dma.local @!p0 [hbm:s0], s1  }
0xbb: {  	s0 =	simm.s32 @!p0 $0x3  }
0xbc: {  	_ =	swait.ge @!p0 [sflag:s0], s1  }
0xbd: {  	s1 =	ssub.s32 @!p0 $0x0, s1;
	[sflag:s0] =	ssyncset.done @!p0 $0x0  }
0xbe: {  	[sflag:s0] =	ssyncadd.s32 @!p0 s1  }
0xbf: {  	[bflag:$0x3] =	sbarrier.arrive $0xFFFF  }
0xc0: {  	_ =	shalt  }

// kernel: kernel.23.cloned.1.call-start
scs
__scs_entry_jumppad:
0x0: {  	(pc) =	sbr.rel $0x88, $3  }
0x1: {  	(tag) =	ssettag $0x0;
	lr =	simm.s32 $0x1  }
0x2: {  	[smem:$0x3F91] =	sst lr;
	_ =	strace $0xD0000000  }
0x3: {  	_ = 	snop  }
0x4: {  	_ = 	snop  }
0x5: {  	_ = 	snop  }
0x6: {  	_ = 	snop  }
0x7: {  	_ = 	snop  }
__scs_overlays_trampoline_lowered:
0x8: {  	[smem:$0x3FA0] =	sst s0  }
0x9: {  	[smem:$0x3FA1] =	sst s1  }
0xa: {  	[smem:$0x3FA2] =	sst s2  }
0xb: {  	[smem:$0x3FA3] =	sst s3  }
0xc: {  	[smem:$0x3FA4] =	sst s4  }
0xd: {  	[smem:$0x3FA5] =	sst s5  }
0xe: {  	[smem:$0x3FA6] =	sst s6  }
0xf: {  	[smem:$0x3FA7] =	sst s7  }
0x10: {  	[smem:$0x3FA8] =	sst s8  }
0x11: {  	[smem:$0x3FA9] =	sst s9;
	s0 =	simm.s32 @!p0 $0x0  }
0x12: {  	s1 =	sld [smem:$0x3F8F];
	s0 =	simm.s32 @p0 $0x1  }
0x13: {  	[smem:$0x3FAA] =	sst s0;
	s0 =	simm.s32 @!p1 $0x0  }
0x14: {  	s2 =	sld [smem:$0x3F8E];
	s0 =	simm.s32 @p1 $0x1  }
0x15: {  	[smem:$0x3FAB] =	sst s0;
	s0 =	simm.s32 @!p2 $0x0  }
0x16: {  	s3 =	sld [smem:$0x3FDB];
	s0 =	simm.s32 @p2 $0x1  }
0x17: {  	s4 =	simm.s32 $0x1BF5;
	[smem:$0x3FAD] =	sst s0  }
0x18: {  	s0 =	sld [smem:$0x3F90];
	_ =	swait.ge [sflag:s4], $0x0  }
0x19: {  	s7 =	sld [smem:$0x3F91]  }
0x1a: {  	s8 =	sadd.s32 $0xFFFFE003, lr  }
0x1b: {  	s9 =	sadd.s32 $0xFFFFFEF7, lr;
	s5 =	simm.s32 $0xFFFFFFFF;
	p2 =	slt.u32 s8, $0xFFFFF086  }
0x1c: {  	p1 =	slt.u32 s9, $0xF7A;
	s5 =	simm.s32 @!p2 $0x0  }
0x1d: {  	s5 =	simm.s32 @p1 $0x1;
	p0 =	seq.s32 s7, s2  }
0x1e: {  	s7 =	smul.u32 @!p0 $0xF7A, s2;
	p2 =	seq.s32 @!p0 s5, $0x0  }
0x1f: {  	s9 =	smul.u32 $0xF7A, s1;
	s8 =	simm.s32 @!p0 $0x1BF5;
	p2 =	por !p2, p0  }
0x20: {  	[sflag:s8] =	ssyncset.s32 @!p0 $0xFFFFF086;
	s6 =	sadd.s32 @!p0 s3, s7;
	s7 =	simm.s32 @!p0 $0x108  }
0x21: {  	s3 =	sadd.s32 s3, s9;
	s6 =	sadd.s32 @!p0 $0x88, s6;
	s7 =	simm.s32 @p2 $0x1082  }
0x22: {  	[simem:s7], [sflag:s8] =	dma.local @!p0 [hbm:s6], $0xF7A  }
0x23: {  	s9 =	sor.u32 $0xD0000000, s2;
	s6 =	simm.s32 $0x108;
	_ =	swait.ge @!p0 [sflag:s8], $0x0  }
0x24: {  	s3 =	sadd.s32 $0x88, s3;
	s6 =	simm.s32 @!p1 $0x1082;
	[sflag:s4] =	ssyncset.s32 $0xFFFFF086  }
0x25: {  	[simem:s6], [sflag:s4] =	dma.local [hbm:s3], $0xF7A  }
0x26: {  	[smem:$0x3F91] =	sst s1;
	(tag) =	ssettag s2;
	_ =	strace s9  }
0x27: {  	s1 =	sld [smem:$0x3FA1]  }
0x28: {  	s2 =	sld [smem:$0x3FA2]  }
0x29: {  	s4 =	sld [smem:$0x3FA4]  }
0x2a: {  	p0 =	seq.s32 s5, $0x0;
	s5 =	sld [smem:$0x3FA5]  }
0x2b: {  	s6 =	sld [smem:$0x3FA6]  }
0x2c: {  	s7 =	sld [smem:$0x3FA7]  }
0x2d: {  	s3 =	simm.s32 $0x108;
	s8 =	sld [smem:$0x3FA8]  }
0x2e: {  	s3 =	simm.s32 @!p0 $0x1082;
	s9 =	sld [smem:$0x3FA9]  }
0x2f: {  	lr =	sadd.s32 s0, s3;
	s0 =	sld [smem:$0x3FA0]  }
0x30: {  	s3 =	sld [smem:$0x3FA3]  }
0x31: {  	[smem:$0x3FAC] =	sst s10  }
0x32: {  	s10 =	sld [smem:$0x3FAA];
	_ =	sdelay $0x3  }
0x33: {  	p0 =	seq.s32 s10, $0x1;
	s10 =	sld [smem:$0x3FAC];
	_ =	sdelay $0x3  }
0x34: {  	[smem:$0x3FAC] =	sst s10  }
0x35: {  	s10 =	sld [smem:$0x3FAB];
	_ =	sdelay $0x3  }
0x36: {  	p1 =	seq.s32 s10, $0x1;
	s10 =	sld [smem:$0x3FAC];
	_ =	sdelay $0x3  }
0x37: {  	[smem:$0x3FAC] =	sst s10  }
0x38: {  	s10 =	sld [smem:$0x3FAD]  }
0x39: {  	_ = 	snop;
	(pc) =	sbr.ind lr, $3  }
0x3a: {  	_ = 	snop  }
0x3b: {  	_ = 	snop  }
0x3c: {  	p2 =	seq.s32 s10, $0x1;
	s10 =	sld [smem:$0x3FAC]  }
0x3d: {  	_ =	shalt  }
0x3e: {  	_ =	shalt  }
0x3f: {  	_ =	shalt  }
0x40: {  	_ =	shalt  }
0x41: {  	_ =	shalt  }
0x42: {  	_ =	shalt  }
0x43: {  	_ =	shalt  }
0x44: {  	_ =	shalt  }
0x45: {  	_ =	shalt  }
0x46: {  	_ =	shalt  }
0x47: {  	_ =	shalt  }
0x48: {  	_ =	shalt  }
0x49: {  	_ =	shalt  }
0x4a: {  	_ =	shalt  }
0x4b: {  	_ =	shalt  }
0x4c: {  	_ =	shalt  }
0x4d: {  	_ =	shalt  }
0x4e: {  	_ =	shalt  }
0x4f: {  	_ =	shalt  }
0x50: {  	_ =	shalt  }
0x51: {  	_ =	shalt  }
0x52: {  	_ =	shalt  }
0x53: {  	_ =	shalt  }
0x54: {  	_ =	shalt  }
0x55: {  	_ =	shalt  }
0x56: {  	_ =	shalt  }
0x57: {  	_ =	shalt  }
0x58: {  	_ =	shalt  }
0x59: {  	_ =	shalt  }
0x5a: {  	_ =	shalt  }
0x5b: {  	_ =	shalt  }
0x5c: {  	_ =	shalt  }
0x5d: {  	_ =	shalt  }
0x5e: {  	_ =	shalt  }
0x5f: {  	_ =	shalt  }
0x60: {  	_ =	shalt  }
0x61: {  	_ =	shalt  }
0x62: {  	_ =	shalt  }
0x63: {  	_ =	shalt  }
0x64: {  	_ =	shalt  }
0x65: {  	_ =	shalt  }
0x66: {  	_ =	shalt  }
0x67: {  	_ =	shalt  }
0x68: {  	_ =	shalt  }
0x69: {  	_ =	shalt  }
0x6a: {  	_ =	shalt  }
0x6b: {  	_ =	shalt  }
0x6c: {  	_ =	shalt  }
0x6d: {  	_ =	shalt  }
0x6e: {  	_ =	shalt  }
0x6f: {  	_ =	shalt  }
0x70: {  	_ =	shalt  }
0x71: {  	_ =	shalt  }
0x72: {  	_ =	shalt  }
0x73: {  	_ =	shalt  }
0x74: {  	_ =	shalt  }
0x75: {  	_ =	shalt  }
0x76: {  	_ =	shalt  }
0x77: {  	_ =	shalt  }
0x78: {  	_ =	shalt  }
0x79: {  	_ =	shalt  }
0x7a: {  	_ =	shalt  }
0x7b: {  	_ =	shalt  }
0x7c: {  	_ =	shalt  }
0x7d: {  	_ =	shalt  }
0x7e: {  	_ =	shalt  }
0x7f: {  	_ =	shalt  }
0x80: {  	_ =	shalt  }
0x81: {  	_ =	shalt  }
0x82: {  	_ =	shalt  }
0x83: {  	_ =	shalt  }
0x84: {  	_ =	shalt  }
0x85: {  	_ =	shalt  }
0x86: {  	_ =	shalt  }
0x87: {  	_ =	shalt  }
.Lfunc_end0:
.L_simem_size_0:
called_computation.2_lowered:
.L_overlay_start_0:
0x88: {  	s2 =	sld [smem:$0x3FD9]  }
0x89: {  	s3 =	sld [smem:$0x3FFE];
	_ =	sdelay $0x1  }
0x8a: {  	s1 =	srdreg.scid  }
0x8b: {  	s0 =	sand.u32 $0x1, s1  }
0x8c: {  	s16 =	sshll.u32 s0, $0xA;
	s2 =	sadd.s32 s3, s2  }
0x8d: {  	s2 =	sadd.s32 s2, s16  }
0x8e: {  	[smem:$0x3FB8] =	sst s2  }
0x8f: {  	_ = 	snop  }
0x90: {  	(tm) =	ssettm $0x1  }
0x91: {  	s17 =	sld [smem:$0x3FFB];
	_ =	sdelay $0x3  }
0x92: {  	_ =	strace s17  }
0x93: {  	s2 =	sld [smem:$0x3FFC];
	_ =	sdelay $0x3  }
0x94: {  	_ =	strace s2  }
0x95: {  	s2 =	sld [smem:$0x3FFD];
	_ =	sdelay $0x3  }
0x96: {  	_ =	strace s2  }
0x97: {  	_ =	strace $0x8FFFFFFF  }
0x98: {  	s18 =	sld [smem:$0x3FDB];
	_ =	sdelay $0x1  }
0x99: {  	s19 =	simm.s32 $_scs_section_size  }
0x9a: {  	s4 =	simm.s32 $_size__tile_overlayer_lowered;
	s5 =	simm.s32 $_tile_overlayer_lowered  }
0x9b: {  	s22 =	simm.s32 $0x1BFF;
	s21 =	sshll.u32 s5, $0x1;
	s2 =	sadd.s32 s19, s18  }
0x9c: {  	s6 =	simm.s32 $0x0;
	s20 =	sshll.u32 s4, $0x1;
	s4 =	sadd.s32 s21, s2  }
0x9d: {  	[timem:s6], [sflag:s22] =	dma.local [hbm:s4], s20  }
0x9e: {  	_ =	swait.ge [sflag:s22], s20  }
0x9f: {  	s3 =	ssub.s32 $0x0, s20;
	[sflag:s22] =	ssyncset.done $0x0  }
0xa0: {  	[sflag:s22] =	ssyncadd.s32 s3;
	_ =	sdelay $0x1  }
0xa1: {  	s23 =	simm.s32 $0x1B8B  }
0xa2: {  	_ =	swait.ge [sflag:s23], $0x1  }
0xa3: {  	[sflag:s23] =	ssyncset.done $0x0  }
0xa4: {  	s25 =	simm.s32 $0x1B8E;
	s24 =	sld [smem:$0x3FFE];
	[sflag:s23] =	ssyncadd.s32 $0xFFFFFFFF  }
0xa5: {  	s26 =	simm.s32 $execute0_lowered;
	[smem:$0x3FD2] =	sst s25  }
0xa6: {  	s4 =	sshll.u32 s26, $0x1;
	_ =	strace $0x8000004C;
	[dreg:$0x1] =	wrdreg $0xFFFFFFFF  }
0xa7: {  	s28 =	simm.s32 $_size_execute0_lowered;
	s2 =	sadd.s32 s2, s4;
	[dreg:$0x0] =	wrdreg $0x0  }
0xa8: {  	s4 =	sshll.u32 s28, $0x1;
	[dreg:$0x2] =	wrdreg s2  }
0xa9: {  	[dreg:$0x3] =	wrdreg s4  }
0xaa: {  	[dreg:$0x4] =	wrdreg $0xC0  }
0xab: {  	_ =	task [dreg:s6], $0x5FFFF  }
0xac: {  	[dreg:$0x1] =	wrdreg $0xFFFFFFFF  }
0xad: {  	[dreg:$0x0] =	wrdreg $0x60  }
0xae: {  	[dreg:$0x2] =	wrdreg s24  }
0xaf: {  	[dreg:$0x3] =	wrdreg $0x50800  }
0xb0: {  	[dreg:$0x4] =	wrdreg $0x9  }
0xb1: {  	_ =	task.clear_ibuf [dreg:s6], $0x5FFFF;
	_ =	strace $0x9000004C  }
0xb2: {  	s29 =	simm.s32 $0x9;
	_ =	strace $0x8000004E  }
0xb3: {  	_ =	swait.ge [sflag:s29], $0x1  }
0xb4: {  	[sflag:s29] =	ssyncadd.s32 $0xFFFFFFFF  }
0xb5: {  	_ =	strace $0x9000004E  }
0xb6: {  	_ =	sfence  }
0xb7: {  	s30 =	sld [smem:$0x0];
	_ =	sdelay $0x2  }
0xb8: {  	s31 =	sshll.u32 s1, $0xD;
	s1 =	sshrl.u32 s1, $0x2  }
0xb9: {  	s3 =	sand.u32 $0x4000, s31;
	s1 =	sadd.s32 s1, s30  }
0xba: {  	s0 =	sor.u32 s3, s0;
	s1 =	sshll.u32 s1, $0x11  }
0xbb: {  	s0 =	sor.u32 s1, s0  }
0xbc: {  	s0 =	sadd.s32 $0x8F2B, s0  }
0xbd: {  	[sflag:s0] =	ssyncadd.remote.s32 $0x1  }
0xbe: {  	_ =	sfence.sel $0xFFFF  }
0xbf: {  	[dreg:$0x0] =	wrdreg $0xFFFFFFFF;
	(pc) =	sbr.abs _section_cstart, $3  }
0xc0: {  	[dreg:$0x1] =	wrdreg $0xFFFFFFFF  }
0xc1: {  	_ =	task.clear_ibuf [dreg:s6], $0x2FFFF;
	_ =	strace $0x9FFFFFFF  }
0xc2: {  	(tm) =	ssettm $0x7FFFFFFF  }
0xc3: {  	_ =	shalt  }
tec
execute0_lowered:
.L_overlay_start_1:
0x0: {  	(tag) =	ssettag $0x1  }
0x1: {  	s1 =	srdreg.scid  }
0x2: {  	s0 =	stileid.u32;
	s6 =	rddreg [dreg:$0x0]  }
0x3: {  	s2 =	rddreg [dreg:$0x1];
	s3 =	simm.s32 $0x0;
	s14 =	simm.s32 $0x40  }
0x4: {  	s15 =	simm.s32 $0x5000;
	s16 =	simm.s32 $0x1;
	s17 =	simm.s32 $0x20  }
0x5: {  	s18 =	simm.s32 $0x10;
	s19 =	simm.s32 $0x0;
	s4 =	smul.u32 $0x5000, s0  }
0x6: {  	s5 =	sand.u32 $0x1, s1;
	s1 =	rddreg [dreg:$0x2];
	s26 =	smul.u32 $0x500, s0  }
0x7: {  	[smem:$0x7FF] =	sst s3;
	s10 =	smul.u32 $0xA00, s0;
	s31 =	sshll.u32 s0, $0x6  }
0x8: {  	s7 =	smul.u32 $0x2800, s5;
	_ =	strace $0x8000004D;
	s28 =	ssub.s32 $0x2, s5  }
0x9: {  	s8 =	sshll.u32 s5, $0x7;
	s5 =	sadd.s32 $0x19A00, s6;
	s29 =	sshrl.u32 s28, $0x1  }
0xa: {  	s30 =	sshrl.u32 s10, $0x2;
	s4 =	sadd.s32 s7, s4;
	s7 =	sor.u32 s8, s26  }
0xb: {  	s12 =	ssub.s32 s28, s29;
	s13 =	sadd.s32 s30, s2;
	s4 =	sshrl.u32 s4, $0x3  }
0xc: {  	s7 =	sshrl.u32 s7, $0x3;
	s10 =	smax.u32 s12, $0x1;
	s12 =	simm.s32 $0x2  }
0xd: {  	s9 =	sadd.s32 s4, s6;
	s4 =	sadd.s32 $0x19C00, s6;
	s11 =	sadd.s32 s7, s6  }
0xe: {  	s6 =	sor.u32 $0x1C02, s31;
	s7 =	sadd.s32 $0x5400, s9;
	s8 =	sadd.s32 $0xF400, s9  }
0xf: {  	s9 =	sadd.s32 $0x1A200, s11;
	s11 =	sshrl.u32 s13, $0x3;
	s13 =	simm.s32 $0x2800  }
.LBB2_1:
0x10: {  	[spmem:s11], [sflag:s6] =	dma.local [hbm:s5], $0x50  }
0x11: {  	_ =	swait.ge [sflag:s12], $0x50  }
0x12: {  	[sflag:s12] =	ssyncset.done $0x0  }
0x13: {  	[sflag:s12] =	ssyncadd.s32 $0xFFFFFFB0  }
0x14: {  	[tilespmem:s3], [sflag:$0x2] =	stream.linear.gather [hbm4b:s7+s3], $0x2800, $0x38;
	[tilespmem:$0x5300] =	vst v63  }
0x15: {  	_ =	swait.ge [sflag:s12], $0x2800  }
0x16: {  	[sflag:s12] =	ssyncset.done $0x0  }
0x17: {  	[sflag:s12] =	ssyncadd.s32 $0xFFFFD800  }
0x18: {  	[tilespmem:s13], [sflag:$0x2] =	stream.linear.gather [hbm4b:s8+s3], $0x2800, $0x38;
	[tilespmem:$0x5300] =	vst v63  }
0x19: {  	_ =	swait.ge [sflag:s12], $0x2800  }
0x1a: {  	[sflag:s12] =	ssyncset.done $0x0  }
0x1b: {  	[sflag:s12] =	ssyncadd.s32 $0xFFFFD800  }
0x1c: {  	s20 =	simm.s32 $0x0;
	[bflag:$0x0] =	sbarrier.arrive $0xFFFF  }
0x1d: {  	[tilespmem:s15], [sflag:$0x1] =	stream.indirect.gather [hbm4b:s4+s14], $0x1, s20, s14, $0xb8;
	[tilespmem:$0x5300] =	vst v63  }
0x1e: {  	_ =	swait.ge [sflag:s16], $0x40  }
0x1f: {  	[sflag:s16] =	ssyncset.done $0x0  }
0x20: {  	s31 =	simm.s32 $0x2800;
	[sflag:s16] =	ssyncadd.s32 $0xFFFFFFC0  }
0x21: {  	[spmem:s2] =	stream.indirect.scatter.add.f32 [tilespmem:s15], [sflag:$0x2], $0x1, s31, s14, $0xb8;
	[tilespmem:$0x5300] =	vst v63  }
0x22: {  	_ =	swait.ge [sflag:s12], $0x40  }
0x23: {  	s21 =	simm.s32 $0x400;
	s20 =	simm.s32 $0x200;
	[sflag:s12] =	ssyncset.done $0x0  }
.LBB2_2:
0x24: {  	s22 =	sshra.s32 s20, $0x2  }
0x25: {  	[sflag:s12] =	ssyncadd.s32 $0xFFFFFFC0;
	s20 =	smov.u32 s21;
	s23 =	sadd.s32 $0x200, s21  }
0x26: {  	[tilespmem:s15], [sflag:$0x1] =	stream.indirect.gather [hbm4b:s4+s14], $0x1, s22, s14, $0xb8;
	[tilespmem:$0x5300] =	vst v63  }
0x27: {  	p0 =	sne.s32 s21, $0x9E00;
	_ =	swait.ge [sflag:s16], $0x40  }
.Ltmp0:
0x28: {  	[sflag:s16] =	ssyncset.done $0x0;
	(pc) =	sbr.rel @p0 .LBB2_2-.Ltmp0, $4  }
0x29: {  	s21 =	sadd.s32 $0x2800, s22;
	[sflag:s16] =	ssyncadd.s32 $0xFFFFFFC0  }
0x2a: {  	[spmem:s2] =	stream.indirect.scatter.add.f32 [tilespmem:s15], [sflag:$0x2], $0x1, s21, s14, $0xb8;
	[tilespmem:$0x5300] =	vst v63  }
0x2b: {  	_ =	swait.ge [sflag:s12], $0x40  }
0x2c: {  	s21 =	smov.u32 s23;
	[sflag:s12] =	ssyncset.done $0x0  }
0x2d: {  	s20 =	sshra.s32 s20, $0x2;
	[sflag:s12] =	ssyncadd.s32 $0xFFFFFFC0  }
0x2e: {  	[tilespmem:s15], [sflag:$0x1] =	stream.indirect.gather [hbm4b:s4+s14], $0x1, s20, s14, $0xb8;
	[tilespmem:$0x5300] =	vst v63  }
0x2f: {  	_ =	swait.ge [sflag:s16], $0x40  }
0x30: {  	[sflag:s16] =	ssyncset.done $0x0  }
0x31: {  	s20 =	sadd.s32 $0x2800, s20;
	[sflag:s16] =	ssyncadd.s32 $0xFFFFFFC0  }
0x32: {  	[spmem:s2] =	stream.indirect.scatter.add.f32 [tilespmem:s15], [sflag:$0x2], $0x1, s20, s14, $0xb8;
	[tilespmem:$0x5300] =	vst v63  }
0x33: {  	_ =	swait.ge [sflag:s12], $0x40  }
0x34: {  	s19 =	sadd.s32 $0x1, s19;
	[sflag:s12] =	ssyncset.done $0x0  }
0x35: {  	p0 =	sne.s32 s19, s10;
	[sflag:s12] =	ssyncadd.s32 $0xFFFFFFC0  }
.Ltmp1:
0x36: {  	[bflag:$0x0] =	sbarrier.arrive $0xFFFF;
	(pc) =	sbr.rel @p0 .LBB2_1-.Ltmp1, $4  }
0x37: {  	[hbm:s9@s17], [sflag:s6] =	dma.strided [spmem:s11@s18], $0x50, s16, $0x10   }
0x38: {  	_ =	swait.ge [sflag:s12], $0x50  }
0x39: {  	[sflag:s12] =	ssyncset.done $0x0  }
0x3a: {  	[sflag:s12] =	ssyncadd.s32 $0xFFFFFFB0  }
0x3b: {  	_ =	sfence.sel $0x180000  }
0x3c: {  	[bflag:$0x0] =	sbarrier.arrive $0xFFFF  }
0x3d: {  	p0 =	sne.s32 s0, $0x0;
	_ =	strace $0x9000004D  }
0x3e: {  	s0 =	sadd.s32 @!p0 $0x100000, s1;
	[bflag:$0x2] =	sbarrier.arrive $0xFFFF  }
0x3f: {  	[sflag:s0] =	ssyncadd.tile.s32 @!p0 $0x1;
	_ =	shalt  }
.Lfunc_end2:
_tile_overlayer_lowered:
.L_overlay_start_2:
0x40: {  	(tag) =	ssettag $0x2  }
0x41: {  	s0 =	rddreg [dreg:$0x0];
	s2 =	stileid.u32  }
0x42: {  	s1 =	rddreg [dreg:$0x1];
	p0 =	sne.s32 s2, $0x0  }
0x43: {  	s3 =	rddreg [dreg:$0x2];
	[bflag:$0x3] =	sbarrier.arrive $0xFFFF;
	s2 =	simm.s32 @!p0 $0x1C02  }
0x44: {  	[timem:s3], [sflag:s2] =	dma.local @!p0 [hbm:s0], s1  }
0x45: {  	s0 =	simm.s32 @!p0 $0x2  }
0x46: {  	_ =	swait.ge @!p0 [sflag:s0], s1  }
0x47: {  	s1 =	ssub.s32 @!p0 $0x0, s1;
	[sflag:s0] =	ssyncset.done @!p0 $0x0  }
0x48: {  	[sflag:s0] =	ssyncadd.s32 @!p0 s1  }
0x49: {  	[bflag:$0x3] =	sbarrier.arrive $0xFFFF  }
0x4a: {  	_ =	shalt  }

// kernel: kernel.26.cloned.1.call-start
scs
__scs_entry_jumppad:
0x0: {  	(pc) =	sbr.rel $0x88, $3  }
0x1: {  	(tag) =	ssettag $0x0;
	lr =	simm.s32 $0x1  }
0x2: {  	[smem:$0x3F91] =	sst lr;
	_ =	strace $0xD0000000  }
0x3: {  	_ = 	snop  }
0x4: {  	_ = 	snop  }
0x5: {  	_ = 	snop  }
0x6: {  	_ = 	snop  }
0x7: {  	_ = 	snop  }
__scs_overlays_trampoline_lowered:
0x8: {  	[smem:$0x3FA0] =	sst s0  }
0x9: {  	[smem:$0x3FA1] =	sst s1  }
0xa: {  	[smem:$0x3FA2] =	sst s2  }
0xb: {  	[smem:$0x3FA3] =	sst s3  }
0xc: {  	[smem:$0x3FA4] =	sst s4  }
0xd: {  	[smem:$0x3FA5] =	sst s5  }
0xe: {  	[smem:$0x3FA6] =	sst s6  }
0xf: {  	[smem:$0x3FA7] =	sst s7  }
0x10: {  	[smem:$0x3FA8] =	sst s8  }
0x11: {  	[smem:$0x3FA9] =	sst s9;
	s0 =	simm.s32 @!p0 $0x0  }
0x12: {  	s1 =	sld [smem:$0x3F8F];
	s0 =	simm.s32 @p0 $0x1  }
0x13: {  	[smem:$0x3FAA] =	sst s0;
	s0 =	simm.s32 @!p1 $0x0  }
0x14: {  	s2 =	sld [smem:$0x3F8E];
	s0 =	simm.s32 @p1 $0x1  }
0x15: {  	[smem:$0x3FAB] =	sst s0;
	s0 =	simm.s32 @!p2 $0x0  }
0x16: {  	s3 =	sld [smem:$0x3FDB];
	s0 =	simm.s32 @p2 $0x1  }
0x17: {  	s4 =	simm.s32 $0x1BF5;
	[smem:$0x3FAD] =	sst s0  }
0x18: {  	s0 =	sld [smem:$0x3F90];
	_ =	swait.ge [sflag:s4], $0x0  }
0x19: {  	s7 =	sld [smem:$0x3F91]  }
0x1a: {  	s8 =	sadd.s32 $0xFFFFE003, lr  }
0x1b: {  	s9 =	sadd.s32 $0xFFFFFEF7, lr;
	s5 =	simm.s32 $0xFFFFFFFF;
	p2 =	slt.u32 s8, $0xFFFFF086  }
0x1c: {  	p1 =	slt.u32 s9, $0xF7A;
	s5 =	simm.s32 @!p2 $0x0  }
0x1d: {  	s5 =	simm.s32 @p1 $0x1;
	p0 =	seq.s32 s7, s2  }
0x1e: {  	s7 =	smul.u32 @!p0 $0xF7A, s2;
	p2 =	seq.s32 @!p0 s5, $0x0  }
0x1f: {  	s9 =	smul.u32 $0xF7A, s1;
	s8 =	simm.s32 @!p0 $0x1BF5;
	p2 =	por !p2, p0  }
0x20: {  	[sflag:s8] =	ssyncset.s32 @!p0 $0xFFFFF086;
	s6 =	sadd.s32 @!p0 s3, s7;
	s7 =	simm.s32 @!p0 $0x108  }
0x21: {  	s3 =	sadd.s32 s3, s9;
	s6 =	sadd.s32 @!p0 $0x88, s6;
	s7 =	simm.s32 @p2 $0x1082  }
0x22: {  	[simem:s7], [sflag:s8] =	dma.local @!p0 [hbm:s6], $0xF7A  }
0x23: {  	s9 =	sor.u32 $0xD0000000, s2;
	s6 =	simm.s32 $0x108;
	_ =	swait.ge @!p0 [sflag:s8], $0x0  }
0x24: {  	s3 =	sadd.s32 $0x88, s3;
	s6 =	simm.s32 @!p1 $0x1082;
	[sflag:s4] =	ssyncset.s32 $0xFFFFF086  }
0x25: {  	[simem:s6], [sflag:s4] =	dma.local [hbm:s3], $0xF7A  }
0x26: {  	[smem:$0x3F91] =	sst s1;
	(tag) =	ssettag s2;
	_ =	strace s9  }
0x27: {  	s1 =	sld [smem:$0x3FA1]  }
0x28: {  	s2 =	sld [smem:$0x3FA2]  }
0x29: {  	s4 =	sld [smem:$0x3FA4]  }
0x2a: {  	p0 =	seq.s32 s5, $0x0;
	s5 =	sld [smem:$0x3FA5]  }
0x2b: {  	s6 =	sld [smem:$0x3FA6]  }
0x2c: {  	s7 =	sld [smem:$0x3FA7]  }
0x2d: {  	s3 =	simm.s32 $0x108;
	s8 =	sld [smem:$0x3FA8]  }
0x2e: {  	s3 =	simm.s32 @!p0 $0x1082;
	s9 =	sld [smem:$0x3FA9]  }
0x2f: {  	lr =	sadd.s32 s0, s3;
	s0 =	sld [smem:$0x3FA0]  }
0x30: {  	s3 =	sld [smem:$0x3FA3]  }
0x31: {  	[smem:$0x3FAC] =	sst s10  }
0x32: {  	s10 =	sld [smem:$0x3FAA];
	_ =	sdelay $0x3  }
0x33: {  	p0 =	seq.s32 s10, $0x1;
	s10 =	sld [smem:$0x3FAC];
	_ =	sdelay $0x3  }
0x34: {  	[smem:$0x3FAC] =	sst s10  }
0x35: {  	s10 =	sld [smem:$0x3FAB];
	_ =	sdelay $0x3  }
0x36: {  	p1 =	seq.s32 s10, $0x1;
	s10 =	sld [smem:$0x3FAC];
	_ =	sdelay $0x3  }
0x37: {  	[smem:$0x3FAC] =	sst s10  }
0x38: {  	s10 =	sld [smem:$0x3FAD]  }
0x39: {  	_ = 	snop;
	(pc) =	sbr.ind lr, $3  }
0x3a: {  	_ = 	snop  }
0x3b: {  	_ = 	snop  }
0x3c: {  	p2 =	seq.s32 s10, $0x1;
	s10 =	sld [smem:$0x3FAC]  }
0x3d: {  	_ =	shalt  }
0x3e: {  	_ =	shalt  }
0x3f: {  	_ =	shalt  }
0x40: {  	_ =	shalt  }
0x41: {  	_ =	shalt  }
0x42: {  	_ =	shalt  }
0x43: {  	_ =	shalt  }
0x44: {  	_ =	shalt  }
0x45: {  	_ =	shalt  }
0x46: {  	_ =	shalt  }
0x47: {  	_ =	shalt  }
0x48: {  	_ =	shalt  }
0x49: {  	_ =	shalt  }
0x4a: {  	_ =	shalt  }
0x4b: {  	_ =	shalt  }
0x4c: {  	_ =	shalt  }
0x4d: {  	_ =	shalt  }
0x4e: {  	_ =	shalt  }
0x4f: {  	_ =	shalt  }
0x50: {  	_ =	shalt  }
0x51: {  	_ =	shalt  }
0x52: {  	_ =	shalt  }
0x53: {  	_ =	shalt  }
0x54: {  	_ =	shalt  }
0x55: {  	_ =	shalt  }
0x56: {  	_ =	shalt  }
0x57: {  	_ =	shalt  }
0x58: {  	_ =	shalt  }
0x59: {  	_ =	shalt  }
0x5a: {  	_ =	shalt  }
0x5b: {  	_ =	shalt  }
0x5c: {  	_ =	shalt  }
0x5d: {  	_ =	shalt  }
0x5e: {  	_ =	shalt  }
0x5f: {  	_ =	shalt  }
0x60: {  	_ =	shalt  }
0x61: {  	_ =	shalt  }
0x62: {  	_ =	shalt  }
0x63: {  	_ =	shalt  }
0x64: {  	_ =	shalt  }
0x65: {  	_ =	shalt  }
0x66: {  	_ =	shalt  }
0x67: {  	_ =	shalt  }
0x68: {  	_ =	shalt  }
0x69: {  	_ =	shalt  }
0x6a: {  	_ =	shalt  }
0x6b: {  	_ =	shalt  }
0x6c: {  	_ =	shalt  }
0x6d: {  	_ =	shalt  }
0x6e: {  	_ =	shalt  }
0x6f: {  	_ =	shalt  }
0x70: {  	_ =	shalt  }
0x71: {  	_ =	shalt  }
0x72: {  	_ =	shalt  }
0x73: {  	_ =	shalt  }
0x74: {  	_ =	shalt  }
0x75: {  	_ =	shalt  }
0x76: {  	_ =	shalt  }
0x77: {  	_ =	shalt  }
0x78: {  	_ =	shalt  }
0x79: {  	_ =	shalt  }
0x7a: {  	_ =	shalt  }
0x7b: {  	_ =	shalt  }
0x7c: {  	_ =	shalt  }
0x7d: {  	_ =	shalt  }
0x7e: {  	_ =	shalt  }
0x7f: {  	_ =	shalt  }
0x80: {  	_ =	shalt  }
0x81: {  	_ =	shalt  }
0x82: {  	_ =	shalt  }
0x83: {  	_ =	shalt  }
0x84: {  	_ =	shalt  }
0x85: {  	_ =	shalt  }
0x86: {  	_ =	shalt  }
0x87: {  	_ =	shalt  }
.Lfunc_end0:
.L_simem_size_0:
called_computation.3_lowered:
.L_overlay_start_0:
0x88: {  	s2 =	sld [smem:$0x3FD9]  }
0x89: {  	s3 =	sld [smem:$0x3FFE];
	_ =	sdelay $0x1  }
0x8a: {  	s1 =	srdreg.scid  }
0x8b: {  	s0 =	sand.u32 $0x1, s1  }
0x8c: {  	s16 =	sshll.u32 s0, $0xA;
	s2 =	sadd.s32 s3, s2  }
0x8d: {  	s2 =	sadd.s32 s2, s16  }
0x8e: {  	[smem:$0x3FB8] =	sst s2  }
0x8f: {  	_ = 	snop  }
0x90: {  	(tm) =	ssettm $0x1  }
0x91: {  	s17 =	sld [smem:$0x3FFB];
	_ =	sdelay $0x3  }
0x92: {  	_ =	strace s17  }
0x93: {  	s2 =	sld [smem:$0x3FFC];
	_ =	sdelay $0x3  }
0x94: {  	_ =	strace s2  }
0x95: {  	s2 =	sld [smem:$0x3FFD];
	_ =	sdelay $0x3  }
0x96: {  	_ =	strace s2  }
0x97: {  	_ =	strace $0x8FFFFFFF  }
0x98: {  	s18 =	sld [smem:$0x3FDB];
	_ =	sdelay $0x1  }
0x99: {  	s19 =	simm.s32 $_scs_section_size  }
0x9a: {  	s4 =	simm.s32 $_size__tile_overlayer_lowered;
	s5 =	simm.s32 $_tile_overlayer_lowered  }
0x9b: {  	s22 =	simm.s32 $0x1BFF;
	s21 =	sshll.u32 s5, $0x1;
	s2 =	sadd.s32 s19, s18  }
0x9c: {  	s6 =	simm.s32 $0x0;
	s20 =	sshll.u32 s4, $0x1;
	s4 =	sadd.s32 s21, s2  }
0x9d: {  	[timem:s6], [sflag:s22] =	dma.local [hbm:s4], s20  }
0x9e: {  	_ =	swait.ge [sflag:s22], s20  }
0x9f: {  	s3 =	ssub.s32 $0x0, s20;
	[sflag:s22] =	ssyncset.done $0x0  }
0xa0: {  	[sflag:s22] =	ssyncadd.s32 s3;
	_ =	sdelay $0x1  }
0xa1: {  	s23 =	simm.s32 $0x1B8B  }
0xa2: {  	_ =	swait.ge [sflag:s23], $0x1  }
0xa3: {  	[sflag:s23] =	ssyncset.done $0x0  }
0xa4: {  	s25 =	simm.s32 $0x1B8E;
	s24 =	sld [smem:$0x3FFE];
	[sflag:s23] =	ssyncadd.s32 $0xFFFFFFFF  }
0xa5: {  	s26 =	simm.s32 $execute0_lowered;
	[smem:$0x3FD2] =	sst s25  }
0xa6: {  	s4 =	sshll.u32 s26, $0x1;
	_ =	strace $0x8000004F;
	[dreg:$0x1] =	wrdreg $0xFFFFFFFF  }
0xa7: {  	s28 =	simm.s32 $_size_execute0_lowered;
	s2 =	sadd.s32 s2, s4;
	[dreg:$0x0] =	wrdreg $0x0  }
0xa8: {  	s4 =	sshll.u32 s28, $0x1;
	[dreg:$0x2] =	wrdreg s2  }
0xa9: {  	[dreg:$0x3] =	wrdreg s4  }
0xaa: {  	[dreg:$0x4] =	wrdreg $0xC0  }
0xab: {  	_ =	task [dreg:s6], $0x5FFFF  }
0xac: {  	[dreg:$0x1] =	wrdreg $0xFFFFFFFF  }
0xad: {  	[dreg:$0x0] =	wrdreg $0x60  }
0xae: {  	[dreg:$0x2] =	wrdreg s24  }
0xaf: {  	[dreg:$0x3] =	wrdreg $0xB8000  }
0xb0: {  	[dreg:$0x4] =	wrdreg $0x9  }
0xb1: {  	_ =	task.clear_ibuf [dreg:s6], $0x5FFFF;
	_ =	strace $0x9000004F  }
0xb2: {  	s29 =	simm.s32 $0x9;
	_ =	strace $0x80000051  }
0xb3: {  	_ =	swait.ge [sflag:s29], $0x1  }
0xb4: {  	[sflag:s29] =	ssyncadd.s32 $0xFFFFFFFF  }
0xb5: {  	_ =	strace $0x90000051  }
0xb6: {  	_ =	sfence  }
0xb7: {  	s30 =	sld [smem:$0x0];
	_ =	sdelay $0x2  }
0xb8: {  	s31 =	sshll.u32 s1, $0xD;
	s1 =	sshrl.u32 s1, $0x2  }
0xb9: {  	s3 =	sand.u32 $0x4000, s31;
	s1 =	sadd.s32 s1, s30  }
0xba: {  	s0 =	sor.u32 s3, s0;
	s1 =	sshll.u32 s1, $0x11  }
0xbb: {  	s0 =	sor.u32 s1, s0  }
0xbc: {  	s0 =	sadd.s32 $0x8F2B, s0  }
0xbd: {  	[sflag:s0] =	ssyncadd.remote.s32 $0x1  }
0xbe: {  	_ =	sfence.sel $0xFFFF  }
0xbf: {  	[dreg:$0x0] =	wrdreg $0xFFFFFFFF;
	(pc) =	sbr.abs _section_cstart, $3  }
0xc0: {  	[dreg:$0x1] =	wrdreg $0xFFFFFFFF  }
0xc1: {  	_ =	task.clear_ibuf [dreg:s6], $0x2FFFF;
	_ =	strace $0x9FFFFFFF  }
0xc2: {  	(tm) =	ssettm $0x7FFFFFFF  }
0xc3: {  	_ =	shalt  }
tec
execute0_lowered:
.L_overlay_start_1:
0x0: {  	(tag) =	ssettag $0x1  }
0x1: {  	s0 =	rddreg [dreg:$0x0]  }
0x2: {  	s2 =	rddreg [dreg:$0x1];
	s12 =	stileid.u32;
	s3 =	simm.s32 $0x0  }
0x3: {  	s4 =	srdreg.scid;
	s28 =	simm.s32 $0x2;
	s29 =	simm.s32 $0x2780  }
0x4: {  	s30 =	simm.s32 $0x4F00;
	s31 =	simm.s32 $0x4F80;
	s1 =	smul.u32 $0x5000, s12  }
0x5: {  	[smem:$0x7FF] =	sst s3;
	s6 =	sand.u32 $0x1, s4;
	s25 =	smul.u32 $0x50000, s12  }
0x6: {  	s8 =	sadd.s32 $0x1AC00, s0;
	s4 =	sadd.s32 $0x477200, s0;
	s12 =	smul.u32 $0xA0000, s12  }
0x7: {  	_ =	strace $0x80000050;
	s9 =	ssub.s32 $0x2, s6;
	s11 =	smul.u32 $0x50000, s6  }
0x8: {  	s13 =	sor.u32 $0x2, s6;
	s16 =	sshll.u32 s6, $0xA;
	s5 =	sshrl.u32 s1, $0x3  }
0x9: {  	s10 =	sshrl.u32 s9, $0x1;
	s15 =	smul.u32 $0x50000, s13;
	s18 =	sshll.u32 s13, $0xA  }
0xa: {  	s7 =	sadd.s32 s5, s0;
	s5 =	sadd.s32 $0x7CA00, s0;
	s0 =	sadd.s32 $0x5AFC00, s0  }
0xb: {  	s9 =	ssub.s32 s9, s10;
	s26 =	sadd.s32 s1, s11;
	s7 =	sadd.s32 $0xF400, s7  }
0xc: {  	s10 =	sshrl.u32 s26, $0x3;
	[dreg:$0x3] =	wrdreg s7;
	s7 =	sshrl.u32 s25, $0x2  }
0xd: {  	s14 =	sadd.s32 s8, s10;
	s10 =	sadd.s32 s1, s15;
	s15 =	sor.u32 $0x4, s6  }
0xe: {  	s6 =	sor.u32 $0x6, s6;
	s11 =	sadd.s32 s7, s2;
	[dreg:$0x4] =	wrdreg s14  }
0xf: {  	s7 =	sadd.s32 $0x500, s14;
	s10 =	sshrl.u32 s10, $0x3;
	[dreg:$0x5] =	wrdreg s11  }
0x10: {  	s14 =	smul.u32 $0x50000, s15;
	s23 =	sshll.u32 s15, $0xA;
	[dreg:$0x6] =	wrdreg s7  }
0x11: {  	s11 =	sor.u32 s16, s12;
	s16 =	smul.u32 $0x50000, s6;
	s6 =	sshll.u32 s6, $0xA  }
0x12: {  	s11 =	sshrl.u32 s11, $0x3;
	s19 =	sadd.s32 s1, s14;
	s24 =	sor.u32 s12, s6  }
0x13: {  	s6 =	simm.s32 $0x400;
	s17 =	sadd.s32 s0, s11;
	s11 =	sadd.s32 s8, s10  }
0x14: {  	s10 =	sor.u32 s12, s18;
	s13 =	sshrl.u32 s19, $0x3;
	s1 =	sadd.s32 s1, s16  }
0x15: {  	[dreg:$0x7] =	wrdreg s17;
	s10 =	sshrl.u32 s10, $0x3;
	s20 =	sadd.s32 $0x500, s11  }
0x16: {  	s14 =	sadd.s32 s8, s13;
	s1 =	sshrl.u32 s1, $0x3;
	[dreg:$0x8] =	wrdreg s20  }
0x17: {  	s21 =	sadd.s32 s0, s10;
	s22 =	sadd.s32 $0x500, s14;
	s10 =	sor.u32 s12, s23  }
0x18: {  	s16 =	sadd.s32 s8, s1;
	s1 =	sshrl.u32 s24, $0x3;
	s20 =	smax.u32 s9, $0x1  }
0x19: {  	s23 =	simm.s32 $0x40;
	s24 =	simm.s32 $0x7800;
	[dreg:$0x9] =	wrdreg s21  }
0x1a: {  	s8 =	simm.s32 $0x80;
	s9 =	simm.s32 $0x0;
	[dreg:$0xa] =	wrdreg s22  }
0x1b: {  	s10 =	sshrl.u32 s10, $0x3;
	s26 =	sadd.s32 $0x500, s16;
	s19 =	sadd.s32 s0, s1  }
0x1c: {  	s22 =	simm.s32 $0x3;
	s21 =	simm.s32 $0x7780;
	s1 =	simm.s32 $0x8  }
0x1d: {  	s25 =	sadd.s32 s0, s10;
	[dreg:$0xc] =	wrdreg s26;
	s26 =	simm.s32 $0x1  }
0x1e: {  	s0 =	simm.s32 $0x7700;
	[dreg:$0xb] =	wrdreg s25;
	s25 =	simm.s32 $0x9800  }
.LBB2_1:
0x1f: {  	s7 =	rddreg [dreg:$0x3];
	s10 =	simm.s32 $0x2800  }
0x20: {  	[tilespmem:s10], [sflag:$0x3] =	stream.linear.gather [hbm4b:s7+s3], $0x5000, $0x38;
	[tilespmem:$0x1F800] =	vst v63  }
0x21: {  	s18 =	stileid.u32;
	_ =	swait.ge [sflag:s22], $0x5000  }
0x22: {  	s7 =	sshll.u32 s18, $0x6;
	[sflag:s22] =	ssyncset.done $0x0;
	s12 =	rddreg [dreg:$0x5]  }
0x23: {  	s10 =	sor.u32 $0x1C03, s7;
	[sflag:s22] =	ssyncadd.s32 $0xFFFFB000;
	s12 =	sshrl.u32 s12, $0x3  }
0x24: {  	[spmem:s12], [sflag:s10] =	dma.local [hbm:s5], $0x2800  }
0x25: {  	_ =	swait.ge [sflag:s22], $0x2800  }
0x26: {  	[sflag:s22] =	ssyncset.done $0x0  }
0x27: {  	[sflag:s22] =	ssyncadd.s32 $0xFFFFD800  }
0x28: {  	[bflag:$0x0] =	sbarrier.arrive $0xFFFF  }
0x29: {  	s13 =	rddreg [dreg:$0x4]  }
0x2a: {  	[tilespmem:s3], [sflag:$0x3] =	stream.linear.gather [hbm4b:s13+s3], $0x2800, $0x38;
	[tilespmem:$0x1F800] =	vst v63  }
0x2b: {  	_ =	swait.ge [sflag:s22], $0x2800  }
0x2c: {  	[sflag:s22] =	ssyncset.done $0x0  }
0x2d: {  	[sflag:s22] =	ssyncadd.s32 $0xFFFFD800  }
0x2e: {  	[tilespmem:s24], [sflag:$0x1] =	stream.indirect.gather [hbm4b:s4+s23], $0x80, s3, s23, $0xb8;
	[tilespmem:$0x1F800] =	vst v63  }
0x2f: {  	s13 =	simm.s32 $0x80  }
0x30: {  	[tilespmem:s25], [sflag:$0x2] =	stream.indirect.gather [hbm4b:s4+s23], $0x80, s13, s23, $0xb8;
	[tilespmem:$0x1F800] =	vst v63  }
0x31: {  	_ =	swait.ge [sflag:s26], $0x2000  }
0x32: {  	[sflag:s26] =	ssyncset.done $0x0  }
0x33: {  	s15 =	simm.s32 $0x2800;
	[sflag:s26] =	ssyncadd.s32 $0xFFFFE000  }
0x34: {  	[spmem:s2] =	stream.indirect.scatter.add.f32 [tilespmem:s24], [sflag:$0x3], $0x80, s15, s23, $0xb8;
	[tilespmem:$0x1F800] =	vst v63  }
0x35: {  	_ =	swait.ge [sflag:s22], $0x2000  }
0x36: {  	[sflag:s22] =	ssyncset.done $0x0  }
0x37: {  	s17 =	simm.s32 $0x100;
	[sflag:s22] =	ssyncadd.s32 $0xFFFFE000  }
0x38: {  	[tilespmem:s24], [sflag:$0x1] =	stream.indirect.gather [hbm4b:s4+s23], $0x80, s17, s23, $0xb8;
	[tilespmem:$0x1F800] =	vst v63  }
0x39: {  	_ =	swait.ge [sflag:s28], $0x2000  }
0x3a: {  	[sflag:s28] =	ssyncset.done $0x0  }
0x3b: {  	s18 =	simm.s32 $0x2880;
	[sflag:s28] =	ssyncadd.s32 $0xFFFFE000  }
0x3c: {  	[spmem:s2] =	stream.indirect.scatter.add.f32 [tilespmem:s25], [sflag:$0x3], $0x80, s18, s23, $0xb8;
	[tilespmem:$0x1F800] =	vst v63  }
0x3d: {  	_ =	swait.ge [sflag:s22], $0x2000  }
0x3e: {  	s13 =	simm.s32 $0x100;
	s15 =	simm.s32 $0x800;
	[sflag:s22] =	ssyncset.done $0x0  }
.LBB2_2:
0x3f: {  	s7 =	sadd.s32 $0x80, s13  }
0x40: {  	[sflag:s22] =	ssyncadd.s32 $0xFFFFE000;
	s17 =	smov.u32 s15;
	s18 =	sadd.s32 $0x400, s15  }
0x41: {  	[tilespmem:s25], [sflag:$0x2] =	stream.indirect.gather [hbm4b:s4+s23], $0x80, s7, s23, $0xb8;
	[tilespmem:$0x1F800] =	vst v63  }
0x42: {  	p0 =	sne.s32 s15, $0x9800;
	_ =	swait.ge [sflag:s26], $0x2000  }
0x43: {  	[sflag:s26] =	ssyncset.done $0x0  }
0x44: {  	s7 =	sadd.s32 $0x2800, s13;
	[sflag:s26] =	ssyncadd.s32 $0xFFFFE000  }
0x45: {  	[spmem:s2] =	stream.indirect.scatter.add.f32 [tilespmem:s24], [sflag:$0x3], $0x80, s7, s23, $0xb8;
	[tilespmem:$0x1F800] =	vst v63  }
0x46: {  	_ =	swait.ge [sflag:s22], $0x2000  }
0x47: {  	[sflag:s22] =	ssyncset.done $0x0  }
0x48: {  	s7 =	sadd.s32 $0x100, s13;
	[sflag:s22] =	ssyncadd.s32 $0xFFFFE000  }
0x49: {  	[tilespmem:s24], [sflag:$0x1] =	stream.indirect.gather [hbm4b:s4+s23], $0x80, s7, s23, $0xb8;
	[tilespmem:$0x1F800] =	vst v63  }
0x4a: {  	_ =	swait.ge [sflag:s28], $0x2000  }
.Ltmp0:
0x4b: {  	[sflag:s28] =	ssyncset.done $0x0;
	(pc) =	sbr.rel @p0 .LBB2_2-.Ltmp0, $4  }
0x4c: {  	s7 =	sadd.s32 $0x2880, s13;
	[sflag:s28] =	ssyncadd.s32 $0xFFFFE000  }
0x4d: {  	[spmem:s2] =	stream.indirect.scatter.add.f32 [tilespmem:s25], [sflag:$0x3], $0x80, s7, s23, $0xb8;
	[tilespmem:$0x1F800] =	vst v63  }
0x4e: {  	_ =	swait.ge [sflag:s22], $0x2000  }
0x4f: {  	s15 =	smov.u32 s18;
	s13 =	sshra.s32 s17, $0x2;
	[sflag:s22] =	ssyncset.done $0x0  }
0x50: {  	s7 =	sadd.s32 $0x80, s13;
	[sflag:s22] =	ssyncadd.s32 $0xFFFFE000  }
0x51: {  	[tilespmem:s25], [sflag:$0x2] =	stream.indirect.gather [hbm4b:s4+s23], $0x80, s7, s23, $0xb8;
	[tilespmem:$0x1F800] =	vst v63  }
0x52: {  	_ =	swait.ge [sflag:s26], $0x2000  }
0x53: {  	[sflag:s26] =	ssyncset.done $0x0  }
0x54: {  	s18 =	sadd.s32 $0x2800, s13;
	[sflag:s26] =	ssyncadd.s32 $0xFFFFE000  }
0x55: {  	[spmem:s2] =	stream.indirect.scatter.add.f32 [tilespmem:s24], [sflag:$0x3], $0x80, s18, s23, $0xb8;
	[tilespmem:$0x1F800] =	vst v63  }
0x56: {  	_ =	swait.ge [sflag:s22], $0x2000  }
0x57: {  	[sflag:s22] =	ssyncset.done $0x0  }
0x58: {  	s15 =	sadd.s32 $0x100, s13;
	[sflag:s22] =	ssyncadd.s32 $0xFFFFE000  }
0x59: {  	[tilespmem:s24], [sflag:$0x1] =	stream.indirect.gather [hbm4b:s4+s23], $0x80, s15, s23, $0xb8;
	[tilespmem:$0x1F800] =	vst v63  }
0x5a: {  	_ =	swait.ge [sflag:s28], $0x2000  }
0x5b: {  	[sflag:s28] =	ssyncset.done $0x0  }
0x5c: {  	s17 =	sadd.s32 $0x2880, s13;
	[sflag:s28] =	ssyncadd.s32 $0xFFFFE000  }
0x5d: {  	[spmem:s2] =	stream.indirect.scatter.add.f32 [tilespmem:s25], [sflag:$0x3], $0x80, s17, s23, $0xb8;
	[tilespmem:$0x1F800] =	vst v63  }
0x5e: {  	_ =	swait.ge [sflag:s22], $0x2000  }
0x5f: {  	[sflag:s22] =	ssyncset.done $0x0  }
0x60: {  	[sflag:s22] =	ssyncadd.s32 $0xFFFFE000  }
0x61: {  	[tilespmem:s25], [sflag:$0x2] =	stream.indirect.gather [hbm4b:s4+s23], $0x80, s29, s23, $0xb8;
	[tilespmem:$0x1F800] =	vst v63  }
0x62: {  	_ =	swait.ge [sflag:s26], $0x2000  }
0x63: {  	[sflag:s26] =	ssyncset.done $0x0  }
0x64: {  	[sflag:s26] =	ssyncadd.s32 $0xFFFFE000  }
0x65: {  	[spmem:s2] =	stream.indirect.scatter.add.f32 [tilespmem:s24], [sflag:$0x3], $0x80, s30, s23, $0xb8;
	[tilespmem:$0x1F800] =	vst v63  }
0x66: {  	_ =	swait.ge [sflag:s22], $0x2000  }
0x67: {  	[sflag:s22] =	ssyncset.done $0x0  }
0x68: {  	[sflag:s22] =	ssyncadd.s32 $0xFFFFE000  }
0x69: {  	_ =	swait.ge [sflag:s28], $0x2000  }
0x6a: {  	[sflag:s28] =	ssyncset.done $0x0  }
0x6b: {  	[sflag:s28] =	ssyncadd.s32 $0xFFFFE000  }
0x6c: {  	[spmem:s2] =	stream.indirect.scatter.add.f32 [tilespmem:s25], [sflag:$0x3], $0x80, s31, s23, $0xb8;
	[tilespmem:$0x1F800] =	vst v63  }
0x6d: {  	_ =	swait.ge [sflag:s22], $0x2000  }
0x6e: {  	[sflag:s22] =	ssyncset.done $0x0  }
0x6f: {  	s18 =	rddreg [dreg:$0x6];
	[sflag:s22] =	ssyncadd.s32 $0xFFFFE000  }
0x70: {  	[tilespmem:s3], [sflag:$0x3] =	stream.linear.gather [hbm4b:s18+s3], $0x2800, $0x38;
	[tilespmem:$0x1F800] =	vst v63  }
0x71: {  	_ =	swait.ge [sflag:s22], $0x2800  }
0x72: {  	[sflag:s22] =	ssyncset.done $0x0  }
0x73: {  	[sflag:s22] =	ssyncadd.s32 $0xFFFFD800  }
0x74: {  	[tilespmem:s24], [sflag:$0x1] =	stream.indirect.gather [hbm4b:s4+s23], $0x80, s3, s23, $0xb8;
	[tilespmem:$0x1F800] =	vst v63  }
0x75: {  	s13 =	simm.s32 $0x80  }
0x76: {  	[tilespmem:s25], [sflag:$0x2] =	stream.indirect.gather [hbm4b:s4+s23], $0x80, s13, s23, $0xb8;
	[tilespmem:$0x1F800] =	vst v63  }
0x77: {  	_ =	swait.ge [sflag:s26], $0x2000  }
0x78: {  	[sflag:s26] =	ssyncset.done $0x0  }
0x79: {  	s15 =	simm.s32 $0x5000;
	[sflag:s26] =	ssyncadd.s32 $0xFFFFE000  }
0x7a: {  	[spmem:s2] =	stream.indirect.scatter.add.f32 [tilespmem:s24], [sflag:$0x3], $0x80, s15, s23, $0xb8;
	[tilespmem:$0x1F800] =	vst v63  }
0x7b: {  	_ =	swait.ge [sflag:s22], $0x2000  }
0x7c: {  	[sflag:s22] =	ssyncset.done $0x0  }
0x7d: {  	s17 =	simm.s32 $0x100;
	[sflag:s22] =	ssyncadd.s32 $0xFFFFE000  }
0x7e: {  	[tilespmem:s24], [sflag:$0x1] =	stream.indirect.gather [hbm4b:s4+s23], $0x80, s17, s23, $0xb8;
	[tilespmem:$0x1F800] =	vst v63  }
0x7f: {  	_ =	swait.ge [sflag:s28], $0x2000  }
0x80: {  	[sflag:s28] =	ssyncset.done $0x0  }
0x81: {  	s18 =	simm.s32 $0x5080;
	[sflag:s28] =	ssyncadd.s32 $0xFFFFE000  }
0x82: {  	[spmem:s2] =	stream.indirect.scatter.add.f32 [tilespmem:s25], [sflag:$0x3], $0x80, s18, s23, $0xb8;
	[tilespmem:$0x1F800] =	vst v63  }
0x83: {  	_ =	swait.ge [sflag:s22], $0x2000  }
0x84: {  	s13 =	simm.s32 $0xFFFFDA00;
	s15 =	simm.s32 $0xFFFF6C00;
	[sflag:s22] =	ssyncset.done $0x0  }
.LBB2_4:
0x85: {  	s7 =	sadd.s32 $0x2780, s13  }
0x86: {  	[sflag:s22] =	ssyncadd.s32 $0xFFFFE000;
	s17 =	smov.u32 s15;
	s18 =	sadd.s32 $0x400, s15  }
0x87: {  	[tilespmem:s25], [sflag:$0x2] =	stream.indirect.gather [hbm4b:s4+s23], $0x80, s7, s23, $0xb8;
	[tilespmem:$0x1F800] =	vst v63  }
0x88: {  	p0 =	sne.s32 s15, $0xFFFFFC00;
	_ =	swait.ge [sflag:s26], $0x2000  }
0x89: {  	[sflag:s26] =	ssyncset.done $0x0  }
0x8a: {  	s7 =	sadd.s32 $0x7700, s13;
	[sflag:s26] =	ssyncadd.s32 $0xFFFFE000  }
0x8b: {  	[spmem:s2] =	stream.indirect.scatter.add.f32 [tilespmem:s24], [sflag:$0x3], $0x80, s7, s23, $0xb8;
	[tilespmem:$0x1F800] =	vst v63  }
0x8c: {  	_ =	swait.ge [sflag:s22], $0x2000  }
0x8d: {  	[sflag:s22] =	ssyncset.done $0x0  }
0x8e: {  	s7 =	sadd.s32 $0x2800, s13;
	[sflag:s22] =	ssyncadd.s32 $0xFFFFE000  }
0x8f: {  	[tilespmem:s24], [sflag:$0x1] =	stream.indirect.gather [hbm4b:s4+s23], $0x80, s7, s23, $0xb8;
	[tilespmem:$0x1F800] =	vst v63  }
0x90: {  	_ =	swait.ge [sflag:s28], $0x2000  }
.Ltmp1:
0x91: {  	[sflag:s28] =	ssyncset.done $0x0;
	(pc) =	sbr.rel @p0 .LBB2_4-.Ltmp1, $4  }
0x92: {  	s7 =	sadd.s32 $0x7780, s13;
	[sflag:s28] =	ssyncadd.s32 $0xFFFFE000  }
0x93: {  	[spmem:s2] =	stream.indirect.scatter.add.f32 [tilespmem:s25], [sflag:$0x3], $0x80, s7, s23, $0xb8;
	[tilespmem:$0x1F800] =	vst v63  }
0x94: {  	_ =	swait.ge [sflag:s22], $0x2000  }
0x95: {  	s15 =	smov.u32 s18;
	s13 =	sshra.s32 s17, $0x2;
	[sflag:s22] =	ssyncset.done $0x0  }
0x96: {  	s7 =	sadd.s32 $0x2780, s13;
	[sflag:s22] =	ssyncadd.s32 $0xFFFFE000  }
0x97: {  	[tilespmem:s25], [sflag:$0x2] =	stream.indirect.gather [hbm4b:s4+s23], $0x80, s7, s23, $0xb8;
	[tilespmem:$0x1F800] =	vst v63  }
0x98: {  	_ =	swait.ge [sflag:s26], $0x2000  }
0x99: {  	[sflag:s26] =	ssyncset.done $0x0  }
0x9a: {  	s17 =	sadd.s32 $0x7700, s13;
	[sflag:s26] =	ssyncadd.s32 $0xFFFFE000  }
0x9b: {  	[spmem:s2] =	stream.indirect.scatter.add.f32 [tilespmem:s24], [sflag:$0x3], $0x80, s17, s23, $0xb8;
	[tilespmem:$0x1F800] =	vst v63  }
0x9c: {  	_ =	swait.ge [sflag:s22], $0x2000  }
0x9d: {  	[sflag:s22] =	ssyncset.done $0x0  }
0x9e: {  	s18 =	sadd.s32 $0x2800, s13;
	[sflag:s22] =	ssyncadd.s32 $0xFFFFE000  }
0x9f: {  	[tilespmem:s24], [sflag:$0x1] =	stream.indirect.gather [hbm4b:s4+s23], $0x80, s18, s23, $0xb8;
	[tilespmem:$0x1F800] =	vst v63  }
0xa0: {  	_ =	swait.ge [sflag:s28], $0x2000  }
0xa1: {  	[sflag:s28] =	ssyncset.done $0x0  }
0xa2: {  	s15 =	sadd.s32 $0x7780, s13;
	[sflag:s28] =	ssyncadd.s32 $0xFFFFE000  }
0xa3: {  	[spmem:s2] =	stream.indirect.scatter.add.f32 [tilespmem:s25], [sflag:$0x3], $0x80, s15, s23, $0xb8;
	[tilespmem:$0x1F800] =	vst v63  }
0xa4: {  	_ =	swait.ge [sflag:s22], $0x2000  }
0xa5: {  	[sflag:s22] =	ssyncset.done $0x0  }
0xa6: {  	[sflag:s22] =	ssyncadd.s32 $0xFFFFE000  }
0xa7: {  	[tilespmem:s25], [sflag:$0x2] =	stream.indirect.gather [hbm4b:s4+s23], $0x80, s29, s23, $0xb8;
	[tilespmem:$0x1F800] =	vst v63  }
0xa8: {  	_ =	swait.ge [sflag:s26], $0x2000  }
0xa9: {  	[sflag:s26] =	ssyncset.done $0x0  }
0xaa: {  	[sflag:s26] =	ssyncadd.s32 $0xFFFFE000  }
0xab: {  	[spmem:s2] =	stream.indirect.scatter.add.f32 [tilespmem:s24], [sflag:$0x3], $0x80, s0, s23, $0xb8;
	[tilespmem:$0x1F800] =	vst v63  }
0xac: {  	_ =	swait.ge [sflag:s22], $0x2000  }
0xad: {  	[sflag:s22] =	ssyncset.done $0x0  }
0xae: {  	[sflag:s22] =	ssyncadd.s32 $0xFFFFE000  }
0xaf: {  	_ =	swait.ge [sflag:s28], $0x2000  }
0xb0: {  	[sflag:s28] =	ssyncset.done $0x0  }
0xb1: {  	[sflag:s28] =	ssyncadd.s32 $0xFFFFE000  }
0xb2: {  	[spmem:s2] =	stream.indirect.scatter.add.f32 [tilespmem:s25], [sflag:$0x3], $0x80, s21, s23, $0xb8;
	[tilespmem:$0x1F800] =	vst v63  }
0xb3: {  	_ =	swait.ge [sflag:s22], $0x2000  }
0xb4: {  	[sflag:s22] =	ssyncset.done $0x0  }
0xb5: {  	[sflag:s22] =	ssyncadd.s32 $0xFFFFE000  }
0xb6: {  	[bflag:$0x0] =	sbarrier.arrive $0xFFFF  }
0xb7: {  	s17 =	rddreg [dreg:$0x7]  }
0xb8: {  	[hbm:s17@s6], [sflag:s10] =	dma.strided [spmem:s12@s8], $0x2800, s1, $0x10   }
0xb9: {  	_ =	swait.ge [sflag:s22], $0x2800  }
0xba: {  	[sflag:s22] =	ssyncset.done $0x0  }
0xbb: {  	[sflag:s22] =	ssyncadd.s32 $0xFFFFD800  }
0xbc: {  	[bflag:$0x0] =	sbarrier.arrive $0xFFFF  }
0xbd: {  	[spmem:s12], [sflag:s10] =	dma.local [hbm:s5], $0x2800  }
0xbe: {  	_ =	swait.ge [sflag:s22], $0x2800  }
0xbf: {  	[sflag:s22] =	ssyncset.done $0x0  }
0xc0: {  	[sflag:s22] =	ssyncadd.s32 $0xFFFFD800  }
0xc1: {  	s18 =	simm.s32 $0x0;
	[bflag:$0x0] =	sbarrier.arrive $0xFFFF  }
0xc2: {  	[tilespmem:s18], [sflag:$0x3] =	stream.linear.gather [hbm4b:s11+s18], $0x2800, $0x38;
	[tilespmem:$0x1F800] =	vst v63  }
0xc3: {  	_ =	swait.ge [sflag:s22], $0x2800  }
0xc4: {  	[sflag:s22] =	ssyncset.done $0x0  }
0xc5: {  	[sflag:s22] =	ssyncadd.s32 $0xFFFFD800  }
0xc6: {  	[tilespmem:s24], [sflag:$0x1] =	stream.indirect.gather [hbm4b:s4+s23], $0x80, s18, s23, $0xb8;
	[tilespmem:$0x1F800] =	vst v63  }
0xc7: {  	s13 =	simm.s32 $0x80  }
0xc8: {  	[tilespmem:s25], [sflag:$0x2] =	stream.indirect.gather [hbm4b:s4+s23], $0x80, s13, s23, $0xb8;
	[tilespmem:$0x1F800] =	vst v63  }
0xc9: {  	_ =	swait.ge [sflag:s26], $0x2000  }
0xca: {  	[sflag:s26] =	ssyncset.done $0x0  }
0xcb: {  	s15 =	simm.s32 $0x2800;
	[sflag:s26] =	ssyncadd.s32 $0xFFFFE000  }
0xcc: {  	[spmem:s2] =	stream.indirect.scatter.add.f32 [tilespmem:s24], [sflag:$0x3], $0x80, s15, s23, $0xb8;
	[tilespmem:$0x1F800] =	vst v63  }
0xcd: {  	_ =	swait.ge [sflag:s22], $0x2000  }
0xce: {  	[sflag:s22] =	ssyncset.done $0x0  }
0xcf: {  	s17 =	simm.s32 $0x100;
	[sflag:s22] =	ssyncadd.s32 $0xFFFFE000  }
0xd0: {  	[tilespmem:s24], [sflag:$0x1] =	stream.indirect.gather [hbm4b:s4+s23], $0x80, s17, s23, $0xb8;
	[tilespmem:$0x1F800] =	vst v63  }
0xd1: {  	_ =	swait.ge [sflag:s28], $0x2000  }
0xd2: {  	[sflag:s28] =	ssyncset.done $0x0  }
0xd3: {  	s18 =	simm.s32 $0x2880;
	[sflag:s28] =	ssyncadd.s32 $0xFFFFE000  }
0xd4: {  	[spmem:s2] =	stream.indirect.scatter.add.f32 [tilespmem:s25], [sflag:$0x3], $0x80, s18, s23, $0xb8;
	[tilespmem:$0x1F800] =	vst v63  }
0xd5: {  	_ =	swait.ge [sflag:s22], $0x2000  }
0xd6: {  	s13 =	simm.s32 $0x100;
	s15 =	simm.s32 $0x800;
	[sflag:s22] =	ssyncset.done $0x0  }
.LBB2_6:
0xd7: {  	s7 =	sadd.s32 $0x80, s13  }
0xd8: {  	[sflag:s22] =	ssyncadd.s32 $0xFFFFE000;
	s17 =	smov.u32 s15;
	s18 =	sadd.s32 $0x400, s15  }
0xd9: {  	[tilespmem:s25], [sflag:$0x2] =	stream.indirect.gather [hbm4b:s4+s23], $0x80, s7, s23, $0xb8;
	[tilespmem:$0x1F800] =	vst v63  }
0xda: {  	p0 =	sne.s32 s15, $0x9800;
	_ =	swait.ge [sflag:s26], $0x2000  }
0xdb: {  	[sflag:s26] =	ssyncset.done $0x0  }
0xdc: {  	s7 =	sadd.s32 $0x2800, s13;
	[sflag:s26] =	ssyncadd.s32 $0xFFFFE000  }
0xdd: {  	[spmem:s2] =	stream.indirect.scatter.add.f32 [tilespmem:s24], [sflag:$0x3], $0x80, s7, s23, $0xb8;
	[tilespmem:$0x1F800] =	vst v63  }
0xde: {  	_ =	swait.ge [sflag:s22], $0x2000  }
0xdf: {  	[sflag:s22] =	ssyncset.done $0x0  }
0xe0: {  	s7 =	sadd.s32 $0x100, s13;
	[sflag:s22] =	ssyncadd.s32 $0xFFFFE000  }
0xe1: {  	[tilespmem:s24], [sflag:$0x1] =	stream.indirect.gather [hbm4b:s4+s23], $0x80, s7, s23, $0xb8;
	[tilespmem:$0x1F800] =	vst v63  }
0xe2: {  	_ =	swait.ge [sflag:s28], $0x2000  }
.Ltmp2:
0xe3: {  	[sflag:s28] =	ssyncset.done $0x0;
	(pc) =	sbr.rel @p0 .LBB2_6-.Ltmp2, $4  }
0xe4: {  	s7 =	sadd.s32 $0x2880, s13;
	[sflag:s28] =	ssyncadd.s32 $0xFFFFE000  }
0xe5: {  	[spmem:s2] =	stream.indirect.scatter.add.f32 [tilespmem:s25], [sflag:$0x3], $0x80, s7, s23, $0xb8;
	[tilespmem:$0x1F800] =	vst v63  }
0xe6: {  	_ =	swait.ge [sflag:s22], $0x2000  }
0xe7: {  	s15 =	smov.u32 s18;
	s13 =	sshra.s32 s17, $0x2;
	[sflag:s22] =	ssyncset.done $0x0  }
0xe8: {  	s7 =	sadd.s32 $0x80, s13;
	[sflag:s22] =	ssyncadd.s32 $0xFFFFE000  }
0xe9: {  	[tilespmem:s25], [sflag:$0x2] =	stream.indirect.gather [hbm4b:s4+s23], $0x80, s7, s23, $0xb8;
	[tilespmem:$0x1F800] =	vst v63  }
0xea: {  	_ =	swait.ge [sflag:s26], $0x2000  }
0xeb: {  	[sflag:s26] =	ssyncset.done $0x0  }
0xec: {  	s18 =	sadd.s32 $0x2800, s13;
	[sflag:s26] =	ssyncadd.s32 $0xFFFFE000  }
0xed: {  	[spmem:s2] =	stream.indirect.scatter.add.f32 [tilespmem:s24], [sflag:$0x3], $0x80, s18, s23, $0xb8;
	[tilespmem:$0x1F800] =	vst v63  }
0xee: {  	_ =	swait.ge [sflag:s22], $0x2000  }
0xef: {  	[sflag:s22] =	ssyncset.done $0x0  }
0xf0: {  	s15 =	sadd.s32 $0x100, s13;
	[sflag:s22] =	ssyncadd.s32 $0xFFFFE000  }
0xf1: {  	[tilespmem:s24], [sflag:$0x1] =	stream.indirect.gather [hbm4b:s4+s23], $0x80, s15, s23, $0xb8;
	[tilespmem:$0x1F800] =	vst v63  }
0xf2: {  	_ =	swait.ge [sflag:s28], $0x2000  }
0xf3: {  	[sflag:s28] =	ssyncset.done $0x0  }
0xf4: {  	s17 =	sadd.s32 $0x2880, s13;
	[sflag:s28] =	ssyncadd.s32 $0xFFFFE000  }
0xf5: {  	[spmem:s2] =	stream.indirect.scatter.add.f32 [tilespmem:s25], [sflag:$0x3], $0x80, s17, s23, $0xb8;
	[tilespmem:$0x1F800] =	vst v63  }
0xf6: {  	_ =	swait.ge [sflag:s22], $0x2000  }
0xf7: {  	[sflag:s22] =	ssyncset.done $0x0  }
0xf8: {  	[sflag:s22] =	ssyncadd.s32 $0xFFFFE000  }
0xf9: {  	[tilespmem:s25], [sflag:$0x2] =	stream.indirect.gather [hbm4b:s4+s23], $0x80, s29, s23, $0xb8;
	[tilespmem:$0x1F800] =	vst v63  }
0xfa: {  	_ =	swait.ge [sflag:s26], $0x2000  }
0xfb: {  	[sflag:s26] =	ssyncset.done $0x0  }
0xfc: {  	[sflag:s26] =	ssyncadd.s32 $0xFFFFE000  }
0xfd: {  	[spmem:s2] =	stream.indirect.scatter.add.f32 [tilespmem:s24], [sflag:$0x3], $0x80, s30, s23, $0xb8;
	[tilespmem:$0x1F800] =	vst v63  }
0xfe: {  	_ =	swait.ge [sflag:s22], $0x2000  }
0xff: {  	[sflag:s22] =	ssyncset.done $0x0  }
0x100: {  	[sflag:s22] =	ssyncadd.s32 $0xFFFFE000  }
0x101: {  	_ =	swait.ge [sflag:s28], $0x2000  }
0x102: {  	[sflag:s28] =	ssyncset.done $0x0  }
0x103: {  	[sflag:s28] =	ssyncadd.s32 $0xFFFFE000  }
0x104: {  	[spmem:s2] =	stream.indirect.scatter.add.f32 [tilespmem:s25], [sflag:$0x3], $0x80, s31, s23, $0xb8;
	[tilespmem:$0x1F800] =	vst v63  }
0x105: {  	_ =	swait.ge [sflag:s22], $0x2000  }
0x106: {  	[sflag:s22] =	ssyncset.done $0x0  }
0x107: {  	s18 =	rddreg [dreg:$0x8];
	[sflag:s22] =	ssyncadd.s32 $0xFFFFE000  }
0x108: {  	[tilespmem:s3], [sflag:$0x3] =	stream.linear.gather [hbm4b:s18+s3], $0x2800, $0x38;
	[tilespmem:$0x1F800] =	vst v63  }
0x109: {  	_ =	swait.ge [sflag:s22], $0x2800  }
0x10a: {  	[sflag:s22] =	ssyncset.done $0x0  }
0x10b: {  	[sflag:s22] =	ssyncadd.s32 $0xFFFFD800  }
0x10c: {  	[tilespmem:s24], [sflag:$0x1] =	stream.indirect.gather [hbm4b:s4+s23], $0x80, s3, s23, $0xb8;
	[tilespmem:$0x1F800] =	vst v63  }
0x10d: {  	s13 =	simm.s32 $0x80  }
0x10e: {  	[tilespmem:s25], [sflag:$0x2] =	stream.indirect.gather [hbm4b:s4+s23], $0x80, s13, s23, $0xb8;
	[tilespmem:$0x1F800] =	vst v63  }
0x10f: {  	_ =	swait.ge [sflag:s26], $0x2000  }
0x110: {  	[sflag:s26] =	ssyncset.done $0x0  }
0x111: {  	s15 =	simm.s32 $0x5000;
	[sflag:s26] =	ssyncadd.s32 $0xFFFFE000  }
0x112: {  	[spmem:s2] =	stream.indirect.scatter.add.f32 [tilespmem:s24], [sflag:$0x3], $0x80, s15, s23, $0xb8;
	[tilespmem:$0x1F800] =	vst v63  }
0x113: {  	_ =	swait.ge [sflag:s22], $0x2000  }
0x114: {  	[sflag:s22] =	ssyncset.done $0x0  }
0x115: {  	s17 =	simm.s32 $0x100;
	[sflag:s22] =	ssyncadd.s32 $0xFFFFE000  }
0x116: {  	[tilespmem:s24], [sflag:$0x1] =	stream.indirect.gather [hbm4b:s4+s23], $0x80, s17, s23, $0xb8;
	[tilespmem:$0x1F800] =	vst v63  }
0x117: {  	_ =	swait.ge [sflag:s28], $0x2000  }
0x118: {  	[sflag:s28] =	ssyncset.done $0x0  }
0x119: {  	s18 =	simm.s32 $0x5080;
	[sflag:s28] =	ssyncadd.s32 $0xFFFFE000  }
0x11a: {  	[spmem:s2] =	stream.indirect.scatter.add.f32 [tilespmem:s25], [sflag:$0x3], $0x80, s18, s23, $0xb8;
	[tilespmem:$0x1F800] =	vst v63  }
0x11b: {  	_ =	swait.ge [sflag:s22], $0x2000  }
0x11c: {  	s13 =	simm.s32 $0xFFFFDA00;
	s15 =	simm.s32 $0xFFFF6C00;
	[sflag:s22] =	ssyncset.done $0x0  }
.LBB2_8:
0x11d: {  	s7 =	sadd.s32 $0x2780, s13  }
0x11e: {  	[sflag:s22] =	ssyncadd.s32 $0xFFFFE000;
	s17 =	smov.u32 s15;
	s18 =	sadd.s32 $0x400, s15  }
0x11f: {  	[tilespmem:s25], [sflag:$0x2] =	stream.indirect.gather [hbm4b:s4+s23], $0x80, s7, s23, $0xb8;
	[tilespmem:$0x1F800] =	vst v63  }
0x120: {  	p0 =	sne.s32 s15, $0xFFFFFC00;
	_ =	swait.ge [sflag:s26], $0x2000  }
0x121: {  	[sflag:s26] =	ssyncset.done $0x0  }
0x122: {  	s7 =	sadd.s32 $0x7700, s13;
	[sflag:s26] =	ssyncadd.s32 $0xFFFFE000  }
0x123: {  	[spmem:s2] =	stream.indirect.scatter.add.f32 [tilespmem:s24], [sflag:$0x3], $0x80, s7, s23, $0xb8;
	[tilespmem:$0x1F800] =	vst v63  }
0x124: {  	_ =	swait.ge [sflag:s22], $0x2000  }
0x125: {  	[sflag:s22] =	ssyncset.done $0x0  }
0x126: {  	s7 =	sadd.s32 $0x2800, s13;
	[sflag:s22] =	ssyncadd.s32 $0xFFFFE000  }
0x127: {  	[tilespmem:s24], [sflag:$0x1] =	stream.indirect.gather [hbm4b:s4+s23], $0x80, s7, s23, $0xb8;
	[tilespmem:$0x1F800] =	vst v63  }
0x128: {  	_ =	swait.ge [sflag:s28], $0x2000  }
.Ltmp3:
0x129: {  	[sflag:s28] =	ssyncset.done $0x0;
	(pc) =	sbr.rel @p0 .LBB2_8-.Ltmp3, $4  }
0x12a: {  	s7 =	sadd.s32 $0x7780, s13;
	[sflag:s28] =	ssyncadd.s32 $0xFFFFE000  }
0x12b: {  	[spmem:s2] =	stream.indirect.scatter.add.f32 [tilespmem:s25], [sflag:$0x3], $0x80, s7, s23, $0xb8;
	[tilespmem:$0x1F800] =	vst v63  }
0x12c: {  	_ =	swait.ge [sflag:s22], $0x2000  }
0x12d: {  	s15 =	smov.u32 s18;
	s13 =	sshra.s32 s17, $0x2;
	[sflag:s22] =	ssyncset.done $0x0  }
0x12e: {  	s7 =	sadd.s32 $0x2780, s13;
	[sflag:s22] =	ssyncadd.s32 $0xFFFFE000  }
0x12f: {  	[tilespmem:s25], [sflag:$0x2] =	stream.indirect.gather [hbm4b:s4+s23], $0x80, s7, s23, $0xb8;
	[tilespmem:$0x1F800] =	vst v63  }
0x130: {  	_ =	swait.ge [sflag:s26], $0x2000  }
0x131: {  	[sflag:s26] =	ssyncset.done $0x0  }
0x132: {  	s17 =	sadd.s32 $0x7700, s13;
	[sflag:s26] =	ssyncadd.s32 $0xFFFFE000  }
0x133: {  	[spmem:s2] =	stream.indirect.scatter.add.f32 [tilespmem:s24], [sflag:$0x3], $0x80, s17, s23, $0xb8;
	[tilespmem:$0x1F800] =	vst v63  }
0x134: {  	_ =	swait.ge [sflag:s22], $0x2000  }
0x135: {  	[sflag:s22] =	ssyncset.done $0x0  }
0x136: {  	s18 =	sadd.s32 $0x2800, s13;
	[sflag:s22] =	ssyncadd.s32 $0xFFFFE000  }
0x137: {  	[tilespmem:s24], [sflag:$0x1] =	stream.indirect.gather [hbm4b:s4+s23], $0x80, s18, s23, $0xb8;
	[tilespmem:$0x1F800] =	vst v63  }
0x138: {  	_ =	swait.ge [sflag:s28], $0x2000  }
0x139: {  	[sflag:s28] =	ssyncset.done $0x0  }
0x13a: {  	s15 =	sadd.s32 $0x7780, s13;
	[sflag:s28] =	ssyncadd.s32 $0xFFFFE000  }
0x13b: {  	[spmem:s2] =	stream.indirect.scatter.add.f32 [tilespmem:s25], [sflag:$0x3], $0x80, s15, s23, $0xb8;
	[tilespmem:$0x1F800] =	vst v63  }
0x13c: {  	_ =	swait.ge [sflag:s22], $0x2000  }
0x13d: {  	[sflag:s22] =	ssyncset.done $0x0  }
0x13e: {  	[sflag:s22] =	ssyncadd.s32 $0xFFFFE000  }
0x13f: {  	[tilespmem:s25], [sflag:$0x2] =	stream.indirect.gather [hbm4b:s4+s23], $0x80, s29, s23, $0xb8;
	[tilespmem:$0x1F800] =	vst v63  }
0x140: {  	_ =	swait.ge [sflag:s26], $0x2000  }
0x141: {  	[sflag:s26] =	ssyncset.done $0x0  }
0x142: {  	[sflag:s26] =	ssyncadd.s32 $0xFFFFE000  }
0x143: {  	[spmem:s2] =	stream.indirect.scatter.add.f32 [tilespmem:s24], [sflag:$0x3], $0x80, s0, s23, $0xb8;
	[tilespmem:$0x1F800] =	vst v63  }
0x144: {  	_ =	swait.ge [sflag:s22], $0x2000  }
0x145: {  	[sflag:s22] =	ssyncset.done $0x0  }
0x146: {  	[sflag:s22] =	ssyncadd.s32 $0xFFFFE000  }
0x147: {  	_ =	swait.ge [sflag:s28], $0x2000  }
0x148: {  	[sflag:s28] =	ssyncset.done $0x0  }
0x149: {  	[sflag:s28] =	ssyncadd.s32 $0xFFFFE000  }
0x14a: {  	[spmem:s2] =	stream.indirect.scatter.add.f32 [tilespmem:s25], [sflag:$0x3], $0x80, s21, s23, $0xb8;
	[tilespmem:$0x1F800] =	vst v63  }
0x14b: {  	_ =	swait.ge [sflag:s22], $0x2000  }
0x14c: {  	[sflag:s22] =	ssyncset.done $0x0  }
0x14d: {  	[sflag:s22] =	ssyncadd.s32 $0xFFFFE000  }
0x14e: {  	[bflag:$0x0] =	sbarrier.arrive $0xFFFF  }
0x14f: {  	s17 =	rddreg [dreg:$0x9]  }
0x150: {  	[hbm:s17@s6], [sflag:s10] =	dma.strided [spmem:s12@s8], $0x2800, s1, $0x10   }
0x151: {  	_ =	swait.ge [sflag:s22], $0x2800  }
0x152: {  	[sflag:s22] =	ssyncset.done $0x0  }
0x153: {  	[sflag:s22] =	ssyncadd.s32 $0xFFFFD800  }
0x154: {  	[bflag:$0x0] =	sbarrier.arrive $0xFFFF  }
0x155: {  	[spmem:s12], [sflag:s10] =	dma.local [hbm:s5], $0x2800  }
0x156: {  	_ =	swait.ge [sflag:s22], $0x2800  }
0x157: {  	[sflag:s22] =	ssyncset.done $0x0  }
0x158: {  	[sflag:s22] =	ssyncadd.s32 $0xFFFFD800  }
0x159: {  	s18 =	simm.s32 $0x0;
	[bflag:$0x0] =	sbarrier.arrive $0xFFFF  }
0x15a: {  	[tilespmem:s18], [sflag:$0x3] =	stream.linear.gather [hbm4b:s14+s18], $0x2800, $0x38;
	[tilespmem:$0x1F800] =	vst v63  }
0x15b: {  	_ =	swait.ge [sflag:s22], $0x2800  }
0x15c: {  	[sflag:s22] =	ssyncset.done $0x0  }
0x15d: {  	[sflag:s22] =	ssyncadd.s32 $0xFFFFD800  }
0x15e: {  	[tilespmem:s24], [sflag:$0x1] =	stream.indirect.gather [hbm4b:s4+s23], $0x80, s18, s23, $0xb8;
	[tilespmem:$0x1F800] =	vst v63  }
0x15f: {  	s13 =	simm.s32 $0x80  }
0x160: {  	[tilespmem:s25], [sflag:$0x2] =	stream.indirect.gather [hbm4b:s4+s23], $0x80, s13, s23, $0xb8;
	[tilespmem:$0x1F800] =	vst v63  }
0x161: {  	_ =	swait.ge [sflag:s26], $0x2000  }
0x162: {  	[sflag:s26] =	ssyncset.done $0x0  }
0x163: {  	s15 =	simm.s32 $0x2800;
	[sflag:s26] =	ssyncadd.s32 $0xFFFFE000  }
0x164: {  	[spmem:s2] =	stream.indirect.scatter.add.f32 [tilespmem:s24], [sflag:$0x3], $0x80, s15, s23, $0xb8;
	[tilespmem:$0x1F800] =	vst v63  }
0x165: {  	_ =	swait.ge [sflag:s22], $0x2000  }
0x166: {  	[sflag:s22] =	ssyncset.done $0x0  }
0x167: {  	s17 =	simm.s32 $0x100;
	[sflag:s22] =	ssyncadd.s32 $0xFFFFE000  }
0x168: {  	[tilespmem:s24], [sflag:$0x1] =	stream.indirect.gather [hbm4b:s4+s23], $0x80, s17, s23, $0xb8;
	[tilespmem:$0x1F800] =	vst v63  }
0x169: {  	_ =	swait.ge [sflag:s28], $0x2000  }
0x16a: {  	[sflag:s28] =	ssyncset.done $0x0  }
0x16b: {  	s18 =	simm.s32 $0x2880;
	[sflag:s28] =	ssyncadd.s32 $0xFFFFE000  }
0x16c: {  	[spmem:s2] =	stream.indirect.scatter.add.f32 [tilespmem:s25], [sflag:$0x3], $0x80, s18, s23, $0xb8;
	[tilespmem:$0x1F800] =	vst v63  }
0x16d: {  	_ =	swait.ge [sflag:s22], $0x2000  }
0x16e: {  	s13 =	simm.s32 $0x100;
	s15 =	simm.s32 $0x800;
	[sflag:s22] =	ssyncset.done $0x0  }
.LBB2_10:
0x16f: {  	s7 =	sadd.s32 $0x80, s13  }
0x170: {  	[sflag:s22] =	ssyncadd.s32 $0xFFFFE000;
	s17 =	smov.u32 s15;
	s18 =	sadd.s32 $0x400, s15  }
0x171: {  	[tilespmem:s25], [sflag:$0x2] =	stream.indirect.gather [hbm4b:s4+s23], $0x80, s7, s23, $0xb8;
	[tilespmem:$0x1F800] =	vst v63  }
0x172: {  	p0 =	sne.s32 s15, $0x9800;
	_ =	swait.ge [sflag:s26], $0x2000  }
0x173: {  	[sflag:s26] =	ssyncset.done $0x0  }
0x174: {  	s7 =	sadd.s32 $0x2800, s13;
	[sflag:s26] =	ssyncadd.s32 $0xFFFFE000  }
0x175: {  	[spmem:s2] =	stream.indirect.scatter.add.f32 [tilespmem:s24], [sflag:$0x3], $0x80, s7, s23, $0xb8;
	[tilespmem:$0x1F800] =	vst v63  }
0x176: {  	_ =	swait.ge [sflag:s22], $0x2000  }
0x177: {  	[sflag:s22] =	ssyncset.done $0x0  }
0x178: {  	s7 =	sadd.s32 $0x100, s13;
	[sflag:s22] =	ssyncadd.s32 $0xFFFFE000  }
0x179: {  	[tilespmem:s24], [sflag:$0x1] =	stream.indirect.gather [hbm4b:s4+s23], $0x80, s7, s23, $0xb8;
	[tilespmem:$0x1F800] =	vst v63  }
0x17a: {  	_ =	swait.ge [sflag:s28], $0x2000  }
.Ltmp4:
0x17b: {  	[sflag:s28] =	ssyncset.done $0x0;
	(pc) =	sbr.rel @p0 .LBB2_10-.Ltmp4, $4  }
0x17c: {  	s7 =	sadd.s32 $0x2880, s13;
	[sflag:s28] =	ssyncadd.s32 $0xFFFFE000  }
0x17d: {  	[spmem:s2] =	stream.indirect.scatter.add.f32 [tilespmem:s25], [sflag:$0x3], $0x80, s7, s23, $0xb8;
	[tilespmem:$0x1F800] =	vst v63  }
0x17e: {  	_ =	swait.ge [sflag:s22], $0x2000  }
0x17f: {  	s15 =	smov.u32 s18;
	s13 =	sshra.s32 s17, $0x2;
	[sflag:s22] =	ssyncset.done $0x0  }
0x180: {  	s7 =	sadd.s32 $0x80, s13;
	[sflag:s22] =	ssyncadd.s32 $0xFFFFE000  }
0x181: {  	[tilespmem:s25], [sflag:$0x2] =	stream.indirect.gather [hbm4b:s4+s23], $0x80, s7, s23, $0xb8;
	[tilespmem:$0x1F800] =	vst v63  }
0x182: {  	_ =	swait.ge [sflag:s26], $0x2000  }
0x183: {  	[sflag:s26] =	ssyncset.done $0x0  }
0x184: {  	s18 =	sadd.s32 $0x2800, s13;
	[sflag:s26] =	ssyncadd.s32 $0xFFFFE000  }
0x185: {  	[spmem:s2] =	stream.indirect.scatter.add.f32 [tilespmem:s24], [sflag:$0x3], $0x80, s18, s23, $0xb8;
	[tilespmem:$0x1F800] =	vst v63  }
0x186: {  	_ =	swait.ge [sflag:s22], $0x2000  }
0x187: {  	[sflag:s22] =	ssyncset.done $0x0  }
0x188: {  	s15 =	sadd.s32 $0x100, s13;
	[sflag:s22] =	ssyncadd.s32 $0xFFFFE000  }
0x189: {  	[tilespmem:s24], [sflag:$0x1] =	stream.indirect.gather [hbm4b:s4+s23], $0x80, s15, s23, $0xb8;
	[tilespmem:$0x1F800] =	vst v63  }
0x18a: {  	_ =	swait.ge [sflag:s28], $0x2000  }
0x18b: {  	[sflag:s28] =	ssyncset.done $0x0  }
0x18c: {  	s17 =	sadd.s32 $0x2880, s13;
	[sflag:s28] =	ssyncadd.s32 $0xFFFFE000  }
0x18d: {  	[spmem:s2] =	stream.indirect.scatter.add.f32 [tilespmem:s25], [sflag:$0x3], $0x80, s17, s23, $0xb8;
	[tilespmem:$0x1F800] =	vst v63  }
0x18e: {  	_ =	swait.ge [sflag:s22], $0x2000  }
0x18f: {  	[sflag:s22] =	ssyncset.done $0x0  }
0x190: {  	[sflag:s22] =	ssyncadd.s32 $0xFFFFE000  }
0x191: {  	[tilespmem:s25], [sflag:$0x2] =	stream.indirect.gather [hbm4b:s4+s23], $0x80, s29, s23, $0xb8;
	[tilespmem:$0x1F800] =	vst v63  }
0x192: {  	_ =	swait.ge [sflag:s26], $0x2000  }
0x193: {  	[sflag:s26] =	ssyncset.done $0x0  }
0x194: {  	[sflag:s26] =	ssyncadd.s32 $0xFFFFE000  }
0x195: {  	[spmem:s2] =	stream.indirect.scatter.add.f32 [tilespmem:s24], [sflag:$0x3], $0x80, s30, s23, $0xb8;
	[tilespmem:$0x1F800] =	vst v63  }
0x196: {  	_ =	swait.ge [sflag:s22], $0x2000  }
0x197: {  	[sflag:s22] =	ssyncset.done $0x0  }
0x198: {  	[sflag:s22] =	ssyncadd.s32 $0xFFFFE000  }
0x199: {  	_ =	swait.ge [sflag:s28], $0x2000  }
0x19a: {  	[sflag:s28] =	ssyncset.done $0x0  }
0x19b: {  	[sflag:s28] =	ssyncadd.s32 $0xFFFFE000  }
0x19c: {  	[spmem:s2] =	stream.indirect.scatter.add.f32 [tilespmem:s25], [sflag:$0x3], $0x80, s31, s23, $0xb8;
	[tilespmem:$0x1F800] =	vst v63  }
0x19d: {  	_ =	swait.ge [sflag:s22], $0x2000  }
0x19e: {  	[sflag:s22] =	ssyncset.done $0x0  }
0x19f: {  	s18 =	rddreg [dreg:$0xa];
	[sflag:s22] =	ssyncadd.s32 $0xFFFFE000  }
0x1a0: {  	[tilespmem:s3], [sflag:$0x3] =	stream.linear.gather [hbm4b:s18+s3], $0x2800, $0x38;
	[tilespmem:$0x1F800] =	vst v63  }
0x1a1: {  	_ =	swait.ge [sflag:s22], $0x2800  }
0x1a2: {  	[sflag:s22] =	ssyncset.done $0x0  }
0x1a3: {  	[sflag:s22] =	ssyncadd.s32 $0xFFFFD800  }
0x1a4: {  	[tilespmem:s24], [sflag:$0x1] =	stream.indirect.gather [hbm4b:s4+s23], $0x80, s3, s23, $0xb8;
	[tilespmem:$0x1F800] =	vst v63  }
0x1a5: {  	s13 =	simm.s32 $0x80  }
0x1a6: {  	[tilespmem:s25], [sflag:$0x2] =	stream.indirect.gather [hbm4b:s4+s23], $0x80, s13, s23, $0xb8;
	[tilespmem:$0x1F800] =	vst v63  }
0x1a7: {  	_ =	swait.ge [sflag:s26], $0x2000  }
0x1a8: {  	[sflag:s26] =	ssyncset.done $0x0  }
0x1a9: {  	s15 =	simm.s32 $0x5000;
	[sflag:s26] =	ssyncadd.s32 $0xFFFFE000  }
0x1aa: {  	[spmem:s2] =	stream.indirect.scatter.add.f32 [tilespmem:s24], [sflag:$0x3], $0x80, s15, s23, $0xb8;
	[tilespmem:$0x1F800] =	vst v63  }
0x1ab: {  	_ =	swait.ge [sflag:s22], $0x2000  }
0x1ac: {  	[sflag:s22] =	ssyncset.done $0x0  }
0x1ad: {  	s17 =	simm.s32 $0x100;
	[sflag:s22] =	ssyncadd.s32 $0xFFFFE000  }
0x1ae: {  	[tilespmem:s24], [sflag:$0x1] =	stream.indirect.gather [hbm4b:s4+s23], $0x80, s17, s23, $0xb8;
	[tilespmem:$0x1F800] =	vst v63  }
0x1af: {  	_ =	swait.ge [sflag:s28], $0x2000  }
0x1b0: {  	[sflag:s28] =	ssyncset.done $0x0  }
0x1b1: {  	s18 =	simm.s32 $0x5080;
	[sflag:s28] =	ssyncadd.s32 $0xFFFFE000  }
0x1b2: {  	[spmem:s2] =	stream.indirect.scatter.add.f32 [tilespmem:s25], [sflag:$0x3], $0x80, s18, s23, $0xb8;
	[tilespmem:$0x1F800] =	vst v63  }
0x1b3: {  	_ =	swait.ge [sflag:s22], $0x2000  }
0x1b4: {  	s13 =	simm.s32 $0xFFFFDA00;
	s15 =	simm.s32 $0xFFFF6C00;
	[sflag:s22] =	ssyncset.done $0x0  }
.LBB2_12:
0x1b5: {  	s7 =	sadd.s32 $0x2780, s13  }
0x1b6: {  	[sflag:s22] =	ssyncadd.s32 $0xFFFFE000;
	s17 =	smov.u32 s15;
	s18 =	sadd.s32 $0x400, s15  }
0x1b7: {  	[tilespmem:s25], [sflag:$0x2] =	stream.indirect.gather [hbm4b:s4+s23], $0x80, s7, s23, $0xb8;
	[tilespmem:$0x1F800] =	vst v63  }
0x1b8: {  	p0 =	sne.s32 s15, $0xFFFFFC00;
	_ =	swait.ge [sflag:s26], $0x2000  }
0x1b9: {  	[sflag:s26] =	ssyncset.done $0x0  }
0x1ba: {  	s7 =	sadd.s32 $0x7700, s13;
	[sflag:s26] =	ssyncadd.s32 $0xFFFFE000  }
0x1bb: {  	[spmem:s2] =	stream.indirect.scatter.add.f32 [tilespmem:s24], [sflag:$0x3], $0x80, s7, s23, $0xb8;
	[tilespmem:$0x1F800] =	vst v63  }
0x1bc: {  	_ =	swait.ge [sflag:s22], $0x2000  }
0x1bd: {  	[sflag:s22] =	ssyncset.done $0x0  }
0x1be: {  	s7 =	sadd.s32 $0x2800, s13;
	[sflag:s22] =	ssyncadd.s32 $0xFFFFE000  }
0x1bf: {  	[tilespmem:s24], [sflag:$0x1] =	stream.indirect.gather [hbm4b:s4+s23], $0x80, s7, s23, $0xb8;
	[tilespmem:$0x1F800] =	vst v63  }
0x1c0: {  	_ =	swait.ge [sflag:s28], $0x2000  }
.Ltmp5:
0x1c1: {  	[sflag:s28] =	ssyncset.done $0x0;
	(pc) =	sbr.rel @p0 .LBB2_12-.Ltmp5, $4  }
0x1c2: {  	s7 =	sadd.s32 $0x7780, s13;
	[sflag:s28] =	ssyncadd.s32 $0xFFFFE000  }
0x1c3: {  	[spmem:s2] =	stream.indirect.scatter.add.f32 [tilespmem:s25], [sflag:$0x3], $0x80, s7, s23, $0xb8;
	[tilespmem:$0x1F800] =	vst v63  }
0x1c4: {  	_ =	swait.ge [sflag:s22], $0x2000  }
0x1c5: {  	s15 =	smov.u32 s18;
	s13 =	sshra.s32 s17, $0x2;
	[sflag:s22] =	ssyncset.done $0x0  }
0x1c6: {  	s7 =	sadd.s32 $0x2780, s13;
	[sflag:s22] =	ssyncadd.s32 $0xFFFFE000  }
0x1c7: {  	[tilespmem:s25], [sflag:$0x2] =	stream.indirect.gather [hbm4b:s4+s23], $0x80, s7, s23, $0xb8;
	[tilespmem:$0x1F800] =	vst v63  }
0x1c8: {  	_ =	swait.ge [sflag:s26], $0x2000  }
0x1c9: {  	[sflag:s26] =	ssyncset.done $0x0  }
0x1ca: {  	s17 =	sadd.s32 $0x7700, s13;
	[sflag:s26] =	ssyncadd.s32 $0xFFFFE000  }
0x1cb: {  	[spmem:s2] =	stream.indirect.scatter.add.f32 [tilespmem:s24], [sflag:$0x3], $0x80, s17, s23, $0xb8;
	[tilespmem:$0x1F800] =	vst v63  }
0x1cc: {  	_ =	swait.ge [sflag:s22], $0x2000  }
0x1cd: {  	[sflag:s22] =	ssyncset.done $0x0  }
0x1ce: {  	s18 =	sadd.s32 $0x2800, s13;
	[sflag:s22] =	ssyncadd.s32 $0xFFFFE000  }
0x1cf: {  	[tilespmem:s24], [sflag:$0x1] =	stream.indirect.gather [hbm4b:s4+s23], $0x80, s18, s23, $0xb8;
	[tilespmem:$0x1F800] =	vst v63  }
0x1d0: {  	_ =	swait.ge [sflag:s28], $0x2000  }
0x1d1: {  	[sflag:s28] =	ssyncset.done $0x0  }
0x1d2: {  	s15 =	sadd.s32 $0x7780, s13;
	[sflag:s28] =	ssyncadd.s32 $0xFFFFE000  }
0x1d3: {  	[spmem:s2] =	stream.indirect.scatter.add.f32 [tilespmem:s25], [sflag:$0x3], $0x80, s15, s23, $0xb8;
	[tilespmem:$0x1F800] =	vst v63  }
0x1d4: {  	_ =	swait.ge [sflag:s22], $0x2000  }
0x1d5: {  	[sflag:s22] =	ssyncset.done $0x0  }
0x1d6: {  	[sflag:s22] =	ssyncadd.s32 $0xFFFFE000  }
0x1d7: {  	[tilespmem:s25], [sflag:$0x2] =	stream.indirect.gather [hbm4b:s4+s23], $0x80, s29, s23, $0xb8;
	[tilespmem:$0x1F800] =	vst v63  }
0x1d8: {  	_ =	swait.ge [sflag:s26], $0x2000  }
0x1d9: {  	[sflag:s26] =	ssyncset.done $0x0  }
0x1da: {  	[sflag:s26] =	ssyncadd.s32 $0xFFFFE000  }
0x1db: {  	[spmem:s2] =	stream.indirect.scatter.add.f32 [tilespmem:s24], [sflag:$0x3], $0x80, s0, s23, $0xb8;
	[tilespmem:$0x1F800] =	vst v63  }
0x1dc: {  	_ =	swait.ge [sflag:s22], $0x2000  }
0x1dd: {  	[sflag:s22] =	ssyncset.done $0x0  }
0x1de: {  	[sflag:s22] =	ssyncadd.s32 $0xFFFFE000  }
0x1df: {  	_ =	swait.ge [sflag:s28], $0x2000  }
0x1e0: {  	[sflag:s28] =	ssyncset.done $0x0  }
0x1e1: {  	[sflag:s28] =	ssyncadd.s32 $0xFFFFE000  }
0x1e2: {  	[spmem:s2] =	stream.indirect.scatter.add.f32 [tilespmem:s25], [sflag:$0x3], $0x80, s21, s23, $0xb8;
	[tilespmem:$0x1F800] =	vst v63  }
0x1e3: {  	_ =	swait.ge [sflag:s22], $0x2000  }
0x1e4: {  	[sflag:s22] =	ssyncset.done $0x0  }
0x1e5: {  	[sflag:s22] =	ssyncadd.s32 $0xFFFFE000  }
0x1e6: {  	[bflag:$0x0] =	sbarrier.arrive $0xFFFF  }
0x1e7: {  	s17 =	rddreg [dreg:$0xb]  }
0x1e8: {  	[hbm:s17@s6], [sflag:s10] =	dma.strided [spmem:s12@s8], $0x2800, s1, $0x10   }
0x1e9: {  	_ =	swait.ge [sflag:s22], $0x2800  }
0x1ea: {  	[sflag:s22] =	ssyncset.done $0x0  }
0x1eb: {  	[sflag:s22] =	ssyncadd.s32 $0xFFFFD800  }
0x1ec: {  	[bflag:$0x0] =	sbarrier.arrive $0xFFFF  }
0x1ed: {  	[spmem:s12], [sflag:s10] =	dma.local [hbm:s5], $0x2800  }
0x1ee: {  	_ =	swait.ge [sflag:s22], $0x2800  }
0x1ef: {  	[sflag:s22] =	ssyncset.done $0x0  }
0x1f0: {  	[sflag:s22] =	ssyncadd.s32 $0xFFFFD800  }
0x1f1: {  	s18 =	simm.s32 $0x0;
	[bflag:$0x0] =	sbarrier.arrive $0xFFFF  }
0x1f2: {  	[tilespmem:s18], [sflag:$0x3] =	stream.linear.gather [hbm4b:s16+s18], $0x2800, $0x38;
	[tilespmem:$0x1F800] =	vst v63  }
0x1f3: {  	_ =	swait.ge [sflag:s22], $0x2800  }
0x1f4: {  	[sflag:s22] =	ssyncset.done $0x0  }
0x1f5: {  	[sflag:s22] =	ssyncadd.s32 $0xFFFFD800  }
0x1f6: {  	[tilespmem:s24], [sflag:$0x1] =	stream.indirect.gather [hbm4b:s4+s23], $0x80, s18, s23, $0xb8;
	[tilespmem:$0x1F800] =	vst v63  }
0x1f7: {  	s13 =	simm.s32 $0x80  }
0x1f8: {  	[tilespmem:s25], [sflag:$0x2] =	stream.indirect.gather [hbm4b:s4+s23], $0x80, s13, s23, $0xb8;
	[tilespmem:$0x1F800] =	vst v63  }
0x1f9: {  	_ =	swait.ge [sflag:s26], $0x2000  }
0x1fa: {  	[sflag:s26] =	ssyncset.done $0x0  }
0x1fb: {  	s15 =	simm.s32 $0x2800;
	[sflag:s26] =	ssyncadd.s32 $0xFFFFE000  }
0x1fc: {  	[spmem:s2] =	stream.indirect.scatter.add.f32 [tilespmem:s24], [sflag:$0x3], $0x80, s15, s23, $0xb8;
	[tilespmem:$0x1F800] =	vst v63  }
0x1fd: {  	_ =	swait.ge [sflag:s22], $0x2000  }
0x1fe: {  	[sflag:s22] =	ssyncset.done $0x0  }
0x1ff: {  	s17 =	simm.s32 $0x100;
	[sflag:s22] =	ssyncadd.s32 $0xFFFFE000  }
0x200: {  	[tilespmem:s24], [sflag:$0x1] =	stream.indirect.gather [hbm4b:s4+s23], $0x80, s17, s23, $0xb8;
	[tilespmem:$0x1F800] =	vst v63  }
0x201: {  	_ =	swait.ge [sflag:s28], $0x2000  }
0x202: {  	[sflag:s28] =	ssyncset.done $0x0  }
0x203: {  	s18 =	simm.s32 $0x2880;
	[sflag:s28] =	ssyncadd.s32 $0xFFFFE000  }
0x204: {  	[spmem:s2] =	stream.indirect.scatter.add.f32 [tilespmem:s25], [sflag:$0x3], $0x80, s18, s23, $0xb8;
	[tilespmem:$0x1F800] =	vst v63  }
0x205: {  	_ =	swait.ge [sflag:s22], $0x2000  }
0x206: {  	s13 =	simm.s32 $0x100;
	s15 =	simm.s32 $0x800;
	[sflag:s22] =	ssyncset.done $0x0  }
.LBB2_14:
0x207: {  	s7 =	sadd.s32 $0x80, s13  }
0x208: {  	[sflag:s22] =	ssyncadd.s32 $0xFFFFE000;
	s17 =	smov.u32 s15;
	s18 =	sadd.s32 $0x400, s15  }
0x209: {  	[tilespmem:s25], [sflag:$0x2] =	stream.indirect.gather [hbm4b:s4+s23], $0x80, s7, s23, $0xb8;
	[tilespmem:$0x1F800] =	vst v63  }
0x20a: {  	p0 =	sne.s32 s15, $0x9800;
	_ =	swait.ge [sflag:s26], $0x2000  }
0x20b: {  	[sflag:s26] =	ssyncset.done $0x0  }
0x20c: {  	s7 =	sadd.s32 $0x2800, s13;
	[sflag:s26] =	ssyncadd.s32 $0xFFFFE000  }
0x20d: {  	[spmem:s2] =	stream.indirect.scatter.add.f32 [tilespmem:s24], [sflag:$0x3], $0x80, s7, s23, $0xb8;
	[tilespmem:$0x1F800] =	vst v63  }
0x20e: {  	_ =	swait.ge [sflag:s22], $0x2000  }
0x20f: {  	[sflag:s22] =	ssyncset.done $0x0  }
0x210: {  	s7 =	sadd.s32 $0x100, s13;
	[sflag:s22] =	ssyncadd.s32 $0xFFFFE000  }
0x211: {  	[tilespmem:s24], [sflag:$0x1] =	stream.indirect.gather [hbm4b:s4+s23], $0x80, s7, s23, $0xb8;
	[tilespmem:$0x1F800] =	vst v63  }
0x212: {  	_ =	swait.ge [sflag:s28], $0x2000  }
.Ltmp6:
0x213: {  	[sflag:s28] =	ssyncset.done $0x0;
	(pc) =	sbr.rel @p0 .LBB2_14-.Ltmp6, $4  }
0x214: {  	s7 =	sadd.s32 $0x2880, s13;
	[sflag:s28] =	ssyncadd.s32 $0xFFFFE000  }
0x215: {  	[spmem:s2] =	stream.indirect.scatter.add.f32 [tilespmem:s25], [sflag:$0x3], $0x80, s7, s23, $0xb8;
	[tilespmem:$0x1F800] =	vst v63  }
0x216: {  	_ =	swait.ge [sflag:s22], $0x2000  }
0x217: {  	s15 =	smov.u32 s18;
	s13 =	sshra.s32 s17, $0x2;
	[sflag:s22] =	ssyncset.done $0x0  }
0x218: {  	s7 =	sadd.s32 $0x80, s13;
	[sflag:s22] =	ssyncadd.s32 $0xFFFFE000  }
0x219: {  	[tilespmem:s25], [sflag:$0x2] =	stream.indirect.gather [hbm4b:s4+s23], $0x80, s7, s23, $0xb8;
	[tilespmem:$0x1F800] =	vst v63  }
0x21a: {  	_ =	swait.ge [sflag:s26], $0x2000  }
0x21b: {  	[sflag:s26] =	ssyncset.done $0x0  }
0x21c: {  	s18 =	sadd.s32 $0x2800, s13;
	[sflag:s26] =	ssyncadd.s32 $0xFFFFE000  }
0x21d: {  	[spmem:s2] =	stream.indirect.scatter.add.f32 [tilespmem:s24], [sflag:$0x3], $0x80, s18, s23, $0xb8;
	[tilespmem:$0x1F800] =	vst v63  }
0x21e: {  	_ =	swait.ge [sflag:s22], $0x2000  }
0x21f: {  	[sflag:s22] =	ssyncset.done $0x0  }
0x220: {  	s15 =	sadd.s32 $0x100, s13;
	[sflag:s22] =	ssyncadd.s32 $0xFFFFE000  }
0x221: {  	[tilespmem:s24], [sflag:$0x1] =	stream.indirect.gather [hbm4b:s4+s23], $0x80, s15, s23, $0xb8;
	[tilespmem:$0x1F800] =	vst v63  }
0x222: {  	_ =	swait.ge [sflag:s28], $0x2000  }
0x223: {  	[sflag:s28] =	ssyncset.done $0x0  }
0x224: {  	s17 =	sadd.s32 $0x2880, s13;
	[sflag:s28] =	ssyncadd.s32 $0xFFFFE000  }
0x225: {  	[spmem:s2] =	stream.indirect.scatter.add.f32 [tilespmem:s25], [sflag:$0x3], $0x80, s17, s23, $0xb8;
	[tilespmem:$0x1F800] =	vst v63  }
0x226: {  	_ =	swait.ge [sflag:s22], $0x2000  }
0x227: {  	[sflag:s22] =	ssyncset.done $0x0  }
0x228: {  	[sflag:s22] =	ssyncadd.s32 $0xFFFFE000  }
0x229: {  	[tilespmem:s25], [sflag:$0x2] =	stream.indirect.gather [hbm4b:s4+s23], $0x80, s29, s23, $0xb8;
	[tilespmem:$0x1F800] =	vst v63  }
0x22a: {  	_ =	swait.ge [sflag:s26], $0x2000  }
0x22b: {  	[sflag:s26] =	ssyncset.done $0x0  }
0x22c: {  	[sflag:s26] =	ssyncadd.s32 $0xFFFFE000  }
0x22d: {  	[spmem:s2] =	stream.indirect.scatter.add.f32 [tilespmem:s24], [sflag:$0x3], $0x80, s30, s23, $0xb8;
	[tilespmem:$0x1F800] =	vst v63  }
0x22e: {  	_ =	swait.ge [sflag:s22], $0x2000  }
0x22f: {  	[sflag:s22] =	ssyncset.done $0x0  }
0x230: {  	[sflag:s22] =	ssyncadd.s32 $0xFFFFE000  }
0x231: {  	_ =	swait.ge [sflag:s28], $0x2000  }
0x232: {  	[sflag:s28] =	ssyncset.done $0x0  }
0x233: {  	[sflag:s28] =	ssyncadd.s32 $0xFFFFE000  }
0x234: {  	[spmem:s2] =	stream.indirect.scatter.add.f32 [tilespmem:s25], [sflag:$0x3], $0x80, s31, s23, $0xb8;
	[tilespmem:$0x1F800] =	vst v63  }
0x235: {  	_ =	swait.ge [sflag:s22], $0x2000  }
0x236: {  	[sflag:s22] =	ssyncset.done $0x0  }
0x237: {  	s18 =	rddreg [dreg:$0xc];
	[sflag:s22] =	ssyncadd.s32 $0xFFFFE000  }
0x238: {  	[tilespmem:s3], [sflag:$0x3] =	stream.linear.gather [hbm4b:s18+s3], $0x2800, $0x38;
	[tilespmem:$0x1F800] =	vst v63  }
0x239: {  	_ =	swait.ge [sflag:s22], $0x2800  }
0x23a: {  	[sflag:s22] =	ssyncset.done $0x0  }
0x23b: {  	[sflag:s22] =	ssyncadd.s32 $0xFFFFD800  }
0x23c: {  	[tilespmem:s24], [sflag:$0x1] =	stream.indirect.gather [hbm4b:s4+s23], $0x80, s3, s23, $0xb8;
	[tilespmem:$0x1F800] =	vst v63  }
0x23d: {  	s13 =	simm.s32 $0x80  }
0x23e: {  	[tilespmem:s25], [sflag:$0x2] =	stream.indirect.gather [hbm4b:s4+s23], $0x80, s13, s23, $0xb8;
	[tilespmem:$0x1F800] =	vst v63  }
0x23f: {  	_ =	swait.ge [sflag:s26], $0x2000  }
0x240: {  	[sflag:s26] =	ssyncset.done $0x0  }
0x241: {  	s15 =	simm.s32 $0x5000;
	[sflag:s26] =	ssyncadd.s32 $0xFFFFE000  }
0x242: {  	[spmem:s2] =	stream.indirect.scatter.add.f32 [tilespmem:s24], [sflag:$0x3], $0x80, s15, s23, $0xb8;
	[tilespmem:$0x1F800] =	vst v63  }
0x243: {  	_ =	swait.ge [sflag:s22], $0x2000  }
0x244: {  	[sflag:s22] =	ssyncset.done $0x0  }
0x245: {  	s17 =	simm.s32 $0x100;
	[sflag:s22] =	ssyncadd.s32 $0xFFFFE000  }
0x246: {  	[tilespmem:s24], [sflag:$0x1] =	stream.indirect.gather [hbm4b:s4+s23], $0x80, s17, s23, $0xb8;
	[tilespmem:$0x1F800] =	vst v63  }
0x247: {  	_ =	swait.ge [sflag:s28], $0x2000  }
0x248: {  	[sflag:s28] =	ssyncset.done $0x0  }
0x249: {  	s18 =	simm.s32 $0x5080;
	[sflag:s28] =	ssyncadd.s32 $0xFFFFE000  }
0x24a: {  	[spmem:s2] =	stream.indirect.scatter.add.f32 [tilespmem:s25], [sflag:$0x3], $0x80, s18, s23, $0xb8;
	[tilespmem:$0x1F800] =	vst v63  }
0x24b: {  	_ =	swait.ge [sflag:s22], $0x2000  }
0x24c: {  	s13 =	simm.s32 $0xFFFFDA00;
	s15 =	simm.s32 $0xFFFF6C00;
	[sflag:s22] =	ssyncset.done $0x0  }
.LBB2_16:
0x24d: {  	s7 =	sadd.s32 $0x2780, s13  }
0x24e: {  	[sflag:s22] =	ssyncadd.s32 $0xFFFFE000;
	s17 =	smov.u32 s15;
	s18 =	sadd.s32 $0x400, s15  }
0x24f: {  	[tilespmem:s25], [sflag:$0x2] =	stream.indirect.gather [hbm4b:s4+s23], $0x80, s7, s23, $0xb8;
	[tilespmem:$0x1F800] =	vst v63  }
0x250: {  	p0 =	sne.s32 s15, $0xFFFFFC00;
	_ =	swait.ge [sflag:s26], $0x2000  }
0x251: {  	[sflag:s26] =	ssyncset.done $0x0  }
0x252: {  	s7 =	sadd.s32 $0x7700, s13;
	[sflag:s26] =	ssyncadd.s32 $0xFFFFE000  }
0x253: {  	[spmem:s2] =	stream.indirect.scatter.add.f32 [tilespmem:s24], [sflag:$0x3], $0x80, s7, s23, $0xb8;
	[tilespmem:$0x1F800] =	vst v63  }
0x254: {  	_ =	swait.ge [sflag:s22], $0x2000  }
0x255: {  	[sflag:s22] =	ssyncset.done $0x0  }
0x256: {  	s7 =	sadd.s32 $0x2800, s13;
	[sflag:s22] =	ssyncadd.s32 $0xFFFFE000  }
0x257: {  	[tilespmem:s24], [sflag:$0x1] =	stream.indirect.gather [hbm4b:s4+s23], $0x80, s7, s23, $0xb8;
	[tilespmem:$0x1F800] =	vst v63  }
0x258: {  	_ =	swait.ge [sflag:s28], $0x2000  }
.Ltmp7:
0x259: {  	[sflag:s28] =	ssyncset.done $0x0;
	(pc) =	sbr.rel @p0 .LBB2_16-.Ltmp7, $4  }
0x25a: {  	s7 =	sadd.s32 $0x7780, s13;
	[sflag:s28] =	ssyncadd.s32 $0xFFFFE000  }
0x25b: {  	[spmem:s2] =	stream.indirect.scatter.add.f32 [tilespmem:s25], [sflag:$0x3], $0x80, s7, s23, $0xb8;
	[tilespmem:$0x1F800] =	vst v63  }
0x25c: {  	_ =	swait.ge [sflag:s22], $0x2000  }
0x25d: {  	s15 =	smov.u32 s18;
	s13 =	sshra.s32 s17, $0x2;
	[sflag:s22] =	ssyncset.done $0x0  }
0x25e: {  	s7 =	sadd.s32 $0x2780, s13;
	[sflag:s22] =	ssyncadd.s32 $0xFFFFE000  }
0x25f: {  	[tilespmem:s25], [sflag:$0x2] =	stream.indirect.gather [hbm4b:s4+s23], $0x80, s7, s23, $0xb8;
	[tilespmem:$0x1F800] =	vst v63  }
0x260: {  	_ =	swait.ge [sflag:s26], $0x2000  }
0x261: {  	[sflag:s26] =	ssyncset.done $0x0  }
0x262: {  	s15 =	sadd.s32 $0x7700, s13;
	[sflag:s26] =	ssyncadd.s32 $0xFFFFE000  }
0x263: {  	[spmem:s2] =	stream.indirect.scatter.add.f32 [tilespmem:s24], [sflag:$0x3], $0x80, s15, s23, $0xb8;
	[tilespmem:$0x1F800] =	vst v63  }
0x264: {  	_ =	swait.ge [sflag:s22], $0x2000  }
0x265: {  	[sflag:s22] =	ssyncset.done $0x0  }
0x266: {  	s17 =	sadd.s32 $0x2800, s13;
	[sflag:s22] =	ssyncadd.s32 $0xFFFFE000  }
0x267: {  	[tilespmem:s24], [sflag:$0x1] =	stream.indirect.gather [hbm4b:s4+s23], $0x80, s17, s23, $0xb8;
	[tilespmem:$0x1F800] =	vst v63  }
0x268: {  	_ =	swait.ge [sflag:s28], $0x2000  }
0x269: {  	[sflag:s28] =	ssyncset.done $0x0  }
0x26a: {  	s18 =	sadd.s32 $0x7780, s13;
	[sflag:s28] =	ssyncadd.s32 $0xFFFFE000  }
0x26b: {  	[spmem:s2] =	stream.indirect.scatter.add.f32 [tilespmem:s25], [sflag:$0x3], $0x80, s18, s23, $0xb8;
	[tilespmem:$0x1F800] =	vst v63  }
0x26c: {  	_ =	swait.ge [sflag:s22], $0x2000  }
0x26d: {  	[sflag:s22] =	ssyncset.done $0x0  }
0x26e: {  	[sflag:s22] =	ssyncadd.s32 $0xFFFFE000  }
0x26f: {  	[tilespmem:s25], [sflag:$0x2] =	stream.indirect.gather [hbm4b:s4+s23], $0x80, s29, s23, $0xb8;
	[tilespmem:$0x1F800] =	vst v63  }
0x270: {  	_ =	swait.ge [sflag:s26], $0x2000  }
0x271: {  	[sflag:s26] =	ssyncset.done $0x0  }
0x272: {  	[sflag:s26] =	ssyncadd.s32 $0xFFFFE000  }
0x273: {  	[spmem:s2] =	stream.indirect.scatter.add.f32 [tilespmem:s24], [sflag:$0x3], $0x80, s0, s23, $0xb8;
	[tilespmem:$0x1F800] =	vst v63  }
0x274: {  	_ =	swait.ge [sflag:s22], $0x2000  }
0x275: {  	[sflag:s22] =	ssyncset.done $0x0  }
0x276: {  	[sflag:s22] =	ssyncadd.s32 $0xFFFFE000  }
0x277: {  	_ =	swait.ge [sflag:s28], $0x2000  }
0x278: {  	[sflag:s28] =	ssyncset.done $0x0  }
0x279: {  	[sflag:s28] =	ssyncadd.s32 $0xFFFFE000  }
0x27a: {  	[spmem:s2] =	stream.indirect.scatter.add.f32 [tilespmem:s25], [sflag:$0x3], $0x80, s21, s23, $0xb8;
	[tilespmem:$0x1F800] =	vst v63  }
0x27b: {  	_ =	swait.ge [sflag:s22], $0x2000  }
0x27c: {  	[sflag:s22] =	ssyncset.done $0x0  }
0x27d: {  	s9 =	sadd.s32 $0x1, s9;
	[sflag:s22] =	ssyncadd.s32 $0xFFFFE000  }
0x27e: {  	p0 =	sne.s32 s9, s20;
	[bflag:$0x0] =	sbarrier.arrive $0xFFFF  }
0x27f: {  	[hbm:s19@s6], [sflag:s10] =	dma.strided [spmem:s12@s8], $0x2800, s1, $0x10   }
.Ltmp8:
0x280: {  	_ =	swait.ge [sflag:s22], $0x2800;
	(pc) =	sbr.rel @p0 .LBB2_1-.Ltmp8, $3  }
0x281: {  	[sflag:s22] =	ssyncset.done $0x0  }
0x282: {  	[sflag:s22] =	ssyncadd.s32 $0xFFFFD800  }
0x283: {  	[bflag:$0x0] =	sbarrier.arrive $0xFFFF;
	_ =	sdelay $0x1  }
0x284: {  	_ =	sfence.sel $0x180000  }
0x285: {  	[bflag:$0x0] =	sbarrier.arrive $0xFFFF  }
0x286: {  	_ =	strace $0x90000050  }
0x287: {  	s0 =	stileid.u32;
	[bflag:$0x2] =	sbarrier.arrive $0xFFFF  }
0x288: {  	p0 =	sne.s32 s0, $0x0;
	s0 =	rddreg [dreg:$0x2]  }
0x289: {  	s0 =	sadd.s32 @!p0 $0x100000, s0  }
0x28a: {  	[sflag:s0] =	ssyncadd.tile.s32 @!p0 $0x1;
	_ =	shalt  }
.Lfunc_end2:
_tile_overlayer_lowered:
.L_overlay_start_2:
0x28b: {  	(tag) =	ssettag $0x2  }
0x28c: {  	s0 =	rddreg [dreg:$0x0];
	s2 =	stileid.u32  }
0x28d: {  	s1 =	rddreg [dreg:$0x1];
	p0 =	sne.s32 s2, $0x0  }
0x28e: {  	s3 =	rddreg [dreg:$0x2];
	[bflag:$0x3] =	sbarrier.arrive $0xFFFF;
	s2 =	simm.s32 @!p0 $0x1C03  }
0x28f: {  	[timem:s3], [sflag:s2] =	dma.local @!p0 [hbm:s0], s1  }
0x290: {  	s0 =	simm.s32 @!p0 $0x3  }
0x291: {  	_ =	swait.ge @!p0 [sflag:s0], s1  }
0x292: {  	s1 =	ssub.s32 @!p0 $0x0, s1;
	[sflag:s0] =	ssyncset.done @!p0 $0x0  }
0x293: {  	[sflag:s0] =	ssyncadd.s32 @!p0 s1  }
0x294: {  	[bflag:$0x3] =	sbarrier.arrive $0xFFFF  }
0x295: {  	_ =	shalt  }

</sc_bundles>
